<compile_context>
chip_gen: v7x
topology: tpu7x:2x2x1
jax: 0.10.2.dev20260603
libtpu: 0.0.44.dev20260713+nightly
codegen_flags: <defaults>
</compile_context>

<pallas_src>
import functools

import jax
import jax.numpy as jnp
from jax import lax
from jax.experimental import pallas as pl
from jax.experimental.pallas import tpu as pltpu
from jax.experimental.pallas import tpu_sc as plsc

N = 50000
E = 800000
H = 64
E_PAD = 819200
NC, NS = 2, 16
NW = NC * NS
HH = H // 2
TBL = 50016
CH = 512
CHS = 256


def _gather_rows(table, idx2, n_rows):
    epw = n_rows // NW
    nch = epw // CH
    nchh = nch // 2
    jj = CH // 128
    dt = table.dtype
    mesh = plsc.VectorSubcoreMesh(core_axis_name="c", subcore_axis_name="s")

    @functools.partial(
        pl.kernel,
        mesh=mesh,
        out_type=jax.ShapeDtypeStruct((n_rows, H), dt),
        scratch_types=[
            pltpu.VMEM((2, jj, 128), jnp.int32),
            pltpu.VMEM((2, CH, H), dt),
            pltpu.SemaphoreType.DMA,
        ],
        compiler_params=pltpu.CompilerParams(use_tc_tiling_on_sc=False),
    )
    def k(table_hbm, idx_hbm, out_hbm, idx_v, rows_v, semg):
        c = lax.axis_index("c")
        s = lax.axis_index("s")
        wid = s * NC + c
        base = wid * epw
        irow = wid * (epw // 128)

        def load_idx(i, b):
            pltpu.sync_copy(idx_hbm.at[pl.ds(irow + i * jj, jj)], idx_v.at[b])

        def fire(b):
            for j in range(jj):
                pltpu.async_copy(table_hbm.at[idx_v.at[b, j]],
                                 rows_v.at[b, pl.ds(j * 128, 128)], semg)

        def drain(b):
            for j in range(jj):
                pltpu.make_async_copy(table_hbm.at[idx_v.at[b, j]],
                                      rows_v.at[b, pl.ds(j * 128, 128)],
                                      semg).wait()

        def store(i, b):
            pltpu.sync_copy(rows_v.at[b], out_hbm.at[pl.ds(base + i * CH, CH)])

        load_idx(0, 0)
        fire(0)

        def body2(kk, carry):
            i0 = 2 * kk
            load_idx(i0 + 1, 1)
            drain(0)
            fire(1)
            store(i0, 0)

            @pl.when(kk < nchh - 1)
            def _():
                load_idx(i0 + 2, 0)
                fire(0)

            drain(1)
            store(i0 + 1, 1)
            return carry

        lax.fori_loop(0, nchh, body2, 0)

    return k(table, idx2)


def _gather_msg(table, e, idx2):
    epw = E_PAD // NW
    nch = epw // CH
    nchh = nch // 2
    jj = CH // 128
    mesh = plsc.VectorSubcoreMesh(core_axis_name="c", subcore_axis_name="s")

    @functools.partial(
        pl.kernel,
        mesh=mesh,
        out_type=jax.ShapeDtypeStruct((E_PAD, H), jnp.float32),
        scratch_types=[
            pltpu.VMEM((2, jj, 128), jnp.int32),
            pltpu.VMEM((2, CH, H), jnp.float32),
            pltpu.VMEM((CH, H), jnp.float32),
            pltpu.SemaphoreType.DMA,
            pltpu.SemaphoreType.DMA,
        ],
        compiler_params=pltpu.CompilerParams(use_tc_tiling_on_sc=False),
    )
    def k(table_hbm, e_hbm, idx_hbm, out_hbm, idx_v, rows_v, e_v,
          semg, seme):
        c = lax.axis_index("c")
        s = lax.axis_index("s")
        wid = c * NS + s
        base = wid * epw
        irow = wid * (epw // 128)

        def load_idx(i, b):
            pltpu.sync_copy(idx_hbm.at[pl.ds(irow + i * jj, jj)], idx_v.at[b])

        def fire_h(b):
            for j in range(jj):
                pltpu.async_copy(table_hbm.at[idx_v.at[b, j]],
                                 rows_v.at[b, pl.ds(j * 128, 128)], semg)

        def drain_h(b):
            for j in range(jj):
                pltpu.make_async_copy(table_hbm.at[idx_v.at[b, j]],
                                      rows_v.at[b, pl.ds(j * 128, 128)],
                                      semg).wait()

        def fire_e(i):
            pltpu.async_copy(e_hbm.at[pl.ds(base + i * CH, CH)], e_v, seme)

        def drain_e(i):
            pltpu.make_async_copy(e_hbm.at[pl.ds(base + i * CH, CH)], e_v,
                                  seme).wait()

        def relu_add(b):
            def row2(r, carry):
                r0 = 2 * r
                for dr in range(2):
                    for q in range(0, H, 16):
                        hv = rows_v[b, r0 + dr, pl.ds(q, 16)]
                        ev = e_v[r0 + dr, pl.ds(q, 16)]
                        rows_v[b, r0 + dr, pl.ds(q, 16)] = (
                            jnp.maximum(hv + ev, 0.0))
                return carry

            lax.fori_loop(0, CH // 2, row2, 0)

        def store(i, b):
            pltpu.sync_copy(rows_v.at[b], out_hbm.at[pl.ds(base + i * CH, CH)])

        load_idx(0, 0)
        fire_h(0)
        fire_e(0)

        def body2(kk, carry):
            i0 = 2 * kk
            load_idx(i0 + 1, 1)
            fire_h(1)
            drain_h(0)
            drain_e(i0)
            relu_add(0)
            fire_e(i0 + 1)
            store(i0, 0)

            @pl.when(kk < nchh - 1)
            def _():
                load_idx(i0 + 2, 0)
                fire_h(0)

            drain_h(1)
            drain_e(i0 + 1)
            relu_add(1)

            @pl.when(kk < nchh - 1)
            def _():
                fire_e(i0 + 2)

            store(i0 + 1, 1)
            return carry

        lax.fori_loop(0, nchh, body2, 0)

    return k(table, e, idx2)


def _scatter_add(msg, dst2, zeros_tbl):
    ept = E_PAD // NS
    nch = ept // CHS
    nchh = nch // 2
    jj = CHS // 128
    rpt = TBL // NS
    mesh = plsc.VectorSubcoreMesh(core_axis_name="c", subcore_axis_name="s")

    @functools.partial(
        pl.kernel,
        mesh=mesh,
        out_type=jax.ShapeDtypeStruct((NC, TBL, HH), jnp.float32),
        scratch_types=[
            pltpu.VMEM((2, jj, 128), jnp.int32),
            pltpu.VMEM((2, CHS, HH), jnp.float32),
            pltpu.VMEM_SHARED((TBL, HH), jnp.float32),
            pltpu.SemaphoreType.DMA,
        ],
        compiler_params=pltpu.CompilerParams(use_tc_tiling_on_sc=False),
    )
    def k(msg_hbm, dst_hbm, z_hbm, out_hbm, idx_v, rows_v, table_sh, seml):
        c = lax.axis_index("c")
        s = lax.axis_index("s")
        pltpu.sync_copy(z_hbm.at[pl.ds(s * rpt, rpt)],
                        table_sh.at[pl.ds(s * rpt, rpt)])
        plsc.subcore_barrier()
        col = c * HH

        def fire_load(i, b):
            pltpu.async_copy(
                msg_hbm.at[pl.ds(s * ept + i * CHS, CHS), pl.ds(col, HH)],
                rows_v.at[b], seml)
            pltpu.async_copy(dst_hbm.at[pl.ds(s * (ept // 128) + i * jj, jj)],
                             idx_v.at[b], seml)

        def wait_load(i, b):
            pltpu.make_async_copy(
                msg_hbm.at[pl.ds(s * ept + i * CHS, CHS), pl.ds(col, HH)],
                rows_v.at[b], seml).wait()
            pltpu.make_async_copy(
                dst_hbm.at[pl.ds(s * (ept // 128) + i * jj, jj)],
                idx_v.at[b], seml).wait()

        def process(b):
            for j in range(jj):
                pltpu.sync_copy(rows_v.at[b, pl.ds(j * 128, 128)],
                                table_sh.at[idx_v.at[b, j]], add=True)

        fire_load(0, 0)

        def body2(kk, carry):
            i0 = 2 * kk
            fire_load(i0 + 1, 1)
            wait_load(i0, 0)
            process(0)

            @pl.when(kk < nchh - 1)
            def _():
                fire_load(i0 + 2, 0)

            wait_load(i0 + 1, 1)
            process(1)
            return carry

        lax.fori_loop(0, nchh, body2, 0)
        plsc.subcore_barrier()
        pltpu.sync_copy(table_sh.at[pl.ds(s * rpt, rpt)],
                        out_hbm.at[c, pl.ds(s * rpt, rpt)])

    return k(msg, dst2, zeros_tbl)


def _full(shape):
    return pl.BlockSpec(shape, lambda i: tuple(0 for _ in shape))


def _mlp_ln(xin, w1t, b1, w2t, b2, g, be, br, relu_out=False):
    n, d = xin.shape

    def body(x_ref, w1_ref, b1_ref, w2_ref, b2_ref, g_ref, be_ref, o_ref):
        h = jnp.maximum(x_ref[...] @ w1_ref[...] + b1_ref[...], 0.0)
        h = h @ w2_ref[...] + b2_ref[...]
        m = jnp.mean(h, axis=-1, keepdims=True)
        v = jnp.mean((h - m) ** 2, axis=-1, keepdims=True)
        o = (h - m) * lax.rsqrt(v + 1e-5) * g_ref[...] + be_ref[...]
        if relu_out:
            o = jnp.maximum(o, 0.0)
        o_ref[...] = o

    return pl.pallas_call(
        body,
        grid=(n // br,),
        in_specs=[
            pl.BlockSpec((br, d), lambda i: (i, 0)),
            _full((d, H)), _full((1, H)), _full((H, H)),
            _full((1, H)), _full((1, H)), _full((1, H)),
        ],
        out_specs=pl.BlockSpec((br, H), lambda i: (i, 0)),
        out_shape=jax.ShapeDtypeStruct((n, H), jnp.float32),
    )(xin, w1t, b1, w2t, b2, g, be)


def _gine_update(h, aggr, eps1, w1t, b1, w2t, b2, g, be, relu_out):
    br = 2000

    def body(h_ref, a_ref, e1_ref, w1_ref, b1_ref, w2_ref, b2_ref,
             g_ref, be_ref, o_ref):
        z = h_ref[...] * e1_ref[...] + a_ref[...]
        z = jnp.maximum(z @ w1_ref[...] + b1_ref[...], 0.0)
        z = z @ w2_ref[...] + b2_ref[...]
        m = jnp.mean(z, axis=-1, keepdims=True)
        v = jnp.mean((z - m) ** 2, axis=-1, keepdims=True)
        o = (z - m) * lax.rsqrt(v + 1e-5) * g_ref[...] + be_ref[...]
        if relu_out:
            o = jnp.maximum(o, 0.0)
        o_ref[...] = o

    return pl.pallas_call(
        body,
        grid=(N // br,),
        in_specs=[
            pl.BlockSpec((br, H), lambda i: (i, 0)),
            pl.BlockSpec((br, H), lambda i: (i, 0)),
            _full((1, H)), _full((H, H)), _full((1, H)),
            _full((H, H)), _full((1, H)), _full((1, H)), _full((1, H)),
        ],
        out_specs=pl.BlockSpec((br, H), lambda i: (i, 0)),
        out_shape=jax.ShapeDtypeStruct((N, H), jnp.float32),
    )(h, aggr, eps1, w1t, b1, w2t, b2, g, be)


def _pool_gp(h, gpwt, gpb, gpg, gpbe, wc, epb1):
    br = 2000
    steps = N // br

    def body(h_ref, gpw_ref, gpb_ref, gpg_ref, gpbe_ref, wc_ref, b1_ref,
             c0_ref, acc_ref):
        i = pl.program_id(0)

        @pl.when(i == 0)
        def _():
            acc_ref[...] = jnp.zeros_like(acc_ref)

        acc_ref[...] += jnp.sum(h_ref[...], axis=0, keepdims=True)

        @pl.when(i == steps - 1)
        def _():
            gm = acc_ref[...] * (1.0 / N)
            t = jnp.maximum(gm @ gpw_ref[...] + gpb_ref[...], 0.0)
            m = jnp.mean(t, axis=-1, keepdims=True)
            v = jnp.mean((t - m) ** 2, axis=-1, keepdims=True)
            gg = (t - m) * lax.rsqrt(v + 1e-5) * gpg_ref[...] + gpbe_ref[...]
            c0_ref[...] = gg @ wc_ref[...] + b1_ref[...]

    return pl.pallas_call(
        body,
        grid=(steps,),
        in_specs=[
            pl.BlockSpec((br, H), lambda i: (i, 0)),
            _full((H, H)), _full((1, H)), _full((1, H)), _full((1, H)),
            _full((H, 2 * H)), _full((1, 2 * H)),
        ],
        out_specs=_full((1, 2 * H)),
        out_shape=jax.ShapeDtypeStruct((1, 2 * H), jnp.float32),
        scratch_shapes=[pltpu.VMEM((1, H), jnp.float32)],
    )(h, gpwt, gpb, gpg, gpbe, wc, epb1)


def _predictor(sd, e, c0, wa, wb, wd, w2t, b2, w3r, b3):
    br = 2048

    def body(s_ref, d_ref, e_ref, c0_ref, wa_ref, wb_ref, wd_ref,
             w2_ref, b2_ref, w3_ref, b3_ref, o_ref):
        sf = s_ref[...].astype(jnp.float32)
        df = d_ref[...].astype(jnp.float32)
        z1 = (sf @ wa_ref[...] + df @ wb_ref[...]
              + e_ref[...] @ wd_ref[...] + c0_ref[...])
        z1 = jnp.tanh(z1)
        z2 = jnp.tanh(z1 @ w2_ref[...] + b2_ref[...])
        sc = jnp.sum(z2 * w3_ref[...], axis=-1, keepdims=True) + b3_ref[...]
        o_ref[...] = jax.nn.sigmoid(sc)

    return pl.pallas_call(
        body,
        grid=(E_PAD // br,),
        in_specs=[
            pl.BlockSpec((br, H), lambda i: (i, 0)),
            pl.BlockSpec((br, H), lambda i: (E_PAD // br + i, 0)),
            pl.BlockSpec((br, H), lambda i: (i, 0)),
            _full((1, 2 * H)), _full((H, 2 * H)), _full((H, 2 * H)),
            _full((H, 2 * H)), _full((2 * H, H)), _full((1, H)),
            _full((1, H)), _full((1, 1)),
        ],
        out_specs=pl.BlockSpec((br, 1), lambda i: (i, 0)),
        out_shape=jax.ShapeDtypeStruct((E_PAD, 1), jnp.float32),
    )(sd, sd, e, c0, wa, wb, wd, w2t, b2, w3r, b3)


def kernel(x, edge_index, edge_attr, batch, params):
    p = params
    r1 = lambda a: a.reshape(1, -1)
    pad = E_PAD - E
    src = edge_index[0]
    dst = edge_index[1]
    src2 = jnp.concatenate([src, jnp.zeros((pad,), jnp.int32)]).reshape(E_PAD // 128, 128)
    dstg2 = jnp.concatenate([dst, jnp.zeros((pad,), jnp.int32)]).reshape(E_PAD // 128, 128)
    dsts2 = jnp.concatenate([dst, jnp.full((pad,), N, jnp.int32)]).reshape(E_PAD // 128, 128)
    ea_pad = jnp.pad(edge_attr, ((0, pad), (0, 0)))
    zeros_tbl = jnp.zeros((TBL, HH), jnp.float32)

    h = _mlp_ln(x, p['ne_W1'].T, r1(p['ne_b1']), p['ne_W2'].T, r1(p['ne_b2']),
                r1(p['ne_g']), r1(p['ne_be']), br=2000)
    e = _mlp_ln(ea_pad, p['ee_W1'].T, r1(p['ee_b1']), p['ee_W2'].T, r1(p['ee_b2']),
                r1(p['ee_g']), r1(p['ee_be']), br=2048)

    for li, l in enumerate(('l0', 'l1')):
        msg = _gather_msg(h, e, src2)
        agg = _scatter_add(msg, dsts2, zeros_tbl)
        aggr = jnp.concatenate([agg[0, :N], agg[1, :N]], axis=1)
        eps1 = r1(jnp.broadcast_to(1.0 + p[l + '_eps'], (H,)))
        h = _gine_update(h, aggr, eps1, p[l + '_W1'].T, r1(p[l + '_b1']),
                         p[l + '_W2'].T, r1(p[l + '_b2']),
                         r1(p[l + '_g']), r1(p[l + '_be']), relu_out=(li == 0))

    w1t = p['ep_W1'].T
    c0 = _pool_gp(h, p['gp_W'].T, r1(p['gp_b']), r1(p['gp_g']), r1(p['gp_be']),
                  w1t[2 * H:3 * H], r1(p['ep_b1']))
    sd = _gather_rows(h.astype(jnp.bfloat16),
                      jnp.concatenate([src2, dstg2]), 2 * E_PAD)
    out = _predictor(sd, e, c0, w1t[:H], w1t[H:2 * H], w1t[3 * H:],
                     p['ep_W2'].T, r1(p['ep_b2']), r1(p['ep_W3']), r1(p['ep_b3']))
    return out[:E]

# --- scband reference (transcript-rebuilt; emitter-appended) ---
"""Pipeline reference for scband-edge-ranking-gnn2-ablation1-41875931136405 (READ-ONLY COPY).

The authoritative reference and input builder live on the scoring server;
editing this copy changes nothing except your own understanding.
"""

import jax, jax.numpy as jnp
import numpy as np

N = 50000
E = 800000
NODE_IN = 16
EDGE_IN = 16
H = 64


def _lin(x, W, b):
    return x @ W.T + b


def _ln(x, g, b):
    m = x.mean(axis=-1, keepdims=True)
    v = ((x - m) ** 2).mean(axis=-1, keepdims=True)
    return (x - m) / jnp.sqrt(v + 1e-5) * g + b


def _make_params(key):
    ks = jax.random.split(key, 32)
    it = iter(range(32))

    def W(shape):
        return 0.05 * jax.random.normal(ks[next(it)], shape, jnp.float32)

    p = {}
    # node_encoder: Linear(16,64) -> ReLU -> Dropout -> Linear(64,64) -> LayerNorm
    p['ne_W1'] = W((H, NODE_IN)); p['ne_b1'] = jnp.zeros((H,), jnp.float32)
    p['ne_W2'] = W((H, H)); p['ne_b2'] = jnp.zeros((H,), jnp.float32)
    p['ne_g'] = jnp.ones((H,), jnp.float32); p['ne_be'] = jnp.zeros((H,), jnp.float32)
    # edge_encoder: Linear(16,64) -> ReLU -> Dropout -> Linear(64,64) -> LayerNorm
    p['ee_W1'] = W((H, EDGE_IN)); p['ee_b1'] = jnp.zeros((H,), jnp.float32)
    p['ee_W2'] = W((H, H)); p['ee_b2'] = jnp.zeros((H,), jnp.float32)
    p['ee_g'] = jnp.ones((H,), jnp.float32); p['ee_be'] = jnp.zeros((H,), jnp.float32)
    # two GINEConv layers, each with gin_mlp Linear->ReLU->Linear->LayerNorm and trainable eps
    for l in ('l0', 'l1'):
        p[l + '_W1'] = W((H, H)); p[l + '_b1'] = jnp.zeros((H,), jnp.float32)
        p[l + '_W2'] = W((H, H)); p[l + '_b2'] = jnp.zeros((H,), jnp.float32)
        p[l + '_g'] = jnp.ones((H,), jnp.float32); p[l + '_be'] = jnp.zeros((H,), jnp.float32)
        p[l + '_eps'] = jnp.zeros((), jnp.float32)
    # global_processor: Linear(64,64) -> ReLU -> Dropout -> LayerNorm
    p['gp_W'] = W((H, H)); p['gp_b'] = jnp.zeros((H,), jnp.float32)
    p['gp_g'] = jnp.ones((H,), jnp.float32); p['gp_be'] = jnp.zeros((H,), jnp.float32)
    # edge_predictor: Linear(256,128)->Tanh->Linear(128,64)->Tanh->Linear(64,1)->Sigmoid
    p['ep_W1'] = W((2 * H, 4 * H)); p['ep_b1'] = jnp.zeros((2 * H,), jnp.float32)
    p['ep_W2'] = W((H, 2 * H)); p['ep_b2'] = jnp.zeros((H,), jnp.float32)
    p['ep_W3'] = W((1, H)); p['ep_b3'] = jnp.zeros((1,), jnp.float32)
    return p


def setup_inputs(seed: int = 0) -> dict:
    key = jax.random.key(seed)
    k1, k2, k3, k4 = jax.random.split(key, 4)
    x = jax.random.normal(k1, (N, NODE_IN), jnp.float32)
    edge_index = jax.random.randint(k2, (2, E), 0, N, dtype=jnp.int32)
    edge_attr = jax.random.normal(k3, (E, EDGE_IN), jnp.float32)
    batch = jnp.zeros((N,), jnp.int32)
    params = _make_params(k4)
    return {'x': x, 'edge_index': edge_index, 'edge_attr': edge_attr, 'batch': batch, 'params': params}


def _forward(x, edge_attr, params, edge_index, batch):
    p = params
    # node encoder (dropout off in eval)
    h = _lin(x, p['ne_W1'], p['ne_b1'])
    h = jax.nn.relu(h)
    h = _lin(h, p['ne_W2'], p['ne_b2'])
    h = _ln(h, p['ne_g'], p['ne_be'])
    # edge encoder
    e = _lin(edge_attr, p['ee_W1'], p['ee_b1'])
    e = jax.nn.relu(e)
    e = _lin(e, p['ee_W2'], p['ee_b2'])
    e = _ln(e, p['ee_g'], p['ee_be'])
    src = edge_index[0]
    dst = edge_index[1]
    # GINEConv layers: out = mlp((1+eps)*x_i + sum_j relu(x_j + e_ij))
    for i, l in enumerate(('l0', 'l1')):
        msg = jax.nn.relu(h[src] + e)
        aggr = jnp.zeros_like(h).at[dst].add(msg)
        z = (1.0 + p[l + '_eps']) * h + aggr
        z = _lin(z, p[l + '_W1'], p[l + '_b1'])
        z = jax.nn.relu(z)
        z = _lin(z, p[l + '_W2'], p[l + '_b2'])
        z = _ln(z, p[l + '_g'], p[l + '_be'])
        h = z
        if i < 1:
            h = jax.nn.relu(h)
    # global mean pool + processor
    cnt = jax.ops.segment_sum(jnp.ones((h.shape[0],), jnp.float32), batch, num_segments=1)
    gsum = jax.ops.segment_sum(h, batch, num_segments=1)
    gmean = gsum / cnt[:, None]
    g = _lin(gmean, p['gp_W'], p['gp_b'])
    g = jax.nn.relu(g)
    g = _ln(g, p['gp_g'], p['gp_be'])
    # edge scoring
    srcf = h[src]
    dstf = h[dst]
    gfe = g[batch[src]]
    comb = jnp.concatenate([srcf, dstf, gfe, e], axis=-1)
    z = jnp.tanh(_lin(comb, p['ep_W1'], p['ep_b1']))
    z = jnp.tanh(_lin(z, p['ep_W2'], p['ep_b2']))
    z = jax.nn.sigmoid(_lin(z, p['ep_W3'], p['ep_b3']))
    return z


def reference(x, edge_index, edge_attr, batch, params):
    return _forward(x, edge_attr, params, edge_index, batch)

if __name__ == "__main__":
    import jax
    _d = setup_inputs()
    print(jax.jit(kernel)(*tuple(_d.values())))

</pallas_src>

<mosaic_0001>
#map = affine_map<(d0, d1) -> (0, 0)>
#map1 = affine_map<(d0, d1) -> (0, 0, 0)>
module attributes {stable_mosaic.version = 14 : i64} {
  func.func @k(%arg0: i32, %arg1: i32, %arg2: memref<819200x64xf32, #tpu.memory_space<hbm>>, %arg3: memref<6400x128xi32, #tpu.memory_space<hbm>>, %arg4: memref<50016x32xf32, #tpu.memory_space<hbm>>, %arg5: memref<2x50016x32xf32, #tpu.memory_space<hbm>>, %arg6: memref<2x2x128xi32, #tpu.memory_space<vmem>>, %arg7: memref<2x256x32xf32, #tpu.memory_space<vmem>>, %arg8: memref<50016x32xf32, #tpu.memory_space<vmem_shared>>, %arg9: memref<!tpu.dma_semaphore, #tpu.memory_space<semaphore_mem>>) attributes {dimension_semantics = [#tpu.dimension_semantics<core_parallel>, #tpu.dimension_semantics<subcore_parallel>], iteration_bounds = array<i64: 2, 16>, scalar_prefetch = 0 : i64, scratch_operands = 4 : i64, tpu.core_type = #tpu.core_type<sc_vector_subcore>, window_params = [{transform_indices = #map}, {transform_indices = #map}, {transform_indices = #map}, {transform_indices = #map1}]} {
    %mul3A = arith.constant 3126 : i32
    %mul3A_0 = arith.muli %arg1, %mul3A : i32
    %mul3A_1 = arith.constant 3126 : i32
    %mul3A_2 = arith.muli %arg1, %mul3A_1 : i32
    "tpu.region"() ({
      %run_scoped3A = tpu.sem_alloc : memref<!tpu.dma_semaphore, #tpu.memory_space<semaphore_mem>>
      %dma_start3A_45 = arith.constant 0 : i32
      %dma_start3A_46 = tpu.memref_slice %arg8[%mul3A_2, %dma_start3A_45] : memref<50016x32xf32, #tpu.memory_space<vmem_shared>> -> memref<3126x32xf32, #tpu.memory_space<vmem_shared>>
      %dma_start3A_47 = arith.constant 0 : i32
      %dma_start3A_48 = tpu.memref_slice %arg4[%mul3A_0, %dma_start3A_47] : memref<50016x32xf32, #tpu.memory_space<hbm>> -> memref<3126x32xf32, #tpu.memory_space<hbm>>
      tpu.enqueue_dma source(%dma_start3A_48 : memref<3126x32xf32, #tpu.memory_space<hbm>>) target(%dma_start3A_46 : memref<3126x32xf32, #tpu.memory_space<vmem_shared>>) target_semaphore(%run_scoped3A : memref<!tpu.dma_semaphore, #tpu.memory_space<semaphore_mem>>)
      %dma_wait3A = arith.constant 0 : i32
      %dma_wait3A_49 = tpu.memref_slice %arg8[%mul3A_2, %dma_wait3A] : memref<50016x32xf32, #tpu.memory_space<vmem_shared>> -> memref<3126x32xf32, #tpu.memory_space<vmem_shared>>
      %dma_wait3A_50 = arith.constant 0 : i32
      %dma_wait3A_51 = tpu.memref_slice %arg4[%mul3A_0, %dma_wait3A_50] : memref<50016x32xf32, #tpu.memory_space<hbm>> -> memref<3126x32xf32, #tpu.memory_space<hbm>>
      tpu.wait_dma2 semaphore(%run_scoped3A : memref<!tpu.dma_semaphore, #tpu.memory_space<semaphore_mem>>) src(%dma_wait3A_51 : memref<3126x32xf32, #tpu.memory_space<hbm>>) dst(%dma_wait3A_49 : memref<3126x32xf32, #tpu.memory_space<vmem_shared>>)
      tpu.yield
    }) : () -> ()
    %barrier3A = arith.constant 0 : index
    tpu.barrier barrier_id(%barrier3A)
    %mul3A_3 = arith.constant 32 : i32
    %mul3A_4 = arith.muli %arg0, %mul3A_3 : i32
    %mul3A_5 = arith.constant 51200 : i32
    %mul3A_6 = arith.muli %arg1, %mul3A_5 : i32
    %add3A = arith.constant 0 : i32
    %add3A_7 = arith.addi %mul3A_6, %add3A : i32
    %dma_start3A = arith.constant 0 : i32
    %dma_start3A_8 = arith.constant 0 : i32
    %dma_start3A_9 = arith.constant 0 : i32
    %dma_start3A_10 = tpu.memref_slice %arg7[%dma_start3A, %dma_start3A_8, %dma_start3A_9] : memref<2x256x32xf32, #tpu.memory_space<vmem>> -> memref<1x256x32xf32, #tpu.memory_space<vmem>>
    %dma_start3A_11 = tpu.memref_squeeze %dma_start3A_10 : memref<1x256x32xf32, #tpu.memory_space<vmem>> -> memref<256x32xf32, #tpu.memory_space<vmem>>
    %dma_start3A_12 = tpu.memref_slice %arg2[%add3A_7, %mul3A_4] : memref<819200x64xf32, #tpu.memory_space<hbm>> -> memref<256x32xf32, #tpu.memory_space<hbm>>
    %dma_start3A_13 = arith.constant 0 : i32
    %dma_start3A_14 = arith.constant 0 : i32
    %dma_start3A_15 = tpu.memref_slice %arg7[%dma_start3A, %dma_start3A_13, %dma_start3A_14] : memref<2x256x32xf32, #tpu.memory_space<vmem>> -> memref<1x256x32xf32, #tpu.memory_space<vmem>>
    %dma_start3A_16 = tpu.memref_squeeze %dma_start3A_15 : memref<1x256x32xf32, #tpu.memory_space<vmem>> -> memref<256x32xf32, #tpu.memory_space<vmem>>
    %dma_start3A_17 = tpu.memref_slice %arg2[%add3A_7, %mul3A_4] : memref<819200x64xf32, #tpu.memory_space<hbm>> -> memref<256x32xf32, #tpu.memory_space<hbm>>
    tpu.enqueue_dma source(%dma_start3A_17 : memref<256x32xf32, #tpu.memory_space<hbm>>) target(%dma_start3A_16 : memref<256x32xf32, #tpu.memory_space<vmem>>) target_semaphore(%arg9 : memref<!tpu.dma_semaphore, #tpu.memory_space<semaphore_mem>>)
    %mul3A_18 = arith.constant 400 : i32
    %mul3A_19 = arith.muli %arg1, %mul3A_18 : i32
    %add3A_20 = arith.constant 0 : i32
    %add3A_21 = arith.addi %mul3A_19, %add3A_20 : i32
    %dma_start3A_22 = arith.constant 0 : i32
    %dma_start3A_23 = arith.constant 0 : i32
    %dma_start3A_24 = arith.constant 0 : i32
    %dma_start3A_25 = tpu.memref_slice %arg6[%dma_start3A_22, %dma_start3A_23, %dma_start3A_24] : memref<2x2x128xi32, #tpu.memory_space<vmem>> -> memref<1x2x128xi32, #tpu.memory_space<vmem>>
    %dma_start3A_26 = tpu.memref_squeeze %dma_start3A_25 : memref<1x2x128xi32, #tpu.memory_space<vmem>> -> memref<2x128xi32, #tpu.memory_space<vmem>>
    %dma_start3A_27 = arith.constant 0 : i32
    %dma_start3A_28 = tpu.memref_slice %arg3[%add3A_21, %dma_start3A_27] : memref<6400x128xi32, #tpu.memory_space<hbm>> -> memref<2x128xi32, #tpu.memory_space<hbm>>
    %dma_start3A_29 = arith.constant 0 : i32
    %dma_start3A_30 = arith.constant 0 : i32
    %dma_start3A_31 = tpu.memref_slice %arg6[%dma_start3A_22, %dma_start3A_29, %dma_start3A_30] : memref<2x2x128xi32, #tpu.memory_space<vmem>> -> memref<1x2x128xi32, #tpu.memory_space<vmem>>
    %dma_start3A_32 = tpu.memref_squeeze %dma_start3A_31 : memref<1x2x128xi32, #tpu.memory_space<vmem>> -> memref<2x128xi32, #tpu.memory_space<vmem>>
    %dma_start3A_33 = arith.constant 0 : i32
    %dma_start3A_34 = tpu.memref_slice %arg3[%add3A_21, %dma_start3A_33] : memref<6400x128xi32, #tpu.memory_space<hbm>> -> memref<2x128xi32, #tpu.memory_space<hbm>>
    tpu.enqueue_dma source(%dma_start3A_34 : memref<2x128xi32, #tpu.memory_space<hbm>>) target(%dma_start3A_32 : memref<2x128xi32, #tpu.memory_space<vmem>>) target_semaphore(%arg9 : memref<!tpu.dma_semaphore, #tpu.memory_space<semaphore_mem>>)
    %scan3A = arith.constant 0 : i32
    %scan3A_35 = arith.constant 0 : i32
    %scan3A_36 = arith.constant 100 : i32
    %scan3A_37 = arith.addi %scan3A_35, %scan3A_36 : i32
    %scan3A_38 = arith.constant 1 : i32
    scf.for %scan3A_45 = %scan3A_35 to %scan3A_37 step %scan3A_38  : i32 {
      %mul3A_46 = arith.constant 2 : i32
      %mul3A_47 = arith.muli %mul3A_46, %scan3A_45 : i32
      %add3A_48 = arith.constant 1 : i32
      %add3A_49 = arith.addi %mul3A_47, %add3A_48 : i32
      %mul3A_50 = arith.constant 51200 : i32
      %mul3A_51 = arith.muli %arg1, %mul3A_50 : i32
      %mul3A_52 = arith.constant 256 : i32
      %mul3A_53 = arith.muli %add3A_49, %mul3A_52 : i32
      %add3A_54 = arith.addi %mul3A_51, %mul3A_53 : i32
      %dma_start3A_55 = arith.constant 1 : i32
      %dma_start3A_56 = arith.constant 0 : i32
      %dma_start3A_57 = arith.constant 0 : i32
      %dma_start3A_58 = tpu.memref_slice %arg7[%dma_start3A_55, %dma_start3A_56, %dma_start3A_57] : memref<2x256x32xf32, #tpu.memory_space<vmem>> -> memref<1x256x32xf32, #tpu.memory_space<vmem>>
      %dma_start3A_59 = tpu.memref_squeeze %dma_start3A_58 : memref<1x256x32xf32, #tpu.memory_space<vmem>> -> memref<256x32xf32, #tpu.memory_space<vmem>>
      %dma_start3A_60 = tpu.memref_slice %arg2[%add3A_54, %mul3A_4] : memref<819200x64xf32, #tpu.memory_space<hbm>> -> memref<256x32xf32, #tpu.memory_space<hbm>>
      %dma_start3A_61 = arith.constant 0 : i32
      %dma_start3A_62 = arith.constant 0 : i32
      %dma_start3A_63 = tpu.memref_slice %arg7[%dma_start3A_55, %dma_start3A_61, %dma_start3A_62] : memref<2x256x32xf32, #tpu.memory_space<vmem>> -> memref<1x256x32xf32, #tpu.memory_space<vmem>>
      %dma_start3A_64 = tpu.memref_squeeze %dma_start3A_63 : memref<1x256x32xf32, #tpu.memory_space<vmem>> -> memref<256x32xf32, #tpu.memory_space<vmem>>
      %dma_start3A_65 = tpu.memref_slice %arg2[%add3A_54, %mul3A_4] : memref<819200x64xf32, #tpu.memory_space<hbm>> -> memref<256x32xf32, #tpu.memory_space<hbm>>
      tpu.enqueue_dma source(%dma_start3A_65 : memref<256x32xf32, #tpu.memory_space<hbm>>) target(%dma_start3A_64 : memref<256x32xf32, #tpu.memory_space<vmem>>) target_semaphore(%arg9 : memref<!tpu.dma_semaphore, #tpu.memory_space<semaphore_mem>>)
      %mul3A_66 = arith.constant 400 : i32
      %mul3A_67 = arith.muli %arg1, %mul3A_66 : i32
      %mul3A_68 = arith.constant 2 : i32
      %mul3A_69 = arith.muli %add3A_49, %mul3A_68 : i32
      %add3A_70 = arith.addi %mul3A_67, %mul3A_69 : i32
      %dma_start3A_71 = arith.constant 1 : i32
      %dma_start3A_72 = arith.constant 0 : i32
      %dma_start3A_73 = arith.constant 0 : i32
      %dma_start3A_74 = tpu.memref_slice %arg6[%dma_start3A_71, %dma_start3A_72, %dma_start3A_73] : memref<2x2x128xi32, #tpu.memory_space<vmem>> -> memref<1x2x128xi32, #tpu.memory_space<vmem>>
      %dma_start3A_75 = tpu.memref_squeeze %dma_start3A_74 : memref<1x2x128xi32, #tpu.memory_space<vmem>> -> memref<2x128xi32, #tpu.memory_space<vmem>>
      %dma_start3A_76 = arith.constant 0 : i32
      %dma_start3A_77 = tpu.memref_slice %arg3[%add3A_70, %dma_start3A_76] : memref<6400x128xi32, #tpu.memory_space<hbm>> -> memref<2x128xi32, #tpu.memory_space<hbm>>
      %dma_start3A_78 = arith.constant 0 : i32
      %dma_start3A_79 = arith.constant 0 : i32
      %dma_start3A_80 = tpu.memref_slice %arg6[%dma_start3A_71, %dma_start3A_78, %dma_start3A_79] : memref<2x2x128xi32, #tpu.memory_space<vmem>> -> memref<1x2x128xi32, #tpu.memory_space<vmem>>
      %dma_start3A_81 = tpu.memref_squeeze %dma_start3A_80 : memref<1x2x128xi32, #tpu.memory_space<vmem>> -> memref<2x128xi32, #tpu.memory_space<vmem>>
      %dma_start3A_82 = arith.constant 0 : i32
      %dma_start3A_83 = tpu.memref_slice %arg3[%add3A_70, %dma_start3A_82] : memref<6400x128xi32, #tpu.memory_space<hbm>> -> memref<2x128xi32, #tpu.memory_space<hbm>>
      tpu.enqueue_dma source(%dma_start3A_83 : memref<2x128xi32, #tpu.memory_space<hbm>>) target(%dma_start3A_81 : memref<2x128xi32, #tpu.memory_space<vmem>>) target_semaphore(%arg9 : memref<!tpu.dma_semaphore, #tpu.memory_space<semaphore_mem>>)
      %mul3A_84 = arith.constant 51200 : i32
      %mul3A_85 = arith.muli %arg1, %mul3A_84 : i32
      %mul3A_86 = arith.constant 256 : i32
      %mul3A_87 = arith.muli %mul3A_47, %mul3A_86 : i32
      %add3A_88 = arith.addi %mul3A_85, %mul3A_87 : i32
      %dma_wait3A = arith.constant 0 : i32
      %dma_wait3A_89 = arith.constant 0 : i32
      %dma_wait3A_90 = arith.constant 0 : i32
      %dma_wait3A_91 = tpu.memref_slice %arg7[%dma_wait3A, %dma_wait3A_89, %dma_wait3A_90] : memref<2x256x32xf32, #tpu.memory_space<vmem>> -> memref<1x256x32xf32, #tpu.memory_space<vmem>>
      %dma_wait3A_92 = tpu.memref_squeeze %dma_wait3A_91 : memref<1x256x32xf32, #tpu.memory_space<vmem>> -> memref<256x32xf32, #tpu.memory_space<vmem>>
      %dma_wait3A_93 = tpu.memref_slice %arg2[%add3A_88, %mul3A_4] : memref<819200x64xf32, #tpu.memory_space<hbm>> -> memref<256x32xf32, #tpu.memory_space<hbm>>
      %dma_wait3A_94 = arith.constant 0 : i32
      %dma_wait3A_95 = arith.constant 0 : i32
      %dma_wait3A_96 = tpu.memref_slice %arg7[%dma_wait3A, %dma_wait3A_94, %dma_wait3A_95] : memref<2x256x32xf32, #tpu.memory_space<vmem>> -> memref<1x256x32xf32, #tpu.memory_space<vmem>>
      %dma_wait3A_97 = tpu.memref_squeeze %dma_wait3A_96 : memref<1x256x32xf32, #tpu.memory_space<vmem>> -> memref<256x32xf32, #tpu.memory_space<vmem>>
      %dma_wait3A_98 = tpu.memref_slice %arg2[%add3A_88, %mul3A_4] : memref<819200x64xf32, #tpu.memory_space<hbm>> -> memref<256x32xf32, #tpu.memory_space<hbm>>
      tpu.wait_dma2 semaphore(%arg9 : memref<!tpu.dma_semaphore, #tpu.memory_space<semaphore_mem>>) src(%dma_wait3A_98 : memref<256x32xf32, #tpu.memory_space<hbm>>) dst(%dma_wait3A_97 : memref<256x32xf32, #tpu.memory_space<vmem>>)
      %mul3A_99 = arith.constant 400 : i32
      %mul3A_100 = arith.muli %arg1, %mul3A_99 : i32
      %mul3A_101 = arith.constant 2 : i32
      %mul3A_102 = arith.muli %mul3A_47, %mul3A_101 : i32
      %add3A_103 = arith.addi %mul3A_100, %mul3A_102 : i32
      %dma_wait3A_104 = arith.constant 0 : i32
      %dma_wait3A_105 = arith.constant 0 : i32
      %dma_wait3A_106 = arith.constant 0 : i32
      %dma_wait3A_107 = tpu.memref_slice %arg6[%dma_wait3A_104, %dma_wait3A_105, %dma_wait3A_106] : memref<2x2x128xi32, #tpu.memory_space<vmem>> -> memref<1x2x128xi32, #tpu.memory_space<vmem>>
      %dma_wait3A_108 = tpu.memref_squeeze %dma_wait3A_107 : memref<1x2x128xi32, #tpu.memory_space<vmem>> -> memref<2x128xi32, #tpu.memory_space<vmem>>
      %dma_wait3A_109 = arith.constant 0 : i32
      %dma_wait3A_110 = tpu.memref_slice %arg3[%add3A_103, %dma_wait3A_109] : memref<6400x128xi32, #tpu.memory_space<hbm>> -> memref<2x128xi32, #tpu.memory_space<hbm>>
      %dma_wait3A_111 = arith.constant 0 : i32
      %dma_wait3A_112 = arith.constant 0 : i32
      %dma_wait3A_113 = tpu.memref_slice %arg6[%dma_wait3A_104, %dma_wait3A_111, %dma_wait3A_112] : memref<2x2x128xi32, #tpu.memory_space<vmem>> -> memref<1x2x128xi32, #tpu.memory_space<vmem>>
      %dma_wait3A_114 = tpu.memref_squeeze %dma_wait3A_113 : memref<1x2x128xi32, #tpu.memory_space<vmem>> -> memref<2x128xi32, #tpu.memory_space<vmem>>
      %dma_wait3A_115 = arith.constant 0 : i32
      %dma_wait3A_116 = tpu.memref_slice %arg3[%add3A_103, %dma_wait3A_115] : memref<6400x128xi32, #tpu.memory_space<hbm>> -> memref<2x128xi32, #tpu.memory_space<hbm>>
      tpu.wait_dma2 semaphore(%arg9 : memref<!tpu.dma_semaphore, #tpu.memory_space<semaphore_mem>>) src(%dma_wait3A_116 : memref<2x128xi32, #tpu.memory_space<hbm>>) dst(%dma_wait3A_114 : memref<2x128xi32, #tpu.memory_space<vmem>>)
      %run_scoped3A = arith.constant 0 : i32
      %run_scoped3A_117 = arith.constant 0 : i32
      %run_scoped3A_118 = arith.constant 0 : i32
      "tpu.region"() ({
        %run_scoped3A_166 = tpu.sem_alloc : memref<!tpu.dma_semaphore, #tpu.memory_space<semaphore_mem>>
        %dma_start3A_167 = arith.constant 0 : i32
        %dma_start3A_168 = arith.constant 0 : i32
        %dma_start3A_169 = tpu.memref_slice %arg7[%run_scoped3A, %dma_start3A_167, %dma_start3A_168] : memref<2x256x32xf32, #tpu.memory_space<vmem>> -> memref<1x128x32xf32, #tpu.memory_space<vmem>>
        %dma_start3A_170 = tpu.memref_squeeze %dma_start3A_169 : memref<1x128x32xf32, #tpu.memory_space<vmem>> -> memref<128x32xf32, #tpu.memory_space<vmem>>
        %dma_start3A_171 = arith.constant 0 : i32
        %dma_start3A_172 = tpu.memref_slice %arg6[%run_scoped3A_117, %run_scoped3A_118, %dma_start3A_171] : memref<2x2x128xi32, #tpu.memory_space<vmem>> -> memref<1x1x128xi32, #tpu.memory_space<vmem>>
        %dma_start3A_173 = tpu.memref_squeeze %dma_start3A_172 : memref<1x1x128xi32, #tpu.memory_space<vmem>> -> memref<128xi32, #tpu.memory_space<vmem>>
        %dma_start3A_174 = arith.constant 0 : i32
        %dma_start3A_175 = arith.constant 0 : i32
        %dma_start3A_176 = tpu.memref_slice %arg8[%dma_start3A_174, %dma_start3A_175] : memref<50016x32xf32, #tpu.memory_space<vmem_shared>> -> memref<50016x32xf32, #tpu.memory_space<vmem_shared>>
        tpu.enqueue_indirect_dma source(%dma_start3A_170 : memref<128x32xf32, #tpu.memory_space<vmem>>) target(%dma_start3A_176 : memref<50016x32xf32, #tpu.memory_space<vmem_shared>>) offsets(%dma_start3A_173 : memref<128xi32, #tpu.memory_space<vmem>>) semaphore(%run_scoped3A_166 : memref<!tpu.dma_semaphore, #tpu.memory_space<semaphore_mem>>) {add = true}
        %dma_wait3A_177 = arith.constant 0 : i32
        %dma_wait3A_178 = arith.constant 0 : i32
        %dma_wait3A_179 = tpu.memref_slice %arg7[%run_scoped3A, %dma_wait3A_177, %dma_wait3A_178] : memref<2x256x32xf32, #tpu.memory_space<vmem>> -> memref<1x128x32xf32, #tpu.memory_space<vmem>>
        %dma_wait3A_180 = tpu.memref_squeeze %dma_wait3A_179 : memref<1x128x32xf32, #tpu.memory_space<vmem>> -> memref<128x32xf32, #tpu.memory_space<vmem>>
        %dma_wait3A_181 = arith.constant 0 : i32
        %dma_wait3A_182 = tpu.memref_slice %arg6[%run_scoped3A_117, %run_scoped3A_118, %dma_wait3A_181] : memref<2x2x128xi32, #tpu.memory_space<vmem>> -> memref<1x1x128xi32, #tpu.memory_space<vmem>>
        %dma_wait3A_183 = tpu.memref_squeeze %dma_wait3A_182 : memref<1x1x128xi32, #tpu.memory_space<vmem>> -> memref<128xi32, #tpu.memory_space<vmem>>
        %dma_wait3A_184 = arith.constant 0 : i32
        %dma_wait3A_185 = arith.constant 0 : i32
        %dma_wait3A_186 = tpu.memref_slice %arg8[%dma_wait3A_184, %dma_wait3A_185] : memref<50016x32xf32, #tpu.memory_space<vmem_shared>> -> memref<50016x32xf32, #tpu.memory_space<vmem_shared>>
        tpu.wait_indirect_dma semaphore(%run_scoped3A_166 : memref<!tpu.dma_semaphore, #tpu.memory_space<semaphore_mem>>) src(%dma_wait3A_180 : memref<128x32xf32, #tpu.memory_space<vmem>>) dst(%dma_wait3A_186 : memref<50016x32xf32, #tpu.memory_space<vmem_shared>>)
        tpu.yield
      }) : () -> ()
      %run_scoped3A_119 = arith.constant 0 : i32
      %run_scoped3A_120 = arith.constant 0 : i32
      %run_scoped3A_121 = arith.constant 1 : i32
      "tpu.region"() ({
        %run_scoped3A_166 = tpu.sem_alloc : memref<!tpu.dma_semaphore, #tpu.memory_space<semaphore_mem>>
        %dma_start3A_167 = arith.constant 128 : i32
        %dma_start3A_168 = arith.constant 0 : i32
        %dma_start3A_169 = tpu.memref_slice %arg7[%run_scoped3A_119, %dma_start3A_167, %dma_start3A_168] : memref<2x256x32xf32, #tpu.memory_space<vmem>> -> memref<1x128x32xf32, #tpu.memory_space<vmem>>
        %dma_start3A_170 = tpu.memref_squeeze %dma_start3A_169 : memref<1x128x32xf32, #tpu.memory_space<vmem>> -> memref<128x32xf32, #tpu.memory_space<vmem>>
        %dma_start3A_171 = arith.constant 0 : i32
        %dma_start3A_172 = tpu.memref_slice %arg6[%run_scoped3A_120, %run_scoped3A_121, %dma_start3A_171] : memref<2x2x128xi32, #tpu.memory_space<vmem>> -> memref<1x1x128xi32, #tpu.memory_space<vmem>>
        %dma_start3A_173 = tpu.memref_squeeze %dma_start3A_172 : memref<1x1x128xi32, #tpu.memory_space<vmem>> -> memref<128xi32, #tpu.memory_space<vmem>>
        %dma_start3A_174 = arith.constant 0 : i32
        %dma_start3A_175 = arith.constant 0 : i32
        %dma_start3A_176 = tpu.memref_slice %arg8[%dma_start3A_174, %dma_start3A_175] : memref<50016x32xf32, #tpu.memory_space<vmem_shared>> -> memref<50016x32xf32, #tpu.memory_space<vmem_shared>>
        tpu.enqueue_indirect_dma source(%dma_start3A_170 : memref<128x32xf32, #tpu.memory_space<vmem>>) target(%dma_start3A_176 : memref<50016x32xf32, #tpu.memory_space<vmem_shared>>) offsets(%dma_start3A_173 : memref<128xi32, #tpu.memory_space<vmem>>) semaphore(%run_scoped3A_166 : memref<!tpu.dma_semaphore, #tpu.memory_space<semaphore_mem>>) {add = true}
        %dma_wait3A_177 = arith.constant 128 : i32
        %dma_wait3A_178 = arith.constant 0 : i32
        %dma_wait3A_179 = tpu.memref_slice %arg7[%run_scoped3A_119, %dma_wait3A_177, %dma_wait3A_178] : memref<2x256x32xf32, #tpu.memory_space<vmem>> -> memref<1x128x32xf32, #tpu.memory_space<vmem>>
        %dma_wait3A_180 = tpu.memref_squeeze %dma_wait3A_179 : memref<1x128x32xf32, #tpu.memory_space<vmem>> -> memref<128x32xf32, #tpu.memory_space<vmem>>
        %dma_wait3A_181 = arith.constant 0 : i32
        %dma_wait3A_182 = tpu.memref_slice %arg6[%run_scoped3A_120, %run_scoped3A_121, %dma_wait3A_181] : memref<2x2x128xi32, #tpu.memory_space<vmem>> -> memref<1x1x128xi32, #tpu.memory_space<vmem>>
        %dma_wait3A_183 = tpu.memref_squeeze %dma_wait3A_182 : memref<1x1x128xi32, #tpu.memory_space<vmem>> -> memref<128xi32, #tpu.memory_space<vmem>>
        %dma_wait3A_184 = arith.constant 0 : i32
        %dma_wait3A_185 = arith.constant 0 : i32
        %dma_wait3A_186 = tpu.memref_slice %arg8[%dma_wait3A_184, %dma_wait3A_185] : memref<50016x32xf32, #tpu.memory_space<vmem_shared>> -> memref<50016x32xf32, #tpu.memory_space<vmem_shared>>
        tpu.wait_indirect_dma semaphore(%run_scoped3A_166 : memref<!tpu.dma_semaphore, #tpu.memory_space<semaphore_mem>>) src(%dma_wait3A_180 : memref<128x32xf32, #tpu.memory_space<vmem>>) dst(%dma_wait3A_186 : memref<50016x32xf32, #tpu.memory_space<vmem_shared>>)
        tpu.yield
      }) : () -> ()
      %lt3A = arith.constant 99 : i32
      %lt3A_122 = arith.cmpi slt, %scan3A_45, %lt3A : i32
      %convert_element_type3A = arith.extui %lt3A_122 : i1 to i32
      %cond3A = arith.constant 0 : i32
      %cond3A_123 = arith.cmpi ne, %convert_element_type3A, %cond3A : i32
      scf.if %cond3A_123 {
        %add3A_166 = arith.constant 2 : i32
        %add3A_167 = arith.addi %mul3A_47, %add3A_166 : i32
        %mul3A_168 = arith.constant 51200 : i32
        %mul3A_169 = arith.muli %arg1, %mul3A_168 : i32
        %mul3A_170 = arith.constant 256 : i32
        %mul3A_171 = arith.muli %add3A_167, %mul3A_170 : i32
        %add3A_172 = arith.addi %mul3A_169, %mul3A_171 : i32
        %dma_start3A_173 = arith.constant 0 : i32
        %dma_start3A_174 = arith.constant 0 : i32
        %dma_start3A_175 = arith.constant 0 : i32
        %dma_start3A_176 = tpu.memref_slice %arg7[%dma_start3A_173, %dma_start3A_174, %dma_start3A_175] : memref<2x256x32xf32, #tpu.memory_space<vmem>> -> memref<1x256x32xf32, #tpu.memory_space<vmem>>
        %dma_start3A_177 = tpu.memref_squeeze %dma_start3A_176 : memref<1x256x32xf32, #tpu.memory_space<vmem>> -> memref<256x32xf32, #tpu.memory_space<vmem>>
        %dma_start3A_178 = tpu.memref_slice %arg2[%add3A_172, %mul3A_4] : memref<819200x64xf32, #tpu.memory_space<hbm>> -> memref<256x32xf32, #tpu.memory_space<hbm>>
        %dma_start3A_179 = arith.constant 0 : i32
        %dma_start3A_180 = arith.constant 0 : i32
        %dma_start3A_181 = tpu.memref_slice %arg7[%dma_start3A_173, %dma_start3A_179, %dma_start3A_180] : memref<2x256x32xf32, #tpu.memory_space<vmem>> -> memref<1x256x32xf32, #tpu.memory_space<vmem>>
        %dma_start3A_182 = tpu.memref_squeeze %dma_start3A_181 : memref<1x256x32xf32, #tpu.memory_space<vmem>> -> memref<256x32xf32, #tpu.memory_space<vmem>>
        %dma_start3A_183 = tpu.memref_slice %arg2[%add3A_172, %mul3A_4] : memref<819200x64xf32, #tpu.memory_space<hbm>> -> memref<256x32xf32, #tpu.memory_space<hbm>>
        tpu.enqueue_dma source(%dma_start3A_183 : memref<256x32xf32, #tpu.memory_space<hbm>>) target(%dma_start3A_182 : memref<256x32xf32, #tpu.memory_space<vmem>>) target_semaphore(%arg9 : memref<!tpu.dma_semaphore, #tpu.memory_space<semaphore_mem>>)
        %mul3A_184 = arith.constant 400 : i32
        %mul3A_185 = arith.muli %arg1, %mul3A_184 : i32
        %mul3A_186 = arith.constant 2 : i32
        %mul3A_187 = arith.muli %add3A_167, %mul3A_186 : i32
        %add3A_188 = arith.addi %mul3A_185, %mul3A_187 : i32
        %dma_start3A_189 = arith.constant 0 : i32
        %dma_start3A_190 = arith.constant 0 : i32
        %dma_start3A_191 = arith.constant 0 : i32
        %dma_start3A_192 = tpu.memref_slice %arg6[%dma_start3A_189, %dma_start3A_190, %dma_start3A_191] : memref<2x2x128xi32, #tpu.memory_space<vmem>> -> memref<1x2x128xi32, #tpu.memory_space<vmem>>
        %dma_start3A_193 = tpu.memref_squeeze %dma_start3A_192 : memref<1x2x128xi32, #tpu.memory_space<vmem>> -> memref<2x128xi32, #tpu.memory_space<vmem>>
        %dma_start3A_194 = arith.constant 0 : i32
        %dma_start3A_195 = tpu.memref_slice %arg3[%add3A_188, %dma_start3A_194] : memref<6400x128xi32, #tpu.memory_space<hbm>> -> memref<2x128xi32, #tpu.memory_space<hbm>>
        %dma_start3A_196 = arith.constant 0 : i32
        %dma_start3A_197 = arith.constant 0 : i32
        %dma_start3A_198 = tpu.memref_slice %arg6[%dma_start3A_189, %dma_start3A_196, %dma_start3A_197] : memref<2x2x128xi32, #tpu.memory_space<vmem>> -> memref<1x2x128xi32, #tpu.memory_space<vmem>>
        %dma_start3A_199 = tpu.memref_squeeze %dma_start3A_198 : memref<1x2x128xi32, #tpu.memory_space<vmem>> -> memref<2x128xi32, #tpu.memory_space<vmem>>
        %dma_start3A_200 = arith.constant 0 : i32
        %dma_start3A_201 = tpu.memref_slice %arg3[%add3A_188, %dma_start3A_200] : memref<6400x128xi32, #tpu.memory_space<hbm>> -> memref<2x128xi32, #tpu.memory_space<hbm>>
        tpu.enqueue_dma source(%dma_start3A_201 : memref<2x128xi32, #tpu.memory_space<hbm>>) target(%dma_start3A_199 : memref<2x128xi32, #tpu.memory_space<vmem>>) target_semaphore(%arg9 : memref<!tpu.dma_semaphore, #tpu.memory_space<semaphore_mem>>)
      } else {
      }
      %add3A_124 = arith.constant 1 : i32
      %add3A_125 = arith.addi %mul3A_47, %add3A_124 : i32
      %mul3A_126 = arith.constant 51200 : i32
      %mul3A_127 = arith.muli %arg1, %mul3A_126 : i32
      %mul3A_128 = arith.constant 256 : i32
      %mul3A_129 = arith.muli %add3A_125, %mul3A_128 : i32
      %add3A_130 = arith.addi %mul3A_127, %mul3A_129 : i32
      %dma_wait3A_131 = arith.constant 1 : i32
      %dma_wait3A_132 = arith.constant 0 : i32
      %dma_wait3A_133 = arith.constant 0 : i32
      %dma_wait3A_134 = tpu.memref_slice %arg7[%dma_wait3A_131, %dma_wait3A_132, %dma_wait3A_133] : memref<2x256x32xf32, #tpu.memory_space<vmem>> -> memref<1x256x32xf32, #tpu.memory_space<vmem>>
      %dma_wait3A_135 = tpu.memref_squeeze %dma_wait3A_134 : memref<1x256x32xf32, #tpu.memory_space<vmem>> -> memref<256x32xf32, #tpu.memory_space<vmem>>
      %dma_wait3A_136 = tpu.memref_slice %arg2[%add3A_130, %mul3A_4] : memref<819200x64xf32, #tpu.memory_space<hbm>> -> memref<256x32xf32, #tpu.memory_space<hbm>>
      %dma_wait3A_137 = arith.constant 0 : i32
      %dma_wait3A_138 = arith.constant 0 : i32
      %dma_wait3A_139 = tpu.memref_slice %arg7[%dma_wait3A_131, %dma_wait3A_137, %dma_wait3A_138] : memref<2x256x32xf32, #tpu.memory_space<vmem>> -> memref<1x256x32xf32, #tpu.memory_space<vmem>>
      %dma_wait3A_140 = tpu.memref_squeeze %dma_wait3A_139 : memref<1x256x32xf32, #tpu.memory_space<vmem>> -> memref<256x32xf32, #tpu.memory_space<vmem>>
      %dma_wait3A_141 = tpu.memref_slice %arg2[%add3A_130, %mul3A_4] : memref<819200x64xf32, #tpu.memory_space<hbm>> -> memref<256x32xf32, #tpu.memory_space<hbm>>
      tpu.wait_dma2 semaphore(%arg9 : memref<!tpu.dma_semaphore, #tpu.memory_space<semaphore_mem>>) src(%dma_wait3A_141 : memref<256x32xf32, #tpu.memory_space<hbm>>) dst(%dma_wait3A_140 : memref<256x32xf32, #tpu.memory_space<vmem>>)
      %mul3A_142 = arith.constant 400 : i32
      %mul3A_143 = arith.muli %arg1, %mul3A_142 : i32
      %mul3A_144 = arith.constant 2 : i32
      %mul3A_145 = arith.muli %add3A_125, %mul3A_144 : i32
      %add3A_146 = arith.addi %mul3A_143, %mul3A_145 : i32
      %dma_wait3A_147 = arith.constant 1 : i32
      %dma_wait3A_148 = arith.constant 0 : i32
      %dma_wait3A_149 = arith.constant 0 : i32
      %dma_wait3A_150 = tpu.memref_slice %arg6[%dma_wait3A_147, %dma_wait3A_148, %dma_wait3A_149] : memref<2x2x128xi32, #tpu.memory_space<vmem>> -> memref<1x2x128xi32, #tpu.memory_space<vmem>>
      %dma_wait3A_151 = tpu.memref_squeeze %dma_wait3A_150 : memref<1x2x128xi32, #tpu.memory_space<vmem>> -> memref<2x128xi32, #tpu.memory_space<vmem>>
      %dma_wait3A_152 = arith.constant 0 : i32
      %dma_wait3A_153 = tpu.memref_slice %arg3[%add3A_146, %dma_wait3A_152] : memref<6400x128xi32, #tpu.memory_space<hbm>> -> memref<2x128xi32, #tpu.memory_space<hbm>>
      %dma_wait3A_154 = arith.constant 0 : i32
      %dma_wait3A_155 = arith.constant 0 : i32
      %dma_wait3A_156 = tpu.memref_slice %arg6[%dma_wait3A_147, %dma_wait3A_154, %dma_wait3A_155] : memref<2x2x128xi32, #tpu.memory_space<vmem>> -> memref<1x2x128xi32, #tpu.memory_space<vmem>>
      %dma_wait3A_157 = tpu.memref_squeeze %dma_wait3A_156 : memref<1x2x128xi32, #tpu.memory_space<vmem>> -> memref<2x128xi32, #tpu.memory_space<vmem>>
      %dma_wait3A_158 = arith.constant 0 : i32
      %dma_wait3A_159 = tpu.memref_slice %arg3[%add3A_146, %dma_wait3A_158] : memref<6400x128xi32, #tpu.memory_space<hbm>> -> memref<2x128xi32, #tpu.memory_space<hbm>>
      tpu.wait_dma2 semaphore(%arg9 : memref<!tpu.dma_semaphore, #tpu.memory_space<semaphore_mem>>) src(%dma_wait3A_159 : memref<2x128xi32, #tpu.memory_space<hbm>>) dst(%dma_wait3A_157 : memref<2x128xi32, #tpu.memory_space<vmem>>)
      %run_scoped3A_160 = arith.constant 1 : i32
      %run_scoped3A_161 = arith.constant 1 : i32
      %run_scoped3A_162 = arith.constant 0 : i32
      "tpu.region"() ({
        %run_scoped3A_166 = tpu.sem_alloc : memref<!tpu.dma_semaphore, #tpu.memory_space<semaphore_mem>>
        %dma_start3A_167 = arith.constant 0 : i32
        %dma_start3A_168 = arith.constant 0 : i32
        %dma_start3A_169 = tpu.memref_slice %arg7[%run_scoped3A_160, %dma_start3A_167, %dma_start3A_168] : memref<2x256x32xf32, #tpu.memory_space<vmem>> -> memref<1x128x32xf32, #tpu.memory_space<vmem>>
        %dma_start3A_170 = tpu.memref_squeeze %dma_start3A_169 : memref<1x128x32xf32, #tpu.memory_space<vmem>> -> memref<128x32xf32, #tpu.memory_space<vmem>>
        %dma_start3A_171 = arith.constant 0 : i32
        %dma_start3A_172 = tpu.memref_slice %arg6[%run_scoped3A_161, %run_scoped3A_162, %dma_start3A_171] : memref<2x2x128xi32, #tpu.memory_space<vmem>> -> memref<1x1x128xi32, #tpu.memory_space<vmem>>
        %dma_start3A_173 = tpu.memref_squeeze %dma_start3A_172 : memref<1x1x128xi32, #tpu.memory_space<vmem>> -> memref<128xi32, #tpu.memory_space<vmem>>
        %dma_start3A_174 = arith.constant 0 : i32
        %dma_start3A_175 = arith.constant 0 : i32
        %dma_start3A_176 = tpu.memref_slice %arg8[%dma_start3A_174, %dma_start3A_175] : memref<50016x32xf32, #tpu.memory_space<vmem_shared>> -> memref<50016x32xf32, #tpu.memory_space<vmem_shared>>
        tpu.enqueue_indirect_dma source(%dma_start3A_170 : memref<128x32xf32, #tpu.memory_space<vmem>>) target(%dma_start3A_176 : memref<50016x32xf32, #tpu.memory_space<vmem_shared>>) offsets(%dma_start3A_173 : memref<128xi32, #tpu.memory_space<vmem>>) semaphore(%run_scoped3A_166 : memref<!tpu.dma_semaphore, #tpu.memory_space<semaphore_mem>>) {add = true}
        %dma_wait3A_177 = arith.constant 0 : i32
        %dma_wait3A_178 = arith.constant 0 : i32
        %dma_wait3A_179 = tpu.memref_slice %arg7[%run_scoped3A_160, %dma_wait3A_177, %dma_wait3A_178] : memref<2x256x32xf32, #tpu.memory_space<vmem>> -> memref<1x128x32xf32, #tpu.memory_space<vmem>>
        %dma_wait3A_180 = tpu.memref_squeeze %dma_wait3A_179 : memref<1x128x32xf32, #tpu.memory_space<vmem>> -> memref<128x32xf32, #tpu.memory_space<vmem>>
        %dma_wait3A_181 = arith.constant 0 : i32
        %dma_wait3A_182 = tpu.memref_slice %arg6[%run_scoped3A_161, %run_scoped3A_162, %dma_wait3A_181] : memref<2x2x128xi32, #tpu.memory_space<vmem>> -> memref<1x1x128xi32, #tpu.memory_space<vmem>>
        %dma_wait3A_183 = tpu.memref_squeeze %dma_wait3A_182 : memref<1x1x128xi32, #tpu.memory_space<vmem>> -> memref<128xi32, #tpu.memory_space<vmem>>
        %dma_wait3A_184 = arith.constant 0 : i32
        %dma_wait3A_185 = arith.constant 0 : i32
        %dma_wait3A_186 = tpu.memref_slice %arg8[%dma_wait3A_184, %dma_wait3A_185] : memref<50016x32xf32, #tpu.memory_space<vmem_shared>> -> memref<50016x32xf32, #tpu.memory_space<vmem_shared>>
        tpu.wait_indirect_dma semaphore(%run_scoped3A_166 : memref<!tpu.dma_semaphore, #tpu.memory_space<semaphore_mem>>) src(%dma_wait3A_180 : memref<128x32xf32, #tpu.memory_space<vmem>>) dst(%dma_wait3A_186 : memref<50016x32xf32, #tpu.memory_space<vmem_shared>>)
        tpu.yield
      }) : () -> ()
      %run_scoped3A_163 = arith.constant 1 : i32
      %run_scoped3A_164 = arith.constant 1 : i32
      %run_scoped3A_165 = arith.constant 1 : i32
      "tpu.region"() ({
        %run_scoped3A_166 = tpu.sem_alloc : memref<!tpu.dma_semaphore, #tpu.memory_space<semaphore_mem>>
        %dma_start3A_167 = arith.constant 128 : i32
        %dma_start3A_168 = arith.constant 0 : i32
        %dma_start3A_169 = tpu.memref_slice %arg7[%run_scoped3A_163, %dma_start3A_167, %dma_start3A_168] : memref<2x256x32xf32, #tpu.memory_space<vmem>> -> memref<1x128x32xf32, #tpu.memory_space<vmem>>
        %dma_start3A_170 = tpu.memref_squeeze %dma_start3A_169 : memref<1x128x32xf32, #tpu.memory_space<vmem>> -> memref<128x32xf32, #tpu.memory_space<vmem>>
        %dma_start3A_171 = arith.constant 0 : i32
        %dma_start3A_172 = tpu.memref_slice %arg6[%run_scoped3A_164, %run_scoped3A_165, %dma_start3A_171] : memref<2x2x128xi32, #tpu.memory_space<vmem>> -> memref<1x1x128xi32, #tpu.memory_space<vmem>>
        %dma_start3A_173 = tpu.memref_squeeze %dma_start3A_172 : memref<1x1x128xi32, #tpu.memory_space<vmem>> -> memref<128xi32, #tpu.memory_space<vmem>>
        %dma_start3A_174 = arith.constant 0 : i32
        %dma_start3A_175 = arith.constant 0 : i32
        %dma_start3A_176 = tpu.memref_slice %arg8[%dma_start3A_174, %dma_start3A_175] : memref<50016x32xf32, #tpu.memory_space<vmem_shared>> -> memref<50016x32xf32, #tpu.memory_space<vmem_shared>>
        tpu.enqueue_indirect_dma source(%dma_start3A_170 : memref<128x32xf32, #tpu.memory_space<vmem>>) target(%dma_start3A_176 : memref<50016x32xf32, #tpu.memory_space<vmem_shared>>) offsets(%dma_start3A_173 : memref<128xi32, #tpu.memory_space<vmem>>) semaphore(%run_scoped3A_166 : memref<!tpu.dma_semaphore, #tpu.memory_space<semaphore_mem>>) {add = true}
        %dma_wait3A_177 = arith.constant 128 : i32
        %dma_wait3A_178 = arith.constant 0 : i32
        %dma_wait3A_179 = tpu.memref_slice %arg7[%run_scoped3A_163, %dma_wait3A_177, %dma_wait3A_178] : memref<2x256x32xf32, #tpu.memory_space<vmem>> -> memref<1x128x32xf32, #tpu.memory_space<vmem>>
        %dma_wait3A_180 = tpu.memref_squeeze %dma_wait3A_179 : memref<1x128x32xf32, #tpu.memory_space<vmem>> -> memref<128x32xf32, #tpu.memory_space<vmem>>
        %dma_wait3A_181 = arith.constant 0 : i32
        %dma_wait3A_182 = tpu.memref_slice %arg6[%run_scoped3A_164, %run_scoped3A_165, %dma_wait3A_181] : memref<2x2x128xi32, #tpu.memory_space<vmem>> -> memref<1x1x128xi32, #tpu.memory_space<vmem>>
        %dma_wait3A_183 = tpu.memref_squeeze %dma_wait3A_182 : memref<1x1x128xi32, #tpu.memory_space<vmem>> -> memref<128xi32, #tpu.memory_space<vmem>>
        %dma_wait3A_184 = arith.constant 0 : i32
        %dma_wait3A_185 = arith.constant 0 : i32
        %dma_wait3A_186 = tpu.memref_slice %arg8[%dma_wait3A_184, %dma_wait3A_185] : memref<50016x32xf32, #tpu.memory_space<vmem_shared>> -> memref<50016x32xf32, #tpu.memory_space<vmem_shared>>
        tpu.wait_indirect_dma semaphore(%run_scoped3A_166 : memref<!tpu.dma_semaphore, #tpu.memory_space<semaphore_mem>>) src(%dma_wait3A_180 : memref<128x32xf32, #tpu.memory_space<vmem>>) dst(%dma_wait3A_186 : memref<50016x32xf32, #tpu.memory_space<vmem_shared>>)
        tpu.yield
      }) : () -> ()
    }
    %scan3A_39 = arith.constant 100 : i32
    %barrier3A_40 = arith.constant 0 : index
    tpu.barrier barrier_id(%barrier3A_40)
    %mul3A_41 = arith.constant 3126 : i32
    %mul3A_42 = arith.muli %arg1, %mul3A_41 : i32
    %mul3A_43 = arith.constant 3126 : i32
    %mul3A_44 = arith.muli %arg1, %mul3A_43 : i32
    "tpu.region"() ({
      %run_scoped3A = tpu.sem_alloc : memref<!tpu.dma_semaphore, #tpu.memory_space<semaphore_mem>>
      %dma_start3A_45 = arith.constant 0 : i32
      %dma_start3A_46 = tpu.memref_slice %arg5[%arg0, %mul3A_44, %dma_start3A_45] : memref<2x50016x32xf32, #tpu.memory_space<hbm>> -> memref<1x3126x32xf32, #tpu.memory_space<hbm>>
      %dma_start3A_47 = tpu.memref_squeeze %dma_start3A_46 : memref<1x3126x32xf32, #tpu.memory_space<hbm>> -> memref<3126x32xf32, #tpu.memory_space<hbm>>
      %dma_start3A_48 = arith.constant 0 : i32
      %dma_start3A_49 = tpu.memref_slice %arg8[%mul3A_42, %dma_start3A_48] : memref<50016x32xf32, #tpu.memory_space<vmem_shared>> -> memref<3126x32xf32, #tpu.memory_space<vmem_shared>>
      tpu.enqueue_dma source(%dma_start3A_49 : memref<3126x32xf32, #tpu.memory_space<vmem_shared>>) target(%dma_start3A_47 : memref<3126x32xf32, #tpu.memory_space<hbm>>) target_semaphore(%run_scoped3A : memref<!tpu.dma_semaphore, #tpu.memory_space<semaphore_mem>>)
      %dma_wait3A = arith.constant 0 : i32
      %dma_wait3A_50 = tpu.memref_slice %arg5[%arg0, %mul3A_44, %dma_wait3A] : memref<2x50016x32xf32, #tpu.memory_space<hbm>> -> memref<1x3126x32xf32, #tpu.memory_space<hbm>>
      %dma_wait3A_51 = tpu.memref_squeeze %dma_wait3A_50 : memref<1x3126x32xf32, #tpu.memory_space<hbm>> -> memref<3126x32xf32, #tpu.memory_space<hbm>>
      %dma_wait3A_52 = arith.constant 0 : i32
      %dma_wait3A_53 = tpu.memref_slice %arg8[%mul3A_42, %dma_wait3A_52] : memref<50016x32xf32, #tpu.memory_space<vmem_shared>> -> memref<3126x32xf32, #tpu.memory_space<vmem_shared>>
      tpu.wait_dma2 semaphore(%run_scoped3A : memref<!tpu.dma_semaphore, #tpu.memory_space<semaphore_mem>>) src(%dma_wait3A_53 : memref<3126x32xf32, #tpu.memory_space<vmem_shared>>) dst(%dma_wait3A_51 : memref<3126x32xf32, #tpu.memory_space<hbm>>)
      tpu.yield
    }) : () -> ()
    return
  }
}

#map = affine_map<(d0, d1) -> (0, 0)>
#map1 = affine_map<(d0, d1) -> (0, 0, 0)>
module attributes {stable_mosaic.version = 14 : i64} {
  func.func @k(%arg0: i32, %arg1: i32, %arg2: memref<819200x64xf32, #tpu.memory_space<hbm>>, %arg3: memref<6400x128xi32, #tpu.memory_space<hbm>>, %arg4: memref<50016x32xf32, #tpu.memory_space<hbm>>, %arg5: memref<2x50016x32xf32, #tpu.memory_space<hbm>>, %arg6: memref<2x2x128xi32, #tpu.memory_space<vmem>>, %arg7: memref<2x256x32xf32, #tpu.memory_space<vmem>>, %arg8: memref<50016x32xf32, #tpu.memory_space<vmem_shared>>, %arg9: memref<!tpu.dma_semaphore, #tpu.memory_space<semaphore_mem>>) attributes {dimension_semantics = [#tpu.dimension_semantics<core_parallel>, #tpu.dimension_semantics<subcore_parallel>], iteration_bounds = array<i64: 2, 16>, scalar_prefetch = 0 : i64, scratch_operands = 4 : i64, tpu.core_type = #tpu.core_type<sc_vector_subcore>, window_params = [{transform_indices = #map}, {transform_indices = #map}, {transform_indices = #map}, {transform_indices = #map1}]} {
    %mul3A = arith.constant 3126 : i32
    %mul3A_0 = arith.muli %arg1, %mul3A : i32
    %mul3A_1 = arith.constant 3126 : i32
    %mul3A_2 = arith.muli %arg1, %mul3A_1 : i32
    "tpu.region"() ({
      %run_scoped3A = tpu.sem_alloc : memref<!tpu.dma_semaphore, #tpu.memory_space<semaphore_mem>>
      %dma_start3A_45 = arith.constant 0 : i32
      %dma_start3A_46 = tpu.memref_slice %arg8[%mul3A_2, %dma_start3A_45] : memref<50016x32xf32, #tpu.memory_space<vmem_shared>> -> memref<3126x32xf32, #tpu.memory_space<vmem_shared>>
      %dma_start3A_47 = arith.constant 0 : i32
      %dma_start3A_48 = tpu.memref_slice %arg4[%mul3A_0, %dma_start3A_47] : memref<50016x32xf32, #tpu.memory_space<hbm>> -> memref<3126x32xf32, #tpu.memory_space<hbm>>
      tpu.enqueue_dma source(%dma_start3A_48 : memref<3126x32xf32, #tpu.memory_space<hbm>>) target(%dma_start3A_46 : memref<3126x32xf32, #tpu.memory_space<vmem_shared>>) target_semaphore(%run_scoped3A : memref<!tpu.dma_semaphore, #tpu.memory_space<semaphore_mem>>)
      %dma_wait3A = arith.constant 0 : i32
      %dma_wait3A_49 = tpu.memref_slice %arg8[%mul3A_2, %dma_wait3A] : memref<50016x32xf32, #tpu.memory_space<vmem_shared>> -> memref<3126x32xf32, #tpu.memory_space<vmem_shared>>
      %dma_wait3A_50 = arith.constant 0 : i32
      %dma_wait3A_51 = tpu.memref_slice %arg4[%mul3A_0, %dma_wait3A_50] : memref<50016x32xf32, #tpu.memory_space<hbm>> -> memref<3126x32xf32, #tpu.memory_space<hbm>>
      tpu.wait_dma2 semaphore(%run_scoped3A : memref<!tpu.dma_semaphore, #tpu.memory_space<semaphore_mem>>) src(%dma_wait3A_51 : memref<3126x32xf32, #tpu.memory_space<hbm>>) dst(%dma_wait3A_49 : memref<3126x32xf32, #tpu.memory_space<vmem_shared>>)
      tpu.yield
    }) : () -> ()
    %barrier3A = arith.constant 0 : index
    tpu.barrier barrier_id(%barrier3A)
    %mul3A_3 = arith.constant 32 : i32
    %mul3A_4 = arith.muli %arg0, %mul3A_3 : i32
    %mul3A_5 = arith.constant 51200 : i32
    %mul3A_6 = arith.muli %arg1, %mul3A_5 : i32
    %add3A = arith.constant 0 : i32
    %add3A_7 = arith.addi %mul3A_6, %add3A : i32
    %dma_start3A = arith.constant 0 : i32
    %dma_start3A_8 = arith.constant 0 : i32
    %dma_start3A_9 = arith.constant 0 : i32
    %dma_start3A_10 = tpu.memref_slice %arg7[%dma_start3A, %dma_start3A_8, %dma_start3A_9] : memref<2x256x32xf32, #tpu.memory_space<vmem>> -> memref<1x256x32xf32, #tpu.memory_space<vmem>>
    %dma_start3A_11 = tpu.memref_squeeze %dma_start3A_10 : memref<1x256x32xf32, #tpu.memory_space<vmem>> -> memref<256x32xf32, #tpu.memory_space<vmem>>
    %dma_start3A_12 = tpu.memref_slice %arg2[%add3A_7, %mul3A_4] : memref<819200x64xf32, #tpu.memory_space<hbm>> -> memref<256x32xf32, #tpu.memory_space<hbm>>
    %dma_start3A_13 = arith.constant 0 : i32
    %dma_start3A_14 = arith.constant 0 : i32
    %dma_start3A_15 = tpu.memref_slice %arg7[%dma_start3A, %dma_start3A_13, %dma_start3A_14] : memref<2x256x32xf32, #tpu.memory_space<vmem>> -> memref<1x256x32xf32, #tpu.memory_space<vmem>>
    %dma_start3A_16 = tpu.memref_squeeze %dma_start3A_15 : memref<1x256x32xf32, #tpu.memory_space<vmem>> -> memref<256x32xf32, #tpu.memory_space<vmem>>
    %dma_start3A_17 = tpu.memref_slice %arg2[%add3A_7, %mul3A_4] : memref<819200x64xf32, #tpu.memory_space<hbm>> -> memref<256x32xf32, #tpu.memory_space<hbm>>
    tpu.enqueue_dma source(%dma_start3A_17 : memref<256x32xf32, #tpu.memory_space<hbm>>) target(%dma_start3A_16 : memref<256x32xf32, #tpu.memory_space<vmem>>) target_semaphore(%arg9 : memref<!tpu.dma_semaphore, #tpu.memory_space<semaphore_mem>>)
    %mul3A_18 = arith.constant 400 : i32
    %mul3A_19 = arith.muli %arg1, %mul3A_18 : i32
    %add3A_20 = arith.constant 0 : i32
    %add3A_21 = arith.addi %mul3A_19, %add3A_20 : i32
    %dma_start3A_22 = arith.constant 0 : i32
    %dma_start3A_23 = arith.constant 0 : i32
    %dma_start3A_24 = arith.constant 0 : i32
    %dma_start3A_25 = tpu.memref_slice %arg6[%dma_start3A_22, %dma_start3A_23, %dma_start3A_24] : memref<2x2x128xi32, #tpu.memory_space<vmem>> -> memref<1x2x128xi32, #tpu.memory_space<vmem>>
    %dma_start3A_26 = tpu.memref_squeeze %dma_start3A_25 : memref<1x2x128xi32, #tpu.memory_space<vmem>> -> memref<2x128xi32, #tpu.memory_space<vmem>>
    %dma_start3A_27 = arith.constant 0 : i32
    %dma_start3A_28 = tpu.memref_slice %arg3[%add3A_21, %dma_start3A_27] : memref<6400x128xi32, #tpu.memory_space<hbm>> -> memref<2x128xi32, #tpu.memory_space<hbm>>
    %dma_start3A_29 = arith.constant 0 : i32
    %dma_start3A_30 = arith.constant 0 : i32
    %dma_start3A_31 = tpu.memref_slice %arg6[%dma_start3A_22, %dma_start3A_29, %dma_start3A_30] : memref<2x2x128xi32, #tpu.memory_space<vmem>> -> memref<1x2x128xi32, #tpu.memory_space<vmem>>
    %dma_start3A_32 = tpu.memref_squeeze %dma_start3A_31 : memref<1x2x128xi32, #tpu.memory_space<vmem>> -> memref<2x128xi32, #tpu.memory_space<vmem>>
    %dma_start3A_33 = arith.constant 0 : i32
    %dma_start3A_34 = tpu.memref_slice %arg3[%add3A_21, %dma_start3A_33] : memref<6400x128xi32, #tpu.memory_space<hbm>> -> memref<2x128xi32, #tpu.memory_space<hbm>>
    tpu.enqueue_dma source(%dma_start3A_34 : memref<2x128xi32, #tpu.memory_space<hbm>>) target(%dma_start3A_32 : memref<2x128xi32, #tpu.memory_space<vmem>>) target_semaphore(%arg9 : memref<!tpu.dma_semaphore, #tpu.memory_space<semaphore_mem>>)
    %scan3A = arith.constant 0 : i32
    %scan3A_35 = arith.constant 0 : i32
    %scan3A_36 = arith.constant 100 : i32
    %scan3A_37 = arith.addi %scan3A_35, %scan3A_36 : i32
    %scan3A_38 = arith.constant 1 : i32
    scf.for %scan3A_45 = %scan3A_35 to %scan3A_37 step %scan3A_38  : i32 {
      %mul3A_46 = arith.constant 2 : i32
      %mul3A_47 = arith.muli %mul3A_46, %scan3A_45 : i32
      %add3A_48 = arith.constant 1 : i32
      %add3A_49 = arith.addi %mul3A_47, %add3A_48 : i32
      %mul3A_50 = arith.constant 51200 : i32
      %mul3A_51 = arith.muli %arg1, %mul3A_50 : i32
      %mul3A_52 = arith.constant 256 : i32
      %mul3A_53 = arith.muli %add3A_49, %mul3A_52 : i32
      %add3A_54 = arith.addi %mul3A_51, %mul3A_53 : i32
      %dma_start3A_55 = arith.constant 1 : i32
      %dma_start3A_56 = arith.constant 0 : i32
      %dma_start3A_57 = arith.constant 0 : i32
      %dma_start3A_58 = tpu.memref_slice %arg7[%dma_start3A_55, %dma_start3A_56, %dma_start3A_57] : memref<2x256x32xf32, #tpu.memory_space<vmem>> -> memref<1x256x32xf32, #tpu.memory_space<vmem>>
      %dma_start3A_59 = tpu.memref_squeeze %dma_start3A_58 : memref<1x256x32xf32, #tpu.memory_space<vmem>> -> memref<256x32xf32, #tpu.memory_space<vmem>>
      %dma_start3A_60 = tpu.memref_slice %arg2[%add3A_54, %mul3A_4] : memref<819200x64xf32, #tpu.memory_space<hbm>> -> memref<256x32xf32, #tpu.memory_space<hbm>>
      %dma_start3A_61 = arith.constant 0 : i32
      %dma_start3A_62 = arith.constant 0 : i32
      %dma_start3A_63 = tpu.memref_slice %arg7[%dma_start3A_55, %dma_start3A_61, %dma_start3A_62] : memref<2x256x32xf32, #tpu.memory_space<vmem>> -> memref<1x256x32xf32, #tpu.memory_space<vmem>>
      %dma_start3A_64 = tpu.memref_squeeze %dma_start3A_63 : memref<1x256x32xf32, #tpu.memory_space<vmem>> -> memref<256x32xf32, #tpu.memory_space<vmem>>
      %dma_start3A_65 = tpu.memref_slice %arg2[%add3A_54, %mul3A_4] : memref<819200x64xf32, #tpu.memory_space<hbm>> -> memref<256x32xf32, #tpu.memory_space<hbm>>
      tpu.enqueue_dma source(%dma_start3A_65 : memref<256x32xf32, #tpu.memory_space<hbm>>) target(%dma_start3A_64 : memref<256x32xf32, #tpu.memory_space<vmem>>) target_semaphore(%arg9 : memref<!tpu.dma_semaphore, #tpu.memory_space<semaphore_mem>>)
      %mul3A_66 = arith.constant 400 : i32
      %mul3A_67 = arith.muli %arg1, %mul3A_66 : i32
      %mul3A_68 = arith.constant 2 : i32
      %mul3A_69 = arith.muli %add3A_49, %mul3A_68 : i32
      %add3A_70 = arith.addi %mul3A_67, %mul3A_69 : i32
      %dma_start3A_71 = arith.constant 1 : i32
      %dma_start3A_72 = arith.constant 0 : i32
      %dma_start3A_73 = arith.constant 0 : i32
      %dma_start3A_74 = tpu.memref_slice %arg6[%dma_start3A_71, %dma_start3A_72, %dma_start3A_73] : memref<2x2x128xi32, #tpu.memory_space<vmem>> -> memref<1x2x128xi32, #tpu.memory_space<vmem>>
      %dma_start3A_75 = tpu.memref_squeeze %dma_start3A_74 : memref<1x2x128xi32, #tpu.memory_space<vmem>> -> memref<2x128xi32, #tpu.memory_space<vmem>>
      %dma_start3A_76 = arith.constant 0 : i32
      %dma_start3A_77 = tpu.memref_slice %arg3[%add3A_70, %dma_start3A_76] : memref<6400x128xi32, #tpu.memory_space<hbm>> -> memref<2x128xi32, #tpu.memory_space<hbm>>
      %dma_start3A_78 = arith.constant 0 : i32
      %dma_start3A_79 = arith.constant 0 : i32
      %dma_start3A_80 = tpu.memref_slice %arg6[%dma_start3A_71, %dma_start3A_78, %dma_start3A_79] : memref<2x2x128xi32, #tpu.memory_space<vmem>> -> memref<1x2x128xi32, #tpu.memory_space<vmem>>
      %dma_start3A_81 = tpu.memref_squeeze %dma_start3A_80 : memref<1x2x128xi32, #tpu.memory_space<vmem>> -> memref<2x128xi32, #tpu.memory_space<vmem>>
      %dma_start3A_82 = arith.constant 0 : i32
      %dma_start3A_83 = tpu.memref_slice %arg3[%add3A_70, %dma_start3A_82] : memref<6400x128xi32, #tpu.memory_space<hbm>> -> memref<2x128xi32, #tpu.memory_space<hbm>>
      tpu.enqueue_dma source(%dma_start3A_83 : memref<2x128xi32, #tpu.memory_space<hbm>>) target(%dma_start3A_81 : memref<2x128xi32, #tpu.memory_space<vmem>>) target_semaphore(%arg9 : memref<!tpu.dma_semaphore, #tpu.memory_space<semaphore_mem>>)
      %mul3A_84 = arith.constant 51200 : i32
      %mul3A_85 = arith.muli %arg1, %mul3A_84 : i32
      %mul3A_86 = arith.constant 256 : i32
      %mul3A_87 = arith.muli %mul3A_47, %mul3A_86 : i32
      %add3A_88 = arith.addi %mul3A_85, %mul3A_87 : i32
      %dma_wait3A = arith.constant 0 : i32
      %dma_wait3A_89 = arith.constant 0 : i32
      %dma_wait3A_90 = arith.constant 0 : i32
      %dma_wait3A_91 = tpu.memref_slice %arg7[%dma_wait3A, %dma_wait3A_89, %dma_wait3A_90] : memref<2x256x32xf32, #tpu.memory_space<vmem>> -> memref<1x256x32xf32, #tpu.memory_space<vmem>>
      %dma_wait3A_92 = tpu.memref_squeeze %dma_wait3A_91 : memref<1x256x32xf32, #tpu.memory_space<vmem>> -> memref<256x32xf32, #tpu.memory_space<vmem>>
      %dma_wait3A_93 = tpu.memref_slice %arg2[%add3A_88, %mul3A_4] : memref<819200x64xf32, #tpu.memory_space<hbm>> -> memref<256x32xf32, #tpu.memory_space<hbm>>
      %dma_wait3A_94 = arith.constant 0 : i32
      %dma_wait3A_95 = arith.constant 0 : i32
      %dma_wait3A_96 = tpu.memref_slice %arg7[%dma_wait3A, %dma_wait3A_94, %dma_wait3A_95] : memref<2x256x32xf32, #tpu.memory_space<vmem>> -> memref<1x256x32xf32, #tpu.memory_space<vmem>>
      %dma_wait3A_97 = tpu.memref_squeeze %dma_wait3A_96 : memref<1x256x32xf32, #tpu.memory_space<vmem>> -> memref<256x32xf32, #tpu.memory_space<vmem>>
      %dma_wait3A_98 = tpu.memref_slice %arg2[%add3A_88, %mul3A_4] : memref<819200x64xf32, #tpu.memory_space<hbm>> -> memref<256x32xf32, #tpu.memory_space<hbm>>
      tpu.wait_dma2 semaphore(%arg9 : memref<!tpu.dma_semaphore, #tpu.memory_space<semaphore_mem>>) src(%dma_wait3A_98 : memref<256x32xf32, #tpu.memory_space<hbm>>) dst(%dma_wait3A_97 : memref<256x32xf32, #tpu.memory_space<vmem>>)
      %mul3A_99 = arith.constant 400 : i32
      %mul3A_100 = arith.muli %arg1, %mul3A_99 : i32
      %mul3A_101 = arith.constant 2 : i32
      %mul3A_102 = arith.muli %mul3A_47, %mul3A_101 : i32
      %add3A_103 = arith.addi %mul3A_100, %mul3A_102 : i32
      %dma_wait3A_104 = arith.constant 0 : i32
      %dma_wait3A_105 = arith.constant 0 : i32
      %dma_wait3A_106 = arith.constant 0 : i32
      %dma_wait3A_107 = tpu.memref_slice %arg6[%dma_wait3A_104, %dma_wait3A_105, %dma_wait3A_106] : memref<2x2x128xi32, #tpu.memory_space<vmem>> -> memref<1x2x128xi32, #tpu.memory_space<vmem>>
      %dma_wait3A_108 = tpu.memref_squeeze %dma_wait3A_107 : memref<1x2x128xi32, #tpu.memory_space<vmem>> -> memref<2x128xi32, #tpu.memory_space<vmem>>
      %dma_wait3A_109 = arith.constant 0 : i32
      %dma_wait3A_110 = tpu.memref_slice %arg3[%add3A_103, %dma_wait3A_109] : memref<6400x128xi32, #tpu.memory_space<hbm>> -> memref<2x128xi32, #tpu.memory_space<hbm>>
      %dma_wait3A_111 = arith.constant 0 : i32
      %dma_wait3A_112 = arith.constant 0 : i32
      %dma_wait3A_113 = tpu.memref_slice %arg6[%dma_wait3A_104, %dma_wait3A_111, %dma_wait3A_112] : memref<2x2x128xi32, #tpu.memory_space<vmem>> -> memref<1x2x128xi32, #tpu.memory_space<vmem>>
      %dma_wait3A_114 = tpu.memref_squeeze %dma_wait3A_113 : memref<1x2x128xi32, #tpu.memory_space<vmem>> -> memref<2x128xi32, #tpu.memory_space<vmem>>
      %dma_wait3A_115 = arith.constant 0 : i32
      %dma_wait3A_116 = tpu.memref_slice %arg3[%add3A_103, %dma_wait3A_115] : memref<6400x128xi32, #tpu.memory_space<hbm>> -> memref<2x128xi32, #tpu.memory_space<hbm>>
      tpu.wait_dma2 semaphore(%arg9 : memref<!tpu.dma_semaphore, #tpu.memory_space<semaphore_mem>>) src(%dma_wait3A_116 : memref<2x128xi32, #tpu.memory_space<hbm>>) dst(%dma_wait3A_114 : memref<2x128xi32, #tpu.memory_space<vmem>>)
      %run_scoped3A = arith.constant 0 : i32
      %run_scoped3A_117 = arith.constant 0 : i32
      %run_scoped3A_118 = arith.constant 0 : i32
      "tpu.region"() ({
        %run_scoped3A_166 = tpu.sem_alloc : memref<!tpu.dma_semaphore, #tpu.memory_space<semaphore_mem>>
        %dma_start3A_167 = arith.constant 0 : i32
        %dma_start3A_168 = arith.constant 0 : i32
        %dma_start3A_169 = tpu.memref_slice %arg7[%run_scoped3A, %dma_start3A_167, %dma_start3A_168] : memref<2x256x32xf32, #tpu.memory_space<vmem>> -> memref<1x128x32xf32, #tpu.memory_space<vmem>>
        %dma_start3A_170 = tpu.memref_squeeze %dma_start3A_169 : memref<1x128x32xf32, #tpu.memory_space<vmem>> -> memref<128x32xf32, #tpu.memory_space<vmem>>
        %dma_start3A_171 = arith.constant 0 : i32
        %dma_start3A_172 = tpu.memref_slice %arg6[%run_scoped3A_117, %run_scoped3A_118, %dma_start3A_171] : memref<2x2x128xi32, #tpu.memory_space<vmem>> -> memref<1x1x128xi32, #tpu.memory_space<vmem>>
        %dma_start3A_173 = tpu.memref_squeeze %dma_start3A_172 : memref<1x1x128xi32, #tpu.memory_space<vmem>> -> memref<128xi32, #tpu.memory_space<vmem>>
        %dma_start3A_174 = arith.constant 0 : i32
        %dma_start3A_175 = arith.constant 0 : i32
        %dma_start3A_176 = tpu.memref_slice %arg8[%dma_start3A_174, %dma_start3A_175] : memref<50016x32xf32, #tpu.memory_space<vmem_shared>> -> memref<50016x32xf32, #tpu.memory_space<vmem_shared>>
        tpu.enqueue_indirect_dma source(%dma_start3A_170 : memref<128x32xf32, #tpu.memory_space<vmem>>) target(%dma_start3A_176 : memref<50016x32xf32, #tpu.memory_space<vmem_shared>>) offsets(%dma_start3A_173 : memref<128xi32, #tpu.memory_space<vmem>>) semaphore(%run_scoped3A_166 : memref<!tpu.dma_semaphore, #tpu.memory_space<semaphore_mem>>) {add = true}
        %dma_wait3A_177 = arith.constant 0 : i32
        %dma_wait3A_178 = arith.constant 0 : i32
        %dma_wait3A_179 = tpu.memref_slice %arg7[%run_scoped3A, %dma_wait3A_177, %dma_wait3A_178] : memref<2x256x32xf32, #tpu.memory_space<vmem>> -> memref<1x128x32xf32, #tpu.memory_space<vmem>>
        %dma_wait3A_180 = tpu.memref_squeeze %dma_wait3A_179 : memref<1x128x32xf32, #tpu.memory_space<vmem>> -> memref<128x32xf32, #tpu.memory_space<vmem>>
        %dma_wait3A_181 = arith.constant 0 : i32
        %dma_wait3A_182 = tpu.memref_slice %arg6[%run_scoped3A_117, %run_scoped3A_118, %dma_wait3A_181] : memref<2x2x128xi32, #tpu.memory_space<vmem>> -> memref<1x1x128xi32, #tpu.memory_space<vmem>>
        %dma_wait3A_183 = tpu.memref_squeeze %dma_wait3A_182 : memref<1x1x128xi32, #tpu.memory_space<vmem>> -> memref<128xi32, #tpu.memory_space<vmem>>
        %dma_wait3A_184 = arith.constant 0 : i32
        %dma_wait3A_185 = arith.constant 0 : i32
        %dma_wait3A_186 = tpu.memref_slice %arg8[%dma_wait3A_184, %dma_wait3A_185] : memref<50016x32xf32, #tpu.memory_space<vmem_shared>> -> memref<50016x32xf32, #tpu.memory_space<vmem_shared>>
        tpu.wait_indirect_dma semaphore(%run_scoped3A_166 : memref<!tpu.dma_semaphore, #tpu.memory_space<semaphore_mem>>) src(%dma_wait3A_180 : memref<128x32xf32, #tpu.memory_space<vmem>>) dst(%dma_wait3A_186 : memref<50016x32xf32, #tpu.memory_space<vmem_shared>>)
        tpu.yield
      }) : () -> ()
      %run_scoped3A_119 = arith.constant 0 : i32
      %run_scoped3A_120 = arith.constant 0 : i32
      %run_scoped3A_121 = arith.constant 1 : i32
      "tpu.region"() ({
        %run_scoped3A_166 = tpu.sem_alloc : memref<!tpu.dma_semaphore, #tpu.memory_space<semaphore_mem>>
        %dma_start3A_167 = arith.constant 128 : i32
        %dma_start3A_168 = arith.constant 0 : i32
        %dma_start3A_169 = tpu.memref_slice %arg7[%run_scoped3A_119, %dma_start3A_167, %dma_start3A_168] : memref<2x256x32xf32, #tpu.memory_space<vmem>> -> memref<1x128x32xf32, #tpu.memory_space<vmem>>
        %dma_start3A_170 = tpu.memref_squeeze %dma_start3A_169 : memref<1x128x32xf32, #tpu.memory_space<vmem>> -> memref<128x32xf32, #tpu.memory_space<vmem>>
        %dma_start3A_171 = arith.constant 0 : i32
        %dma_start3A_172 = tpu.memref_slice %arg6[%run_scoped3A_120, %run_scoped3A_121, %dma_start3A_171] : memref<2x2x128xi32, #tpu.memory_space<vmem>> -> memref<1x1x128xi32, #tpu.memory_space<vmem>>
        %dma_start3A_173 = tpu.memref_squeeze %dma_start3A_172 : memref<1x1x128xi32, #tpu.memory_space<vmem>> -> memref<128xi32, #tpu.memory_space<vmem>>
        %dma_start3A_174 = arith.constant 0 : i32
        %dma_start3A_175 = arith.constant 0 : i32
        %dma_start3A_176 = tpu.memref_slice %arg8[%dma_start3A_174, %dma_start3A_175] : memref<50016x32xf32, #tpu.memory_space<vmem_shared>> -> memref<50016x32xf32, #tpu.memory_space<vmem_shared>>
        tpu.enqueue_indirect_dma source(%dma_start3A_170 : memref<128x32xf32, #tpu.memory_space<vmem>>) target(%dma_start3A_176 : memref<50016x32xf32, #tpu.memory_space<vmem_shared>>) offsets(%dma_start3A_173 : memref<128xi32, #tpu.memory_space<vmem>>) semaphore(%run_scoped3A_166 : memref<!tpu.dma_semaphore, #tpu.memory_space<semaphore_mem>>) {add = true}
        %dma_wait3A_177 = arith.constant 128 : i32
        %dma_wait3A_178 = arith.constant 0 : i32
        %dma_wait3A_179 = tpu.memref_slice %arg7[%run_scoped3A_119, %dma_wait3A_177, %dma_wait3A_178] : memref<2x256x32xf32, #tpu.memory_space<vmem>> -> memref<1x128x32xf32, #tpu.memory_space<vmem>>
        %dma_wait3A_180 = tpu.memref_squeeze %dma_wait3A_179 : memref<1x128x32xf32, #tpu.memory_space<vmem>> -> memref<128x32xf32, #tpu.memory_space<vmem>>
        %dma_wait3A_181 = arith.constant 0 : i32
        %dma_wait3A_182 = tpu.memref_slice %arg6[%run_scoped3A_120, %run_scoped3A_121, %dma_wait3A_181] : memref<2x2x128xi32, #tpu.memory_space<vmem>> -> memref<1x1x128xi32, #tpu.memory_space<vmem>>
        %dma_wait3A_183 = tpu.memref_squeeze %dma_wait3A_182 : memref<1x1x128xi32, #tpu.memory_space<vmem>> -> memref<128xi32, #tpu.memory_space<vmem>>
        %dma_wait3A_184 = arith.constant 0 : i32
        %dma_wait3A_185 = arith.constant 0 : i32
        %dma_wait3A_186 = tpu.memref_slice %arg8[%dma_wait3A_184, %dma_wait3A_185] : memref<50016x32xf32, #tpu.memory_space<vmem_shared>> -> memref<50016x32xf32, #tpu.memory_space<vmem_shared>>
        tpu.wait_indirect_dma semaphore(%run_scoped3A_166 : memref<!tpu.dma_semaphore, #tpu.memory_space<semaphore_mem>>) src(%dma_wait3A_180 : memref<128x32xf32, #tpu.memory_space<vmem>>) dst(%dma_wait3A_186 : memref<50016x32xf32, #tpu.memory_space<vmem_shared>>)
        tpu.yield
      }) : () -> ()
      %lt3A = arith.constant 99 : i32
      %lt3A_122 = arith.cmpi slt, %scan3A_45, %lt3A : i32
      %convert_element_type3A = arith.extui %lt3A_122 : i1 to i32
      %cond3A = arith.constant 0 : i32
      %cond3A_123 = arith.cmpi ne, %convert_element_type3A, %cond3A : i32
      scf.if %cond3A_123 {
        %add3A_166 = arith.constant 2 : i32
        %add3A_167 = arith.addi %mul3A_47, %add3A_166 : i32
        %mul3A_168 = arith.constant 51200 : i32
        %mul3A_169 = arith.muli %arg1, %mul3A_168 : i32
        %mul3A_170 = arith.constant 256 : i32
        %mul3A_171 = arith.muli %add3A_167, %mul3A_170 : i32
        %add3A_172 = arith.addi %mul3A_169, %mul3A_171 : i32
        %dma_start3A_173 = arith.constant 0 : i32
        %dma_start3A_174 = arith.constant 0 : i32
        %dma_start3A_175 = arith.constant 0 : i32
        %dma_start3A_176 = tpu.memref_slice %arg7[%dma_start3A_173, %dma_start3A_174, %dma_start3A_175] : memref<2x256x32xf32, #tpu.memory_space<vmem>> -> memref<1x256x32xf32, #tpu.memory_space<vmem>>
        %dma_start3A_177 = tpu.memref_squeeze %dma_start3A_176 : memref<1x256x32xf32, #tpu.memory_space<vmem>> -> memref<256x32xf32, #tpu.memory_space<vmem>>
        %dma_start3A_178 = tpu.memref_slice %arg2[%add3A_172, %mul3A_4] : memref<819200x64xf32, #tpu.memory_space<hbm>> -> memref<256x32xf32, #tpu.memory_space<hbm>>
        %dma_start3A_179 = arith.constant 0 : i32
        %dma_start3A_180 = arith.constant 0 : i32
        %dma_start3A_181 = tpu.memref_slice %arg7[%dma_start3A_173, %dma_start3A_179, %dma_start3A_180] : memref<2x256x32xf32, #tpu.memory_space<vmem>> -> memref<1x256x32xf32, #tpu.memory_space<vmem>>
        %dma_start3A_182 = tpu.memref_squeeze %dma_start3A_181 : memref<1x256x32xf32, #tpu.memory_space<vmem>> -> memref<256x32xf32, #tpu.memory_space<vmem>>
        %dma_start3A_183 = tpu.memref_slice %arg2[%add3A_172, %mul3A_4] : memref<819200x64xf32, #tpu.memory_space<hbm>> -> memref<256x32xf32, #tpu.memory_space<hbm>>
        tpu.enqueue_dma source(%dma_start3A_183 : memref<256x32xf32, #tpu.memory_space<hbm>>) target(%dma_start3A_182 : memref<256x32xf32, #tpu.memory_space<vmem>>) target_semaphore(%arg9 : memref<!tpu.dma_semaphore, #tpu.memory_space<semaphore_mem>>)
        %mul3A_184 = arith.constant 400 : i32
        %mul3A_185 = arith.muli %arg1, %mul3A_184 : i32
        %mul3A_186 = arith.constant 2 : i32
        %mul3A_187 = arith.muli %add3A_167, %mul3A_186 : i32
        %add3A_188 = arith.addi %mul3A_185, %mul3A_187 : i32
        %dma_start3A_189 = arith.constant 0 : i32
        %dma_start3A_190 = arith.constant 0 : i32
        %dma_start3A_191 = arith.constant 0 : i32
        %dma_start3A_192 = tpu.memref_slice %arg6[%dma_start3A_189, %dma_start3A_190, %dma_start3A_191] : memref<2x2x128xi32, #tpu.memory_space<vmem>> -> memref<1x2x128xi32, #tpu.memory_space<vmem>>
        %dma_start3A_193 = tpu.memref_squeeze %dma_start3A_192 : memref<1x2x128xi32, #tpu.memory_space<vmem>> -> memref<2x128xi32, #tpu.memory_space<vmem>>
        %dma_start3A_194 = arith.constant 0 : i32
        %dma_start3A_195 = tpu.memref_slice %arg3[%add3A_188, %dma_start3A_194] : memref<6400x128xi32, #tpu.memory_space<hbm>> -> memref<2x128xi32, #tpu.memory_space<hbm>>
        %dma_start3A_196 = arith.constant 0 : i32
        %dma_start3A_197 = arith.constant 0 : i32
        %dma_start3A_198 = tpu.memref_slice %arg6[%dma_start3A_189, %dma_start3A_196, %dma_start3A_197] : memref<2x2x128xi32, #tpu.memory_space<vmem>> -> memref<1x2x128xi32, #tpu.memory_space<vmem>>
        %dma_start3A_199 = tpu.memref_squeeze %dma_start3A_198 : memref<1x2x128xi32, #tpu.memory_space<vmem>> -> memref<2x128xi32, #tpu.memory_space<vmem>>
        %dma_start3A_200 = arith.constant 0 : i32
        %dma_start3A_201 = tpu.memref_slice %arg3[%add3A_188, %dma_start3A_200] : memref<6400x128xi32, #tpu.memory_space<hbm>> -> memref<2x128xi32, #tpu.memory_space<hbm>>
        tpu.enqueue_dma source(%dma_start3A_201 : memref<2x128xi32, #tpu.memory_space<hbm>>) target(%dma_start3A_199 : memref<2x128xi32, #tpu.memory_space<vmem>>) target_semaphore(%arg9 : memref<!tpu.dma_semaphore, #tpu.memory_space<semaphore_mem>>)
      } else {
      }
      %add3A_124 = arith.constant 1 : i32
      %add3A_125 = arith.addi %mul3A_47, %add3A_124 : i32
      %mul3A_126 = arith.constant 51200 : i32
      %mul3A_127 = arith.muli %arg1, %mul3A_126 : i32
      %mul3A_128 = arith.constant 256 : i32
      %mul3A_129 = arith.muli %add3A_125, %mul3A_128 : i32
      %add3A_130 = arith.addi %mul3A_127, %mul3A_129 : i32
      %dma_wait3A_131 = arith.constant 1 : i32
      %dma_wait3A_132 = arith.constant 0 : i32
      %dma_wait3A_133 = arith.constant 0 : i32
      %dma_wait3A_134 = tpu.memref_slice %arg7[%dma_wait3A_131, %dma_wait3A_132, %dma_wait3A_133] : memref<2x256x32xf32, #tpu.memory_space<vmem>> -> memref<1x256x32xf32, #tpu.memory_space<vmem>>
      %dma_wait3A_135 = tpu.memref_squeeze %dma_wait3A_134 : memref<1x256x32xf32, #tpu.memory_space<vmem>> -> memref<256x32xf32, #tpu.memory_space<vmem>>
      %dma_wait3A_136 = tpu.memref_slice %arg2[%add3A_130, %mul3A_4] : memref<819200x64xf32, #tpu.memory_space<hbm>> -> memref<256x32xf32, #tpu.memory_space<hbm>>
      %dma_wait3A_137 = arith.constant 0 : i32
      %dma_wait3A_138 = arith.constant 0 : i32
      %dma_wait3A_139 = tpu.memref_slice %arg7[%dma_wait3A_131, %dma_wait3A_137, %dma_wait3A_138] : memref<2x256x32xf32, #tpu.memory_space<vmem>> -> memref<1x256x32xf32, #tpu.memory_space<vmem>>
      %dma_wait3A_140 = tpu.memref_squeeze %dma_wait3A_139 : memref<1x256x32xf32, #tpu.memory_space<vmem>> -> memref<256x32xf32, #tpu.memory_space<vmem>>
      %dma_wait3A_141 = tpu.memref_slice %arg2[%add3A_130, %mul3A_4] : memref<819200x64xf32, #tpu.memory_space<hbm>> -> memref<256x32xf32, #tpu.memory_space<hbm>>
      tpu.wait_dma2 semaphore(%arg9 : memref<!tpu.dma_semaphore, #tpu.memory_space<semaphore_mem>>) src(%dma_wait3A_141 : memref<256x32xf32, #tpu.memory_space<hbm>>) dst(%dma_wait3A_140 : memref<256x32xf32, #tpu.memory_space<vmem>>)
      %mul3A_142 = arith.constant 400 : i32
      %mul3A_143 = arith.muli %arg1, %mul3A_142 : i32
      %mul3A_144 = arith.constant 2 : i32
      %mul3A_145 = arith.muli %add3A_125, %mul3A_144 : i32
      %add3A_146 = arith.addi %mul3A_143, %mul3A_145 : i32
      %dma_wait3A_147 = arith.constant 1 : i32
      %dma_wait3A_148 = arith.constant 0 : i32
      %dma_wait3A_149 = arith.constant 0 : i32
      %dma_wait3A_150 = tpu.memref_slice %arg6[%dma_wait3A_147, %dma_wait3A_148, %dma_wait3A_149] : memref<2x2x128xi32, #tpu.memory_space<vmem>> -> memref<1x2x128xi32, #tpu.memory_space<vmem>>
      %dma_wait3A_151 = tpu.memref_squeeze %dma_wait3A_150 : memref<1x2x128xi32, #tpu.memory_space<vmem>> -> memref<2x128xi32, #tpu.memory_space<vmem>>
      %dma_wait3A_152 = arith.constant 0 : i32
      %dma_wait3A_153 = tpu.memref_slice %arg3[%add3A_146, %dma_wait3A_152] : memref<6400x128xi32, #tpu.memory_space<hbm>> -> memref<2x128xi32, #tpu.memory_space<hbm>>
      %dma_wait3A_154 = arith.constant 0 : i32
      %dma_wait3A_155 = arith.constant 0 : i32
      %dma_wait3A_156 = tpu.memref_slice %arg6[%dma_wait3A_147, %dma_wait3A_154, %dma_wait3A_155] : memref<2x2x128xi32, #tpu.memory_space<vmem>> -> memref<1x2x128xi32, #tpu.memory_space<vmem>>
      %dma_wait3A_157 = tpu.memref_squeeze %dma_wait3A_156 : memref<1x2x128xi32, #tpu.memory_space<vmem>> -> memref<2x128xi32, #tpu.memory_space<vmem>>
      %dma_wait3A_158 = arith.constant 0 : i32
      %dma_wait3A_159 = tpu.memref_slice %arg3[%add3A_146, %dma_wait3A_158] : memref<6400x128xi32, #tpu.memory_space<hbm>> -> memref<2x128xi32, #tpu.memory_space<hbm>>
      tpu.wait_dma2 semaphore(%arg9 : memref<!tpu.dma_semaphore, #tpu.memory_space<semaphore_mem>>) src(%dma_wait3A_159 : memref<2x128xi32, #tpu.memory_space<hbm>>) dst(%dma_wait3A_157 : memref<2x128xi32, #tpu.memory_space<vmem>>)
      %run_scoped3A_160 = arith.constant 1 : i32
      %run_scoped3A_161 = arith.constant 1 : i32
      %run_scoped3A_162 = arith.constant 0 : i32
      "tpu.region"() ({
        %run_scoped3A_166 = tpu.sem_alloc : memref<!tpu.dma_semaphore, #tpu.memory_space<semaphore_mem>>
        %dma_start3A_167 = arith.constant 0 : i32
        %dma_start3A_168 = arith.constant 0 : i32
        %dma_start3A_169 = tpu.memref_slice %arg7[%run_scoped3A_160, %dma_start3A_167, %dma_start3A_168] : memref<2x256x32xf32, #tpu.memory_space<vmem>> -> memref<1x128x32xf32, #tpu.memory_space<vmem>>
        %dma_start3A_170 = tpu.memref_squeeze %dma_start3A_169 : memref<1x128x32xf32, #tpu.memory_space<vmem>> -> memref<128x32xf32, #tpu.memory_space<vmem>>
        %dma_start3A_171 = arith.constant 0 : i32
        %dma_start3A_172 = tpu.memref_slice %arg6[%run_scoped3A_161, %run_scoped3A_162, %dma_start3A_171] : memref<2x2x128xi32, #tpu.memory_space<vmem>> -> memref<1x1x128xi32, #tpu.memory_space<vmem>>
        %dma_start3A_173 = tpu.memref_squeeze %dma_start3A_172 : memref<1x1x128xi32, #tpu.memory_space<vmem>> -> memref<128xi32, #tpu.memory_space<vmem>>
        %dma_start3A_174 = arith.constant 0 : i32
        %dma_start3A_175 = arith.constant 0 : i32
        %dma_start3A_176 = tpu.memref_slice %arg8[%dma_start3A_174, %dma_start3A_175] : memref<50016x32xf32, #tpu.memory_space<vmem_shared>> -> memref<50016x32xf32, #tpu.memory_space<vmem_shared>>
        tpu.enqueue_indirect_dma source(%dma_start3A_170 : memref<128x32xf32, #tpu.memory_space<vmem>>) target(%dma_start3A_176 : memref<50016x32xf32, #tpu.memory_space<vmem_shared>>) offsets(%dma_start3A_173 : memref<128xi32, #tpu.memory_space<vmem>>) semaphore(%run_scoped3A_166 : memref<!tpu.dma_semaphore, #tpu.memory_space<semaphore_mem>>) {add = true}
        %dma_wait3A_177 = arith.constant 0 : i32
        %dma_wait3A_178 = arith.constant 0 : i32
        %dma_wait3A_179 = tpu.memref_slice %arg7[%run_scoped3A_160, %dma_wait3A_177, %dma_wait3A_178] : memref<2x256x32xf32, #tpu.memory_space<vmem>> -> memref<1x128x32xf32, #tpu.memory_space<vmem>>
        %dma_wait3A_180 = tpu.memref_squeeze %dma_wait3A_179 : memref<1x128x32xf32, #tpu.memory_space<vmem>> -> memref<128x32xf32, #tpu.memory_space<vmem>>
        %dma_wait3A_181 = arith.constant 0 : i32
        %dma_wait3A_182 = tpu.memref_slice %arg6[%run_scoped3A_161, %run_scoped3A_162, %dma_wait3A_181] : memref<2x2x128xi32, #tpu.memory_space<vmem>> -> memref<1x1x128xi32, #tpu.memory_space<vmem>>
        %dma_wait3A_183 = tpu.memref_squeeze %dma_wait3A_182 : memref<1x1x128xi32, #tpu.memory_space<vmem>> -> memref<128xi32, #tpu.memory_space<vmem>>
        %dma_wait3A_184 = arith.constant 0 : i32
        %dma_wait3A_185 = arith.constant 0 : i32
        %dma_wait3A_186 = tpu.memref_slice %arg8[%dma_wait3A_184, %dma_wait3A_185] : memref<50016x32xf32, #tpu.memory_space<vmem_shared>> -> memref<50016x32xf32, #tpu.memory_space<vmem_shared>>
        tpu.wait_indirect_dma semaphore(%run_scoped3A_166 : memref<!tpu.dma_semaphore, #tpu.memory_space<semaphore_mem>>) src(%dma_wait3A_180 : memref<128x32xf32, #tpu.memory_space<vmem>>) dst(%dma_wait3A_186 : memref<50016x32xf32, #tpu.memory_space<vmem_shared>>)
        tpu.yield
      }) : () -> ()
      %run_scoped3A_163 = arith.constant 1 : i32
      %run_scoped3A_164 = arith.constant 1 : i32
      %run_scoped3A_165 = arith.constant 1 : i32
      "tpu.region"() ({
        %run_scoped3A_166 = tpu.sem_alloc : memref<!tpu.dma_semaphore, #tpu.memory_space<semaphore_mem>>
        %dma_start3A_167 = arith.constant 128 : i32
        %dma_start3A_168 = arith.constant 0 : i32
        %dma_start3A_169 = tpu.memref_slice %arg7[%run_scoped3A_163, %dma_start3A_167, %dma_start3A_168] : memref<2x256x32xf32, #tpu.memory_space<vmem>> -> memref<1x128x32xf32, #tpu.memory_space<vmem>>
        %dma_start3A_170 = tpu.memref_squeeze %dma_start3A_169 : memref<1x128x32xf32, #tpu.memory_space<vmem>> -> memref<128x32xf32, #tpu.memory_space<vmem>>
        %dma_start3A_171 = arith.constant 0 : i32
        %dma_start3A_172 = tpu.memref_slice %arg6[%run_scoped3A_164, %run_scoped3A_165, %dma_start3A_171] : memref<2x2x128xi32, #tpu.memory_space<vmem>> -> memref<1x1x128xi32, #tpu.memory_space<vmem>>
        %dma_start3A_173 = tpu.memref_squeeze %dma_start3A_172 : memref<1x1x128xi32, #tpu.memory_space<vmem>> -> memref<128xi32, #tpu.memory_space<vmem>>
        %dma_start3A_174 = arith.constant 0 : i32
        %dma_start3A_175 = arith.constant 0 : i32
        %dma_start3A_176 = tpu.memref_slice %arg8[%dma_start3A_174, %dma_start3A_175] : memref<50016x32xf32, #tpu.memory_space<vmem_shared>> -> memref<50016x32xf32, #tpu.memory_space<vmem_shared>>
        tpu.enqueue_indirect_dma source(%dma_start3A_170 : memref<128x32xf32, #tpu.memory_space<vmem>>) target(%dma_start3A_176 : memref<50016x32xf32, #tpu.memory_space<vmem_shared>>) offsets(%dma_start3A_173 : memref<128xi32, #tpu.memory_space<vmem>>) semaphore(%run_scoped3A_166 : memref<!tpu.dma_semaphore, #tpu.memory_space<semaphore_mem>>) {add = true}
        %dma_wait3A_177 = arith.constant 128 : i32
        %dma_wait3A_178 = arith.constant 0 : i32
        %dma_wait3A_179 = tpu.memref_slice %arg7[%run_scoped3A_163, %dma_wait3A_177, %dma_wait3A_178] : memref<2x256x32xf32, #tpu.memory_space<vmem>> -> memref<1x128x32xf32, #tpu.memory_space<vmem>>
        %dma_wait3A_180 = tpu.memref_squeeze %dma_wait3A_179 : memref<1x128x32xf32, #tpu.memory_space<vmem>> -> memref<128x32xf32, #tpu.memory_space<vmem>>
        %dma_wait3A_181 = arith.constant 0 : i32
        %dma_wait3A_182 = tpu.memref_slice %arg6[%run_scoped3A_164, %run_scoped3A_165, %dma_wait3A_181] : memref<2x2x128xi32, #tpu.memory_space<vmem>> -> memref<1x1x128xi32, #tpu.memory_space<vmem>>
        %dma_wait3A_183 = tpu.memref_squeeze %dma_wait3A_182 : memref<1x1x128xi32, #tpu.memory_space<vmem>> -> memref<128xi32, #tpu.memory_space<vmem>>
        %dma_wait3A_184 = arith.constant 0 : i32
        %dma_wait3A_185 = arith.constant 0 : i32
        %dma_wait3A_186 = tpu.memref_slice %arg8[%dma_wait3A_184, %dma_wait3A_185] : memref<50016x32xf32, #tpu.memory_space<vmem_shared>> -> memref<50016x32xf32, #tpu.memory_space<vmem_shared>>
        tpu.wait_indirect_dma semaphore(%run_scoped3A_166 : memref<!tpu.dma_semaphore, #tpu.memory_space<semaphore_mem>>) src(%dma_wait3A_180 : memref<128x32xf32, #tpu.memory_space<vmem>>) dst(%dma_wait3A_186 : memref<50016x32xf32, #tpu.memory_space<vmem_shared>>)
        tpu.yield
      }) : () -> ()
    }
    %scan3A_39 = arith.constant 100 : i32
    %barrier3A_40 = arith.constant 0 : index
    tpu.barrier barrier_id(%barrier3A_40)
    %mul3A_41 = arith.constant 3126 : i32
    %mul3A_42 = arith.muli %arg1, %mul3A_41 : i32
    %mul3A_43 = arith.constant 3126 : i32
    %mul3A_44 = arith.muli %arg1, %mul3A_43 : i32
    "tpu.region"() ({
      %run_scoped3A = tpu.sem_alloc : memref<!tpu.dma_semaphore, #tpu.memory_space<semaphore_mem>>
      %dma_start3A_45 = arith.constant 0 : i32
      %dma_start3A_46 = tpu.memref_slice %arg5[%arg0, %mul3A_44, %dma_start3A_45] : memref<2x50016x32xf32, #tpu.memory_space<hbm>> -> memref<1x3126x32xf32, #tpu.memory_space<hbm>>
      %dma_start3A_47 = tpu.memref_squeeze %dma_start3A_46 : memref<1x3126x32xf32, #tpu.memory_space<hbm>> -> memref<3126x32xf32, #tpu.memory_space<hbm>>
      %dma_start3A_48 = arith.constant 0 : i32
      %dma_start3A_49 = tpu.memref_slice %arg8[%mul3A_42, %dma_start3A_48] : memref<50016x32xf32, #tpu.memory_space<vmem_shared>> -> memref<3126x32xf32, #tpu.memory_space<vmem_shared>>
      tpu.enqueue_dma source(%dma_start3A_49 : memref<3126x32xf32, #tpu.memory_space<vmem_shared>>) target(%dma_start3A_47 : memref<3126x32xf32, #tpu.memory_space<hbm>>) target_semaphore(%run_scoped3A : memref<!tpu.dma_semaphore, #tpu.memory_space<semaphore_mem>>)
      %dma_wait3A = arith.constant 0 : i32
      %dma_wait3A_50 = tpu.memref_slice %arg5[%arg0, %mul3A_44, %dma_wait3A] : memref<2x50016x32xf32, #tpu.memory_space<hbm>> -> memref<1x3126x32xf32, #tpu.memory_space<hbm>>
      %dma_wait3A_51 = tpu.memref_squeeze %dma_wait3A_50 : memref<1x3126x32xf32, #tpu.memory_space<hbm>> -> memref<3126x32xf32, #tpu.memory_space<hbm>>
      %dma_wait3A_52 = arith.constant 0 : i32
      %dma_wait3A_53 = tpu.memref_slice %arg8[%mul3A_42, %dma_wait3A_52] : memref<50016x32xf32, #tpu.memory_space<vmem_shared>> -> memref<3126x32xf32, #tpu.memory_space<vmem_shared>>
      tpu.wait_dma2 semaphore(%run_scoped3A : memref<!tpu.dma_semaphore, #tpu.memory_space<semaphore_mem>>) src(%dma_wait3A_53 : memref<3126x32xf32, #tpu.memory_space<vmem_shared>>) dst(%dma_wait3A_51 : memref<3126x32xf32, #tpu.memory_space<hbm>>)
      tpu.yield
    }) : () -> ()
    return
  }
}

#map = affine_map<(d0, d1) -> (0, 0)>
module attributes {stable_mosaic.version = 14 : i64} {
  func.func @k(%arg0: i32, %arg1: i32, %arg2: memref<50000x64xf32, #tpu.memory_space<hbm>>, %arg3: memref<819200x64xf32, #tpu.memory_space<hbm>>, %arg4: memref<6400x128xi32, #tpu.memory_space<hbm>>, %arg5: memref<819200x64xf32, #tpu.memory_space<hbm>>, %arg6: memref<2x4x128xi32, #tpu.memory_space<vmem>>, %arg7: memref<2x512x64xf32, #tpu.memory_space<vmem>>, %arg8: memref<512x64xf32, #tpu.memory_space<vmem>>, %arg9: memref<!tpu.dma_semaphore, #tpu.memory_space<semaphore_mem>>, %arg10: memref<!tpu.dma_semaphore, #tpu.memory_space<semaphore_mem>>) attributes {dimension_semantics = [#tpu.dimension_semantics<core_parallel>, #tpu.dimension_semantics<subcore_parallel>], iteration_bounds = array<i64: 2, 16>, scalar_prefetch = 0 : i64, scratch_operands = 5 : i64, tpu.core_type = #tpu.core_type<sc_vector_subcore>, window_params = [{transform_indices = #map}, {transform_indices = #map}, {transform_indices = #map}, {transform_indices = #map}]} {
    %mul3A = arith.constant 16 : i32
    %mul3A_0 = arith.muli %arg0, %mul3A : i32
    %add3A = arith.addi %mul3A_0, %arg1 : i32
    %mul3A_1 = arith.constant 25600 : i32
    %mul3A_2 = arith.muli %add3A, %mul3A_1 : i32
    %mul3A_3 = arith.constant 200 : i32
    %mul3A_4 = arith.muli %add3A, %mul3A_3 : i32
    %add3A_5 = arith.constant 0 : i32
    %add3A_6 = arith.addi %mul3A_4, %add3A_5 : i32
    %run_scoped3A = arith.constant 0 : i32
    "tpu.region"() ({
      %run_scoped3A_69 = tpu.sem_alloc : memref<!tpu.dma_semaphore, #tpu.memory_space<semaphore_mem>>
      %dma_start3A_70 = arith.constant 0 : i32
      %dma_start3A_71 = arith.constant 0 : i32
      %dma_start3A_72 = tpu.memref_slice %arg6[%run_scoped3A, %dma_start3A_70, %dma_start3A_71] : memref<2x4x128xi32, #tpu.memory_space<vmem>> -> memref<1x4x128xi32, #tpu.memory_space<vmem>>
      %dma_start3A_73 = tpu.memref_squeeze %dma_start3A_72 : memref<1x4x128xi32, #tpu.memory_space<vmem>> -> memref<4x128xi32, #tpu.memory_space<vmem>>
      %dma_start3A_74 = arith.constant 0 : i32
      %dma_start3A_75 = tpu.memref_slice %arg4[%add3A_6, %dma_start3A_74] : memref<6400x128xi32, #tpu.memory_space<hbm>> -> memref<4x128xi32, #tpu.memory_space<hbm>>
      %dma_start3A_76 = arith.constant 0 : i32
      %dma_start3A_77 = arith.constant 0 : i32
      %dma_start3A_78 = tpu.memref_slice %arg6[%run_scoped3A, %dma_start3A_76, %dma_start3A_77] : memref<2x4x128xi32, #tpu.memory_space<vmem>> -> memref<1x4x128xi32, #tpu.memory_space<vmem>>
      %dma_start3A_79 = tpu.memref_squeeze %dma_start3A_78 : memref<1x4x128xi32, #tpu.memory_space<vmem>> -> memref<4x128xi32, #tpu.memory_space<vmem>>
      %dma_start3A_80 = arith.constant 0 : i32
      %dma_start3A_81 = tpu.memref_slice %arg4[%add3A_6, %dma_start3A_80] : memref<6400x128xi32, #tpu.memory_space<hbm>> -> memref<4x128xi32, #tpu.memory_space<hbm>>
      tpu.enqueue_dma source(%dma_start3A_81 : memref<4x128xi32, #tpu.memory_space<hbm>>) target(%dma_start3A_79 : memref<4x128xi32, #tpu.memory_space<vmem>>) target_semaphore(%run_scoped3A_69 : memref<!tpu.dma_semaphore, #tpu.memory_space<semaphore_mem>>)
      %dma_wait3A = arith.constant 0 : i32
      %dma_wait3A_82 = arith.constant 0 : i32
      %dma_wait3A_83 = tpu.memref_slice %arg6[%run_scoped3A, %dma_wait3A, %dma_wait3A_82] : memref<2x4x128xi32, #tpu.memory_space<vmem>> -> memref<1x4x128xi32, #tpu.memory_space<vmem>>
      %dma_wait3A_84 = tpu.memref_squeeze %dma_wait3A_83 : memref<1x4x128xi32, #tpu.memory_space<vmem>> -> memref<4x128xi32, #tpu.memory_space<vmem>>
      %dma_wait3A_85 = arith.constant 0 : i32
      %dma_wait3A_86 = tpu.memref_slice %arg4[%add3A_6, %dma_wait3A_85] : memref<6400x128xi32, #tpu.memory_space<hbm>> -> memref<4x128xi32, #tpu.memory_space<hbm>>
      %dma_wait3A_87 = arith.constant 0 : i32
      %dma_wait3A_88 = arith.constant 0 : i32
      %dma_wait3A_89 = tpu.memref_slice %arg6[%run_scoped3A, %dma_wait3A_87, %dma_wait3A_88] : memref<2x4x128xi32, #tpu.memory_space<vmem>> -> memref<1x4x128xi32, #tpu.memory_space<vmem>>
      %dma_wait3A_90 = tpu.memref_squeeze %dma_wait3A_89 : memref<1x4x128xi32, #tpu.memory_space<vmem>> -> memref<4x128xi32, #tpu.memory_space<vmem>>
      %dma_wait3A_91 = arith.constant 0 : i32
      %dma_wait3A_92 = tpu.memref_slice %arg4[%add3A_6, %dma_wait3A_91] : memref<6400x128xi32, #tpu.memory_space<hbm>> -> memref<4x128xi32, #tpu.memory_space<hbm>>
      tpu.wait_dma2 semaphore(%run_scoped3A_69 : memref<!tpu.dma_semaphore, #tpu.memory_space<semaphore_mem>>) src(%dma_wait3A_92 : memref<4x128xi32, #tpu.memory_space<hbm>>) dst(%dma_wait3A_90 : memref<4x128xi32, #tpu.memory_space<vmem>>)
      tpu.yield
    }) : () -> ()
    %dma_start3A = arith.constant 0 : i32
    %dma_start3A_7 = arith.constant 0 : i32
    %dma_start3A_8 = arith.constant 0 : i32
    %dma_start3A_9 = arith.constant 0 : i32
    %dma_start3A_10 = arith.constant 0 : i32
    %dma_start3A_11 = tpu.memref_slice %arg7[%dma_start3A_8, %dma_start3A_9, %dma_start3A_10] : memref<2x512x64xf32, #tpu.memory_space<vmem>> -> memref<1x128x64xf32, #tpu.memory_space<vmem>>
    %dma_start3A_12 = tpu.memref_squeeze %dma_start3A_11 : memref<1x128x64xf32, #tpu.memory_space<vmem>> -> memref<128x64xf32, #tpu.memory_space<vmem>>
    %dma_start3A_13 = arith.constant 0 : i32
    %dma_start3A_14 = tpu.memref_slice %arg6[%dma_start3A, %dma_start3A_7, %dma_start3A_13] : memref<2x4x128xi32, #tpu.memory_space<vmem>> -> memref<1x1x128xi32, #tpu.memory_space<vmem>>
    %dma_start3A_15 = tpu.memref_squeeze %dma_start3A_14 : memref<1x1x128xi32, #tpu.memory_space<vmem>> -> memref<128xi32, #tpu.memory_space<vmem>>
    %dma_start3A_16 = arith.constant 0 : i32
    %dma_start3A_17 = arith.constant 0 : i32
    %dma_start3A_18 = tpu.memref_slice %arg2[%dma_start3A_16, %dma_start3A_17] : memref<50000x64xf32, #tpu.memory_space<hbm>> -> memref<50000x64xf32, #tpu.memory_space<hbm>>
    tpu.enqueue_indirect_dma source(%dma_start3A_18 : memref<50000x64xf32, #tpu.memory_space<hbm>>) target(%dma_start3A_12 : memref<128x64xf32, #tpu.memory_space<vmem>>) offsets(%dma_start3A_15 : memref<128xi32, #tpu.memory_space<vmem>>) semaphore(%arg9 : memref<!tpu.dma_semaphore, #tpu.memory_space<semaphore_mem>>)
    %dma_start3A_19 = arith.constant 0 : i32
    %dma_start3A_20 = arith.constant 1 : i32
    %dma_start3A_21 = arith.constant 0 : i32
    %dma_start3A_22 = arith.constant 128 : i32
    %dma_start3A_23 = arith.constant 0 : i32
    %dma_start3A_24 = tpu.memref_slice %arg7[%dma_start3A_21, %dma_start3A_22, %dma_start3A_23] : memref<2x512x64xf32, #tpu.memory_space<vmem>> -> memref<1x128x64xf32, #tpu.memory_space<vmem>>
    %dma_start3A_25 = tpu.memref_squeeze %dma_start3A_24 : memref<1x128x64xf32, #tpu.memory_space<vmem>> -> memref<128x64xf32, #tpu.memory_space<vmem>>
    %dma_start3A_26 = arith.constant 0 : i32
    %dma_start3A_27 = tpu.memref_slice %arg6[%dma_start3A_19, %dma_start3A_20, %dma_start3A_26] : memref<2x4x128xi32, #tpu.memory_space<vmem>> -> memref<1x1x128xi32, #tpu.memory_space<vmem>>
    %dma_start3A_28 = tpu.memref_squeeze %dma_start3A_27 : memref<1x1x128xi32, #tpu.memory_space<vmem>> -> memref<128xi32, #tpu.memory_space<vmem>>
    %dma_start3A_29 = arith.constant 0 : i32
    %dma_start3A_30 = arith.constant 0 : i32
    %dma_start3A_31 = tpu.memref_slice %arg2[%dma_start3A_29, %dma_start3A_30] : memref<50000x64xf32, #tpu.memory_space<hbm>> -> memref<50000x64xf32, #tpu.memory_space<hbm>>
    tpu.enqueue_indirect_dma source(%dma_start3A_31 : memref<50000x64xf32, #tpu.memory_space<hbm>>) target(%dma_start3A_25 : memref<128x64xf32, #tpu.memory_space<vmem>>) offsets(%dma_start3A_28 : memref<128xi32, #tpu.memory_space<vmem>>) semaphore(%arg9 : memref<!tpu.dma_semaphore, #tpu.memory_space<semaphore_mem>>)
    %dma_start3A_32 = arith.constant 0 : i32
    %dma_start3A_33 = arith.constant 2 : i32
    %dma_start3A_34 = arith.constant 0 : i32
    %dma_start3A_35 = arith.constant 256 : i32
    %dma_start3A_36 = arith.constant 0 : i32
    %dma_start3A_37 = tpu.memref_slice %arg7[%dma_start3A_34, %dma_start3A_35, %dma_start3A_36] : memref<2x512x64xf32, #tpu.memory_space<vmem>> -> memref<1x128x64xf32, #tpu.memory_space<vmem>>
    %dma_start3A_38 = tpu.memref_squeeze %dma_start3A_37 : memref<1x128x64xf32, #tpu.memory_space<vmem>> -> memref<128x64xf32, #tpu.memory_space<vmem>>
    %dma_start3A_39 = arith.constant 0 : i32
    %dma_start3A_40 = tpu.memref_slice %arg6[%dma_start3A_32, %dma_start3A_33, %dma_start3A_39] : memref<2x4x128xi32, #tpu.memory_space<vmem>> -> memref<1x1x128xi32, #tpu.memory_space<vmem>>
    %dma_start3A_41 = tpu.memref_squeeze %dma_start3A_40 : memref<1x1x128xi32, #tpu.memory_space<vmem>> -> memref<128xi32, #tpu.memory_space<vmem>>
    %dma_start3A_42 = arith.constant 0 : i32
    %dma_start3A_43 = arith.constant 0 : i32
    %dma_start3A_44 = tpu.memref_slice %arg2[%dma_start3A_42, %dma_start3A_43] : memref<50000x64xf32, #tpu.memory_space<hbm>> -> memref<50000x64xf32, #tpu.memory_space<hbm>>
    tpu.enqueue_indirect_dma source(%dma_start3A_44 : memref<50000x64xf32, #tpu.memory_space<hbm>>) target(%dma_start3A_38 : memref<128x64xf32, #tpu.memory_space<vmem>>) offsets(%dma_start3A_41 : memref<128xi32, #tpu.memory_space<vmem>>) semaphore(%arg9 : memref<!tpu.dma_semaphore, #tpu.memory_space<semaphore_mem>>)
    %dma_start3A_45 = arith.constant 0 : i32
    %dma_start3A_46 = arith.constant 3 : i32
    %dma_start3A_47 = arith.constant 0 : i32
    %dma_start3A_48 = arith.constant 384 : i32
    %dma_start3A_49 = arith.constant 0 : i32
    %dma_start3A_50 = tpu.memref_slice %arg7[%dma_start3A_47, %dma_start3A_48, %dma_start3A_49] : memref<2x512x64xf32, #tpu.memory_space<vmem>> -> memref<1x128x64xf32, #tpu.memory_space<vmem>>
    %dma_start3A_51 = tpu.memref_squeeze %dma_start3A_50 : memref<1x128x64xf32, #tpu.memory_space<vmem>> -> memref<128x64xf32, #tpu.memory_space<vmem>>
    %dma_start3A_52 = arith.constant 0 : i32
    %dma_start3A_53 = tpu.memref_slice %arg6[%dma_start3A_45, %dma_start3A_46, %dma_start3A_52] : memref<2x4x128xi32, #tpu.memory_space<vmem>> -> memref<1x1x128xi32, #tpu.memory_space<vmem>>
    %dma_start3A_54 = tpu.memref_squeeze %dma_start3A_53 : memref<1x1x128xi32, #tpu.memory_space<vmem>> -> memref<128xi32, #tpu.memory_space<vmem>>
    %dma_start3A_55 = arith.constant 0 : i32
    %dma_start3A_56 = arith.constant 0 : i32
    %dma_start3A_57 = tpu.memref_slice %arg2[%dma_start3A_55, %dma_start3A_56] : memref<50000x64xf32, #tpu.memory_space<hbm>> -> memref<50000x64xf32, #tpu.memory_space<hbm>>
    tpu.enqueue_indirect_dma source(%dma_start3A_57 : memref<50000x64xf32, #tpu.memory_space<hbm>>) target(%dma_start3A_51 : memref<128x64xf32, #tpu.memory_space<vmem>>) offsets(%dma_start3A_54 : memref<128xi32, #tpu.memory_space<vmem>>) semaphore(%arg9 : memref<!tpu.dma_semaphore, #tpu.memory_space<semaphore_mem>>)
    %add3A_58 = arith.constant 0 : i32
    %add3A_59 = arith.addi %mul3A_2, %add3A_58 : i32
    %dma_start3A_60 = arith.constant 0 : i32
    %dma_start3A_61 = tpu.memref_slice %arg3[%add3A_59, %dma_start3A_60] : memref<819200x64xf32, #tpu.memory_space<hbm>> -> memref<512x64xf32, #tpu.memory_space<hbm>>
    %dma_start3A_62 = arith.constant 0 : i32
    %dma_start3A_63 = tpu.memref_slice %arg3[%add3A_59, %dma_start3A_62] : memref<819200x64xf32, #tpu.memory_space<hbm>> -> memref<512x64xf32, #tpu.memory_space<hbm>>
    tpu.enqueue_dma source(%dma_start3A_63 : memref<512x64xf32, #tpu.memory_space<hbm>>) target(%arg8 : memref<512x64xf32, #tpu.memory_space<vmem>>) target_semaphore(%arg10 : memref<!tpu.dma_semaphore, #tpu.memory_space<semaphore_mem>>)
    %scan3A = arith.constant 0 : i32
    %scan3A_64 = arith.constant 0 : i32
    %scan3A_65 = arith.constant 25 : i32
    %scan3A_66 = arith.addi %scan3A_64, %scan3A_65 : i32
    %scan3A_67 = arith.constant 1 : i32
    scf.for %scan3A_69 = %scan3A_64 to %scan3A_66 step %scan3A_67  : i32 {
      %mul3A_70 = arith.constant 2 : i32
      %mul3A_71 = arith.muli %mul3A_70, %scan3A_69 : i32
      %add3A_72 = arith.constant 1 : i32
      %add3A_73 = arith.addi %mul3A_71, %add3A_72 : i32
      %mul3A_74 = arith.constant 4 : i32
      %mul3A_75 = arith.muli %add3A_73, %mul3A_74 : i32
      %add3A_76 = arith.addi %mul3A_4, %mul3A_75 : i32
      %run_scoped3A_77 = arith.constant 1 : i32
      "tpu.region"() ({
        %run_scoped3A_287 = tpu.sem_alloc : memref<!tpu.dma_semaphore, #tpu.memory_space<semaphore_mem>>
        %dma_start3A_288 = arith.constant 0 : i32
        %dma_start3A_289 = arith.constant 0 : i32
        %dma_start3A_290 = tpu.memref_slice %arg6[%run_scoped3A_77, %dma_start3A_288, %dma_start3A_289] : memref<2x4x128xi32, #tpu.memory_space<vmem>> -> memref<1x4x128xi32, #tpu.memory_space<vmem>>
        %dma_start3A_291 = tpu.memref_squeeze %dma_start3A_290 : memref<1x4x128xi32, #tpu.memory_space<vmem>> -> memref<4x128xi32, #tpu.memory_space<vmem>>
        %dma_start3A_292 = arith.constant 0 : i32
        %dma_start3A_293 = tpu.memref_slice %arg4[%add3A_76, %dma_start3A_292] : memref<6400x128xi32, #tpu.memory_space<hbm>> -> memref<4x128xi32, #tpu.memory_space<hbm>>
        %dma_start3A_294 = arith.constant 0 : i32
        %dma_start3A_295 = arith.constant 0 : i32
        %dma_start3A_296 = tpu.memref_slice %arg6[%run_scoped3A_77, %dma_start3A_294, %dma_start3A_295] : memref<2x4x128xi32, #tpu.memory_space<vmem>> -> memref<1x4x128xi32, #tpu.memory_space<vmem>>
        %dma_start3A_297 = tpu.memref_squeeze %dma_start3A_296 : memref<1x4x128xi32, #tpu.memory_space<vmem>> -> memref<4x128xi32, #tpu.memory_space<vmem>>
        %dma_start3A_298 = arith.constant 0 : i32
        %dma_start3A_299 = tpu.memref_slice %arg4[%add3A_76, %dma_start3A_298] : memref<6400x128xi32, #tpu.memory_space<hbm>> -> memref<4x128xi32, #tpu.memory_space<hbm>>
        tpu.enqueue_dma source(%dma_start3A_299 : memref<4x128xi32, #tpu.memory_space<hbm>>) target(%dma_start3A_297 : memref<4x128xi32, #tpu.memory_space<vmem>>) target_semaphore(%run_scoped3A_287 : memref<!tpu.dma_semaphore, #tpu.memory_space<semaphore_mem>>)
        %dma_wait3A_300 = arith.constant 0 : i32
        %dma_wait3A_301 = arith.constant 0 : i32
        %dma_wait3A_302 = tpu.memref_slice %arg6[%run_scoped3A_77, %dma_wait3A_300, %dma_wait3A_301] : memref<2x4x128xi32, #tpu.memory_space<vmem>> -> memref<1x4x128xi32, #tpu.memory_space<vmem>>
        %dma_wait3A_303 = tpu.memref_squeeze %dma_wait3A_302 : memref<1x4x128xi32, #tpu.memory_space<vmem>> -> memref<4x128xi32, #tpu.memory_space<vmem>>
        %dma_wait3A_304 = arith.constant 0 : i32
        %dma_wait3A_305 = tpu.memref_slice %arg4[%add3A_76, %dma_wait3A_304] : memref<6400x128xi32, #tpu.memory_space<hbm>> -> memref<4x128xi32, #tpu.memory_space<hbm>>
        %dma_wait3A_306 = arith.constant 0 : i32
        %dma_wait3A_307 = arith.constant 0 : i32
        %dma_wait3A_308 = tpu.memref_slice %arg6[%run_scoped3A_77, %dma_wait3A_306, %dma_wait3A_307] : memref<2x4x128xi32, #tpu.memory_space<vmem>> -> memref<1x4x128xi32, #tpu.memory_space<vmem>>
        %dma_wait3A_309 = tpu.memref_squeeze %dma_wait3A_308 : memref<1x4x128xi32, #tpu.memory_space<vmem>> -> memref<4x128xi32, #tpu.memory_space<vmem>>
        %dma_wait3A_310 = arith.constant 0 : i32
        %dma_wait3A_311 = tpu.memref_slice %arg4[%add3A_76, %dma_wait3A_310] : memref<6400x128xi32, #tpu.memory_space<hbm>> -> memref<4x128xi32, #tpu.memory_space<hbm>>
        tpu.wait_dma2 semaphore(%run_scoped3A_287 : memref<!tpu.dma_semaphore, #tpu.memory_space<semaphore_mem>>) src(%dma_wait3A_311 : memref<4x128xi32, #tpu.memory_space<hbm>>) dst(%dma_wait3A_309 : memref<4x128xi32, #tpu.memory_space<vmem>>)
        tpu.yield
      }) : () -> ()
      %dma_start3A_78 = arith.constant 1 : i32
      %dma_start3A_79 = arith.constant 0 : i32
      %dma_start3A_80 = arith.constant 1 : i32
      %dma_start3A_81 = arith.constant 0 : i32
      %dma_start3A_82 = arith.constant 0 : i32
      %dma_start3A_83 = tpu.memref_slice %arg7[%dma_start3A_80, %dma_start3A_81, %dma_start3A_82] : memref<2x512x64xf32, #tpu.memory_space<vmem>> -> memref<1x128x64xf32, #tpu.memory_space<vmem>>
      %dma_start3A_84 = tpu.memref_squeeze %dma_start3A_83 : memref<1x128x64xf32, #tpu.memory_space<vmem>> -> memref<128x64xf32, #tpu.memory_space<vmem>>
      %dma_start3A_85 = arith.constant 0 : i32
      %dma_start3A_86 = tpu.memref_slice %arg6[%dma_start3A_78, %dma_start3A_79, %dma_start3A_85] : memref<2x4x128xi32, #tpu.memory_space<vmem>> -> memref<1x1x128xi32, #tpu.memory_space<vmem>>
      %dma_start3A_87 = tpu.memref_squeeze %dma_start3A_86 : memref<1x1x128xi32, #tpu.memory_space<vmem>> -> memref<128xi32, #tpu.memory_space<vmem>>
      %dma_start3A_88 = arith.constant 0 : i32
      %dma_start3A_89 = arith.constant 0 : i32
      %dma_start3A_90 = tpu.memref_slice %arg2[%dma_start3A_88, %dma_start3A_89] : memref<50000x64xf32, #tpu.memory_space<hbm>> -> memref<50000x64xf32, #tpu.memory_space<hbm>>
      tpu.enqueue_indirect_dma source(%dma_start3A_90 : memref<50000x64xf32, #tpu.memory_space<hbm>>) target(%dma_start3A_84 : memref<128x64xf32, #tpu.memory_space<vmem>>) offsets(%dma_start3A_87 : memref<128xi32, #tpu.memory_space<vmem>>) semaphore(%arg9 : memref<!tpu.dma_semaphore, #tpu.memory_space<semaphore_mem>>)
      %dma_start3A_91 = arith.constant 1 : i32
      %dma_start3A_92 = arith.constant 1 : i32
      %dma_start3A_93 = arith.constant 1 : i32
      %dma_start3A_94 = arith.constant 128 : i32
      %dma_start3A_95 = arith.constant 0 : i32
      %dma_start3A_96 = tpu.memref_slice %arg7[%dma_start3A_93, %dma_start3A_94, %dma_start3A_95] : memref<2x512x64xf32, #tpu.memory_space<vmem>> -> memref<1x128x64xf32, #tpu.memory_space<vmem>>
      %dma_start3A_97 = tpu.memref_squeeze %dma_start3A_96 : memref<1x128x64xf32, #tpu.memory_space<vmem>> -> memref<128x64xf32, #tpu.memory_space<vmem>>
      %dma_start3A_98 = arith.constant 0 : i32
      %dma_start3A_99 = tpu.memref_slice %arg6[%dma_start3A_91, %dma_start3A_92, %dma_start3A_98] : memref<2x4x128xi32, #tpu.memory_space<vmem>> -> memref<1x1x128xi32, #tpu.memory_space<vmem>>
      %dma_start3A_100 = tpu.memref_squeeze %dma_start3A_99 : memref<1x1x128xi32, #tpu.memory_space<vmem>> -> memref<128xi32, #tpu.memory_space<vmem>>
      %dma_start3A_101 = arith.constant 0 : i32
      %dma_start3A_102 = arith.constant 0 : i32
      %dma_start3A_103 = tpu.memref_slice %arg2[%dma_start3A_101, %dma_start3A_102] : memref<50000x64xf32, #tpu.memory_space<hbm>> -> memref<50000x64xf32, #tpu.memory_space<hbm>>
      tpu.enqueue_indirect_dma source(%dma_start3A_103 : memref<50000x64xf32, #tpu.memory_space<hbm>>) target(%dma_start3A_97 : memref<128x64xf32, #tpu.memory_space<vmem>>) offsets(%dma_start3A_100 : memref<128xi32, #tpu.memory_space<vmem>>) semaphore(%arg9 : memref<!tpu.dma_semaphore, #tpu.memory_space<semaphore_mem>>)
      %dma_start3A_104 = arith.constant 1 : i32
      %dma_start3A_105 = arith.constant 2 : i32
      %dma_start3A_106 = arith.constant 1 : i32
      %dma_start3A_107 = arith.constant 256 : i32
      %dma_start3A_108 = arith.constant 0 : i32
      %dma_start3A_109 = tpu.memref_slice %arg7[%dma_start3A_106, %dma_start3A_107, %dma_start3A_108] : memref<2x512x64xf32, #tpu.memory_space<vmem>> -> memref<1x128x64xf32, #tpu.memory_space<vmem>>
      %dma_start3A_110 = tpu.memref_squeeze %dma_start3A_109 : memref<1x128x64xf32, #tpu.memory_space<vmem>> -> memref<128x64xf32, #tpu.memory_space<vmem>>
      %dma_start3A_111 = arith.constant 0 : i32
      %dma_start3A_112 = tpu.memref_slice %arg6[%dma_start3A_104, %dma_start3A_105, %dma_start3A_111] : memref<2x4x128xi32, #tpu.memory_space<vmem>> -> memref<1x1x128xi32, #tpu.memory_space<vmem>>
      %dma_start3A_113 = tpu.memref_squeeze %dma_start3A_112 : memref<1x1x128xi32, #tpu.memory_space<vmem>> -> memref<128xi32, #tpu.memory_space<vmem>>
      %dma_start3A_114 = arith.constant 0 : i32
      %dma_start3A_115 = arith.constant 0 : i32
      %dma_start3A_116 = tpu.memref_slice %arg2[%dma_start3A_114, %dma_start3A_115] : memref<50000x64xf32, #tpu.memory_space<hbm>> -> memref<50000x64xf32, #tpu.memory_space<hbm>>
      tpu.enqueue_indirect_dma source(%dma_start3A_116 : memref<50000x64xf32, #tpu.memory_space<hbm>>) target(%dma_start3A_110 : memref<128x64xf32, #tpu.memory_space<vmem>>) offsets(%dma_start3A_113 : memref<128xi32, #tpu.memory_space<vmem>>) semaphore(%arg9 : memref<!tpu.dma_semaphore, #tpu.memory_space<semaphore_mem>>)
      %dma_start3A_117 = arith.constant 1 : i32
      %dma_start3A_118 = arith.constant 3 : i32
      %dma_start3A_119 = arith.constant 1 : i32
      %dma_start3A_120 = arith.constant 384 : i32
      %dma_start3A_121 = arith.constant 0 : i32
      %dma_start3A_122 = tpu.memref_slice %arg7[%dma_start3A_119, %dma_start3A_120, %dma_start3A_121] : memref<2x512x64xf32, #tpu.memory_space<vmem>> -> memref<1x128x64xf32, #tpu.memory_space<vmem>>
      %dma_start3A_123 = tpu.memref_squeeze %dma_start3A_122 : memref<1x128x64xf32, #tpu.memory_space<vmem>> -> memref<128x64xf32, #tpu.memory_space<vmem>>
      %dma_start3A_124 = arith.constant 0 : i32
      %dma_start3A_125 = tpu.memref_slice %arg6[%dma_start3A_117, %dma_start3A_118, %dma_start3A_124] : memref<2x4x128xi32, #tpu.memory_space<vmem>> -> memref<1x1x128xi32, #tpu.memory_space<vmem>>
      %dma_start3A_126 = tpu.memref_squeeze %dma_start3A_125 : memref<1x1x128xi32, #tpu.memory_space<vmem>> -> memref<128xi32, #tpu.memory_space<vmem>>
      %dma_start3A_127 = arith.constant 0 : i32
      %dma_start3A_128 = arith.constant 0 : i32
      %dma_start3A_129 = tpu.memref_slice %arg2[%dma_start3A_127, %dma_start3A_128] : memref<50000x64xf32, #tpu.memory_space<hbm>> -> memref<50000x64xf32, #tpu.memory_space<hbm>>
      tpu.enqueue_indirect_dma source(%dma_start3A_129 : memref<50000x64xf32, #tpu.memory_space<hbm>>) target(%dma_start3A_123 : memref<128x64xf32, #tpu.memory_space<vmem>>) offsets(%dma_start3A_126 : memref<128xi32, #tpu.memory_space<vmem>>) semaphore(%arg9 : memref<!tpu.dma_semaphore, #tpu.memory_space<semaphore_mem>>)
      %dma_wait3A = arith.constant 0 : i32
      %dma_wait3A_130 = arith.constant 0 : i32
      %dma_wait3A_131 = arith.constant 0 : i32
      %dma_wait3A_132 = arith.constant 0 : i32
      %dma_wait3A_133 = arith.constant 0 : i32
      %dma_wait3A_134 = tpu.memref_slice %arg7[%dma_wait3A_131, %dma_wait3A_132, %dma_wait3A_133] : memref<2x512x64xf32, #tpu.memory_space<vmem>> -> memref<1x128x64xf32, #tpu.memory_space<vmem>>
      %dma_wait3A_135 = tpu.memref_squeeze %dma_wait3A_134 : memref<1x128x64xf32, #tpu.memory_space<vmem>> -> memref<128x64xf32, #tpu.memory_space<vmem>>
      %dma_wait3A_136 = arith.constant 0 : i32
      %dma_wait3A_137 = tpu.memref_slice %arg6[%dma_wait3A, %dma_wait3A_130, %dma_wait3A_136] : memref<2x4x128xi32, #tpu.memory_space<vmem>> -> memref<1x1x128xi32, #tpu.memory_space<vmem>>
      %dma_wait3A_138 = tpu.memref_squeeze %dma_wait3A_137 : memref<1x1x128xi32, #tpu.memory_space<vmem>> -> memref<128xi32, #tpu.memory_space<vmem>>
      %dma_wait3A_139 = arith.constant 0 : i32
      %dma_wait3A_140 = arith.constant 0 : i32
      %dma_wait3A_141 = tpu.memref_slice %arg2[%dma_wait3A_139, %dma_wait3A_140] : memref<50000x64xf32, #tpu.memory_space<hbm>> -> memref<50000x64xf32, #tpu.memory_space<hbm>>
      tpu.wait_indirect_dma semaphore(%arg9 : memref<!tpu.dma_semaphore, #tpu.memory_space<semaphore_mem>>) src(%dma_wait3A_141 : memref<50000x64xf32, #tpu.memory_space<hbm>>) dst(%dma_wait3A_135 : memref<128x64xf32, #tpu.memory_space<vmem>>)
      %dma_wait3A_142 = arith.constant 0 : i32
      %dma_wait3A_143 = arith.constant 1 : i32
      %dma_wait3A_144 = arith.constant 0 : i32
      %dma_wait3A_145 = arith.constant 128 : i32
      %dma_wait3A_146 = arith.constant 0 : i32
      %dma_wait3A_147 = tpu.memref_slice %arg7[%dma_wait3A_144, %dma_wait3A_145, %dma_wait3A_146] : memref<2x512x64xf32, #tpu.memory_space<vmem>> -> memref<1x128x64xf32, #tpu.memory_space<vmem>>
      %dma_wait3A_148 = tpu.memref_squeeze %dma_wait3A_147 : memref<1x128x64xf32, #tpu.memory_space<vmem>> -> memref<128x64xf32, #tpu.memory_space<vmem>>
      %dma_wait3A_149 = arith.constant 0 : i32
      %dma_wait3A_150 = tpu.memref_slice %arg6[%dma_wait3A_142, %dma_wait3A_143, %dma_wait3A_149] : memref<2x4x128xi32, #tpu.memory_space<vmem>> -> memref<1x1x128xi32, #tpu.memory_space<vmem>>
      %dma_wait3A_151 = tpu.memref_squeeze %dma_wait3A_150 : memref<1x1x128xi32, #tpu.memory_space<vmem>> -> memref<128xi32, #tpu.memory_space<vmem>>
      %dma_wait3A_152 = arith.constant 0 : i32
      %dma_wait3A_153 = arith.constant 0 : i32
      %dma_wait3A_154 = tpu.memref_slice %arg2[%dma_wait3A_152, %dma_wait3A_153] : memref<50000x64xf32, #tpu.memory_space<hbm>> -> memref<50000x64xf32, #tpu.memory_space<hbm>>
      tpu.wait_indirect_dma semaphore(%arg9 : memref<!tpu.dma_semaphore, #tpu.memory_space<semaphore_mem>>) src(%dma_wait3A_154 : memref<50000x64xf32, #tpu.memory_space<hbm>>) dst(%dma_wait3A_148 : memref<128x64xf32, #tpu.memory_space<vmem>>)
      %dma_wait3A_155 = arith.constant 0 : i32
      %dma_wait3A_156 = arith.constant 2 : i32
      %dma_wait3A_157 = arith.constant 0 : i32
      %dma_wait3A_158 = arith.constant 256 : i32
      %dma_wait3A_159 = arith.constant 0 : i32
      %dma_wait3A_160 = tpu.memref_slice %arg7[%dma_wait3A_157, %dma_wait3A_158, %dma_wait3A_159] : memref<2x512x64xf32, #tpu.memory_space<vmem>> -> memref<1x128x64xf32, #tpu.memory_space<vmem>>
      %dma_wait3A_161 = tpu.memref_squeeze %dma_wait3A_160 : memref<1x128x64xf32, #tpu.memory_space<vmem>> -> memref<128x64xf32, #tpu.memory_space<vmem>>
      %dma_wait3A_162 = arith.constant 0 : i32
      %dma_wait3A_163 = tpu.memref_slice %arg6[%dma_wait3A_155, %dma_wait3A_156, %dma_wait3A_162] : memref<2x4x128xi32, #tpu.memory_space<vmem>> -> memref<1x1x128xi32, #tpu.memory_space<vmem>>
      %dma_wait3A_164 = tpu.memref_squeeze %dma_wait3A_163 : memref<1x1x128xi32, #tpu.memory_space<vmem>> -> memref<128xi32, #tpu.memory_space<vmem>>
      %dma_wait3A_165 = arith.constant 0 : i32
      %dma_wait3A_166 = arith.constant 0 : i32
      %dma_wait3A_167 = tpu.memref_slice %arg2[%dma_wait3A_165, %dma_wait3A_166] : memref<50000x64xf32, #tpu.memory_space<hbm>> -> memref<50000x64xf32, #tpu.memory_space<hbm>>
      tpu.wait_indirect_dma semaphore(%arg9 : memref<!tpu.dma_semaphore, #tpu.memory_space<semaphore_mem>>) src(%dma_wait3A_167 : memref<50000x64xf32, #tpu.memory_space<hbm>>) dst(%dma_wait3A_161 : memref<128x64xf32, #tpu.memory_space<vmem>>)
      %dma_wait3A_168 = arith.constant 0 : i32
      %dma_wait3A_169 = arith.constant 3 : i32
      %dma_wait3A_170 = arith.constant 0 : i32
      %dma_wait3A_171 = arith.constant 384 : i32
      %dma_wait3A_172 = arith.constant 0 : i32
      %dma_wait3A_173 = tpu.memref_slice %arg7[%dma_wait3A_170, %dma_wait3A_171, %dma_wait3A_172] : memref<2x512x64xf32, #tpu.memory_space<vmem>> -> memref<1x128x64xf32, #tpu.memory_space<vmem>>
      %dma_wait3A_174 = tpu.memref_squeeze %dma_wait3A_173 : memref<1x128x64xf32, #tpu.memory_space<vmem>> -> memref<128x64xf32, #tpu.memory_space<vmem>>
      %dma_wait3A_175 = arith.constant 0 : i32
      %dma_wait3A_176 = tpu.memref_slice %arg6[%dma_wait3A_168, %dma_wait3A_169, %dma_wait3A_175] : memref<2x4x128xi32, #tpu.memory_space<vmem>> -> memref<1x1x128xi32, #tpu.memory_space<vmem>>
      %dma_wait3A_177 = tpu.memref_squeeze %dma_wait3A_176 : memref<1x1x128xi32, #tpu.memory_space<vmem>> -> memref<128xi32, #tpu.memory_space<vmem>>
      %dma_wait3A_178 = arith.constant 0 : i32
      %dma_wait3A_179 = arith.constant 0 : i32
      %dma_wait3A_180 = tpu.memref_slice %arg2[%dma_wait3A_178, %dma_wait3A_179] : memref<50000x64xf32, #tpu.memory_space<hbm>> -> memref<50000x64xf32, #tpu.memory_space<hbm>>
      tpu.wait_indirect_dma semaphore(%arg9 : memref<!tpu.dma_semaphore, #tpu.memory_space<semaphore_mem>>) src(%dma_wait3A_180 : memref<50000x64xf32, #tpu.memory_space<hbm>>) dst(%dma_wait3A_174 : memref<128x64xf32, #tpu.memory_space<vmem>>)
      %mul3A_181 = arith.constant 512 : i32
      %mul3A_182 = arith.muli %mul3A_71, %mul3A_181 : i32
      %add3A_183 = arith.addi %mul3A_2, %mul3A_182 : i32
      %dma_wait3A_184 = arith.constant 0 : i32
      %dma_wait3A_185 = tpu.memref_slice %arg3[%add3A_183, %dma_wait3A_184] : memref<819200x64xf32, #tpu.memory_space<hbm>> -> memref<512x64xf32, #tpu.memory_space<hbm>>
      %dma_wait3A_186 = arith.constant 0 : i32
      %dma_wait3A_187 = tpu.memref_slice %arg3[%add3A_183, %dma_wait3A_186] : memref<819200x64xf32, #tpu.memory_space<hbm>> -> memref<512x64xf32, #tpu.memory_space<hbm>>
      tpu.wait_dma2 semaphore(%arg10 : memref<!tpu.dma_semaphore, #tpu.memory_space<semaphore_mem>>) src(%dma_wait3A_187 : memref<512x64xf32, #tpu.memory_space<hbm>>) dst(%arg8 : memref<512x64xf32, #tpu.memory_space<vmem>>)
      %scan3A_188 = arith.constant 0 : i32
      %scan3A_189 = arith.constant 0 : i32
      %scan3A_190 = arith.constant 256 : i32
      %scan3A_191 = arith.addi %scan3A_189, %scan3A_190 : i32
      %scan3A_192 = arith.constant 1 : i32
      scf.for %scan3A_287 = %scan3A_189 to %scan3A_191 step %scan3A_192  : i32 {
        %mul3A_288 = arith.constant 2 : i32
        %mul3A_289 = arith.muli %mul3A_288, %scan3A_287 : i32
        %add3A_290 = arith.constant 0 : i32
        %add3A_291 = arith.addi %mul3A_289, %add3A_290 : i32
        %get3A = arith.constant 0 : i32
        %get3A_292 = arith.index_cast %get3A : i32 to index
        %get3A_293 = arith.index_cast %add3A_291 : i32 to index
        %get3A_294 = arith.constant 0 : index
        %get3A_295 = tpu.vector_load %arg7[%get3A_292, %get3A_293, %get3A_294] {strides = array<i32>} : memref<2x512x64xf32, #tpu.memory_space<vmem>>, vector<1x1x16xf32>,
        %get3A_296 = vector.shape_cast %get3A_295 : vector<1x1x16xf32> to vector<16xf32>
        %add3A_297 = arith.constant 0 : i32
        %add3A_298 = arith.addi %mul3A_289, %add3A_297 : i32
        %get3A_299 = arith.index_cast %add3A_298 : i32 to index
        %get3A_300 = arith.constant 0 : index
        %get3A_301 = tpu.vector_load %arg8[%get3A_299, %get3A_300] {strides = array<i32>} : memref<512x64xf32, #tpu.memory_space<vmem>>, vector<1x16xf32>,
        %get3A_302 = vector.shape_cast %get3A_301 : vector<1x16xf32> to vector<16xf32>
        %add3A_303 = arith.addf %get3A_296, %get3A_302 : vector<16xf32>
        %max3A = arith.constant 0.000000e+00 : f32
        %max3A_304 = vector.broadcast %max3A : f32 to vector<16xf32>
        %max3A_305 = arith.maximumf %add3A_303, %max3A_304 : vector<16xf32>
        %add3A_306 = arith.constant 0 : i32
        %add3A_307 = arith.addi %mul3A_289, %add3A_306 : i32
        %swap3A = arith.constant 0 : i32
        %swap3A_308 = arith.index_cast %swap3A : i32 to index
        %swap3A_309 = arith.index_cast %add3A_307 : i32 to index
        %swap3A_310 = arith.constant 0 : index
        %swap3A_311 = tpu.vector_load %arg7[%swap3A_308, %swap3A_309, %swap3A_310] {strides = array<i32>} : memref<2x512x64xf32, #tpu.memory_space<vmem>>, vector<1x1x16xf32>,
        %swap3A_312 = vector.shape_cast %swap3A_311 : vector<1x1x16xf32> to vector<16xf32>
        %swap3A_313 = vector.shape_cast %max3A_305 : vector<16xf32> to vector<1x1x16xf32>
        tpu.vector_store %arg7[%swap3A_308, %swap3A_309, %swap3A_310], %swap3A_313 {strides = array<i32>} : memref<2x512x64xf32, #tpu.memory_space<vmem>>, vector<1x1x16xf32>,
        %add3A_314 = arith.constant 0 : i32
        %add3A_315 = arith.addi %mul3A_289, %add3A_314 : i32
        %get3A_316 = arith.constant 0 : i32
        %get3A_317 = arith.index_cast %get3A_316 : i32 to index
        %get3A_318 = arith.index_cast %add3A_315 : i32 to index
        %get3A_319 = arith.constant 16 : index
        %get3A_320 = tpu.vector_load %arg7[%get3A_317, %get3A_318, %get3A_319] {strides = array<i32>} : memref<2x512x64xf32, #tpu.memory_space<vmem>>, vector<1x1x16xf32>,
        %get3A_321 = vector.shape_cast %get3A_320 : vector<1x1x16xf32> to vector<16xf32>
        %add3A_322 = arith.constant 0 : i32
        %add3A_323 = arith.addi %mul3A_289, %add3A_322 : i32
        %get3A_324 = arith.index_cast %add3A_323 : i32 to index
        %get3A_325 = arith.constant 16 : index
        %get3A_326 = tpu.vector_load %arg8[%get3A_324, %get3A_325] {strides = array<i32>} : memref<512x64xf32, #tpu.memory_space<vmem>>, vector<1x16xf32>,
        %get3A_327 = vector.shape_cast %get3A_326 : vector<1x16xf32> to vector<16xf32>
        %add3A_328 = arith.addf %get3A_321, %get3A_327 : vector<16xf32>
        %max3A_329 = arith.constant 0.000000e+00 : f32
        %max3A_330 = vector.broadcast %max3A_329 : f32 to vector<16xf32>
        %max3A_331 = arith.maximumf %add3A_328, %max3A_330 : vector<16xf32>
        %add3A_332 = arith.constant 0 : i32
        %add3A_333 = arith.addi %mul3A_289, %add3A_332 : i32
        %swap3A_334 = arith.constant 0 : i32
        %swap3A_335 = arith.index_cast %swap3A_334 : i32 to index
        %swap3A_336 = arith.index_cast %add3A_333 : i32 to index
        %swap3A_337 = arith.constant 16 : index
        %swap3A_338 = tpu.vector_load %arg7[%swap3A_335, %swap3A_336, %swap3A_337] {strides = array<i32>} : memref<2x512x64xf32, #tpu.memory_space<vmem>>, vector<1x1x16xf32>,
        %swap3A_339 = vector.shape_cast %swap3A_338 : vector<1x1x16xf32> to vector<16xf32>
        %swap3A_340 = vector.shape_cast %max3A_331 : vector<16xf32> to vector<1x1x16xf32>
        tpu.vector_store %arg7[%swap3A_335, %swap3A_336, %swap3A_337], %swap3A_340 {strides = array<i32>} : memref<2x512x64xf32, #tpu.memory_space<vmem>>, vector<1x1x16xf32>,
        %add3A_341 = arith.constant 0 : i32
        %add3A_342 = arith.addi %mul3A_289, %add3A_341 : i32
        %get3A_343 = arith.constant 0 : i32
        %get3A_344 = arith.index_cast %get3A_343 : i32 to index
        %get3A_345 = arith.index_cast %add3A_342 : i32 to index
        %get3A_346 = arith.constant 32 : index
        %get3A_347 = tpu.vector_load %arg7[%get3A_344, %get3A_345, %get3A_346] {strides = array<i32>} : memref<2x512x64xf32, #tpu.memory_space<vmem>>, vector<1x1x16xf32>,
        %get3A_348 = vector.shape_cast %get3A_347 : vector<1x1x16xf32> to vector<16xf32>
        %add3A_349 = arith.constant 0 : i32
        %add3A_350 = arith.addi %mul3A_289, %add3A_349 : i32
        %get3A_351 = arith.index_cast %add3A_350 : i32 to index
        %get3A_352 = arith.constant 32 : index
        %get3A_353 = tpu.vector_load %arg8[%get3A_351, %get3A_352] {strides = array<i32>} : memref<512x64xf32, #tpu.memory_space<vmem>>, vector<1x16xf32>,
        %get3A_354 = vector.shape_cast %get3A_353 : vector<1x16xf32> to vector<16xf32>
        %add3A_355 = arith.addf %get3A_348, %get3A_354 : vector<16xf32>
        %max3A_356 = arith.constant 0.000000e+00 : f32
        %max3A_357 = vector.broadcast %max3A_356 : f32 to vector<16xf32>
        %max3A_358 = arith.maximumf %add3A_355, %max3A_357 : vector<16xf32>
        %add3A_359 = arith.constant 0 : i32
        %add3A_360 = arith.addi %mul3A_289, %add3A_359 : i32
        %swap3A_361 = arith.constant 0 : i32
        %swap3A_362 = arith.index_cast %swap3A_361 : i32 to index
        %swap3A_363 = arith.index_cast %add3A_360 : i32 to index
        %swap3A_364 = arith.constant 32 : index
        %swap3A_365 = tpu.vector_load %arg7[%swap3A_362, %swap3A_363, %swap3A_364] {strides = array<i32>} : memref<2x512x64xf32, #tpu.memory_space<vmem>>, vector<1x1x16xf32>,
        %swap3A_366 = vector.shape_cast %swap3A_365 : vector<1x1x16xf32> to vector<16xf32>
        %swap3A_367 = vector.shape_cast %max3A_358 : vector<16xf32> to vector<1x1x16xf32>
        tpu.vector_store %arg7[%swap3A_362, %swap3A_363, %swap3A_364], %swap3A_367 {strides = array<i32>} : memref<2x512x64xf32, #tpu.memory_space<vmem>>, vector<1x1x16xf32>,
        %add3A_368 = arith.constant 0 : i32
        %add3A_369 = arith.addi %mul3A_289, %add3A_368 : i32
        %get3A_370 = arith.constant 0 : i32
        %get3A_371 = arith.index_cast %get3A_370 : i32 to index
        %get3A_372 = arith.index_cast %add3A_369 : i32 to index
        %get3A_373 = arith.constant 48 : index
        %get3A_374 = tpu.vector_load %arg7[%get3A_371, %get3A_372, %get3A_373] {strides = array<i32>} : memref<2x512x64xf32, #tpu.memory_space<vmem>>, vector<1x1x16xf32>,
        %get3A_375 = vector.shape_cast %get3A_374 : vector<1x1x16xf32> to vector<16xf32>
        %add3A_376 = arith.constant 0 : i32
        %add3A_377 = arith.addi %mul3A_289, %add3A_376 : i32
        %get3A_378 = arith.index_cast %add3A_377 : i32 to index
        %get3A_379 = arith.constant 48 : index
        %get3A_380 = tpu.vector_load %arg8[%get3A_378, %get3A_379] {strides = array<i32>} : memref<512x64xf32, #tpu.memory_space<vmem>>, vector<1x16xf32>,
        %get3A_381 = vector.shape_cast %get3A_380 : vector<1x16xf32> to vector<16xf32>
        %add3A_382 = arith.addf %get3A_375, %get3A_381 : vector<16xf32>
        %max3A_383 = arith.constant 0.000000e+00 : f32
        %max3A_384 = vector.broadcast %max3A_383 : f32 to vector<16xf32>
        %max3A_385 = arith.maximumf %add3A_382, %max3A_384 : vector<16xf32>
        %add3A_386 = arith.constant 0 : i32
        %add3A_387 = arith.addi %mul3A_289, %add3A_386 : i32
        %swap3A_388 = arith.constant 0 : i32
        %swap3A_389 = arith.index_cast %swap3A_388 : i32 to index
        %swap3A_390 = arith.index_cast %add3A_387 : i32 to index
        %swap3A_391 = arith.constant 48 : index
        %swap3A_392 = tpu.vector_load %arg7[%swap3A_389, %swap3A_390, %swap3A_391] {strides = array<i32>} : memref<2x512x64xf32, #tpu.memory_space<vmem>>, vector<1x1x16xf32>,
        %swap3A_393 = vector.shape_cast %swap3A_392 : vector<1x1x16xf32> to vector<16xf32>
        %swap3A_394 = vector.shape_cast %max3A_385 : vector<16xf32> to vector<1x1x16xf32>
        tpu.vector_store %arg7[%swap3A_389, %swap3A_390, %swap3A_391], %swap3A_394 {strides = array<i32>} : memref<2x512x64xf32, #tpu.memory_space<vmem>>, vector<1x1x16xf32>,
        %add3A_395 = arith.constant 1 : i32
        %add3A_396 = arith.addi %mul3A_289, %add3A_395 : i32
        %get3A_397 = arith.constant 0 : i32
        %get3A_398 = arith.index_cast %get3A_397 : i32 to index
        %get3A_399 = arith.index_cast %add3A_396 : i32 to index
        %get3A_400 = arith.constant 0 : index
        %get3A_401 = tpu.vector_load %arg7[%get3A_398, %get3A_399, %get3A_400] {strides = array<i32>} : memref<2x512x64xf32, #tpu.memory_space<vmem>>, vector<1x1x16xf32>,
        %get3A_402 = vector.shape_cast %get3A_401 : vector<1x1x16xf32> to vector<16xf32>
        %add3A_403 = arith.constant 1 : i32
        %add3A_404 = arith.addi %mul3A_289, %add3A_403 : i32
        %get3A_405 = arith.index_cast %add3A_404 : i32 to index
        %get3A_406 = arith.constant 0 : index
        %get3A_407 = tpu.vector_load %arg8[%get3A_405, %get3A_406] {strides = array<i32>} : memref<512x64xf32, #tpu.memory_space<vmem>>, vector<1x16xf32>,
        %get3A_408 = vector.shape_cast %get3A_407 : vector<1x16xf32> to vector<16xf32>
        %add3A_409 = arith.addf %get3A_402, %get3A_408 : vector<16xf32>
        %max3A_410 = arith.constant 0.000000e+00 : f32
        %max3A_411 = vector.broadcast %max3A_410 : f32 to vector<16xf32>
        %max3A_412 = arith.maximumf %add3A_409, %max3A_411 : vector<16xf32>
        %add3A_413 = arith.constant 1 : i32
        %add3A_414 = arith.addi %mul3A_289, %add3A_413 : i32
        %swap3A_415 = arith.constant 0 : i32
        %swap3A_416 = arith.index_cast %swap3A_415 : i32 to index
        %swap3A_417 = arith.index_cast %add3A_414 : i32 to index
        %swap3A_418 = arith.constant 0 : index
        %swap3A_419 = tpu.vector_load %arg7[%swap3A_416, %swap3A_417, %swap3A_418] {strides = array<i32>} : memref<2x512x64xf32, #tpu.memory_space<vmem>>, vector<1x1x16xf32>,
        %swap3A_420 = vector.shape_cast %swap3A_419 : vector<1x1x16xf32> to vector<16xf32>
        %swap3A_421 = vector.shape_cast %max3A_412 : vector<16xf32> to vector<1x1x16xf32>
        tpu.vector_store %arg7[%swap3A_416, %swap3A_417, %swap3A_418], %swap3A_421 {strides = array<i32>} : memref<2x512x64xf32, #tpu.memory_space<vmem>>, vector<1x1x16xf32>,
        %add3A_422 = arith.constant 1 : i32
        %add3A_423 = arith.addi %mul3A_289, %add3A_422 : i32
        %get3A_424 = arith.constant 0 : i32
        %get3A_425 = arith.index_cast %get3A_424 : i32 to index
        %get3A_426 = arith.index_cast %add3A_423 : i32 to index
        %get3A_427 = arith.constant 16 : index
        %get3A_428 = tpu.vector_load %arg7[%get3A_425, %get3A_426, %get3A_427] {strides = array<i32>} : memref<2x512x64xf32, #tpu.memory_space<vmem>>, vector<1x1x16xf32>,
        %get3A_429 = vector.shape_cast %get3A_428 : vector<1x1x16xf32> to vector<16xf32>
        %add3A_430 = arith.constant 1 : i32
        %add3A_431 = arith.addi %mul3A_289, %add3A_430 : i32
        %get3A_432 = arith.index_cast %add3A_431 : i32 to index
        %get3A_433 = arith.constant 16 : index
        %get3A_434 = tpu.vector_load %arg8[%get3A_432, %get3A_433] {strides = array<i32>} : memref<512x64xf32, #tpu.memory_space<vmem>>, vector<1x16xf32>,
        %get3A_435 = vector.shape_cast %get3A_434 : vector<1x16xf32> to vector<16xf32>
        %add3A_436 = arith.addf %get3A_429, %get3A_435 : vector<16xf32>
        %max3A_437 = arith.constant 0.000000e+00 : f32
        %max3A_438 = vector.broadcast %max3A_437 : f32 to vector<16xf32>
        %max3A_439 = arith.maximumf %add3A_436, %max3A_438 : vector<16xf32>
        %add3A_440 = arith.constant 1 : i32
        %add3A_441 = arith.addi %mul3A_289, %add3A_440 : i32
        %swap3A_442 = arith.constant 0 : i32
        %swap3A_443 = arith.index_cast %swap3A_442 : i32 to index
        %swap3A_444 = arith.index_cast %add3A_441 : i32 to index
        %swap3A_445 = arith.constant 16 : index
        %swap3A_446 = tpu.vector_load %arg7[%swap3A_443, %swap3A_444, %swap3A_445] {strides = array<i32>} : memref<2x512x64xf32, #tpu.memory_space<vmem>>, vector<1x1x16xf32>,
        %swap3A_447 = vector.shape_cast %swap3A_446 : vector<1x1x16xf32> to vector<16xf32>
        %swap3A_448 = vector.shape_cast %max3A_439 : vector<16xf32> to vector<1x1x16xf32>
        tpu.vector_store %arg7[%swap3A_443, %swap3A_444, %swap3A_445], %swap3A_448 {strides = array<i32>} : memref<2x512x64xf32, #tpu.memory_space<vmem>>, vector<1x1x16xf32>,
        %add3A_449 = arith.constant 1 : i32
        %add3A_450 = arith.addi %mul3A_289, %add3A_449 : i32
        %get3A_451 = arith.constant 0 : i32
        %get3A_452 = arith.index_cast %get3A_451 : i32 to index
        %get3A_453 = arith.index_cast %add3A_450 : i32 to index
        %get3A_454 = arith.constant 32 : index
        %get3A_455 = tpu.vector_load %arg7[%get3A_452, %get3A_453, %get3A_454] {strides = array<i32>} : memref<2x512x64xf32, #tpu.memory_space<vmem>>, vector<1x1x16xf32>,
        %get3A_456 = vector.shape_cast %get3A_455 : vector<1x1x16xf32> to vector<16xf32>
        %add3A_457 = arith.constant 1 : i32
        %add3A_458 = arith.addi %mul3A_289, %add3A_457 : i32
        %get3A_459 = arith.index_cast %add3A_458 : i32 to index
        %get3A_460 = arith.constant 32 : index
        %get3A_461 = tpu.vector_load %arg8[%get3A_459, %get3A_460] {strides = array<i32>} : memref<512x64xf32, #tpu.memory_space<vmem>>, vector<1x16xf32>,
        %get3A_462 = vector.shape_cast %get3A_461 : vector<1x16xf32> to vector<16xf32>
        %add3A_463 = arith.addf %get3A_456, %get3A_462 : vector<16xf32>
        %max3A_464 = arith.constant 0.000000e+00 : f32
        %max3A_465 = vector.broadcast %max3A_464 : f32 to vector<16xf32>
        %max3A_466 = arith.maximumf %add3A_463, %max3A_465 : vector<16xf32>
        %add3A_467 = arith.constant 1 : i32
        %add3A_468 = arith.addi %mul3A_289, %add3A_467 : i32
        %swap3A_469 = arith.constant 0 : i32
        %swap3A_470 = arith.index_cast %swap3A_469 : i32 to index
        %swap3A_471 = arith.index_cast %add3A_468 : i32 to index
        %swap3A_472 = arith.constant 32 : index
        %swap3A_473 = tpu.vector_load %arg7[%swap3A_470, %swap3A_471, %swap3A_472] {strides = array<i32>} : memref<2x512x64xf32, #tpu.memory_space<vmem>>, vector<1x1x16xf32>,
        %swap3A_474 = vector.shape_cast %swap3A_473 : vector<1x1x16xf32> to vector<16xf32>
        %swap3A_475 = vector.shape_cast %max3A_466 : vector<16xf32> to vector<1x1x16xf32>
        tpu.vector_store %arg7[%swap3A_470, %swap3A_471, %swap3A_472], %swap3A_475 {strides = array<i32>} : memref<2x512x64xf32, #tpu.memory_space<vmem>>, vector<1x1x16xf32>,
        %add3A_476 = arith.constant 1 : i32
        %add3A_477 = arith.addi %mul3A_289, %add3A_476 : i32
        %get3A_478 = arith.constant 0 : i32
        %get3A_479 = arith.index_cast %get3A_478 : i32 to index
        %get3A_480 = arith.index_cast %add3A_477 : i32 to index
        %get3A_481 = arith.constant 48 : index
        %get3A_482 = tpu.vector_load %arg7[%get3A_479, %get3A_480, %get3A_481] {strides = array<i32>} : memref<2x512x64xf32, #tpu.memory_space<vmem>>, vector<1x1x16xf32>,
        %get3A_483 = vector.shape_cast %get3A_482 : vector<1x1x16xf32> to vector<16xf32>
        %add3A_484 = arith.constant 1 : i32
        %add3A_485 = arith.addi %mul3A_289, %add3A_484 : i32
        %get3A_486 = arith.index_cast %add3A_485 : i32 to index
        %get3A_487 = arith.constant 48 : index
        %get3A_488 = tpu.vector_load %arg8[%get3A_486, %get3A_487] {strides = array<i32>} : memref<512x64xf32, #tpu.memory_space<vmem>>, vector<1x16xf32>,
        %get3A_489 = vector.shape_cast %get3A_488 : vector<1x16xf32> to vector<16xf32>
        %add3A_490 = arith.addf %get3A_483, %get3A_489 : vector<16xf32>
        %max3A_491 = arith.constant 0.000000e+00 : f32
        %max3A_492 = vector.broadcast %max3A_491 : f32 to vector<16xf32>
        %max3A_493 = arith.maximumf %add3A_490, %max3A_492 : vector<16xf32>
        %add3A_494 = arith.constant 1 : i32
        %add3A_495 = arith.addi %mul3A_289, %add3A_494 : i32
        %swap3A_496 = arith.constant 0 : i32
        %swap3A_497 = arith.index_cast %swap3A_496 : i32 to index
        %swap3A_498 = arith.index_cast %add3A_495 : i32 to index
        %swap3A_499 = arith.constant 48 : index
        %swap3A_500 = tpu.vector_load %arg7[%swap3A_497, %swap3A_498, %swap3A_499] {strides = array<i32>} : memref<2x512x64xf32, #tpu.memory_space<vmem>>, vector<1x1x16xf32>,
        %swap3A_501 = vector.shape_cast %swap3A_500 : vector<1x1x16xf32> to vector<16xf32>
        %swap3A_502 = vector.shape_cast %max3A_493 : vector<16xf32> to vector<1x1x16xf32>
        tpu.vector_store %arg7[%swap3A_497, %swap3A_498, %swap3A_499], %swap3A_502 {strides = array<i32>} : memref<2x512x64xf32, #tpu.memory_space<vmem>>, vector<1x1x16xf32>,
      }
      %scan3A_193 = arith.constant 256 : i32
      %add3A_194 = arith.constant 1 : i32
      %add3A_195 = arith.addi %mul3A_71, %add3A_194 : i32
      %mul3A_196 = arith.constant 512 : i32
      %mul3A_197 = arith.muli %add3A_195, %mul3A_196 : i32
      %add3A_198 = arith.addi %mul3A_2, %mul3A_197 : i32
      %dma_start3A_199 = arith.constant 0 : i32
      %dma_start3A_200 = tpu.memref_slice %arg3[%add3A_198, %dma_start3A_199] : memref<819200x64xf32, #tpu.memory_space<hbm>> -> memref<512x64xf32, #tpu.memory_space<hbm>>
      %dma_start3A_201 = arith.constant 0 : i32
      %dma_start3A_202 = tpu.memref_slice %arg3[%add3A_198, %dma_start3A_201] : memref<819200x64xf32, #tpu.memory_space<hbm>> -> memref<512x64xf32, #tpu.memory_space<hbm>>
      tpu.enqueue_dma source(%dma_start3A_202 : memref<512x64xf32, #tpu.memory_space<hbm>>) target(%arg8 : memref<512x64xf32, #tpu.memory_space<vmem>>) target_semaphore(%arg10 : memref<!tpu.dma_semaphore, #tpu.memory_space<semaphore_mem>>)
      %mul3A_203 = arith.constant 512 : i32
      %mul3A_204 = arith.muli %mul3A_71, %mul3A_203 : i32
      %add3A_205 = arith.addi %mul3A_2, %mul3A_204 : i32
      %run_scoped3A_206 = arith.constant 0 : i32
      "tpu.region"() ({
        %run_scoped3A_287 = tpu.sem_alloc : memref<!tpu.dma_semaphore, #tpu.memory_space<semaphore_mem>>
        %dma_start3A_288 = arith.constant 0 : i32
        %dma_start3A_289 = arith.constant 0 : i32
        %dma_start3A_290 = tpu.memref_slice %arg7[%run_scoped3A_206, %dma_start3A_288, %dma_start3A_289] : memref<2x512x64xf32, #tpu.memory_space<vmem>> -> memref<1x512x64xf32, #tpu.memory_space<vmem>>
        %dma_start3A_291 = tpu.memref_squeeze %dma_start3A_290 : memref<1x512x64xf32, #tpu.memory_space<vmem>> -> memref<512x64xf32, #tpu.memory_space<vmem>>
        %dma_start3A_292 = arith.constant 0 : i32
        %dma_start3A_293 = tpu.memref_slice %arg5[%add3A_205, %dma_start3A_292] : memref<819200x64xf32, #tpu.memory_space<hbm>> -> memref<512x64xf32, #tpu.memory_space<hbm>>
        %dma_start3A_294 = arith.constant 0 : i32
        %dma_start3A_295 = tpu.memref_slice %arg5[%add3A_205, %dma_start3A_294] : memref<819200x64xf32, #tpu.memory_space<hbm>> -> memref<512x64xf32, #tpu.memory_space<hbm>>
        %dma_start3A_296 = arith.constant 0 : i32
        %dma_start3A_297 = arith.constant 0 : i32
        %dma_start3A_298 = tpu.memref_slice %arg7[%run_scoped3A_206, %dma_start3A_296, %dma_start3A_297] : memref<2x512x64xf32, #tpu.memory_space<vmem>> -> memref<1x512x64xf32, #tpu.memory_space<vmem>>
        %dma_start3A_299 = tpu.memref_squeeze %dma_start3A_298 : memref<1x512x64xf32, #tpu.memory_space<vmem>> -> memref<512x64xf32, #tpu.memory_space<vmem>>
        tpu.enqueue_dma source(%dma_start3A_299 : memref<512x64xf32, #tpu.memory_space<vmem>>) target(%dma_start3A_295 : memref<512x64xf32, #tpu.memory_space<hbm>>) target_semaphore(%run_scoped3A_287 : memref<!tpu.dma_semaphore, #tpu.memory_space<semaphore_mem>>)
        %dma_wait3A_300 = arith.constant 0 : i32
        %dma_wait3A_301 = arith.constant 0 : i32
        %dma_wait3A_302 = tpu.memref_slice %arg7[%run_scoped3A_206, %dma_wait3A_300, %dma_wait3A_301] : memref<2x512x64xf32, #tpu.memory_space<vmem>> -> memref<1x512x64xf32, #tpu.memory_space<vmem>>
        %dma_wait3A_303 = tpu.memref_squeeze %dma_wait3A_302 : memref<1x512x64xf32, #tpu.memory_space<vmem>> -> memref<512x64xf32, #tpu.memory_space<vmem>>
        %dma_wait3A_304 = arith.constant 0 : i32
        %dma_wait3A_305 = tpu.memref_slice %arg5[%add3A_205, %dma_wait3A_304] : memref<819200x64xf32, #tpu.memory_space<hbm>> -> memref<512x64xf32, #tpu.memory_space<hbm>>
        %dma_wait3A_306 = arith.constant 0 : i32
        %dma_wait3A_307 = tpu.memref_slice %arg5[%add3A_205, %dma_wait3A_306] : memref<819200x64xf32, #tpu.memory_space<hbm>> -> memref<512x64xf32, #tpu.memory_space<hbm>>
        %dma_wait3A_308 = arith.constant 0 : i32
        %dma_wait3A_309 = arith.constant 0 : i32
        %dma_wait3A_310 = tpu.memref_slice %arg7[%run_scoped3A_206, %dma_wait3A_308, %dma_wait3A_309] : memref<2x512x64xf32, #tpu.memory_space<vmem>> -> memref<1x512x64xf32, #tpu.memory_space<vmem>>
        %dma_wait3A_311 = tpu.memref_squeeze %dma_wait3A_310 : memref<1x512x64xf32, #tpu.memory_space<vmem>> -> memref<512x64xf32, #tpu.memory_space<vmem>>
        tpu.wait_dma2 semaphore(%run_scoped3A_287 : memref<!tpu.dma_semaphore, #tpu.memory_space<semaphore_mem>>) src(%dma_wait3A_311 : memref<512x64xf32, #tpu.memory_space<vmem>>) dst(%dma_wait3A_307 : memref<512x64xf32, #tpu.memory_space<hbm>>)
        tpu.yield
      }) : () -> ()
      %lt3A = arith.constant 24 : i32
      %lt3A_207 = arith.cmpi slt, %scan3A_69, %lt3A : i32
      %convert_element_type3A = arith.extui %lt3A_207 : i1 to i32
      %cond3A = arith.constant 0 : i32
      %cond3A_208 = arith.cmpi ne, %convert_element_type3A, %cond3A : i32
      scf.if %cond3A_208 {
        %add3A_287 = arith.constant 2 : i32
        %add3A_288 = arith.addi %mul3A_71, %add3A_287 : i32
        %mul3A_289 = arith.constant 4 : i32
        %mul3A_290 = arith.muli %add3A_288, %mul3A_289 : i32
        %add3A_291 = arith.addi %mul3A_4, %mul3A_290 : i32
        %run_scoped3A_292 = arith.constant 0 : i32
        "tpu.region"() ({
          %run_scoped3A_345 = tpu.sem_alloc : memref<!tpu.dma_semaphore, #tpu.memory_space<semaphore_mem>>
          %dma_start3A_346 = arith.constant 0 : i32
          %dma_start3A_347 = arith.constant 0 : i32
          %dma_start3A_348 = tpu.memref_slice %arg6[%run_scoped3A_292, %dma_start3A_346, %dma_start3A_347] : memref<2x4x128xi32, #tpu.memory_space<vmem>> -> memref<1x4x128xi32, #tpu.memory_space<vmem>>
          %dma_start3A_349 = tpu.memref_squeeze %dma_start3A_348 : memref<1x4x128xi32, #tpu.memory_space<vmem>> -> memref<4x128xi32, #tpu.memory_space<vmem>>
          %dma_start3A_350 = arith.constant 0 : i32
          %dma_start3A_351 = tpu.memref_slice %arg4[%add3A_291, %dma_start3A_350] : memref<6400x128xi32, #tpu.memory_space<hbm>> -> memref<4x128xi32, #tpu.memory_space<hbm>>
          %dma_start3A_352 = arith.constant 0 : i32
          %dma_start3A_353 = arith.constant 0 : i32
          %dma_start3A_354 = tpu.memref_slice %arg6[%run_scoped3A_292, %dma_start3A_352, %dma_start3A_353] : memref<2x4x128xi32, #tpu.memory_space<vmem>> -> memref<1x4x128xi32, #tpu.memory_space<vmem>>
          %dma_start3A_355 = tpu.memref_squeeze %dma_start3A_354 : memref<1x4x128xi32, #tpu.memory_space<vmem>> -> memref<4x128xi32, #tpu.memory_space<vmem>>
          %dma_start3A_356 = arith.constant 0 : i32
          %dma_start3A_357 = tpu.memref_slice %arg4[%add3A_291, %dma_start3A_356] : memref<6400x128xi32, #tpu.memory_space<hbm>> -> memref<4x128xi32, #tpu.memory_space<hbm>>
          tpu.enqueue_dma source(%dma_start3A_357 : memref<4x128xi32, #tpu.memory_space<hbm>>) target(%dma_start3A_355 : memref<4x128xi32, #tpu.memory_space<vmem>>) target_semaphore(%run_scoped3A_345 : memref<!tpu.dma_semaphore, #tpu.memory_space<semaphore_mem>>)
          %dma_wait3A_358 = arith.constant 0 : i32
          %dma_wait3A_359 = arith.constant 0 : i32
          %dma_wait3A_360 = tpu.memref_slice %arg6[%run_scoped3A_292, %dma_wait3A_358, %dma_wait3A_359] : memref<2x4x128xi32, #tpu.memory_space<vmem>> -> memref<1x4x128xi32, #tpu.memory_space<vmem>>
          %dma_wait3A_361 = tpu.memref_squeeze %dma_wait3A_360 : memref<1x4x128xi32, #tpu.memory_space<vmem>> -> memref<4x128xi32, #tpu.memory_space<vmem>>
          %dma_wait3A_362 = arith.constant 0 : i32
          %dma_wait3A_363 = tpu.memref_slice %arg4[%add3A_291, %dma_wait3A_362] : memref<6400x128xi32, #tpu.memory_space<hbm>> -> memref<4x128xi32, #tpu.memory_space<hbm>>
          %dma_wait3A_364 = arith.constant 0 : i32
          %dma_wait3A_365 = arith.constant 0 : i32
          %dma_wait3A_366 = tpu.memref_slice %arg6[%run_scoped3A_292, %dma_wait3A_364, %dma_wait3A_365] : memref<2x4x128xi32, #tpu.memory_space<vmem>> -> memref<1x4x128xi32, #tpu.memory_space<vmem>>
          %dma_wait3A_367 = tpu.memref_squeeze %dma_wait3A_366 : memref<1x4x128xi32, #tpu.memory_space<vmem>> -> memref<4x128xi32, #tpu.memory_space<vmem>>
          %dma_wait3A_368 = arith.constant 0 : i32
          %dma_wait3A_369 = tpu.memref_slice %arg4[%add3A_291, %dma_wait3A_368] : memref<6400x128xi32, #tpu.memory_space<hbm>> -> memref<4x128xi32, #tpu.memory_space<hbm>>
          tpu.wait_dma2 semaphore(%run_scoped3A_345 : memref<!tpu.dma_semaphore, #tpu.memory_space<semaphore_mem>>) src(%dma_wait3A_369 : memref<4x128xi32, #tpu.memory_space<hbm>>) dst(%dma_wait3A_367 : memref<4x128xi32, #tpu.memory_space<vmem>>)
          tpu.yield
        }) : () -> ()
        %dma_start3A_293 = arith.constant 0 : i32
        %dma_start3A_294 = arith.constant 0 : i32
        %dma_start3A_295 = arith.constant 0 : i32
        %dma_start3A_296 = arith.constant 0 : i32
        %dma_start3A_297 = arith.constant 0 : i32
        %dma_start3A_298 = tpu.memref_slice %arg7[%dma_start3A_295, %dma_start3A_296, %dma_start3A_297] : memref<2x512x64xf32, #tpu.memory_space<vmem>> -> memref<1x128x64xf32, #tpu.memory_space<vmem>>
        %dma_start3A_299 = tpu.memref_squeeze %dma_start3A_298 : memref<1x128x64xf32, #tpu.memory_space<vmem>> -> memref<128x64xf32, #tpu.memory_space<vmem>>
        %dma_start3A_300 = arith.constant 0 : i32
        %dma_start3A_301 = tpu.memref_slice %arg6[%dma_start3A_293, %dma_start3A_294, %dma_start3A_300] : memref<2x4x128xi32, #tpu.memory_space<vmem>> -> memref<1x1x128xi32, #tpu.memory_space<vmem>>
        %dma_start3A_302 = tpu.memref_squeeze %dma_start3A_301 : memref<1x1x128xi32, #tpu.memory_space<vmem>> -> memref<128xi32, #tpu.memory_space<vmem>>
        %dma_start3A_303 = arith.constant 0 : i32
        %dma_start3A_304 = arith.constant 0 : i32
        %dma_start3A_305 = tpu.memref_slice %arg2[%dma_start3A_303, %dma_start3A_304] : memref<50000x64xf32, #tpu.memory_space<hbm>> -> memref<50000x64xf32, #tpu.memory_space<hbm>>
        tpu.enqueue_indirect_dma source(%dma_start3A_305 : memref<50000x64xf32, #tpu.memory_space<hbm>>) target(%dma_start3A_299 : memref<128x64xf32, #tpu.memory_space<vmem>>) offsets(%dma_start3A_302 : memref<128xi32, #tpu.memory_space<vmem>>) semaphore(%arg9 : memref<!tpu.dma_semaphore, #tpu.memory_space<semaphore_mem>>)
        %dma_start3A_306 = arith.constant 0 : i32
        %dma_start3A_307 = arith.constant 1 : i32
        %dma_start3A_308 = arith.constant 0 : i32
        %dma_start3A_309 = arith.constant 128 : i32
        %dma_start3A_310 = arith.constant 0 : i32
        %dma_start3A_311 = tpu.memref_slice %arg7[%dma_start3A_308, %dma_start3A_309, %dma_start3A_310] : memref<2x512x64xf32, #tpu.memory_space<vmem>> -> memref<1x128x64xf32, #tpu.memory_space<vmem>>
        %dma_start3A_312 = tpu.memref_squeeze %dma_start3A_311 : memref<1x128x64xf32, #tpu.memory_space<vmem>> -> memref<128x64xf32, #tpu.memory_space<vmem>>
        %dma_start3A_313 = arith.constant 0 : i32
        %dma_start3A_314 = tpu.memref_slice %arg6[%dma_start3A_306, %dma_start3A_307, %dma_start3A_313] : memref<2x4x128xi32, #tpu.memory_space<vmem>> -> memref<1x1x128xi32, #tpu.memory_space<vmem>>
        %dma_start3A_315 = tpu.memref_squeeze %dma_start3A_314 : memref<1x1x128xi32, #tpu.memory_space<vmem>> -> memref<128xi32, #tpu.memory_space<vmem>>
        %dma_start3A_316 = arith.constant 0 : i32
        %dma_start3A_317 = arith.constant 0 : i32
        %dma_start3A_318 = tpu.memref_slice %arg2[%dma_start3A_316, %dma_start3A_317] : memref<50000x64xf32, #tpu.memory_space<hbm>> -> memref<50000x64xf32, #tpu.memory_space<hbm>>
        tpu.enqueue_indirect_dma source(%dma_start3A_318 : memref<50000x64xf32, #tpu.memory_space<hbm>>) target(%dma_start3A_312 : memref<128x64xf32, #tpu.memory_space<vmem>>) offsets(%dma_start3A_315 : memref<128xi32, #tpu.memory_space<vmem>>) semaphore(%arg9 : memref<!tpu.dma_semaphore, #tpu.memory_space<semaphore_mem>>)
        %dma_start3A_319 = arith.constant 0 : i32
        %dma_start3A_320 = arith.constant 2 : i32
        %dma_start3A_321 = arith.constant 0 : i32
        %dma_start3A_322 = arith.constant 256 : i32
        %dma_start3A_323 = arith.constant 0 : i32
        %dma_start3A_324 = tpu.memref_slice %arg7[%dma_start3A_321, %dma_start3A_322, %dma_start3A_323] : memref<2x512x64xf32, #tpu.memory_space<vmem>> -> memref<1x128x64xf32, #tpu.memory_space<vmem>>
        %dma_start3A_325 = tpu.memref_squeeze %dma_start3A_324 : memref<1x128x64xf32, #tpu.memory_space<vmem>> -> memref<128x64xf32, #tpu.memory_space<vmem>>
        %dma_start3A_326 = arith.constant 0 : i32
        %dma_start3A_327 = tpu.memref_slice %arg6[%dma_start3A_319, %dma_start3A_320, %dma_start3A_326] : memref<2x4x128xi32, #tpu.memory_space<vmem>> -> memref<1x1x128xi32, #tpu.memory_space<vmem>>
        %dma_start3A_328 = tpu.memref_squeeze %dma_start3A_327 : memref<1x1x128xi32, #tpu.memory_space<vmem>> -> memref<128xi32, #tpu.memory_space<vmem>>
        %dma_start3A_329 = arith.constant 0 : i32
        %dma_start3A_330 = arith.constant 0 : i32
        %dma_start3A_331 = tpu.memref_slice %arg2[%dma_start3A_329, %dma_start3A_330] : memref<50000x64xf32, #tpu.memory_space<hbm>> -> memref<50000x64xf32, #tpu.memory_space<hbm>>
        tpu.enqueue_indirect_dma source(%dma_start3A_331 : memref<50000x64xf32, #tpu.memory_space<hbm>>) target(%dma_start3A_325 : memref<128x64xf32, #tpu.memory_space<vmem>>) offsets(%dma_start3A_328 : memref<128xi32, #tpu.memory_space<vmem>>) semaphore(%arg9 : memref<!tpu.dma_semaphore, #tpu.memory_space<semaphore_mem>>)
        %dma_start3A_332 = arith.constant 0 : i32
        %dma_start3A_333 = arith.constant 3 : i32
        %dma_start3A_334 = arith.constant 0 : i32
        %dma_start3A_335 = arith.constant 384 : i32
        %dma_start3A_336 = arith.constant 0 : i32
        %dma_start3A_337 = tpu.memref_slice %arg7[%dma_start3A_334, %dma_start3A_335, %dma_start3A_336] : memref<2x512x64xf32, #tpu.memory_space<vmem>> -> memref<1x128x64xf32, #tpu.memory_space<vmem>>
        %dma_start3A_338 = tpu.memref_squeeze %dma_start3A_337 : memref<1x128x64xf32, #tpu.memory_space<vmem>> -> memref<128x64xf32, #tpu.memory_space<vmem>>
        %dma_start3A_339 = arith.constant 0 : i32
        %dma_start3A_340 = tpu.memref_slice %arg6[%dma_start3A_332, %dma_start3A_333, %dma_start3A_339] : memref<2x4x128xi32, #tpu.memory_space<vmem>> -> memref<1x1x128xi32, #tpu.memory_space<vmem>>
        %dma_start3A_341 = tpu.memref_squeeze %dma_start3A_340 : memref<1x1x128xi32, #tpu.memory_space<vmem>> -> memref<128xi32, #tpu.memory_space<vmem>>
        %dma_start3A_342 = arith.constant 0 : i32
        %dma_start3A_343 = arith.constant 0 : i32
        %dma_start3A_344 = tpu.memref_slice %arg2[%dma_start3A_342, %dma_start3A_343] : memref<50000x64xf32, #tpu.memory_space<hbm>> -> memref<50000x64xf32, #tpu.memory_space<hbm>>
        tpu.enqueue_indirect_dma source(%dma_start3A_344 : memref<50000x64xf32, #tpu.memory_space<hbm>>) target(%dma_start3A_338 : memref<128x64xf32, #tpu.memory_space<vmem>>) offsets(%dma_start3A_341 : memref<128xi32, #tpu.memory_space<vmem>>) semaphore(%arg9 : memref<!tpu.dma_semaphore, #tpu.memory_space<semaphore_mem>>)
      } else {
      }
      %dma_wait3A_209 = arith.constant 1 : i32
      %dma_wait3A_210 = arith.constant 0 : i32
      %dma_wait3A_211 = arith.constant 1 : i32
      %dma_wait3A_212 = arith.constant 0 : i32
      %dma_wait3A_213 = arith.constant 0 : i32
      %dma_wait3A_214 = tpu.memref_slice %arg7[%dma_wait3A_211, %dma_wait3A_212, %dma_wait3A_213] : memref<2x512x64xf32, #tpu.memory_space<vmem>> -> memref<1x128x64xf32, #tpu.memory_space<vmem>>
      %dma_wait3A_215 = tpu.memref_squeeze %dma_wait3A_214 : memref<1x128x64xf32, #tpu.memory_space<vmem>> -> memref<128x64xf32, #tpu.memory_space<vmem>>
      %dma_wait3A_216 = arith.constant 0 : i32
      %dma_wait3A_217 = tpu.memref_slice %arg6[%dma_wait3A_209, %dma_wait3A_210, %dma_wait3A_216] : memref<2x4x128xi32, #tpu.memory_space<vmem>> -> memref<1x1x128xi32, #tpu.memory_space<vmem>>
      %dma_wait3A_218 = tpu.memref_squeeze %dma_wait3A_217 : memref<1x1x128xi32, #tpu.memory_space<vmem>> -> memref<128xi32, #tpu.memory_space<vmem>>
      %dma_wait3A_219 = arith.constant 0 : i32
      %dma_wait3A_220 = arith.constant 0 : i32
      %dma_wait3A_221 = tpu.memref_slice %arg2[%dma_wait3A_219, %dma_wait3A_220] : memref<50000x64xf32, #tpu.memory_space<hbm>> -> memref<50000x64xf32, #tpu.memory_space<hbm>>
      tpu.wait_indirect_dma semaphore(%arg9 : memref<!tpu.dma_semaphore, #tpu.memory_space<semaphore_mem>>) src(%dma_wait3A_221 : memref<50000x64xf32, #tpu.memory_space<hbm>>) dst(%dma_wait3A_215 : memref<128x64xf32, #tpu.memory_space<vmem>>)
      %dma_wait3A_222 = arith.constant 1 : i32
      %dma_wait3A_223 = arith.constant 1 : i32
      %dma_wait3A_224 = arith.constant 1 : i32
      %dma_wait3A_225 = arith.constant 128 : i32
      %dma_wait3A_226 = arith.constant 0 : i32
      %dma_wait3A_227 = tpu.memref_slice %arg7[%dma_wait3A_224, %dma_wait3A_225, %dma_wait3A_226] : memref<2x512x64xf32, #tpu.memory_space<vmem>> -> memref<1x128x64xf32, #tpu.memory_space<vmem>>
      %dma_wait3A_228 = tpu.memref_squeeze %dma_wait3A_227 : memref<1x128x64xf32, #tpu.memory_space<vmem>> -> memref<128x64xf32, #tpu.memory_space<vmem>>
      %dma_wait3A_229 = arith.constant 0 : i32
      %dma_wait3A_230 = tpu.memref_slice %arg6[%dma_wait3A_222, %dma_wait3A_223, %dma_wait3A_229] : memref<2x4x128xi32, #tpu.memory_space<vmem>> -> memref<1x1x128xi32, #tpu.memory_space<vmem>>
      %dma_wait3A_231 = tpu.memref_squeeze %dma_wait3A_230 : memref<1x1x128xi32, #tpu.memory_space<vmem>> -> memref<128xi32, #tpu.memory_space<vmem>>
      %dma_wait3A_232 = arith.constant 0 : i32
      %dma_wait3A_233 = arith.constant 0 : i32
      %dma_wait3A_234 = tpu.memref_slice %arg2[%dma_wait3A_232, %dma_wait3A_233] : memref<50000x64xf32, #tpu.memory_space<hbm>> -> memref<50000x64xf32, #tpu.memory_space<hbm>>
      tpu.wait_indirect_dma semaphore(%arg9 : memref<!tpu.dma_semaphore, #tpu.memory_space<semaphore_mem>>) src(%dma_wait3A_234 : memref<50000x64xf32, #tpu.memory_space<hbm>>) dst(%dma_wait3A_228 : memref<128x64xf32, #tpu.memory_space<vmem>>)
      %dma_wait3A_235 = arith.constant 1 : i32
      %dma_wait3A_236 = arith.constant 2 : i32
      %dma_wait3A_237 = arith.constant 1 : i32
      %dma_wait3A_238 = arith.constant 256 : i32
      %dma_wait3A_239 = arith.constant 0 : i32
      %dma_wait3A_240 = tpu.memref_slice %arg7[%dma_wait3A_237, %dma_wait3A_238, %dma_wait3A_239] : memref<2x512x64xf32, #tpu.memory_space<vmem>> -> memref<1x128x64xf32, #tpu.memory_space<vmem>>
      %dma_wait3A_241 = tpu.memref_squeeze %dma_wait3A_240 : memref<1x128x64xf32, #tpu.memory_space<vmem>> -> memref<128x64xf32, #tpu.memory_space<vmem>>
      %dma_wait3A_242 = arith.constant 0 : i32
      %dma_wait3A_243 = tpu.memref_slice %arg6[%dma_wait3A_235, %dma_wait3A_236, %dma_wait3A_242] : memref<2x4x128xi32, #tpu.memory_space<vmem>> -> memref<1x1x128xi32, #tpu.memory_space<vmem>>
      %dma_wait3A_244 = tpu.memref_squeeze %dma_wait3A_243 : memref<1x1x128xi32, #tpu.memory_space<vmem>> -> memref<128xi32, #tpu.memory_space<vmem>>
      %dma_wait3A_245 = arith.constant 0 : i32
      %dma_wait3A_246 = arith.constant 0 : i32
      %dma_wait3A_247 = tpu.memref_slice %arg2[%dma_wait3A_245, %dma_wait3A_246] : memref<50000x64xf32, #tpu.memory_space<hbm>> -> memref<50000x64xf32, #tpu.memory_space<hbm>>
      tpu.wait_indirect_dma semaphore(%arg9 : memref<!tpu.dma_semaphore, #tpu.memory_space<semaphore_mem>>) src(%dma_wait3A_247 : memref<50000x64xf32, #tpu.memory_space<hbm>>) dst(%dma_wait3A_241 : memref<128x64xf32, #tpu.memory_space<vmem>>)
      %dma_wait3A_248 = arith.constant 1 : i32
      %dma_wait3A_249 = arith.constant 3 : i32
      %dma_wait3A_250 = arith.constant 1 : i32
      %dma_wait3A_251 = arith.constant 384 : i32
      %dma_wait3A_252 = arith.constant 0 : i32
      %dma_wait3A_253 = tpu.memref_slice %arg7[%dma_wait3A_250, %dma_wait3A_251, %dma_wait3A_252] : memref<2x512x64xf32, #tpu.memory_space<vmem>> -> memref<1x128x64xf32, #tpu.memory_space<vmem>>
      %dma_wait3A_254 = tpu.memref_squeeze %dma_wait3A_253 : memref<1x128x64xf32, #tpu.memory_space<vmem>> -> memref<128x64xf32, #tpu.memory_space<vmem>>
      %dma_wait3A_255 = arith.constant 0 : i32
      %dma_wait3A_256 = tpu.memref_slice %arg6[%dma_wait3A_248, %dma_wait3A_249, %dma_wait3A_255] : memref<2x4x128xi32, #tpu.memory_space<vmem>> -> memref<1x1x128xi32, #tpu.memory_space<vmem>>
      %dma_wait3A_257 = tpu.memref_squeeze %dma_wait3A_256 : memref<1x1x128xi32, #tpu.memory_space<vmem>> -> memref<128xi32, #tpu.memory_space<vmem>>
      %dma_wait3A_258 = arith.constant 0 : i32
      %dma_wait3A_259 = arith.constant 0 : i32
      %dma_wait3A_260 = tpu.memref_slice %arg2[%dma_wait3A_258, %dma_wait3A_259] : memref<50000x64xf32, #tpu.memory_space<hbm>> -> memref<50000x64xf32, #tpu.memory_space<hbm>>
      tpu.wait_indirect_dma semaphore(%arg9 : memref<!tpu.dma_semaphore, #tpu.memory_space<semaphore_mem>>) src(%dma_wait3A_260 : memref<50000x64xf32, #tpu.memory_space<hbm>>) dst(%dma_wait3A_254 : memref<128x64xf32, #tpu.memory_space<vmem>>)
      %add3A_261 = arith.constant 1 : i32
      %add3A_262 = arith.addi %mul3A_71, %add3A_261 : i32
      %mul3A_263 = arith.constant 512 : i32
      %mul3A_264 = arith.muli %add3A_262, %mul3A_263 : i32
      %add3A_265 = arith.addi %mul3A_2, %mul3A_264 : i32
      %dma_wait3A_266 = arith.constant 0 : i32
      %dma_wait3A_267 = tpu.memref_slice %arg3[%add3A_265, %dma_wait3A_266] : memref<819200x64xf32, #tpu.memory_space<hbm>> -> memref<512x64xf32, #tpu.memory_space<hbm>>
      %dma_wait3A_268 = arith.constant 0 : i32
      %dma_wait3A_269 = tpu.memref_slice %arg3[%add3A_265, %dma_wait3A_268] : memref<819200x64xf32, #tpu.memory_space<hbm>> -> memref<512x64xf32, #tpu.memory_space<hbm>>
      tpu.wait_dma2 semaphore(%arg10 : memref<!tpu.dma_semaphore, #tpu.memory_space<semaphore_mem>>) src(%dma_wait3A_269 : memref<512x64xf32, #tpu.memory_space<hbm>>) dst(%arg8 : memref<512x64xf32, #tpu.memory_space<vmem>>)
      %scan3A_270 = arith.constant 0 : i32
      %scan3A_271 = arith.constant 0 : i32
      %scan3A_272 = arith.constant 256 : i32
      %scan3A_273 = arith.addi %scan3A_271, %scan3A_272 : i32
      %scan3A_274 = arith.constant 1 : i32
      scf.for %scan3A_287 = %scan3A_271 to %scan3A_273 step %scan3A_274  : i32 {
        %mul3A_288 = arith.constant 2 : i32
        %mul3A_289 = arith.muli %mul3A_288, %scan3A_287 : i32
        %add3A_290 = arith.constant 0 : i32
        %add3A_291 = arith.addi %mul3A_289, %add3A_290 : i32
        %get3A = arith.constant 1 : i32
        %get3A_292 = arith.index_cast %get3A : i32 to index
        %get3A_293 = arith.index_cast %add3A_291 : i32 to index
        %get3A_294 = arith.constant 0 : index
        %get3A_295 = tpu.vector_load %arg7[%get3A_292, %get3A_293, %get3A_294] {strides = array<i32>} : memref<2x512x64xf32, #tpu.memory_space<vmem>>, vector<1x1x16xf32>,
        %get3A_296 = vector.shape_cast %get3A_295 : vector<1x1x16xf32> to vector<16xf32>
        %add3A_297 = arith.constant 0 : i32
        %add3A_298 = arith.addi %mul3A_289, %add3A_297 : i32
        %get3A_299 = arith.index_cast %add3A_298 : i32 to index
        %get3A_300 = arith.constant 0 : index
        %get3A_301 = tpu.vector_load %arg8[%get3A_299, %get3A_300] {strides = array<i32>} : memref<512x64xf32, #tpu.memory_space<vmem>>, vector<1x16xf32>,
        %get3A_302 = vector.shape_cast %get3A_301 : vector<1x16xf32> to vector<16xf32>
        %add3A_303 = arith.addf %get3A_296, %get3A_302 : vector<16xf32>
        %max3A = arith.constant 0.000000e+00 : f32
        %max3A_304 = vector.broadcast %max3A : f32 to vector<16xf32>
        %max3A_305 = arith.maximumf %add3A_303, %max3A_304 : vector<16xf32>
        %add3A_306 = arith.constant 0 : i32
        %add3A_307 = arith.addi %mul3A_289, %add3A_306 : i32
        %swap3A = arith.constant 1 : i32
        %swap3A_308 = arith.index_cast %swap3A : i32 to index
        %swap3A_309 = arith.index_cast %add3A_307 : i32 to index
        %swap3A_310 = arith.constant 0 : index
        %swap3A_311 = tpu.vector_load %arg7[%swap3A_308, %swap3A_309, %swap3A_310] {strides = array<i32>} : memref<2x512x64xf32, #tpu.memory_space<vmem>>, vector<1x1x16xf32>,
        %swap3A_312 = vector.shape_cast %swap3A_311 : vector<1x1x16xf32> to vector<16xf32>
        %swap3A_313 = vector.shape_cast %max3A_305 : vector<16xf32> to vector<1x1x16xf32>
        tpu.vector_store %arg7[%swap3A_308, %swap3A_309, %swap3A_310], %swap3A_313 {strides = array<i32>} : memref<2x512x64xf32, #tpu.memory_space<vmem>>, vector<1x1x16xf32>,
        %add3A_314 = arith.constant 0 : i32
        %add3A_315 = arith.addi %mul3A_289, %add3A_314 : i32
        %get3A_316 = arith.constant 1 : i32
        %get3A_317 = arith.index_cast %get3A_316 : i32 to index
        %get3A_318 = arith.index_cast %add3A_315 : i32 to index
        %get3A_319 = arith.constant 16 : index
        %get3A_320 = tpu.vector_load %arg7[%get3A_317, %get3A_318, %get3A_319] {strides = array<i32>} : memref<2x512x64xf32, #tpu.memory_space<vmem>>, vector<1x1x16xf32>,
        %get3A_321 = vector.shape_cast %get3A_320 : vector<1x1x16xf32> to vector<16xf32>
        %add3A_322 = arith.constant 0 : i32
        %add3A_323 = arith.addi %mul3A_289, %add3A_322 : i32
        %get3A_324 = arith.index_cast %add3A_323 : i32 to index
        %get3A_325 = arith.constant 16 : index
        %get3A_326 = tpu.vector_load %arg8[%get3A_324, %get3A_325] {strides = array<i32>} : memref<512x64xf32, #tpu.memory_space<vmem>>, vector<1x16xf32>,
        %get3A_327 = vector.shape_cast %get3A_326 : vector<1x16xf32> to vector<16xf32>
        %add3A_328 = arith.addf %get3A_321, %get3A_327 : vector<16xf32>
        %max3A_329 = arith.constant 0.000000e+00 : f32
        %max3A_330 = vector.broadcast %max3A_329 : f32 to vector<16xf32>
        %max3A_331 = arith.maximumf %add3A_328, %max3A_330 : vector<16xf32>
        %add3A_332 = arith.constant 0 : i32
        %add3A_333 = arith.addi %mul3A_289, %add3A_332 : i32
        %swap3A_334 = arith.constant 1 : i32
        %swap3A_335 = arith.index_cast %swap3A_334 : i32 to index
        %swap3A_336 = arith.index_cast %add3A_333 : i32 to index
        %swap3A_337 = arith.constant 16 : index
        %swap3A_338 = tpu.vector_load %arg7[%swap3A_335, %swap3A_336, %swap3A_337] {strides = array<i32>} : memref<2x512x64xf32, #tpu.memory_space<vmem>>, vector<1x1x16xf32>,
        %swap3A_339 = vector.shape_cast %swap3A_338 : vector<1x1x16xf32> to vector<16xf32>
        %swap3A_340 = vector.shape_cast %max3A_331 : vector<16xf32> to vector<1x1x16xf32>
        tpu.vector_store %arg7[%swap3A_335, %swap3A_336, %swap3A_337], %swap3A_340 {strides = array<i32>} : memref<2x512x64xf32, #tpu.memory_space<vmem>>, vector<1x1x16xf32>,
        %add3A_341 = arith.constant 0 : i32
        %add3A_342 = arith.addi %mul3A_289, %add3A_341 : i32
        %get3A_343 = arith.constant 1 : i32
        %get3A_344 = arith.index_cast %get3A_343 : i32 to index
        %get3A_345 = arith.index_cast %add3A_342 : i32 to index
        %get3A_346 = arith.constant 32 : index
        %get3A_347 = tpu.vector_load %arg7[%get3A_344, %get3A_345, %get3A_346] {strides = array<i32>} : memref<2x512x64xf32, #tpu.memory_space<vmem>>, vector<1x1x16xf32>,
        %get3A_348 = vector.shape_cast %get3A_347 : vector<1x1x16xf32> to vector<16xf32>
        %add3A_349 = arith.constant 0 : i32
        %add3A_350 = arith.addi %mul3A_289, %add3A_349 : i32
        %get3A_351 = arith.index_cast %add3A_350 : i32 to index
        %get3A_352 = arith.constant 32 : index
        %get3A_353 = tpu.vector_load %arg8[%get3A_351, %get3A_352] {strides = array<i32>} : memref<512x64xf32, #tpu.memory_space<vmem>>, vector<1x16xf32>,
        %get3A_354 = vector.shape_cast %get3A_353 : vector<1x16xf32> to vector<16xf32>
        %add3A_355 = arith.addf %get3A_348, %get3A_354 : vector<16xf32>
        %max3A_356 = arith.constant 0.000000e+00 : f32
        %max3A_357 = vector.broadcast %max3A_356 : f32 to vector<16xf32>
        %max3A_358 = arith.maximumf %add3A_355, %max3A_357 : vector<16xf32>
        %add3A_359 = arith.constant 0 : i32
        %add3A_360 = arith.addi %mul3A_289, %add3A_359 : i32
        %swap3A_361 = arith.constant 1 : i32
        %swap3A_362 = arith.index_cast %swap3A_361 : i32 to index
        %swap3A_363 = arith.index_cast %add3A_360 : i32 to index
        %swap3A_364 = arith.constant 32 : index
        %swap3A_365 = tpu.vector_load %arg7[%swap3A_362, %swap3A_363, %swap3A_364] {strides = array<i32>} : memref<2x512x64xf32, #tpu.memory_space<vmem>>, vector<1x1x16xf32>,
        %swap3A_366 = vector.shape_cast %swap3A_365 : vector<1x1x16xf32> to vector<16xf32>
        %swap3A_367 = vector.shape_cast %max3A_358 : vector<16xf32> to vector<1x1x16xf32>
        tpu.vector_store %arg7[%swap3A_362, %swap3A_363, %swap3A_364], %swap3A_367 {strides = array<i32>} : memref<2x512x64xf32, #tpu.memory_space<vmem>>, vector<1x1x16xf32>,
        %add3A_368 = arith.constant 0 : i32
        %add3A_369 = arith.addi %mul3A_289, %add3A_368 : i32
        %get3A_370 = arith.constant 1 : i32
        %get3A_371 = arith.index_cast %get3A_370 : i32 to index
        %get3A_372 = arith.index_cast %add3A_369 : i32 to index
        %get3A_373 = arith.constant 48 : index
        %get3A_374 = tpu.vector_load %arg7[%get3A_371, %get3A_372, %get3A_373] {strides = array<i32>} : memref<2x512x64xf32, #tpu.memory_space<vmem>>, vector<1x1x16xf32>,
        %get3A_375 = vector.shape_cast %get3A_374 : vector<1x1x16xf32> to vector<16xf32>
        %add3A_376 = arith.constant 0 : i32
        %add3A_377 = arith.addi %mul3A_289, %add3A_376 : i32
        %get3A_378 = arith.index_cast %add3A_377 : i32 to index
        %get3A_379 = arith.constant 48 : index
        %get3A_380 = tpu.vector_load %arg8[%get3A_378, %get3A_379] {strides = array<i32>} : memref<512x64xf32, #tpu.memory_space<vmem>>, vector<1x16xf32>,
        %get3A_381 = vector.shape_cast %get3A_380 : vector<1x16xf32> to vector<16xf32>
        %add3A_382 = arith.addf %get3A_375, %get3A_381 : vector<16xf32>
        %max3A_383 = arith.constant 0.000000e+00 : f32
        %max3A_384 = vector.broadcast %max3A_383 : f32 to vector<16xf32>
        %max3A_385 = arith.maximumf %add3A_382, %max3A_384 : vector<16xf32>
        %add3A_386 = arith.constant 0 : i32
        %add3A_387 = arith.addi %mul3A_289, %add3A_386 : i32
        %swap3A_388 = arith.constant 1 : i32
        %swap3A_389 = arith.index_cast %swap3A_388 : i32 to index
        %swap3A_390 = arith.index_cast %add3A_387 : i32 to index
        %swap3A_391 = arith.constant 48 : index
        %swap3A_392 = tpu.vector_load %arg7[%swap3A_389, %swap3A_390, %swap3A_391] {strides = array<i32>} : memref<2x512x64xf32, #tpu.memory_space<vmem>>, vector<1x1x16xf32>,
        %swap3A_393 = vector.shape_cast %swap3A_392 : vector<1x1x16xf32> to vector<16xf32>
        %swap3A_394 = vector.shape_cast %max3A_385 : vector<16xf32> to vector<1x1x16xf32>
        tpu.vector_store %arg7[%swap3A_389, %swap3A_390, %swap3A_391], %swap3A_394 {strides = array<i32>} : memref<2x512x64xf32, #tpu.memory_space<vmem>>, vector<1x1x16xf32>,
        %add3A_395 = arith.constant 1 : i32
        %add3A_396 = arith.addi %mul3A_289, %add3A_395 : i32
        %get3A_397 = arith.constant 1 : i32
        %get3A_398 = arith.index_cast %get3A_397 : i32 to index
        %get3A_399 = arith.index_cast %add3A_396 : i32 to index
        %get3A_400 = arith.constant 0 : index
        %get3A_401 = tpu.vector_load %arg7[%get3A_398, %get3A_399, %get3A_400] {strides = array<i32>} : memref<2x512x64xf32, #tpu.memory_space<vmem>>, vector<1x1x16xf32>,
        %get3A_402 = vector.shape_cast %get3A_401 : vector<1x1x16xf32> to vector<16xf32>
        %add3A_403 = arith.constant 1 : i32
        %add3A_404 = arith.addi %mul3A_289, %add3A_403 : i32
        %get3A_405 = arith.index_cast %add3A_404 : i32 to index
        %get3A_406 = arith.constant 0 : index
        %get3A_407 = tpu.vector_load %arg8[%get3A_405, %get3A_406] {strides = array<i32>} : memref<512x64xf32, #tpu.memory_space<vmem>>, vector<1x16xf32>,
        %get3A_408 = vector.shape_cast %get3A_407 : vector<1x16xf32> to vector<16xf32>
        %add3A_409 = arith.addf %get3A_402, %get3A_408 : vector<16xf32>
        %max3A_410 = arith.constant 0.000000e+00 : f32
        %max3A_411 = vector.broadcast %max3A_410 : f32 to vector<16xf32>
        %max3A_412 = arith.maximumf %add3A_409, %max3A_411 : vector<16xf32>
        %add3A_413 = arith.constant 1 : i32
        %add3A_414 = arith.addi %mul3A_289, %add3A_413 : i32
        %swap3A_415 = arith.constant 1 : i32
        %swap3A_416 = arith.index_cast %swap3A_415 : i32 to index
        %swap3A_417 = arith.index_cast %add3A_414 : i32 to index
        %swap3A_418 = arith.constant 0 : index
        %swap3A_419 = tpu.vector_load %arg7[%swap3A_416, %swap3A_417, %swap3A_418] {strides = array<i32>} : memref<2x512x64xf32, #tpu.memory_space<vmem>>, vector<1x1x16xf32>,
        %swap3A_420 = vector.shape_cast %swap3A_419 : vector<1x1x16xf32> to vector<16xf32>
        %swap3A_421 = vector.shape_cast %max3A_412 : vector<16xf32> to vector<1x1x16xf32>
        tpu.vector_store %arg7[%swap3A_416, %swap3A_417, %swap3A_418], %swap3A_421 {strides = array<i32>} : memref<2x512x64xf32, #tpu.memory_space<vmem>>, vector<1x1x16xf32>,
        %add3A_422 = arith.constant 1 : i32
        %add3A_423 = arith.addi %mul3A_289, %add3A_422 : i32
        %get3A_424 = arith.constant 1 : i32
        %get3A_425 = arith.index_cast %get3A_424 : i32 to index
        %get3A_426 = arith.index_cast %add3A_423 : i32 to index
        %get3A_427 = arith.constant 16 : index
        %get3A_428 = tpu.vector_load %arg7[%get3A_425, %get3A_426, %get3A_427] {strides = array<i32>} : memref<2x512x64xf32, #tpu.memory_space<vmem>>, vector<1x1x16xf32>,
        %get3A_429 = vector.shape_cast %get3A_428 : vector<1x1x16xf32> to vector<16xf32>
        %add3A_430 = arith.constant 1 : i32
        %add3A_431 = arith.addi %mul3A_289, %add3A_430 : i32
        %get3A_432 = arith.index_cast %add3A_431 : i32 to index
        %get3A_433 = arith.constant 16 : index
        %get3A_434 = tpu.vector_load %arg8[%get3A_432, %get3A_433] {strides = array<i32>} : memref<512x64xf32, #tpu.memory_space<vmem>>, vector<1x16xf32>,
        %get3A_435 = vector.shape_cast %get3A_434 : vector<1x16xf32> to vector<16xf32>
        %add3A_436 = arith.addf %get3A_429, %get3A_435 : vector<16xf32>
        %max3A_437 = arith.constant 0.000000e+00 : f32
        %max3A_438 = vector.broadcast %max3A_437 : f32 to vector<16xf32>
        %max3A_439 = arith.maximumf %add3A_436, %max3A_438 : vector<16xf32>
        %add3A_440 = arith.constant 1 : i32
        %add3A_441 = arith.addi %mul3A_289, %add3A_440 : i32
        %swap3A_442 = arith.constant 1 : i32
        %swap3A_443 = arith.index_cast %swap3A_442 : i32 to index
        %swap3A_444 = arith.index_cast %add3A_441 : i32 to index
        %swap3A_445 = arith.constant 16 : index
        %swap3A_446 = tpu.vector_load %arg7[%swap3A_443, %swap3A_444, %swap3A_445] {strides = array<i32>} : memref<2x512x64xf32, #tpu.memory_space<vmem>>, vector<1x1x16xf32>,
        %swap3A_447 = vector.shape_cast %swap3A_446 : vector<1x1x16xf32> to vector<16xf32>
        %swap3A_448 = vector.shape_cast %max3A_439 : vector<16xf32> to vector<1x1x16xf32>
        tpu.vector_store %arg7[%swap3A_443, %swap3A_444, %swap3A_445], %swap3A_448 {strides = array<i32>} : memref<2x512x64xf32, #tpu.memory_space<vmem>>, vector<1x1x16xf32>,
        %add3A_449 = arith.constant 1 : i32
        %add3A_450 = arith.addi %mul3A_289, %add3A_449 : i32
        %get3A_451 = arith.constant 1 : i32
        %get3A_452 = arith.index_cast %get3A_451 : i32 to index
        %get3A_453 = arith.index_cast %add3A_450 : i32 to index
        %get3A_454 = arith.constant 32 : index
        %get3A_455 = tpu.vector_load %arg7[%get3A_452, %get3A_453, %get3A_454] {strides = array<i32>} : memref<2x512x64xf32, #tpu.memory_space<vmem>>, vector<1x1x16xf32>,
        %get3A_456 = vector.shape_cast %get3A_455 : vector<1x1x16xf32> to vector<16xf32>
        %add3A_457 = arith.constant 1 : i32
        %add3A_458 = arith.addi %mul3A_289, %add3A_457 : i32
        %get3A_459 = arith.index_cast %add3A_458 : i32 to index
        %get3A_460 = arith.constant 32 : index
        %get3A_461 = tpu.vector_load %arg8[%get3A_459, %get3A_460] {strides = array<i32>} : memref<512x64xf32, #tpu.memory_space<vmem>>, vector<1x16xf32>,
        %get3A_462 = vector.shape_cast %get3A_461 : vector<1x16xf32> to vector<16xf32>
        %add3A_463 = arith.addf %get3A_456, %get3A_462 : vector<16xf32>
        %max3A_464 = arith.constant 0.000000e+00 : f32
        %max3A_465 = vector.broadcast %max3A_464 : f32 to vector<16xf32>
        %max3A_466 = arith.maximumf %add3A_463, %max3A_465 : vector<16xf32>
        %add3A_467 = arith.constant 1 : i32
        %add3A_468 = arith.addi %mul3A_289, %add3A_467 : i32
        %swap3A_469 = arith.constant 1 : i32
        %swap3A_470 = arith.index_cast %swap3A_469 : i32 to index
        %swap3A_471 = arith.index_cast %add3A_468 : i32 to index
        %swap3A_472 = arith.constant 32 : index
        %swap3A_473 = tpu.vector_load %arg7[%swap3A_470, %swap3A_471, %swap3A_472] {strides = array<i32>} : memref<2x512x64xf32, #tpu.memory_space<vmem>>, vector<1x1x16xf32>,
        %swap3A_474 = vector.shape_cast %swap3A_473 : vector<1x1x16xf32> to vector<16xf32>
        %swap3A_475 = vector.shape_cast %max3A_466 : vector<16xf32> to vector<1x1x16xf32>
        tpu.vector_store %arg7[%swap3A_470, %swap3A_471, %swap3A_472], %swap3A_475 {strides = array<i32>} : memref<2x512x64xf32, #tpu.memory_space<vmem>>, vector<1x1x16xf32>,
        %add3A_476 = arith.constant 1 : i32
        %add3A_477 = arith.addi %mul3A_289, %add3A_476 : i32
        %get3A_478 = arith.constant 1 : i32
        %get3A_479 = arith.index_cast %get3A_478 : i32 to index
        %get3A_480 = arith.index_cast %add3A_477 : i32 to index
        %get3A_481 = arith.constant 48 : index
        %get3A_482 = tpu.vector_load %arg7[%get3A_479, %get3A_480, %get3A_481] {strides = array<i32>} : memref<2x512x64xf32, #tpu.memory_space<vmem>>, vector<1x1x16xf32>,
        %get3A_483 = vector.shape_cast %get3A_482 : vector<1x1x16xf32> to vector<16xf32>
        %add3A_484 = arith.constant 1 : i32
        %add3A_485 = arith.addi %mul3A_289, %add3A_484 : i32
        %get3A_486 = arith.index_cast %add3A_485 : i32 to index
        %get3A_487 = arith.constant 48 : index
        %get3A_488 = tpu.vector_load %arg8[%get3A_486, %get3A_487] {strides = array<i32>} : memref<512x64xf32, #tpu.memory_space<vmem>>, vector<1x16xf32>,
        %get3A_489 = vector.shape_cast %get3A_488 : vector<1x16xf32> to vector<16xf32>
        %add3A_490 = arith.addf %get3A_483, %get3A_489 : vector<16xf32>
        %max3A_491 = arith.constant 0.000000e+00 : f32
        %max3A_492 = vector.broadcast %max3A_491 : f32 to vector<16xf32>
        %max3A_493 = arith.maximumf %add3A_490, %max3A_492 : vector<16xf32>
        %add3A_494 = arith.constant 1 : i32
        %add3A_495 = arith.addi %mul3A_289, %add3A_494 : i32
        %swap3A_496 = arith.constant 1 : i32
        %swap3A_497 = arith.index_cast %swap3A_496 : i32 to index
        %swap3A_498 = arith.index_cast %add3A_495 : i32 to index
        %swap3A_499 = arith.constant 48 : index
        %swap3A_500 = tpu.vector_load %arg7[%swap3A_497, %swap3A_498, %swap3A_499] {strides = array<i32>} : memref<2x512x64xf32, #tpu.memory_space<vmem>>, vector<1x1x16xf32>,
        %swap3A_501 = vector.shape_cast %swap3A_500 : vector<1x1x16xf32> to vector<16xf32>
        %swap3A_502 = vector.shape_cast %max3A_493 : vector<16xf32> to vector<1x1x16xf32>
        tpu.vector_store %arg7[%swap3A_497, %swap3A_498, %swap3A_499], %swap3A_502 {strides = array<i32>} : memref<2x512x64xf32, #tpu.memory_space<vmem>>, vector<1x1x16xf32>,
      }
      %scan3A_275 = arith.constant 256 : i32
      %lt3A_276 = arith.constant 24 : i32
      %lt3A_277 = arith.cmpi slt, %scan3A_69, %lt3A_276 : i32
      %convert_element_type3A_278 = arith.extui %lt3A_277 : i1 to i32
      %cond3A_279 = arith.constant 0 : i32
      %cond3A_280 = arith.cmpi ne, %convert_element_type3A_278, %cond3A_279 : i32
      scf.if %cond3A_280 {
        %add3A_287 = arith.constant 2 : i32
        %add3A_288 = arith.addi %mul3A_71, %add3A_287 : i32
        %mul3A_289 = arith.constant 512 : i32
        %mul3A_290 = arith.muli %add3A_288, %mul3A_289 : i32
        %add3A_291 = arith.addi %mul3A_2, %mul3A_290 : i32
        %dma_start3A_292 = arith.constant 0 : i32
        %dma_start3A_293 = tpu.memref_slice %arg3[%add3A_291, %dma_start3A_292] : memref<819200x64xf32, #tpu.memory_space<hbm>> -> memref<512x64xf32, #tpu.memory_space<hbm>>
        %dma_start3A_294 = arith.constant 0 : i32
        %dma_start3A_295 = tpu.memref_slice %arg3[%add3A_291, %dma_start3A_294] : memref<819200x64xf32, #tpu.memory_space<hbm>> -> memref<512x64xf32, #tpu.memory_space<hbm>>
        tpu.enqueue_dma source(%dma_start3A_295 : memref<512x64xf32, #tpu.memory_space<hbm>>) target(%arg8 : memref<512x64xf32, #tpu.memory_space<vmem>>) target_semaphore(%arg10 : memref<!tpu.dma_semaphore, #tpu.memory_space<semaphore_mem>>)
      } else {
      }
      %add3A_281 = arith.constant 1 : i32
      %add3A_282 = arith.addi %mul3A_71, %add3A_281 : i32
      %mul3A_283 = arith.constant 512 : i32
      %mul3A_284 = arith.muli %add3A_282, %mul3A_283 : i32
      %add3A_285 = arith.addi %mul3A_2, %mul3A_284 : i32
      %run_scoped3A_286 = arith.constant 1 : i32
      "tpu.region"() ({
        %run_scoped3A_287 = tpu.sem_alloc : memref<!tpu.dma_semaphore, #tpu.memory_space<semaphore_mem>>
        %dma_start3A_288 = arith.constant 0 : i32
        %dma_start3A_289 = arith.constant 0 : i32
        %dma_start3A_290 = tpu.memref_slice %arg7[%run_scoped3A_286, %dma_start3A_288, %dma_start3A_289] : memref<2x512x64xf32, #tpu.memory_space<vmem>> -> memref<1x512x64xf32, #tpu.memory_space<vmem>>
        %dma_start3A_291 = tpu.memref_squeeze %dma_start3A_290 : memref<1x512x64xf32, #tpu.memory_space<vmem>> -> memref<512x64xf32, #tpu.memory_space<vmem>>
        %dma_start3A_292 = arith.constant 0 : i32
        %dma_start3A_293 = tpu.memref_slice %arg5[%add3A_285, %dma_start3A_292] : memref<819200x64xf32, #tpu.memory_space<hbm>> -> memref<512x64xf32, #tpu.memory_space<hbm>>
        %dma_start3A_294 = arith.constant 0 : i32
        %dma_start3A_295 = tpu.memref_slice %arg5[%add3A_285, %dma_start3A_294] : memref<819200x64xf32, #tpu.memory_space<hbm>> -> memref<512x64xf32, #tpu.memory_space<hbm>>
        %dma_start3A_296 = arith.constant 0 : i32
        %dma_start3A_297 = arith.constant 0 : i32
        %dma_start3A_298 = tpu.memref_slice %arg7[%run_scoped3A_286, %dma_start3A_296, %dma_start3A_297] : memref<2x512x64xf32, #tpu.memory_space<vmem>> -> memref<1x512x64xf32, #tpu.memory_space<vmem>>
        %dma_start3A_299 = tpu.memref_squeeze %dma_start3A_298 : memref<1x512x64xf32, #tpu.memory_space<vmem>> -> memref<512x64xf32, #tpu.memory_space<vmem>>
        tpu.enqueue_dma source(%dma_start3A_299 : memref<512x64xf32, #tpu.memory_space<vmem>>) target(%dma_start3A_295 : memref<512x64xf32, #tpu.memory_space<hbm>>) target_semaphore(%run_scoped3A_287 : memref<!tpu.dma_semaphore, #tpu.memory_space<semaphore_mem>>)
        %dma_wait3A_300 = arith.constant 0 : i32
        %dma_wait3A_301 = arith.constant 0 : i32
        %dma_wait3A_302 = tpu.memref_slice %arg7[%run_scoped3A_286, %dma_wait3A_300, %dma_wait3A_301] : memref<2x512x64xf32, #tpu.memory_space<vmem>> -> memref<1x512x64xf32, #tpu.memory_space<vmem>>
        %dma_wait3A_303 = tpu.memref_squeeze %dma_wait3A_302 : memref<1x512x64xf32, #tpu.memory_space<vmem>> -> memref<512x64xf32, #tpu.memory_space<vmem>>
        %dma_wait3A_304 = arith.constant 0 : i32
        %dma_wait3A_305 = tpu.memref_slice %arg5[%add3A_285, %dma_wait3A_304] : memref<819200x64xf32, #tpu.memory_space<hbm>> -> memref<512x64xf32, #tpu.memory_space<hbm>>
        %dma_wait3A_306 = arith.constant 0 : i32
        %dma_wait3A_307 = tpu.memref_slice %arg5[%add3A_285, %dma_wait3A_306] : memref<819200x64xf32, #tpu.memory_space<hbm>> -> memref<512x64xf32, #tpu.memory_space<hbm>>
        %dma_wait3A_308 = arith.constant 0 : i32
        %dma_wait3A_309 = arith.constant 0 : i32
        %dma_wait3A_310 = tpu.memref_slice %arg7[%run_scoped3A_286, %dma_wait3A_308, %dma_wait3A_309] : memref<2x512x64xf32, #tpu.memory_space<vmem>> -> memref<1x512x64xf32, #tpu.memory_space<vmem>>
        %dma_wait3A_311 = tpu.memref_squeeze %dma_wait3A_310 : memref<1x512x64xf32, #tpu.memory_space<vmem>> -> memref<512x64xf32, #tpu.memory_space<vmem>>
        tpu.wait_dma2 semaphore(%run_scoped3A_287 : memref<!tpu.dma_semaphore, #tpu.memory_space<semaphore_mem>>) src(%dma_wait3A_311 : memref<512x64xf32, #tpu.memory_space<vmem>>) dst(%dma_wait3A_307 : memref<512x64xf32, #tpu.memory_space<hbm>>)
        tpu.yield
      }) : () -> ()
    }
    %scan3A_68 = arith.constant 25 : i32
    return
  }
}

#map = affine_map<(d0, d1) -> (0, 0)>
module attributes {stable_mosaic.version = 14 : i64} {
  func.func @k(%arg0: i32, %arg1: i32, %arg2: memref<50000x64xf32, #tpu.memory_space<hbm>>, %arg3: memref<819200x64xf32, #tpu.memory_space<hbm>>, %arg4: memref<6400x128xi32, #tpu.memory_space<hbm>>, %arg5: memref<819200x64xf32, #tpu.memory_space<hbm>>, %arg6: memref<2x4x128xi32, #tpu.memory_space<vmem>>, %arg7: memref<2x512x64xf32, #tpu.memory_space<vmem>>, %arg8: memref<512x64xf32, #tpu.memory_space<vmem>>, %arg9: memref<!tpu.dma_semaphore, #tpu.memory_space<semaphore_mem>>, %arg10: memref<!tpu.dma_semaphore, #tpu.memory_space<semaphore_mem>>) attributes {dimension_semantics = [#tpu.dimension_semantics<core_parallel>, #tpu.dimension_semantics<subcore_parallel>], iteration_bounds = array<i64: 2, 16>, scalar_prefetch = 0 : i64, scratch_operands = 5 : i64, tpu.core_type = #tpu.core_type<sc_vector_subcore>, window_params = [{transform_indices = #map}, {transform_indices = #map}, {transform_indices = #map}, {transform_indices = #map}]} {
    %mul3A = arith.constant 16 : i32
    %mul3A_0 = arith.muli %arg0, %mul3A : i32
    %add3A = arith.addi %mul3A_0, %arg1 : i32
    %mul3A_1 = arith.constant 25600 : i32
    %mul3A_2 = arith.muli %add3A, %mul3A_1 : i32
    %mul3A_3 = arith.constant 200 : i32
    %mul3A_4 = arith.muli %add3A, %mul3A_3 : i32
    %add3A_5 = arith.constant 0 : i32
    %add3A_6 = arith.addi %mul3A_4, %add3A_5 : i32
    %run_scoped3A = arith.constant 0 : i32
    "tpu.region"() ({
      %run_scoped3A_69 = tpu.sem_alloc : memref<!tpu.dma_semaphore, #tpu.memory_space<semaphore_mem>>
      %dma_start3A_70 = arith.constant 0 : i32
      %dma_start3A_71 = arith.constant 0 : i32
      %dma_start3A_72 = tpu.memref_slice %arg6[%run_scoped3A, %dma_start3A_70, %dma_start3A_71] : memref<2x4x128xi32, #tpu.memory_space<vmem>> -> memref<1x4x128xi32, #tpu.memory_space<vmem>>
      %dma_start3A_73 = tpu.memref_squeeze %dma_start3A_72 : memref<1x4x128xi32, #tpu.memory_space<vmem>> -> memref<4x128xi32, #tpu.memory_space<vmem>>
      %dma_start3A_74 = arith.constant 0 : i32
      %dma_start3A_75 = tpu.memref_slice %arg4[%add3A_6, %dma_start3A_74] : memref<6400x128xi32, #tpu.memory_space<hbm>> -> memref<4x128xi32, #tpu.memory_space<hbm>>
      %dma_start3A_76 = arith.constant 0 : i32
      %dma_start3A_77 = arith.constant 0 : i32
      %dma_start3A_78 = tpu.memref_slice %arg6[%run_scoped3A, %dma_start3A_76, %dma_start3A_77] : memref<2x4x128xi32, #tpu.memory_space<vmem>> -> memref<1x4x128xi32, #tpu.memory_space<vmem>>
      %dma_start3A_79 = tpu.memref_squeeze %dma_start3A_78 : memref<1x4x128xi32, #tpu.memory_space<vmem>> -> memref<4x128xi32, #tpu.memory_space<vmem>>
      %dma_start3A_80 = arith.constant 0 : i32
      %dma_start3A_81 = tpu.memref_slice %arg4[%add3A_6, %dma_start3A_80] : memref<6400x128xi32, #tpu.memory_space<hbm>> -> memref<4x128xi32, #tpu.memory_space<hbm>>
      tpu.enqueue_dma source(%dma_start3A_81 : memref<4x128xi32, #tpu.memory_space<hbm>>) target(%dma_start3A_79 : memref<4x128xi32, #tpu.memory_space<vmem>>) target_semaphore(%run_scoped3A_69 : memref<!tpu.dma_semaphore, #tpu.memory_space<semaphore_mem>>)
      %dma_wait3A = arith.constant 0 : i32
      %dma_wait3A_82 = arith.constant 0 : i32
      %dma_wait3A_83 = tpu.memref_slice %arg6[%run_scoped3A, %dma_wait3A, %dma_wait3A_82] : memref<2x4x128xi32, #tpu.memory_space<vmem>> -> memref<1x4x128xi32, #tpu.memory_space<vmem>>
      %dma_wait3A_84 = tpu.memref_squeeze %dma_wait3A_83 : memref<1x4x128xi32, #tpu.memory_space<vmem>> -> memref<4x128xi32, #tpu.memory_space<vmem>>
      %dma_wait3A_85 = arith.constant 0 : i32
      %dma_wait3A_86 = tpu.memref_slice %arg4[%add3A_6, %dma_wait3A_85] : memref<6400x128xi32, #tpu.memory_space<hbm>> -> memref<4x128xi32, #tpu.memory_space<hbm>>
      %dma_wait3A_87 = arith.constant 0 : i32
      %dma_wait3A_88 = arith.constant 0 : i32
      %dma_wait3A_89 = tpu.memref_slice %arg6[%run_scoped3A, %dma_wait3A_87, %dma_wait3A_88] : memref<2x4x128xi32, #tpu.memory_space<vmem>> -> memref<1x4x128xi32, #tpu.memory_space<vmem>>
      %dma_wait3A_90 = tpu.memref_squeeze %dma_wait3A_89 : memref<1x4x128xi32, #tpu.memory_space<vmem>> -> memref<4x128xi32, #tpu.memory_space<vmem>>
      %dma_wait3A_91 = arith.constant 0 : i32
      %dma_wait3A_92 = tpu.memref_slice %arg4[%add3A_6, %dma_wait3A_91] : memref<6400x128xi32, #tpu.memory_space<hbm>> -> memref<4x128xi32, #tpu.memory_space<hbm>>
      tpu.wait_dma2 semaphore(%run_scoped3A_69 : memref<!tpu.dma_semaphore, #tpu.memory_space<semaphore_mem>>) src(%dma_wait3A_92 : memref<4x128xi32, #tpu.memory_space<hbm>>) dst(%dma_wait3A_90 : memref<4x128xi32, #tpu.memory_space<vmem>>)
      tpu.yield
    }) : () -> ()
    %dma_start3A = arith.constant 0 : i32
    %dma_start3A_7 = arith.constant 0 : i32
    %dma_start3A_8 = arith.constant 0 : i32
    %dma_start3A_9 = arith.constant 0 : i32
    %dma_start3A_10 = arith.constant 0 : i32
    %dma_start3A_11 = tpu.memref_slice %arg7[%dma_start3A_8, %dma_start3A_9, %dma_start3A_10] : memref<2x512x64xf32, #tpu.memory_space<vmem>> -> memref<1x128x64xf32, #tpu.memory_space<vmem>>
    %dma_start3A_12 = tpu.memref_squeeze %dma_start3A_11 : memref<1x128x64xf32, #tpu.memory_space<vmem>> -> memref<128x64xf32, #tpu.memory_space<vmem>>
    %dma_start3A_13 = arith.constant 0 : i32
    %dma_start3A_14 = tpu.memref_slice %arg6[%dma_start3A, %dma_start3A_7, %dma_start3A_13] : memref<2x4x128xi32, #tpu.memory_space<vmem>> -> memref<1x1x128xi32, #tpu.memory_space<vmem>>
    %dma_start3A_15 = tpu.memref_squeeze %dma_start3A_14 : memref<1x1x128xi32, #tpu.memory_space<vmem>> -> memref<128xi32, #tpu.memory_space<vmem>>
    %dma_start3A_16 = arith.constant 0 : i32
    %dma_start3A_17 = arith.constant 0 : i32
    %dma_start3A_18 = tpu.memref_slice %arg2[%dma_start3A_16, %dma_start3A_17] : memref<50000x64xf32, #tpu.memory_space<hbm>> -> memref<50000x64xf32, #tpu.memory_space<hbm>>
    tpu.enqueue_indirect_dma source(%dma_start3A_18 : memref<50000x64xf32, #tpu.memory_space<hbm>>) target(%dma_start3A_12 : memref<128x64xf32, #tpu.memory_space<vmem>>) offsets(%dma_start3A_15 : memref<128xi32, #tpu.memory_space<vmem>>) semaphore(%arg9 : memref<!tpu.dma_semaphore, #tpu.memory_space<semaphore_mem>>)
    %dma_start3A_19 = arith.constant 0 : i32
    %dma_start3A_20 = arith.constant 1 : i32
    %dma_start3A_21 = arith.constant 0 : i32
    %dma_start3A_22 = arith.constant 128 : i32
    %dma_start3A_23 = arith.constant 0 : i32
    %dma_start3A_24 = tpu.memref_slice %arg7[%dma_start3A_21, %dma_start3A_22, %dma_start3A_23] : memref<2x512x64xf32, #tpu.memory_space<vmem>> -> memref<1x128x64xf32, #tpu.memory_space<vmem>>
    %dma_start3A_25 = tpu.memref_squeeze %dma_start3A_24 : memref<1x128x64xf32, #tpu.memory_space<vmem>> -> memref<128x64xf32, #tpu.memory_space<vmem>>
    %dma_start3A_26 = arith.constant 0 : i32
    %dma_start3A_27 = tpu.memref_slice %arg6[%dma_start3A_19, %dma_start3A_20, %dma_start3A_26] : memref<2x4x128xi32, #tpu.memory_space<vmem>> -> memref<1x1x128xi32, #tpu.memory_space<vmem>>
    %dma_start3A_28 = tpu.memref_squeeze %dma_start3A_27 : memref<1x1x128xi32, #tpu.memory_space<vmem>> -> memref<128xi32, #tpu.memory_space<vmem>>
    %dma_start3A_29 = arith.constant 0 : i32
    %dma_start3A_30 = arith.constant 0 : i32
    %dma_start3A_31 = tpu.memref_slice %arg2[%dma_start3A_29, %dma_start3A_30] : memref<50000x64xf32, #tpu.memory_space<hbm>> -> memref<50000x64xf32, #tpu.memory_space<hbm>>
    tpu.enqueue_indirect_dma source(%dma_start3A_31 : memref<50000x64xf32, #tpu.memory_space<hbm>>) target(%dma_start3A_25 : memref<128x64xf32, #tpu.memory_space<vmem>>) offsets(%dma_start3A_28 : memref<128xi32, #tpu.memory_space<vmem>>) semaphore(%arg9 : memref<!tpu.dma_semaphore, #tpu.memory_space<semaphore_mem>>)
    %dma_start3A_32 = arith.constant 0 : i32
    %dma_start3A_33 = arith.constant 2 : i32
    %dma_start3A_34 = arith.constant 0 : i32
    %dma_start3A_35 = arith.constant 256 : i32
    %dma_start3A_36 = arith.constant 0 : i32
    %dma_start3A_37 = tpu.memref_slice %arg7[%dma_start3A_34, %dma_start3A_35, %dma_start3A_36] : memref<2x512x64xf32, #tpu.memory_space<vmem>> -> memref<1x128x64xf32, #tpu.memory_space<vmem>>
    %dma_start3A_38 = tpu.memref_squeeze %dma_start3A_37 : memref<1x128x64xf32, #tpu.memory_space<vmem>> -> memref<128x64xf32, #tpu.memory_space<vmem>>
    %dma_start3A_39 = arith.constant 0 : i32
    %dma_start3A_40 = tpu.memref_slice %arg6[%dma_start3A_32, %dma_start3A_33, %dma_start3A_39] : memref<2x4x128xi32, #tpu.memory_space<vmem>> -> memref<1x1x128xi32, #tpu.memory_space<vmem>>
    %dma_start3A_41 = tpu.memref_squeeze %dma_start3A_40 : memref<1x1x128xi32, #tpu.memory_space<vmem>> -> memref<128xi32, #tpu.memory_space<vmem>>
    %dma_start3A_42 = arith.constant 0 : i32
    %dma_start3A_43 = arith.constant 0 : i32
    %dma_start3A_44 = tpu.memref_slice %arg2[%dma_start3A_42, %dma_start3A_43] : memref<50000x64xf32, #tpu.memory_space<hbm>> -> memref<50000x64xf32, #tpu.memory_space<hbm>>
    tpu.enqueue_indirect_dma source(%dma_start3A_44 : memref<50000x64xf32, #tpu.memory_space<hbm>>) target(%dma_start3A_38 : memref<128x64xf32, #tpu.memory_space<vmem>>) offsets(%dma_start3A_41 : memref<128xi32, #tpu.memory_space<vmem>>) semaphore(%arg9 : memref<!tpu.dma_semaphore, #tpu.memory_space<semaphore_mem>>)
    %dma_start3A_45 = arith.constant 0 : i32
    %dma_start3A_46 = arith.constant 3 : i32
    %dma_start3A_47 = arith.constant 0 : i32
    %dma_start3A_48 = arith.constant 384 : i32
    %dma_start3A_49 = arith.constant 0 : i32
    %dma_start3A_50 = tpu.memref_slice %arg7[%dma_start3A_47, %dma_start3A_48, %dma_start3A_49] : memref<2x512x64xf32, #tpu.memory_space<vmem>> -> memref<1x128x64xf32, #tpu.memory_space<vmem>>
    %dma_start3A_51 = tpu.memref_squeeze %dma_start3A_50 : memref<1x128x64xf32, #tpu.memory_space<vmem>> -> memref<128x64xf32, #tpu.memory_space<vmem>>
    %dma_start3A_52 = arith.constant 0 : i32
    %dma_start3A_53 = tpu.memref_slice %arg6[%dma_start3A_45, %dma_start3A_46, %dma_start3A_52] : memref<2x4x128xi32, #tpu.memory_space<vmem>> -> memref<1x1x128xi32, #tpu.memory_space<vmem>>
    %dma_start3A_54 = tpu.memref_squeeze %dma_start3A_53 : memref<1x1x128xi32, #tpu.memory_space<vmem>> -> memref<128xi32, #tpu.memory_space<vmem>>
    %dma_start3A_55 = arith.constant 0 : i32
    %dma_start3A_56 = arith.constant 0 : i32
    %dma_start3A_57 = tpu.memref_slice %arg2[%dma_start3A_55, %dma_start3A_56] : memref<50000x64xf32, #tpu.memory_space<hbm>> -> memref<50000x64xf32, #tpu.memory_space<hbm>>
    tpu.enqueue_indirect_dma source(%dma_start3A_57 : memref<50000x64xf32, #tpu.memory_space<hbm>>) target(%dma_start3A_51 : memref<128x64xf32, #tpu.memory_space<vmem>>) offsets(%dma_start3A_54 : memref<128xi32, #tpu.memory_space<vmem>>) semaphore(%arg9 : memref<!tpu.dma_semaphore, #tpu.memory_space<semaphore_mem>>)
    %add3A_58 = arith.constant 0 : i32
    %add3A_59 = arith.addi %mul3A_2, %add3A_58 : i32
    %dma_start3A_60 = arith.constant 0 : i32
    %dma_start3A_61 = tpu.memref_slice %arg3[%add3A_59, %dma_start3A_60] : memref<819200x64xf32, #tpu.memory_space<hbm>> -> memref<512x64xf32, #tpu.memory_space<hbm>>
    %dma_start3A_62 = arith.constant 0 : i32
    %dma_start3A_63 = tpu.memref_slice %arg3[%add3A_59, %dma_start3A_62] : memref<819200x64xf32, #tpu.memory_space<hbm>> -> memref<512x64xf32, #tpu.memory_space<hbm>>
    tpu.enqueue_dma source(%dma_start3A_63 : memref<512x64xf32, #tpu.memory_space<hbm>>) target(%arg8 : memref<512x64xf32, #tpu.memory_space<vmem>>) target_semaphore(%arg10 : memref<!tpu.dma_semaphore, #tpu.memory_space<semaphore_mem>>)
    %scan3A = arith.constant 0 : i32
    %scan3A_64 = arith.constant 0 : i32
    %scan3A_65 = arith.constant 25 : i32
    %scan3A_66 = arith.addi %scan3A_64, %scan3A_65 : i32
    %scan3A_67 = arith.constant 1 : i32
    scf.for %scan3A_69 = %scan3A_64 to %scan3A_66 step %scan3A_67  : i32 {
      %mul3A_70 = arith.constant 2 : i32
      %mul3A_71 = arith.muli %mul3A_70, %scan3A_69 : i32
      %add3A_72 = arith.constant 1 : i32
      %add3A_73 = arith.addi %mul3A_71, %add3A_72 : i32
      %mul3A_74 = arith.constant 4 : i32
      %mul3A_75 = arith.muli %add3A_73, %mul3A_74 : i32
      %add3A_76 = arith.addi %mul3A_4, %mul3A_75 : i32
      %run_scoped3A_77 = arith.constant 1 : i32
      "tpu.region"() ({
        %run_scoped3A_287 = tpu.sem_alloc : memref<!tpu.dma_semaphore, #tpu.memory_space<semaphore_mem>>
        %dma_start3A_288 = arith.constant 0 : i32
        %dma_start3A_289 = arith.constant 0 : i32
        %dma_start3A_290 = tpu.memref_slice %arg6[%run_scoped3A_77, %dma_start3A_288, %dma_start3A_289] : memref<2x4x128xi32, #tpu.memory_space<vmem>> -> memref<1x4x128xi32, #tpu.memory_space<vmem>>
        %dma_start3A_291 = tpu.memref_squeeze %dma_start3A_290 : memref<1x4x128xi32, #tpu.memory_space<vmem>> -> memref<4x128xi32, #tpu.memory_space<vmem>>
        %dma_start3A_292 = arith.constant 0 : i32
        %dma_start3A_293 = tpu.memref_slice %arg4[%add3A_76, %dma_start3A_292] : memref<6400x128xi32, #tpu.memory_space<hbm>> -> memref<4x128xi32, #tpu.memory_space<hbm>>
        %dma_start3A_294 = arith.constant 0 : i32
        %dma_start3A_295 = arith.constant 0 : i32
        %dma_start3A_296 = tpu.memref_slice %arg6[%run_scoped3A_77, %dma_start3A_294, %dma_start3A_295] : memref<2x4x128xi32, #tpu.memory_space<vmem>> -> memref<1x4x128xi32, #tpu.memory_space<vmem>>
        %dma_start3A_297 = tpu.memref_squeeze %dma_start3A_296 : memref<1x4x128xi32, #tpu.memory_space<vmem>> -> memref<4x128xi32, #tpu.memory_space<vmem>>
        %dma_start3A_298 = arith.constant 0 : i32
        %dma_start3A_299 = tpu.memref_slice %arg4[%add3A_76, %dma_start3A_298] : memref<6400x128xi32, #tpu.memory_space<hbm>> -> memref<4x128xi32, #tpu.memory_space<hbm>>
        tpu.enqueue_dma source(%dma_start3A_299 : memref<4x128xi32, #tpu.memory_space<hbm>>) target(%dma_start3A_297 : memref<4x128xi32, #tpu.memory_space<vmem>>) target_semaphore(%run_scoped3A_287 : memref<!tpu.dma_semaphore, #tpu.memory_space<semaphore_mem>>)
        %dma_wait3A_300 = arith.constant 0 : i32
        %dma_wait3A_301 = arith.constant 0 : i32
        %dma_wait3A_302 = tpu.memref_slice %arg6[%run_scoped3A_77, %dma_wait3A_300, %dma_wait3A_301] : memref<2x4x128xi32, #tpu.memory_space<vmem>> -> memref<1x4x128xi32, #tpu.memory_space<vmem>>
        %dma_wait3A_303 = tpu.memref_squeeze %dma_wait3A_302 : memref<1x4x128xi32, #tpu.memory_space<vmem>> -> memref<4x128xi32, #tpu.memory_space<vmem>>
        %dma_wait3A_304 = arith.constant 0 : i32
        %dma_wait3A_305 = tpu.memref_slice %arg4[%add3A_76, %dma_wait3A_304] : memref<6400x128xi32, #tpu.memory_space<hbm>> -> memref<4x128xi32, #tpu.memory_space<hbm>>
        %dma_wait3A_306 = arith.constant 0 : i32
        %dma_wait3A_307 = arith.constant 0 : i32
        %dma_wait3A_308 = tpu.memref_slice %arg6[%run_scoped3A_77, %dma_wait3A_306, %dma_wait3A_307] : memref<2x4x128xi32, #tpu.memory_space<vmem>> -> memref<1x4x128xi32, #tpu.memory_space<vmem>>
        %dma_wait3A_309 = tpu.memref_squeeze %dma_wait3A_308 : memref<1x4x128xi32, #tpu.memory_space<vmem>> -> memref<4x128xi32, #tpu.memory_space<vmem>>
        %dma_wait3A_310 = arith.constant 0 : i32
        %dma_wait3A_311 = tpu.memref_slice %arg4[%add3A_76, %dma_wait3A_310] : memref<6400x128xi32, #tpu.memory_space<hbm>> -> memref<4x128xi32, #tpu.memory_space<hbm>>
        tpu.wait_dma2 semaphore(%run_scoped3A_287 : memref<!tpu.dma_semaphore, #tpu.memory_space<semaphore_mem>>) src(%dma_wait3A_311 : memref<4x128xi32, #tpu.memory_space<hbm>>) dst(%dma_wait3A_309 : memref<4x128xi32, #tpu.memory_space<vmem>>)
        tpu.yield
      }) : () -> ()
      %dma_start3A_78 = arith.constant 1 : i32
      %dma_start3A_79 = arith.constant 0 : i32
      %dma_start3A_80 = arith.constant 1 : i32
      %dma_start3A_81 = arith.constant 0 : i32
      %dma_start3A_82 = arith.constant 0 : i32
      %dma_start3A_83 = tpu.memref_slice %arg7[%dma_start3A_80, %dma_start3A_81, %dma_start3A_82] : memref<2x512x64xf32, #tpu.memory_space<vmem>> -> memref<1x128x64xf32, #tpu.memory_space<vmem>>
      %dma_start3A_84 = tpu.memref_squeeze %dma_start3A_83 : memref<1x128x64xf32, #tpu.memory_space<vmem>> -> memref<128x64xf32, #tpu.memory_space<vmem>>
      %dma_start3A_85 = arith.constant 0 : i32
      %dma_start3A_86 = tpu.memref_slice %arg6[%dma_start3A_78, %dma_start3A_79, %dma_start3A_85] : memref<2x4x128xi32, #tpu.memory_space<vmem>> -> memref<1x1x128xi32, #tpu.memory_space<vmem>>
      %dma_start3A_87 = tpu.memref_squeeze %dma_start3A_86 : memref<1x1x128xi32, #tpu.memory_space<vmem>> -> memref<128xi32, #tpu.memory_space<vmem>>
      %dma_start3A_88 = arith.constant 0 : i32
      %dma_start3A_89 = arith.constant 0 : i32
      %dma_start3A_90 = tpu.memref_slice %arg2[%dma_start3A_88, %dma_start3A_89] : memref<50000x64xf32, #tpu.memory_space<hbm>> -> memref<50000x64xf32, #tpu.memory_space<hbm>>
      tpu.enqueue_indirect_dma source(%dma_start3A_90 : memref<50000x64xf32, #tpu.memory_space<hbm>>) target(%dma_start3A_84 : memref<128x64xf32, #tpu.memory_space<vmem>>) offsets(%dma_start3A_87 : memref<128xi32, #tpu.memory_space<vmem>>) semaphore(%arg9 : memref<!tpu.dma_semaphore, #tpu.memory_space<semaphore_mem>>)
      %dma_start3A_91 = arith.constant 1 : i32
      %dma_start3A_92 = arith.constant 1 : i32
      %dma_start3A_93 = arith.constant 1 : i32
      %dma_start3A_94 = arith.constant 128 : i32
      %dma_start3A_95 = arith.constant 0 : i32
      %dma_start3A_96 = tpu.memref_slice %arg7[%dma_start3A_93, %dma_start3A_94, %dma_start3A_95] : memref<2x512x64xf32, #tpu.memory_space<vmem>> -> memref<1x128x64xf32, #tpu.memory_space<vmem>>
      %dma_start3A_97 = tpu.memref_squeeze %dma_start3A_96 : memref<1x128x64xf32, #tpu.memory_space<vmem>> -> memref<128x64xf32, #tpu.memory_space<vmem>>
      %dma_start3A_98 = arith.constant 0 : i32
      %dma_start3A_99 = tpu.memref_slice %arg6[%dma_start3A_91, %dma_start3A_92, %dma_start3A_98] : memref<2x4x128xi32, #tpu.memory_space<vmem>> -> memref<1x1x128xi32, #tpu.memory_space<vmem>>
      %dma_start3A_100 = tpu.memref_squeeze %dma_start3A_99 : memref<1x1x128xi32, #tpu.memory_space<vmem>> -> memref<128xi32, #tpu.memory_space<vmem>>
      %dma_start3A_101 = arith.constant 0 : i32
      %dma_start3A_102 = arith.constant 0 : i32
      %dma_start3A_103 = tpu.memref_slice %arg2[%dma_start3A_101, %dma_start3A_102] : memref<50000x64xf32, #tpu.memory_space<hbm>> -> memref<50000x64xf32, #tpu.memory_space<hbm>>
      tpu.enqueue_indirect_dma source(%dma_start3A_103 : memref<50000x64xf32, #tpu.memory_space<hbm>>) target(%dma_start3A_97 : memref<128x64xf32, #tpu.memory_space<vmem>>) offsets(%dma_start3A_100 : memref<128xi32, #tpu.memory_space<vmem>>) semaphore(%arg9 : memref<!tpu.dma_semaphore, #tpu.memory_space<semaphore_mem>>)
      %dma_start3A_104 = arith.constant 1 : i32
      %dma_start3A_105 = arith.constant 2 : i32
      %dma_start3A_106 = arith.constant 1 : i32
      %dma_start3A_107 = arith.constant 256 : i32
      %dma_start3A_108 = arith.constant 0 : i32
      %dma_start3A_109 = tpu.memref_slice %arg7[%dma_start3A_106, %dma_start3A_107, %dma_start3A_108] : memref<2x512x64xf32, #tpu.memory_space<vmem>> -> memref<1x128x64xf32, #tpu.memory_space<vmem>>
      %dma_start3A_110 = tpu.memref_squeeze %dma_start3A_109 : memref<1x128x64xf32, #tpu.memory_space<vmem>> -> memref<128x64xf32, #tpu.memory_space<vmem>>
      %dma_start3A_111 = arith.constant 0 : i32
      %dma_start3A_112 = tpu.memref_slice %arg6[%dma_start3A_104, %dma_start3A_105, %dma_start3A_111] : memref<2x4x128xi32, #tpu.memory_space<vmem>> -> memref<1x1x128xi32, #tpu.memory_space<vmem>>
      %dma_start3A_113 = tpu.memref_squeeze %dma_start3A_112 : memref<1x1x128xi32, #tpu.memory_space<vmem>> -> memref<128xi32, #tpu.memory_space<vmem>>
      %dma_start3A_114 = arith.constant 0 : i32
      %dma_start3A_115 = arith.constant 0 : i32
      %dma_start3A_116 = tpu.memref_slice %arg2[%dma_start3A_114, %dma_start3A_115] : memref<50000x64xf32, #tpu.memory_space<hbm>> -> memref<50000x64xf32, #tpu.memory_space<hbm>>
      tpu.enqueue_indirect_dma source(%dma_start3A_116 : memref<50000x64xf32, #tpu.memory_space<hbm>>) target(%dma_start3A_110 : memref<128x64xf32, #tpu.memory_space<vmem>>) offsets(%dma_start3A_113 : memref<128xi32, #tpu.memory_space<vmem>>) semaphore(%arg9 : memref<!tpu.dma_semaphore, #tpu.memory_space<semaphore_mem>>)
      %dma_start3A_117 = arith.constant 1 : i32
      %dma_start3A_118 = arith.constant 3 : i32
      %dma_start3A_119 = arith.constant 1 : i32
      %dma_start3A_120 = arith.constant 384 : i32
      %dma_start3A_121 = arith.constant 0 : i32
      %dma_start3A_122 = tpu.memref_slice %arg7[%dma_start3A_119, %dma_start3A_120, %dma_start3A_121] : memref<2x512x64xf32, #tpu.memory_space<vmem>> -> memref<1x128x64xf32, #tpu.memory_space<vmem>>
      %dma_start3A_123 = tpu.memref_squeeze %dma_start3A_122 : memref<1x128x64xf32, #tpu.memory_space<vmem>> -> memref<128x64xf32, #tpu.memory_space<vmem>>
      %dma_start3A_124 = arith.constant 0 : i32
      %dma_start3A_125 = tpu.memref_slice %arg6[%dma_start3A_117, %dma_start3A_118, %dma_start3A_124] : memref<2x4x128xi32, #tpu.memory_space<vmem>> -> memref<1x1x128xi32, #tpu.memory_space<vmem>>
      %dma_start3A_126 = tpu.memref_squeeze %dma_start3A_125 : memref<1x1x128xi32, #tpu.memory_space<vmem>> -> memref<128xi32, #tpu.memory_space<vmem>>
      %dma_start3A_127 = arith.constant 0 : i32
      %dma_start3A_128 = arith.constant 0 : i32
      %dma_start3A_129 = tpu.memref_slice %arg2[%dma_start3A_127, %dma_start3A_128] : memref<50000x64xf32, #tpu.memory_space<hbm>> -> memref<50000x64xf32, #tpu.memory_space<hbm>>
      tpu.enqueue_indirect_dma source(%dma_start3A_129 : memref<50000x64xf32, #tpu.memory_space<hbm>>) target(%dma_start3A_123 : memref<128x64xf32, #tpu.memory_space<vmem>>) offsets(%dma_start3A_126 : memref<128xi32, #tpu.memory_space<vmem>>) semaphore(%arg9 : memref<!tpu.dma_semaphore, #tpu.memory_space<semaphore_mem>>)
      %dma_wait3A = arith.constant 0 : i32
      %dma_wait3A_130 = arith.constant 0 : i32
      %dma_wait3A_131 = arith.constant 0 : i32
      %dma_wait3A_132 = arith.constant 0 : i32
      %dma_wait3A_133 = arith.constant 0 : i32
      %dma_wait3A_134 = tpu.memref_slice %arg7[%dma_wait3A_131, %dma_wait3A_132, %dma_wait3A_133] : memref<2x512x64xf32, #tpu.memory_space<vmem>> -> memref<1x128x64xf32, #tpu.memory_space<vmem>>
      %dma_wait3A_135 = tpu.memref_squeeze %dma_wait3A_134 : memref<1x128x64xf32, #tpu.memory_space<vmem>> -> memref<128x64xf32, #tpu.memory_space<vmem>>
      %dma_wait3A_136 = arith.constant 0 : i32
      %dma_wait3A_137 = tpu.memref_slice %arg6[%dma_wait3A, %dma_wait3A_130, %dma_wait3A_136] : memref<2x4x128xi32, #tpu.memory_space<vmem>> -> memref<1x1x128xi32, #tpu.memory_space<vmem>>
      %dma_wait3A_138 = tpu.memref_squeeze %dma_wait3A_137 : memref<1x1x128xi32, #tpu.memory_space<vmem>> -> memref<128xi32, #tpu.memory_space<vmem>>
      %dma_wait3A_139 = arith.constant 0 : i32
      %dma_wait3A_140 = arith.constant 0 : i32
      %dma_wait3A_141 = tpu.memref_slice %arg2[%dma_wait3A_139, %dma_wait3A_140] : memref<50000x64xf32, #tpu.memory_space<hbm>> -> memref<50000x64xf32, #tpu.memory_space<hbm>>
      tpu.wait_indirect_dma semaphore(%arg9 : memref<!tpu.dma_semaphore, #tpu.memory_space<semaphore_mem>>) src(%dma_wait3A_141 : memref<50000x64xf32, #tpu.memory_space<hbm>>) dst(%dma_wait3A_135 : memref<128x64xf32, #tpu.memory_space<vmem>>)
      %dma_wait3A_142 = arith.constant 0 : i32
      %dma_wait3A_143 = arith.constant 1 : i32
      %dma_wait3A_144 = arith.constant 0 : i32
      %dma_wait3A_145 = arith.constant 128 : i32
      %dma_wait3A_146 = arith.constant 0 : i32
      %dma_wait3A_147 = tpu.memref_slice %arg7[%dma_wait3A_144, %dma_wait3A_145, %dma_wait3A_146] : memref<2x512x64xf32, #tpu.memory_space<vmem>> -> memref<1x128x64xf32, #tpu.memory_space<vmem>>
      %dma_wait3A_148 = tpu.memref_squeeze %dma_wait3A_147 : memref<1x128x64xf32, #tpu.memory_space<vmem>> -> memref<128x64xf32, #tpu.memory_space<vmem>>
      %dma_wait3A_149 = arith.constant 0 : i32
      %dma_wait3A_150 = tpu.memref_slice %arg6[%dma_wait3A_142, %dma_wait3A_143, %dma_wait3A_149] : memref<2x4x128xi32, #tpu.memory_space<vmem>> -> memref<1x1x128xi32, #tpu.memory_space<vmem>>
      %dma_wait3A_151 = tpu.memref_squeeze %dma_wait3A_150 : memref<1x1x128xi32, #tpu.memory_space<vmem>> -> memref<128xi32, #tpu.memory_space<vmem>>
      %dma_wait3A_152 = arith.constant 0 : i32
      %dma_wait3A_153 = arith.constant 0 : i32
      %dma_wait3A_154 = tpu.memref_slice %arg2[%dma_wait3A_152, %dma_wait3A_153] : memref<50000x64xf32, #tpu.memory_space<hbm>> -> memref<50000x64xf32, #tpu.memory_space<hbm>>
      tpu.wait_indirect_dma semaphore(%arg9 : memref<!tpu.dma_semaphore, #tpu.memory_space<semaphore_mem>>) src(%dma_wait3A_154 : memref<50000x64xf32, #tpu.memory_space<hbm>>) dst(%dma_wait3A_148 : memref<128x64xf32, #tpu.memory_space<vmem>>)
      %dma_wait3A_155 = arith.constant 0 : i32
      %dma_wait3A_156 = arith.constant 2 : i32
      %dma_wait3A_157 = arith.constant 0 : i32
      %dma_wait3A_158 = arith.constant 256 : i32
      %dma_wait3A_159 = arith.constant 0 : i32
      %dma_wait3A_160 = tpu.memref_slice %arg7[%dma_wait3A_157, %dma_wait3A_158, %dma_wait3A_159] : memref<2x512x64xf32, #tpu.memory_space<vmem>> -> memref<1x128x64xf32, #tpu.memory_space<vmem>>
      %dma_wait3A_161 = tpu.memref_squeeze %dma_wait3A_160 : memref<1x128x64xf32, #tpu.memory_space<vmem>> -> memref<128x64xf32, #tpu.memory_space<vmem>>
      %dma_wait3A_162 = arith.constant 0 : i32
      %dma_wait3A_163 = tpu.memref_slice %arg6[%dma_wait3A_155, %dma_wait3A_156, %dma_wait3A_162] : memref<2x4x128xi32, #tpu.memory_space<vmem>> -> memref<1x1x128xi32, #tpu.memory_space<vmem>>
      %dma_wait3A_164 = tpu.memref_squeeze %dma_wait3A_163 : memref<1x1x128xi32, #tpu.memory_space<vmem>> -> memref<128xi32, #tpu.memory_space<vmem>>
      %dma_wait3A_165 = arith.constant 0 : i32
      %dma_wait3A_166 = arith.constant 0 : i32
      %dma_wait3A_167 = tpu.memref_slice %arg2[%dma_wait3A_165, %dma_wait3A_166] : memref<50000x64xf32, #tpu.memory_space<hbm>> -> memref<50000x64xf32, #tpu.memory_space<hbm>>
      tpu.wait_indirect_dma semaphore(%arg9 : memref<!tpu.dma_semaphore, #tpu.memory_space<semaphore_mem>>) src(%dma_wait3A_167 : memref<50000x64xf32, #tpu.memory_space<hbm>>) dst(%dma_wait3A_161 : memref<128x64xf32, #tpu.memory_space<vmem>>)
      %dma_wait3A_168 = arith.constant 0 : i32
      %dma_wait3A_169 = arith.constant 3 : i32
      %dma_wait3A_170 = arith.constant 0 : i32
      %dma_wait3A_171 = arith.constant 384 : i32
      %dma_wait3A_172 = arith.constant 0 : i32
      %dma_wait3A_173 = tpu.memref_slice %arg7[%dma_wait3A_170, %dma_wait3A_171, %dma_wait3A_172] : memref<2x512x64xf32, #tpu.memory_space<vmem>> -> memref<1x128x64xf32, #tpu.memory_space<vmem>>
      %dma_wait3A_174 = tpu.memref_squeeze %dma_wait3A_173 : memref<1x128x64xf32, #tpu.memory_space<vmem>> -> memref<128x64xf32, #tpu.memory_space<vmem>>
      %dma_wait3A_175 = arith.constant 0 : i32
      %dma_wait3A_176 = tpu.memref_slice %arg6[%dma_wait3A_168, %dma_wait3A_169, %dma_wait3A_175] : memref<2x4x128xi32, #tpu.memory_space<vmem>> -> memref<1x1x128xi32, #tpu.memory_space<vmem>>
      %dma_wait3A_177 = tpu.memref_squeeze %dma_wait3A_176 : memref<1x1x128xi32, #tpu.memory_space<vmem>> -> memref<128xi32, #tpu.memory_space<vmem>>
      %dma_wait3A_178 = arith.constant 0 : i32
      %dma_wait3A_179 = arith.constant 0 : i32
      %dma_wait3A_180 = tpu.memref_slice %arg2[%dma_wait3A_178, %dma_wait3A_179] : memref<50000x64xf32, #tpu.memory_space<hbm>> -> memref<50000x64xf32, #tpu.memory_space<hbm>>
      tpu.wait_indirect_dma semaphore(%arg9 : memref<!tpu.dma_semaphore, #tpu.memory_space<semaphore_mem>>) src(%dma_wait3A_180 : memref<50000x64xf32, #tpu.memory_space<hbm>>) dst(%dma_wait3A_174 : memref<128x64xf32, #tpu.memory_space<vmem>>)
      %mul3A_181 = arith.constant 512 : i32
      %mul3A_182 = arith.muli %mul3A_71, %mul3A_181 : i32
      %add3A_183 = arith.addi %mul3A_2, %mul3A_182 : i32
      %dma_wait3A_184 = arith.constant 0 : i32
      %dma_wait3A_185 = tpu.memref_slice %arg3[%add3A_183, %dma_wait3A_184] : memref<819200x64xf32, #tpu.memory_space<hbm>> -> memref<512x64xf32, #tpu.memory_space<hbm>>
      %dma_wait3A_186 = arith.constant 0 : i32
      %dma_wait3A_187 = tpu.memref_slice %arg3[%add3A_183, %dma_wait3A_186] : memref<819200x64xf32, #tpu.memory_space<hbm>> -> memref<512x64xf32, #tpu.memory_space<hbm>>
      tpu.wait_dma2 semaphore(%arg10 : memref<!tpu.dma_semaphore, #tpu.memory_space<semaphore_mem>>) src(%dma_wait3A_187 : memref<512x64xf32, #tpu.memory_space<hbm>>) dst(%arg8 : memref<512x64xf32, #tpu.memory_space<vmem>>)
      %scan3A_188 = arith.constant 0 : i32
      %scan3A_189 = arith.constant 0 : i32
      %scan3A_190 = arith.constant 256 : i32
      %scan3A_191 = arith.addi %scan3A_189, %scan3A_190 : i32
      %scan3A_192 = arith.constant 1 : i32
      scf.for %scan3A_287 = %scan3A_189 to %scan3A_191 step %scan3A_192  : i32 {
        %mul3A_288 = arith.constant 2 : i32
        %mul3A_289 = arith.muli %mul3A_288, %scan3A_287 : i32
        %add3A_290 = arith.constant 0 : i32
        %add3A_291 = arith.addi %mul3A_289, %add3A_290 : i32
        %get3A = arith.constant 0 : i32
        %get3A_292 = arith.index_cast %get3A : i32 to index
        %get3A_293 = arith.index_cast %add3A_291 : i32 to index
        %get3A_294 = arith.constant 0 : index
        %get3A_295 = tpu.vector_load %arg7[%get3A_292, %get3A_293, %get3A_294] {strides = array<i32>} : memref<2x512x64xf32, #tpu.memory_space<vmem>>, vector<1x1x16xf32>,
        %get3A_296 = vector.shape_cast %get3A_295 : vector<1x1x16xf32> to vector<16xf32>
        %add3A_297 = arith.constant 0 : i32
        %add3A_298 = arith.addi %mul3A_289, %add3A_297 : i32
        %get3A_299 = arith.index_cast %add3A_298 : i32 to index
        %get3A_300 = arith.constant 0 : index
        %get3A_301 = tpu.vector_load %arg8[%get3A_299, %get3A_300] {strides = array<i32>} : memref<512x64xf32, #tpu.memory_space<vmem>>, vector<1x16xf32>,
        %get3A_302 = vector.shape_cast %get3A_301 : vector<1x16xf32> to vector<16xf32>
        %add3A_303 = arith.addf %get3A_296, %get3A_302 : vector<16xf32>
        %max3A = arith.constant 0.000000e+00 : f32
        %max3A_304 = vector.broadcast %max3A : f32 to vector<16xf32>
        %max3A_305 = arith.maximumf %add3A_303, %max3A_304 : vector<16xf32>
        %add3A_306 = arith.constant 0 : i32
        %add3A_307 = arith.addi %mul3A_289, %add3A_306 : i32
        %swap3A = arith.constant 0 : i32
        %swap3A_308 = arith.index_cast %swap3A : i32 to index
        %swap3A_309 = arith.index_cast %add3A_307 : i32 to index
        %swap3A_310 = arith.constant 0 : index
        %swap3A_311 = tpu.vector_load %arg7[%swap3A_308, %swap3A_309, %swap3A_310] {strides = array<i32>} : memref<2x512x64xf32, #tpu.memory_space<vmem>>, vector<1x1x16xf32>,
        %swap3A_312 = vector.shape_cast %swap3A_311 : vector<1x1x16xf32> to vector<16xf32>
        %swap3A_313 = vector.shape_cast %max3A_305 : vector<16xf32> to vector<1x1x16xf32>
        tpu.vector_store %arg7[%swap3A_308, %swap3A_309, %swap3A_310], %swap3A_313 {strides = array<i32>} : memref<2x512x64xf32, #tpu.memory_space<vmem>>, vector<1x1x16xf32>,
        %add3A_314 = arith.constant 0 : i32
        %add3A_315 = arith.addi %mul3A_289, %add3A_314 : i32
        %get3A_316 = arith.constant 0 : i32
        %get3A_317 = arith.index_cast %get3A_316 : i32 to index
        %get3A_318 = arith.index_cast %add3A_315 : i32 to index
        %get3A_319 = arith.constant 16 : index
        %get3A_320 = tpu.vector_load %arg7[%get3A_317, %get3A_318, %get3A_319] {strides = array<i32>} : memref<2x512x64xf32, #tpu.memory_space<vmem>>, vector<1x1x16xf32>,
        %get3A_321 = vector.shape_cast %get3A_320 : vector<1x1x16xf32> to vector<16xf32>
        %add3A_322 = arith.constant 0 : i32
        %add3A_323 = arith.addi %mul3A_289, %add3A_322 : i32
        %get3A_324 = arith.index_cast %add3A_323 : i32 to index
        %get3A_325 = arith.constant 16 : index
        %get3A_326 = tpu.vector_load %arg8[%get3A_324, %get3A_325] {strides = array<i32>} : memref<512x64xf32, #tpu.memory_space<vmem>>, vector<1x16xf32>,
        %get3A_327 = vector.shape_cast %get3A_326 : vector<1x16xf32> to vector<16xf32>
        %add3A_328 = arith.addf %get3A_321, %get3A_327 : vector<16xf32>
        %max3A_329 = arith.constant 0.000000e+00 : f32
        %max3A_330 = vector.broadcast %max3A_329 : f32 to vector<16xf32>
        %max3A_331 = arith.maximumf %add3A_328, %max3A_330 : vector<16xf32>
        %add3A_332 = arith.constant 0 : i32
        %add3A_333 = arith.addi %mul3A_289, %add3A_332 : i32
        %swap3A_334 = arith.constant 0 : i32
        %swap3A_335 = arith.index_cast %swap3A_334 : i32 to index
        %swap3A_336 = arith.index_cast %add3A_333 : i32 to index
        %swap3A_337 = arith.constant 16 : index
        %swap3A_338 = tpu.vector_load %arg7[%swap3A_335, %swap3A_336, %swap3A_337] {strides = array<i32>} : memref<2x512x64xf32, #tpu.memory_space<vmem>>, vector<1x1x16xf32>,
        %swap3A_339 = vector.shape_cast %swap3A_338 : vector<1x1x16xf32> to vector<16xf32>
        %swap3A_340 = vector.shape_cast %max3A_331 : vector<16xf32> to vector<1x1x16xf32>
        tpu.vector_store %arg7[%swap3A_335, %swap3A_336, %swap3A_337], %swap3A_340 {strides = array<i32>} : memref<2x512x64xf32, #tpu.memory_space<vmem>>, vector<1x1x16xf32>,
        %add3A_341 = arith.constant 0 : i32
        %add3A_342 = arith.addi %mul3A_289, %add3A_341 : i32
        %get3A_343 = arith.constant 0 : i32
        %get3A_344 = arith.index_cast %get3A_343 : i32 to index
        %get3A_345 = arith.index_cast %add3A_342 : i32 to index
        %get3A_346 = arith.constant 32 : index
        %get3A_347 = tpu.vector_load %arg7[%get3A_344, %get3A_345, %get3A_346] {strides = array<i32>} : memref<2x512x64xf32, #tpu.memory_space<vmem>>, vector<1x1x16xf32>,
        %get3A_348 = vector.shape_cast %get3A_347 : vector<1x1x16xf32> to vector<16xf32>
        %add3A_349 = arith.constant 0 : i32
        %add3A_350 = arith.addi %mul3A_289, %add3A_349 : i32
        %get3A_351 = arith.index_cast %add3A_350 : i32 to index
        %get3A_352 = arith.constant 32 : index
        %get3A_353 = tpu.vector_load %arg8[%get3A_351, %get3A_352] {strides = array<i32>} : memref<512x64xf32, #tpu.memory_space<vmem>>, vector<1x16xf32>,
        %get3A_354 = vector.shape_cast %get3A_353 : vector<1x16xf32> to vector<16xf32>
        %add3A_355 = arith.addf %get3A_348, %get3A_354 : vector<16xf32>
        %max3A_356 = arith.constant 0.000000e+00 : f32
        %max3A_357 = vector.broadcast %max3A_356 : f32 to vector<16xf32>
        %max3A_358 = arith.maximumf %add3A_355, %max3A_357 : vector<16xf32>
        %add3A_359 = arith.constant 0 : i32
        %add3A_360 = arith.addi %mul3A_289, %add3A_359 : i32
        %swap3A_361 = arith.constant 0 : i32
        %swap3A_362 = arith.index_cast %swap3A_361 : i32 to index
        %swap3A_363 = arith.index_cast %add3A_360 : i32 to index
        %swap3A_364 = arith.constant 32 : index
        %swap3A_365 = tpu.vector_load %arg7[%swap3A_362, %swap3A_363, %swap3A_364] {strides = array<i32>} : memref<2x512x64xf32, #tpu.memory_space<vmem>>, vector<1x1x16xf32>,
        %swap3A_366 = vector.shape_cast %swap3A_365 : vector<1x1x16xf32> to vector<16xf32>
        %swap3A_367 = vector.shape_cast %max3A_358 : vector<16xf32> to vector<1x1x16xf32>
        tpu.vector_store %arg7[%swap3A_362, %swap3A_363, %swap3A_364], %swap3A_367 {strides = array<i32>} : memref<2x512x64xf32, #tpu.memory_space<vmem>>, vector<1x1x16xf32>,
        %add3A_368 = arith.constant 0 : i32
        %add3A_369 = arith.addi %mul3A_289, %add3A_368 : i32
        %get3A_370 = arith.constant 0 : i32
        %get3A_371 = arith.index_cast %get3A_370 : i32 to index
        %get3A_372 = arith.index_cast %add3A_369 : i32 to index
        %get3A_373 = arith.constant 48 : index
        %get3A_374 = tpu.vector_load %arg7[%get3A_371, %get3A_372, %get3A_373] {strides = array<i32>} : memref<2x512x64xf32, #tpu.memory_space<vmem>>, vector<1x1x16xf32>,
        %get3A_375 = vector.shape_cast %get3A_374 : vector<1x1x16xf32> to vector<16xf32>
        %add3A_376 = arith.constant 0 : i32
        %add3A_377 = arith.addi %mul3A_289, %add3A_376 : i32
        %get3A_378 = arith.index_cast %add3A_377 : i32 to index
        %get3A_379 = arith.constant 48 : index
        %get3A_380 = tpu.vector_load %arg8[%get3A_378, %get3A_379] {strides = array<i32>} : memref<512x64xf32, #tpu.memory_space<vmem>>, vector<1x16xf32>,
        %get3A_381 = vector.shape_cast %get3A_380 : vector<1x16xf32> to vector<16xf32>
        %add3A_382 = arith.addf %get3A_375, %get3A_381 : vector<16xf32>
        %max3A_383 = arith.constant 0.000000e+00 : f32
        %max3A_384 = vector.broadcast %max3A_383 : f32 to vector<16xf32>
        %max3A_385 = arith.maximumf %add3A_382, %max3A_384 : vector<16xf32>
        %add3A_386 = arith.constant 0 : i32
        %add3A_387 = arith.addi %mul3A_289, %add3A_386 : i32
        %swap3A_388 = arith.constant 0 : i32
        %swap3A_389 = arith.index_cast %swap3A_388 : i32 to index
        %swap3A_390 = arith.index_cast %add3A_387 : i32 to index
        %swap3A_391 = arith.constant 48 : index
        %swap3A_392 = tpu.vector_load %arg7[%swap3A_389, %swap3A_390, %swap3A_391] {strides = array<i32>} : memref<2x512x64xf32, #tpu.memory_space<vmem>>, vector<1x1x16xf32>,
        %swap3A_393 = vector.shape_cast %swap3A_392 : vector<1x1x16xf32> to vector<16xf32>
        %swap3A_394 = vector.shape_cast %max3A_385 : vector<16xf32> to vector<1x1x16xf32>
        tpu.vector_store %arg7[%swap3A_389, %swap3A_390, %swap3A_391], %swap3A_394 {strides = array<i32>} : memref<2x512x64xf32, #tpu.memory_space<vmem>>, vector<1x1x16xf32>,
        %add3A_395 = arith.constant 1 : i32
        %add3A_396 = arith.addi %mul3A_289, %add3A_395 : i32
        %get3A_397 = arith.constant 0 : i32
        %get3A_398 = arith.index_cast %get3A_397 : i32 to index
        %get3A_399 = arith.index_cast %add3A_396 : i32 to index
        %get3A_400 = arith.constant 0 : index
        %get3A_401 = tpu.vector_load %arg7[%get3A_398, %get3A_399, %get3A_400] {strides = array<i32>} : memref<2x512x64xf32, #tpu.memory_space<vmem>>, vector<1x1x16xf32>,
        %get3A_402 = vector.shape_cast %get3A_401 : vector<1x1x16xf32> to vector<16xf32>
        %add3A_403 = arith.constant 1 : i32
        %add3A_404 = arith.addi %mul3A_289, %add3A_403 : i32
        %get3A_405 = arith.index_cast %add3A_404 : i32 to index
        %get3A_406 = arith.constant 0 : index
        %get3A_407 = tpu.vector_load %arg8[%get3A_405, %get3A_406] {strides = array<i32>} : memref<512x64xf32, #tpu.memory_space<vmem>>, vector<1x16xf32>,
        %get3A_408 = vector.shape_cast %get3A_407 : vector<1x16xf32> to vector<16xf32>
        %add3A_409 = arith.addf %get3A_402, %get3A_408 : vector<16xf32>
        %max3A_410 = arith.constant 0.000000e+00 : f32
        %max3A_411 = vector.broadcast %max3A_410 : f32 to vector<16xf32>
        %max3A_412 = arith.maximumf %add3A_409, %max3A_411 : vector<16xf32>
        %add3A_413 = arith.constant 1 : i32
        %add3A_414 = arith.addi %mul3A_289, %add3A_413 : i32
        %swap3A_415 = arith.constant 0 : i32
        %swap3A_416 = arith.index_cast %swap3A_415 : i32 to index
        %swap3A_417 = arith.index_cast %add3A_414 : i32 to index
        %swap3A_418 = arith.constant 0 : index
        %swap3A_419 = tpu.vector_load %arg7[%swap3A_416, %swap3A_417, %swap3A_418] {strides = array<i32>} : memref<2x512x64xf32, #tpu.memory_space<vmem>>, vector<1x1x16xf32>,
        %swap3A_420 = vector.shape_cast %swap3A_419 : vector<1x1x16xf32> to vector<16xf32>
        %swap3A_421 = vector.shape_cast %max3A_412 : vector<16xf32> to vector<1x1x16xf32>
        tpu.vector_store %arg7[%swap3A_416, %swap3A_417, %swap3A_418], %swap3A_421 {strides = array<i32>} : memref<2x512x64xf32, #tpu.memory_space<vmem>>, vector<1x1x16xf32>,
        %add3A_422 = arith.constant 1 : i32
        %add3A_423 = arith.addi %mul3A_289, %add3A_422 : i32
        %get3A_424 = arith.constant 0 : i32
        %get3A_425 = arith.index_cast %get3A_424 : i32 to index
        %get3A_426 = arith.index_cast %add3A_423 : i32 to index
        %get3A_427 = arith.constant 16 : index
        %get3A_428 = tpu.vector_load %arg7[%get3A_425, %get3A_426, %get3A_427] {strides = array<i32>} : memref<2x512x64xf32, #tpu.memory_space<vmem>>, vector<1x1x16xf32>,
        %get3A_429 = vector.shape_cast %get3A_428 : vector<1x1x16xf32> to vector<16xf32>
        %add3A_430 = arith.constant 1 : i32
        %add3A_431 = arith.addi %mul3A_289, %add3A_430 : i32
        %get3A_432 = arith.index_cast %add3A_431 : i32 to index
        %get3A_433 = arith.constant 16 : index
        %get3A_434 = tpu.vector_load %arg8[%get3A_432, %get3A_433] {strides = array<i32>} : memref<512x64xf32, #tpu.memory_space<vmem>>, vector<1x16xf32>,
        %get3A_435 = vector.shape_cast %get3A_434 : vector<1x16xf32> to vector<16xf32>
        %add3A_436 = arith.addf %get3A_429, %get3A_435 : vector<16xf32>
        %max3A_437 = arith.constant 0.000000e+00 : f32
        %max3A_438 = vector.broadcast %max3A_437 : f32 to vector<16xf32>
        %max3A_439 = arith.maximumf %add3A_436, %max3A_438 : vector<16xf32>
        %add3A_440 = arith.constant 1 : i32
        %add3A_441 = arith.addi %mul3A_289, %add3A_440 : i32
        %swap3A_442 = arith.constant 0 : i32
        %swap3A_443 = arith.index_cast %swap3A_442 : i32 to index
        %swap3A_444 = arith.index_cast %add3A_441 : i32 to index
        %swap3A_445 = arith.constant 16 : index
        %swap3A_446 = tpu.vector_load %arg7[%swap3A_443, %swap3A_444, %swap3A_445] {strides = array<i32>} : memref<2x512x64xf32, #tpu.memory_space<vmem>>, vector<1x1x16xf32>,
        %swap3A_447 = vector.shape_cast %swap3A_446 : vector<1x1x16xf32> to vector<16xf32>
        %swap3A_448 = vector.shape_cast %max3A_439 : vector<16xf32> to vector<1x1x16xf32>
        tpu.vector_store %arg7[%swap3A_443, %swap3A_444, %swap3A_445], %swap3A_448 {strides = array<i32>} : memref<2x512x64xf32, #tpu.memory_space<vmem>>, vector<1x1x16xf32>,
        %add3A_449 = arith.constant 1 : i32
        %add3A_450 = arith.addi %mul3A_289, %add3A_449 : i32
        %get3A_451 = arith.constant 0 : i32
        %get3A_452 = arith.index_cast %get3A_451 : i32 to index
        %get3A_453 = arith.index_cast %add3A_450 : i32 to index
        %get3A_454 = arith.constant 32 : index
        %get3A_455 = tpu.vector_load %arg7[%get3A_452, %get3A_453, %get3A_454] {strides = array<i32>} : memref<2x512x64xf32, #tpu.memory_space<vmem>>, vector<1x1x16xf32>,
        %get3A_456 = vector.shape_cast %get3A_455 : vector<1x1x16xf32> to vector<16xf32>
        %add3A_457 = arith.constant 1 : i32
        %add3A_458 = arith.addi %mul3A_289, %add3A_457 : i32
        %get3A_459 = arith.index_cast %add3A_458 : i32 to index
        %get3A_460 = arith.constant 32 : index
        %get3A_461 = tpu.vector_load %arg8[%get3A_459, %get3A_460] {strides = array<i32>} : memref<512x64xf32, #tpu.memory_space<vmem>>, vector<1x16xf32>,
        %get3A_462 = vector.shape_cast %get3A_461 : vector<1x16xf32> to vector<16xf32>
        %add3A_463 = arith.addf %get3A_456, %get3A_462 : vector<16xf32>
        %max3A_464 = arith.constant 0.000000e+00 : f32
        %max3A_465 = vector.broadcast %max3A_464 : f32 to vector<16xf32>
        %max3A_466 = arith.maximumf %add3A_463, %max3A_465 : vector<16xf32>
        %add3A_467 = arith.constant 1 : i32
        %add3A_468 = arith.addi %mul3A_289, %add3A_467 : i32
        %swap3A_469 = arith.constant 0 : i32
        %swap3A_470 = arith.index_cast %swap3A_469 : i32 to index
        %swap3A_471 = arith.index_cast %add3A_468 : i32 to index
        %swap3A_472 = arith.constant 32 : index
        %swap3A_473 = tpu.vector_load %arg7[%swap3A_470, %swap3A_471, %swap3A_472] {strides = array<i32>} : memref<2x512x64xf32, #tpu.memory_space<vmem>>, vector<1x1x16xf32>,
        %swap3A_474 = vector.shape_cast %swap3A_473 : vector<1x1x16xf32> to vector<16xf32>
        %swap3A_475 = vector.shape_cast %max3A_466 : vector<16xf32> to vector<1x1x16xf32>
        tpu.vector_store %arg7[%swap3A_470, %swap3A_471, %swap3A_472], %swap3A_475 {strides = array<i32>} : memref<2x512x64xf32, #tpu.memory_space<vmem>>, vector<1x1x16xf32>,
        %add3A_476 = arith.constant 1 : i32
        %add3A_477 = arith.addi %mul3A_289, %add3A_476 : i32
        %get3A_478 = arith.constant 0 : i32
        %get3A_479 = arith.index_cast %get3A_478 : i32 to index
        %get3A_480 = arith.index_cast %add3A_477 : i32 to index
        %get3A_481 = arith.constant 48 : index
        %get3A_482 = tpu.vector_load %arg7[%get3A_479, %get3A_480, %get3A_481] {strides = array<i32>} : memref<2x512x64xf32, #tpu.memory_space<vmem>>, vector<1x1x16xf32>,
        %get3A_483 = vector.shape_cast %get3A_482 : vector<1x1x16xf32> to vector<16xf32>
        %add3A_484 = arith.constant 1 : i32
        %add3A_485 = arith.addi %mul3A_289, %add3A_484 : i32
        %get3A_486 = arith.index_cast %add3A_485 : i32 to index
        %get3A_487 = arith.constant 48 : index
        %get3A_488 = tpu.vector_load %arg8[%get3A_486, %get3A_487] {strides = array<i32>} : memref<512x64xf32, #tpu.memory_space<vmem>>, vector<1x16xf32>,
        %get3A_489 = vector.shape_cast %get3A_488 : vector<1x16xf32> to vector<16xf32>
        %add3A_490 = arith.addf %get3A_483, %get3A_489 : vector<16xf32>
        %max3A_491 = arith.constant 0.000000e+00 : f32
        %max3A_492 = vector.broadcast %max3A_491 : f32 to vector<16xf32>
        %max3A_493 = arith.maximumf %add3A_490, %max3A_492 : vector<16xf32>
        %add3A_494 = arith.constant 1 : i32
        %add3A_495 = arith.addi %mul3A_289, %add3A_494 : i32
        %swap3A_496 = arith.constant 0 : i32
        %swap3A_497 = arith.index_cast %swap3A_496 : i32 to index
        %swap3A_498 = arith.index_cast %add3A_495 : i32 to index
        %swap3A_499 = arith.constant 48 : index
        %swap3A_500 = tpu.vector_load %arg7[%swap3A_497, %swap3A_498, %swap3A_499] {strides = array<i32>} : memref<2x512x64xf32, #tpu.memory_space<vmem>>, vector<1x1x16xf32>,
        %swap3A_501 = vector.shape_cast %swap3A_500 : vector<1x1x16xf32> to vector<16xf32>
        %swap3A_502 = vector.shape_cast %max3A_493 : vector<16xf32> to vector<1x1x16xf32>
        tpu.vector_store %arg7[%swap3A_497, %swap3A_498, %swap3A_499], %swap3A_502 {strides = array<i32>} : memref<2x512x64xf32, #tpu.memory_space<vmem>>, vector<1x1x16xf32>,
      }
      %scan3A_193 = arith.constant 256 : i32
      %add3A_194 = arith.constant 1 : i32
      %add3A_195 = arith.addi %mul3A_71, %add3A_194 : i32
      %mul3A_196 = arith.constant 512 : i32
      %mul3A_197 = arith.muli %add3A_195, %mul3A_196 : i32
      %add3A_198 = arith.addi %mul3A_2, %mul3A_197 : i32
      %dma_start3A_199 = arith.constant 0 : i32
      %dma_start3A_200 = tpu.memref_slice %arg3[%add3A_198, %dma_start3A_199] : memref<819200x64xf32, #tpu.memory_space<hbm>> -> memref<512x64xf32, #tpu.memory_space<hbm>>
      %dma_start3A_201 = arith.constant 0 : i32
      %dma_start3A_202 = tpu.memref_slice %arg3[%add3A_198, %dma_start3A_201] : memref<819200x64xf32, #tpu.memory_space<hbm>> -> memref<512x64xf32, #tpu.memory_space<hbm>>
      tpu.enqueue_dma source(%dma_start3A_202 : memref<512x64xf32, #tpu.memory_space<hbm>>) target(%arg8 : memref<512x64xf32, #tpu.memory_space<vmem>>) target_semaphore(%arg10 : memref<!tpu.dma_semaphore, #tpu.memory_space<semaphore_mem>>)
      %mul3A_203 = arith.constant 512 : i32
      %mul3A_204 = arith.muli %mul3A_71, %mul3A_203 : i32
      %add3A_205 = arith.addi %mul3A_2, %mul3A_204 : i32
      %run_scoped3A_206 = arith.constant 0 : i32
      "tpu.region"() ({
        %run_scoped3A_287 = tpu.sem_alloc : memref<!tpu.dma_semaphore, #tpu.memory_space<semaphore_mem>>
        %dma_start3A_288 = arith.constant 0 : i32
        %dma_start3A_289 = arith.constant 0 : i32
        %dma_start3A_290 = tpu.memref_slice %arg7[%run_scoped3A_206, %dma_start3A_288, %dma_start3A_289] : memref<2x512x64xf32, #tpu.memory_space<vmem>> -> memref<1x512x64xf32, #tpu.memory_space<vmem>>
        %dma_start3A_291 = tpu.memref_squeeze %dma_start3A_290 : memref<1x512x64xf32, #tpu.memory_space<vmem>> -> memref<512x64xf32, #tpu.memory_space<vmem>>
        %dma_start3A_292 = arith.constant 0 : i32
        %dma_start3A_293 = tpu.memref_slice %arg5[%add3A_205, %dma_start3A_292] : memref<819200x64xf32, #tpu.memory_space<hbm>> -> memref<512x64xf32, #tpu.memory_space<hbm>>
        %dma_start3A_294 = arith.constant 0 : i32
        %dma_start3A_295 = tpu.memref_slice %arg5[%add3A_205, %dma_start3A_294] : memref<819200x64xf32, #tpu.memory_space<hbm>> -> memref<512x64xf32, #tpu.memory_space<hbm>>
        %dma_start3A_296 = arith.constant 0 : i32
        %dma_start3A_297 = arith.constant 0 : i32
        %dma_start3A_298 = tpu.memref_slice %arg7[%run_scoped3A_206, %dma_start3A_296, %dma_start3A_297] : memref<2x512x64xf32, #tpu.memory_space<vmem>> -> memref<1x512x64xf32, #tpu.memory_space<vmem>>
        %dma_start3A_299 = tpu.memref_squeeze %dma_start3A_298 : memref<1x512x64xf32, #tpu.memory_space<vmem>> -> memref<512x64xf32, #tpu.memory_space<vmem>>
        tpu.enqueue_dma source(%dma_start3A_299 : memref<512x64xf32, #tpu.memory_space<vmem>>) target(%dma_start3A_295 : memref<512x64xf32, #tpu.memory_space<hbm>>) target_semaphore(%run_scoped3A_287 : memref<!tpu.dma_semaphore, #tpu.memory_space<semaphore_mem>>)
        %dma_wait3A_300 = arith.constant 0 : i32
        %dma_wait3A_301 = arith.constant 0 : i32
        %dma_wait3A_302 = tpu.memref_slice %arg7[%run_scoped3A_206, %dma_wait3A_300, %dma_wait3A_301] : memref<2x512x64xf32, #tpu.memory_space<vmem>> -> memref<1x512x64xf32, #tpu.memory_space<vmem>>
        %dma_wait3A_303 = tpu.memref_squeeze %dma_wait3A_302 : memref<1x512x64xf32, #tpu.memory_space<vmem>> -> memref<512x64xf32, #tpu.memory_space<vmem>>
        %dma_wait3A_304 = arith.constant 0 : i32
        %dma_wait3A_305 = tpu.memref_slice %arg5[%add3A_205, %dma_wait3A_304] : memref<819200x64xf32, #tpu.memory_space<hbm>> -> memref<512x64xf32, #tpu.memory_space<hbm>>
        %dma_wait3A_306 = arith.constant 0 : i32
        %dma_wait3A_307 = tpu.memref_slice %arg5[%add3A_205, %dma_wait3A_306] : memref<819200x64xf32, #tpu.memory_space<hbm>> -> memref<512x64xf32, #tpu.memory_space<hbm>>
        %dma_wait3A_308 = arith.constant 0 : i32
        %dma_wait3A_309 = arith.constant 0 : i32
        %dma_wait3A_310 = tpu.memref_slice %arg7[%run_scoped3A_206, %dma_wait3A_308, %dma_wait3A_309] : memref<2x512x64xf32, #tpu.memory_space<vmem>> -> memref<1x512x64xf32, #tpu.memory_space<vmem>>
        %dma_wait3A_311 = tpu.memref_squeeze %dma_wait3A_310 : memref<1x512x64xf32, #tpu.memory_space<vmem>> -> memref<512x64xf32, #tpu.memory_space<vmem>>
        tpu.wait_dma2 semaphore(%run_scoped3A_287 : memref<!tpu.dma_semaphore, #tpu.memory_space<semaphore_mem>>) src(%dma_wait3A_311 : memref<512x64xf32, #tpu.memory_space<vmem>>) dst(%dma_wait3A_307 : memref<512x64xf32, #tpu.memory_space<hbm>>)
        tpu.yield
      }) : () -> ()
      %lt3A = arith.constant 24 : i32
      %lt3A_207 = arith.cmpi slt, %scan3A_69, %lt3A : i32
      %convert_element_type3A = arith.extui %lt3A_207 : i1 to i32
      %cond3A = arith.constant 0 : i32
      %cond3A_208 = arith.cmpi ne, %convert_element_type3A, %cond3A : i32
      scf.if %cond3A_208 {
        %add3A_287 = arith.constant 2 : i32
        %add3A_288 = arith.addi %mul3A_71, %add3A_287 : i32
        %mul3A_289 = arith.constant 4 : i32
        %mul3A_290 = arith.muli %add3A_288, %mul3A_289 : i32
        %add3A_291 = arith.addi %mul3A_4, %mul3A_290 : i32
        %run_scoped3A_292 = arith.constant 0 : i32
        "tpu.region"() ({
          %run_scoped3A_345 = tpu.sem_alloc : memref<!tpu.dma_semaphore, #tpu.memory_space<semaphore_mem>>
          %dma_start3A_346 = arith.constant 0 : i32
          %dma_start3A_347 = arith.constant 0 : i32
          %dma_start3A_348 = tpu.memref_slice %arg6[%run_scoped3A_292, %dma_start3A_346, %dma_start3A_347] : memref<2x4x128xi32, #tpu.memory_space<vmem>> -> memref<1x4x128xi32, #tpu.memory_space<vmem>>
          %dma_start3A_349 = tpu.memref_squeeze %dma_start3A_348 : memref<1x4x128xi32, #tpu.memory_space<vmem>> -> memref<4x128xi32, #tpu.memory_space<vmem>>
          %dma_start3A_350 = arith.constant 0 : i32
          %dma_start3A_351 = tpu.memref_slice %arg4[%add3A_291, %dma_start3A_350] : memref<6400x128xi32, #tpu.memory_space<hbm>> -> memref<4x128xi32, #tpu.memory_space<hbm>>
          %dma_start3A_352 = arith.constant 0 : i32
          %dma_start3A_353 = arith.constant 0 : i32
          %dma_start3A_354 = tpu.memref_slice %arg6[%run_scoped3A_292, %dma_start3A_352, %dma_start3A_353] : memref<2x4x128xi32, #tpu.memory_space<vmem>> -> memref<1x4x128xi32, #tpu.memory_space<vmem>>
          %dma_start3A_355 = tpu.memref_squeeze %dma_start3A_354 : memref<1x4x128xi32, #tpu.memory_space<vmem>> -> memref<4x128xi32, #tpu.memory_space<vmem>>
          %dma_start3A_356 = arith.constant 0 : i32
          %dma_start3A_357 = tpu.memref_slice %arg4[%add3A_291, %dma_start3A_356] : memref<6400x128xi32, #tpu.memory_space<hbm>> -> memref<4x128xi32, #tpu.memory_space<hbm>>
          tpu.enqueue_dma source(%dma_start3A_357 : memref<4x128xi32, #tpu.memory_space<hbm>>) target(%dma_start3A_355 : memref<4x128xi32, #tpu.memory_space<vmem>>) target_semaphore(%run_scoped3A_345 : memref<!tpu.dma_semaphore, #tpu.memory_space<semaphore_mem>>)
          %dma_wait3A_358 = arith.constant 0 : i32
          %dma_wait3A_359 = arith.constant 0 : i32
          %dma_wait3A_360 = tpu.memref_slice %arg6[%run_scoped3A_292, %dma_wait3A_358, %dma_wait3A_359] : memref<2x4x128xi32, #tpu.memory_space<vmem>> -> memref<1x4x128xi32, #tpu.memory_space<vmem>>
          %dma_wait3A_361 = tpu.memref_squeeze %dma_wait3A_360 : memref<1x4x128xi32, #tpu.memory_space<vmem>> -> memref<4x128xi32, #tpu.memory_space<vmem>>
          %dma_wait3A_362 = arith.constant 0 : i32
          %dma_wait3A_363 = tpu.memref_slice %arg4[%add3A_291, %dma_wait3A_362] : memref<6400x128xi32, #tpu.memory_space<hbm>> -> memref<4x128xi32, #tpu.memory_space<hbm>>
          %dma_wait3A_364 = arith.constant 0 : i32
          %dma_wait3A_365 = arith.constant 0 : i32
          %dma_wait3A_366 = tpu.memref_slice %arg6[%run_scoped3A_292, %dma_wait3A_364, %dma_wait3A_365] : memref<2x4x128xi32, #tpu.memory_space<vmem>> -> memref<1x4x128xi32, #tpu.memory_space<vmem>>
          %dma_wait3A_367 = tpu.memref_squeeze %dma_wait3A_366 : memref<1x4x128xi32, #tpu.memory_space<vmem>> -> memref<4x128xi32, #tpu.memory_space<vmem>>
          %dma_wait3A_368 = arith.constant 0 : i32
          %dma_wait3A_369 = tpu.memref_slice %arg4[%add3A_291, %dma_wait3A_368] : memref<6400x128xi32, #tpu.memory_space<hbm>> -> memref<4x128xi32, #tpu.memory_space<hbm>>
          tpu.wait_dma2 semaphore(%run_scoped3A_345 : memref<!tpu.dma_semaphore, #tpu.memory_space<semaphore_mem>>) src(%dma_wait3A_369 : memref<4x128xi32, #tpu.memory_space<hbm>>) dst(%dma_wait3A_367 : memref<4x128xi32, #tpu.memory_space<vmem>>)
          tpu.yield
        }) : () -> ()
        %dma_start3A_293 = arith.constant 0 : i32
        %dma_start3A_294 = arith.constant 0 : i32
        %dma_start3A_295 = arith.constant 0 : i32
        %dma_start3A_296 = arith.constant 0 : i32
        %dma_start3A_297 = arith.constant 0 : i32
        %dma_start3A_298 = tpu.memref_slice %arg7[%dma_start3A_295, %dma_start3A_296, %dma_start3A_297] : memref<2x512x64xf32, #tpu.memory_space<vmem>> -> memref<1x128x64xf32, #tpu.memory_space<vmem>>
        %dma_start3A_299 = tpu.memref_squeeze %dma_start3A_298 : memref<1x128x64xf32, #tpu.memory_space<vmem>> -> memref<128x64xf32, #tpu.memory_space<vmem>>
        %dma_start3A_300 = arith.constant 0 : i32
        %dma_start3A_301 = tpu.memref_slice %arg6[%dma_start3A_293, %dma_start3A_294, %dma_start3A_300] : memref<2x4x128xi32, #tpu.memory_space<vmem>> -> memref<1x1x128xi32, #tpu.memory_space<vmem>>
        %dma_start3A_302 = tpu.memref_squeeze %dma_start3A_301 : memref<1x1x128xi32, #tpu.memory_space<vmem>> -> memref<128xi32, #tpu.memory_space<vmem>>
        %dma_start3A_303 = arith.constant 0 : i32
        %dma_start3A_304 = arith.constant 0 : i32
        %dma_start3A_305 = tpu.memref_slice %arg2[%dma_start3A_303, %dma_start3A_304] : memref<50000x64xf32, #tpu.memory_space<hbm>> -> memref<50000x64xf32, #tpu.memory_space<hbm>>
        tpu.enqueue_indirect_dma source(%dma_start3A_305 : memref<50000x64xf32, #tpu.memory_space<hbm>>) target(%dma_start3A_299 : memref<128x64xf32, #tpu.memory_space<vmem>>) offsets(%dma_start3A_302 : memref<128xi32, #tpu.memory_space<vmem>>) semaphore(%arg9 : memref<!tpu.dma_semaphore, #tpu.memory_space<semaphore_mem>>)
        %dma_start3A_306 = arith.constant 0 : i32
        %dma_start3A_307 = arith.constant 1 : i32
        %dma_start3A_308 = arith.constant 0 : i32
        %dma_start3A_309 = arith.constant 128 : i32
        %dma_start3A_310 = arith.constant 0 : i32
        %dma_start3A_311 = tpu.memref_slice %arg7[%dma_start3A_308, %dma_start3A_309, %dma_start3A_310] : memref<2x512x64xf32, #tpu.memory_space<vmem>> -> memref<1x128x64xf32, #tpu.memory_space<vmem>>
        %dma_start3A_312 = tpu.memref_squeeze %dma_start3A_311 : memref<1x128x64xf32, #tpu.memory_space<vmem>> -> memref<128x64xf32, #tpu.memory_space<vmem>>
        %dma_start3A_313 = arith.constant 0 : i32
        %dma_start3A_314 = tpu.memref_slice %arg6[%dma_start3A_306, %dma_start3A_307, %dma_start3A_313] : memref<2x4x128xi32, #tpu.memory_space<vmem>> -> memref<1x1x128xi32, #tpu.memory_space<vmem>>
        %dma_start3A_315 = tpu.memref_squeeze %dma_start3A_314 : memref<1x1x128xi32, #tpu.memory_space<vmem>> -> memref<128xi32, #tpu.memory_space<vmem>>
        %dma_start3A_316 = arith.constant 0 : i32
        %dma_start3A_317 = arith.constant 0 : i32
        %dma_start3A_318 = tpu.memref_slice %arg2[%dma_start3A_316, %dma_start3A_317] : memref<50000x64xf32, #tpu.memory_space<hbm>> -> memref<50000x64xf32, #tpu.memory_space<hbm>>
        tpu.enqueue_indirect_dma source(%dma_start3A_318 : memref<50000x64xf32, #tpu.memory_space<hbm>>) target(%dma_start3A_312 : memref<128x64xf32, #tpu.memory_space<vmem>>) offsets(%dma_start3A_315 : memref<128xi32, #tpu.memory_space<vmem>>) semaphore(%arg9 : memref<!tpu.dma_semaphore, #tpu.memory_space<semaphore_mem>>)
        %dma_start3A_319 = arith.constant 0 : i32
        %dma_start3A_320 = arith.constant 2 : i32
        %dma_start3A_321 = arith.constant 0 : i32
        %dma_start3A_322 = arith.constant 256 : i32
        %dma_start3A_323 = arith.constant 0 : i32
        %dma_start3A_324 = tpu.memref_slice %arg7[%dma_start3A_321, %dma_start3A_322, %dma_start3A_323] : memref<2x512x64xf32, #tpu.memory_space<vmem>> -> memref<1x128x64xf32, #tpu.memory_space<vmem>>
        %dma_start3A_325 = tpu.memref_squeeze %dma_start3A_324 : memref<1x128x64xf32, #tpu.memory_space<vmem>> -> memref<128x64xf32, #tpu.memory_space<vmem>>
        %dma_start3A_326 = arith.constant 0 : i32
        %dma_start3A_327 = tpu.memref_slice %arg6[%dma_start3A_319, %dma_start3A_320, %dma_start3A_326] : memref<2x4x128xi32, #tpu.memory_space<vmem>> -> memref<1x1x128xi32, #tpu.memory_space<vmem>>
        %dma_start3A_328 = tpu.memref_squeeze %dma_start3A_327 : memref<1x1x128xi32, #tpu.memory_space<vmem>> -> memref<128xi32, #tpu.memory_space<vmem>>
        %dma_start3A_329 = arith.constant 0 : i32
        %dma_start3A_330 = arith.constant 0 : i32
        %dma_start3A_331 = tpu.memref_slice %arg2[%dma_start3A_329, %dma_start3A_330] : memref<50000x64xf32, #tpu.memory_space<hbm>> -> memref<50000x64xf32, #tpu.memory_space<hbm>>
        tpu.enqueue_indirect_dma source(%dma_start3A_331 : memref<50000x64xf32, #tpu.memory_space<hbm>>) target(%dma_start3A_325 : memref<128x64xf32, #tpu.memory_space<vmem>>) offsets(%dma_start3A_328 : memref<128xi32, #tpu.memory_space<vmem>>) semaphore(%arg9 : memref<!tpu.dma_semaphore, #tpu.memory_space<semaphore_mem>>)
        %dma_start3A_332 = arith.constant 0 : i32
        %dma_start3A_333 = arith.constant 3 : i32
        %dma_start3A_334 = arith.constant 0 : i32
        %dma_start3A_335 = arith.constant 384 : i32
        %dma_start3A_336 = arith.constant 0 : i32
        %dma_start3A_337 = tpu.memref_slice %arg7[%dma_start3A_334, %dma_start3A_335, %dma_start3A_336] : memref<2x512x64xf32, #tpu.memory_space<vmem>> -> memref<1x128x64xf32, #tpu.memory_space<vmem>>
        %dma_start3A_338 = tpu.memref_squeeze %dma_start3A_337 : memref<1x128x64xf32, #tpu.memory_space<vmem>> -> memref<128x64xf32, #tpu.memory_space<vmem>>
        %dma_start3A_339 = arith.constant 0 : i32
        %dma_start3A_340 = tpu.memref_slice %arg6[%dma_start3A_332, %dma_start3A_333, %dma_start3A_339] : memref<2x4x128xi32, #tpu.memory_space<vmem>> -> memref<1x1x128xi32, #tpu.memory_space<vmem>>
        %dma_start3A_341 = tpu.memref_squeeze %dma_start3A_340 : memref<1x1x128xi32, #tpu.memory_space<vmem>> -> memref<128xi32, #tpu.memory_space<vmem>>
        %dma_start3A_342 = arith.constant 0 : i32
        %dma_start3A_343 = arith.constant 0 : i32
        %dma_start3A_344 = tpu.memref_slice %arg2[%dma_start3A_342, %dma_start3A_343] : memref<50000x64xf32, #tpu.memory_space<hbm>> -> memref<50000x64xf32, #tpu.memory_space<hbm>>
        tpu.enqueue_indirect_dma source(%dma_start3A_344 : memref<50000x64xf32, #tpu.memory_space<hbm>>) target(%dma_start3A_338 : memref<128x64xf32, #tpu.memory_space<vmem>>) offsets(%dma_start3A_341 : memref<128xi32, #tpu.memory_space<vmem>>) semaphore(%arg9 : memref<!tpu.dma_semaphore, #tpu.memory_space<semaphore_mem>>)
      } else {
      }
      %dma_wait3A_209 = arith.constant 1 : i32
      %dma_wait3A_210 = arith.constant 0 : i32
      %dma_wait3A_211 = arith.constant 1 : i32
      %dma_wait3A_212 = arith.constant 0 : i32
      %dma_wait3A_213 = arith.constant 0 : i32
      %dma_wait3A_214 = tpu.memref_slice %arg7[%dma_wait3A_211, %dma_wait3A_212, %dma_wait3A_213] : memref<2x512x64xf32, #tpu.memory_space<vmem>> -> memref<1x128x64xf32, #tpu.memory_space<vmem>>
      %dma_wait3A_215 = tpu.memref_squeeze %dma_wait3A_214 : memref<1x128x64xf32, #tpu.memory_space<vmem>> -> memref<128x64xf32, #tpu.memory_space<vmem>>
      %dma_wait3A_216 = arith.constant 0 : i32
      %dma_wait3A_217 = tpu.memref_slice %arg6[%dma_wait3A_209, %dma_wait3A_210, %dma_wait3A_216] : memref<2x4x128xi32, #tpu.memory_space<vmem>> -> memref<1x1x128xi32, #tpu.memory_space<vmem>>
      %dma_wait3A_218 = tpu.memref_squeeze %dma_wait3A_217 : memref<1x1x128xi32, #tpu.memory_space<vmem>> -> memref<128xi32, #tpu.memory_space<vmem>>
      %dma_wait3A_219 = arith.constant 0 : i32
      %dma_wait3A_220 = arith.constant 0 : i32
      %dma_wait3A_221 = tpu.memref_slice %arg2[%dma_wait3A_219, %dma_wait3A_220] : memref<50000x64xf32, #tpu.memory_space<hbm>> -> memref<50000x64xf32, #tpu.memory_space<hbm>>
      tpu.wait_indirect_dma semaphore(%arg9 : memref<!tpu.dma_semaphore, #tpu.memory_space<semaphore_mem>>) src(%dma_wait3A_221 : memref<50000x64xf32, #tpu.memory_space<hbm>>) dst(%dma_wait3A_215 : memref<128x64xf32, #tpu.memory_space<vmem>>)
      %dma_wait3A_222 = arith.constant 1 : i32
      %dma_wait3A_223 = arith.constant 1 : i32
      %dma_wait3A_224 = arith.constant 1 : i32
      %dma_wait3A_225 = arith.constant 128 : i32
      %dma_wait3A_226 = arith.constant 0 : i32
      %dma_wait3A_227 = tpu.memref_slice %arg7[%dma_wait3A_224, %dma_wait3A_225, %dma_wait3A_226] : memref<2x512x64xf32, #tpu.memory_space<vmem>> -> memref<1x128x64xf32, #tpu.memory_space<vmem>>
      %dma_wait3A_228 = tpu.memref_squeeze %dma_wait3A_227 : memref<1x128x64xf32, #tpu.memory_space<vmem>> -> memref<128x64xf32, #tpu.memory_space<vmem>>
      %dma_wait3A_229 = arith.constant 0 : i32
      %dma_wait3A_230 = tpu.memref_slice %arg6[%dma_wait3A_222, %dma_wait3A_223, %dma_wait3A_229] : memref<2x4x128xi32, #tpu.memory_space<vmem>> -> memref<1x1x128xi32, #tpu.memory_space<vmem>>
      %dma_wait3A_231 = tpu.memref_squeeze %dma_wait3A_230 : memref<1x1x128xi32, #tpu.memory_space<vmem>> -> memref<128xi32, #tpu.memory_space<vmem>>
      %dma_wait3A_232 = arith.constant 0 : i32
      %dma_wait3A_233 = arith.constant 0 : i32
      %dma_wait3A_234 = tpu.memref_slice %arg2[%dma_wait3A_232, %dma_wait3A_233] : memref<50000x64xf32, #tpu.memory_space<hbm>> -> memref<50000x64xf32, #tpu.memory_space<hbm>>
      tpu.wait_indirect_dma semaphore(%arg9 : memref<!tpu.dma_semaphore, #tpu.memory_space<semaphore_mem>>) src(%dma_wait3A_234 : memref<50000x64xf32, #tpu.memory_space<hbm>>) dst(%dma_wait3A_228 : memref<128x64xf32, #tpu.memory_space<vmem>>)
      %dma_wait3A_235 = arith.constant 1 : i32
      %dma_wait3A_236 = arith.constant 2 : i32
      %dma_wait3A_237 = arith.constant 1 : i32
      %dma_wait3A_238 = arith.constant 256 : i32
      %dma_wait3A_239 = arith.constant 0 : i32
      %dma_wait3A_240 = tpu.memref_slice %arg7[%dma_wait3A_237, %dma_wait3A_238, %dma_wait3A_239] : memref<2x512x64xf32, #tpu.memory_space<vmem>> -> memref<1x128x64xf32, #tpu.memory_space<vmem>>
      %dma_wait3A_241 = tpu.memref_squeeze %dma_wait3A_240 : memref<1x128x64xf32, #tpu.memory_space<vmem>> -> memref<128x64xf32, #tpu.memory_space<vmem>>
      %dma_wait3A_242 = arith.constant 0 : i32
      %dma_wait3A_243 = tpu.memref_slice %arg6[%dma_wait3A_235, %dma_wait3A_236, %dma_wait3A_242] : memref<2x4x128xi32, #tpu.memory_space<vmem>> -> memref<1x1x128xi32, #tpu.memory_space<vmem>>
      %dma_wait3A_244 = tpu.memref_squeeze %dma_wait3A_243 : memref<1x1x128xi32, #tpu.memory_space<vmem>> -> memref<128xi32, #tpu.memory_space<vmem>>
      %dma_wait3A_245 = arith.constant 0 : i32
      %dma_wait3A_246 = arith.constant 0 : i32
      %dma_wait3A_247 = tpu.memref_slice %arg2[%dma_wait3A_245, %dma_wait3A_246] : memref<50000x64xf32, #tpu.memory_space<hbm>> -> memref<50000x64xf32, #tpu.memory_space<hbm>>
      tpu.wait_indirect_dma semaphore(%arg9 : memref<!tpu.dma_semaphore, #tpu.memory_space<semaphore_mem>>) src(%dma_wait3A_247 : memref<50000x64xf32, #tpu.memory_space<hbm>>) dst(%dma_wait3A_241 : memref<128x64xf32, #tpu.memory_space<vmem>>)
      %dma_wait3A_248 = arith.constant 1 : i32
      %dma_wait3A_249 = arith.constant 3 : i32
      %dma_wait3A_250 = arith.constant 1 : i32
      %dma_wait3A_251 = arith.constant 384 : i32
      %dma_wait3A_252 = arith.constant 0 : i32
      %dma_wait3A_253 = tpu.memref_slice %arg7[%dma_wait3A_250, %dma_wait3A_251, %dma_wait3A_252] : memref<2x512x64xf32, #tpu.memory_space<vmem>> -> memref<1x128x64xf32, #tpu.memory_space<vmem>>
      %dma_wait3A_254 = tpu.memref_squeeze %dma_wait3A_253 : memref<1x128x64xf32, #tpu.memory_space<vmem>> -> memref<128x64xf32, #tpu.memory_space<vmem>>
      %dma_wait3A_255 = arith.constant 0 : i32
      %dma_wait3A_256 = tpu.memref_slice %arg6[%dma_wait3A_248, %dma_wait3A_249, %dma_wait3A_255] : memref<2x4x128xi32, #tpu.memory_space<vmem>> -> memref<1x1x128xi32, #tpu.memory_space<vmem>>
      %dma_wait3A_257 = tpu.memref_squeeze %dma_wait3A_256 : memref<1x1x128xi32, #tpu.memory_space<vmem>> -> memref<128xi32, #tpu.memory_space<vmem>>
      %dma_wait3A_258 = arith.constant 0 : i32
      %dma_wait3A_259 = arith.constant 0 : i32
      %dma_wait3A_260 = tpu.memref_slice %arg2[%dma_wait3A_258, %dma_wait3A_259] : memref<50000x64xf32, #tpu.memory_space<hbm>> -> memref<50000x64xf32, #tpu.memory_space<hbm>>
      tpu.wait_indirect_dma semaphore(%arg9 : memref<!tpu.dma_semaphore, #tpu.memory_space<semaphore_mem>>) src(%dma_wait3A_260 : memref<50000x64xf32, #tpu.memory_space<hbm>>) dst(%dma_wait3A_254 : memref<128x64xf32, #tpu.memory_space<vmem>>)
      %add3A_261 = arith.constant 1 : i32
      %add3A_262 = arith.addi %mul3A_71, %add3A_261 : i32
      %mul3A_263 = arith.constant 512 : i32
      %mul3A_264 = arith.muli %add3A_262, %mul3A_263 : i32
      %add3A_265 = arith.addi %mul3A_2, %mul3A_264 : i32
      %dma_wait3A_266 = arith.constant 0 : i32
      %dma_wait3A_267 = tpu.memref_slice %arg3[%add3A_265, %dma_wait3A_266] : memref<819200x64xf32, #tpu.memory_space<hbm>> -> memref<512x64xf32, #tpu.memory_space<hbm>>
      %dma_wait3A_268 = arith.constant 0 : i32
      %dma_wait3A_269 = tpu.memref_slice %arg3[%add3A_265, %dma_wait3A_268] : memref<819200x64xf32, #tpu.memory_space<hbm>> -> memref<512x64xf32, #tpu.memory_space<hbm>>
      tpu.wait_dma2 semaphore(%arg10 : memref<!tpu.dma_semaphore, #tpu.memory_space<semaphore_mem>>) src(%dma_wait3A_269 : memref<512x64xf32, #tpu.memory_space<hbm>>) dst(%arg8 : memref<512x64xf32, #tpu.memory_space<vmem>>)
      %scan3A_270 = arith.constant 0 : i32
      %scan3A_271 = arith.constant 0 : i32
      %scan3A_272 = arith.constant 256 : i32
      %scan3A_273 = arith.addi %scan3A_271, %scan3A_272 : i32
      %scan3A_274 = arith.constant 1 : i32
      scf.for %scan3A_287 = %scan3A_271 to %scan3A_273 step %scan3A_274  : i32 {
        %mul3A_288 = arith.constant 2 : i32
        %mul3A_289 = arith.muli %mul3A_288, %scan3A_287 : i32
        %add3A_290 = arith.constant 0 : i32
        %add3A_291 = arith.addi %mul3A_289, %add3A_290 : i32
        %get3A = arith.constant 1 : i32
        %get3A_292 = arith.index_cast %get3A : i32 to index
        %get3A_293 = arith.index_cast %add3A_291 : i32 to index
        %get3A_294 = arith.constant 0 : index
        %get3A_295 = tpu.vector_load %arg7[%get3A_292, %get3A_293, %get3A_294] {strides = array<i32>} : memref<2x512x64xf32, #tpu.memory_space<vmem>>, vector<1x1x16xf32>,
        %get3A_296 = vector.shape_cast %get3A_295 : vector<1x1x16xf32> to vector<16xf32>
        %add3A_297 = arith.constant 0 : i32
        %add3A_298 = arith.addi %mul3A_289, %add3A_297 : i32
        %get3A_299 = arith.index_cast %add3A_298 : i32 to index
        %get3A_300 = arith.constant 0 : index
        %get3A_301 = tpu.vector_load %arg8[%get3A_299, %get3A_300] {strides = array<i32>} : memref<512x64xf32, #tpu.memory_space<vmem>>, vector<1x16xf32>,
        %get3A_302 = vector.shape_cast %get3A_301 : vector<1x16xf32> to vector<16xf32>
        %add3A_303 = arith.addf %get3A_296, %get3A_302 : vector<16xf32>
        %max3A = arith.constant 0.000000e+00 : f32
        %max3A_304 = vector.broadcast %max3A : f32 to vector<16xf32>
        %max3A_305 = arith.maximumf %add3A_303, %max3A_304 : vector<16xf32>
        %add3A_306 = arith.constant 0 : i32
        %add3A_307 = arith.addi %mul3A_289, %add3A_306 : i32
        %swap3A = arith.constant 1 : i32
        %swap3A_308 = arith.index_cast %swap3A : i32 to index
        %swap3A_309 = arith.index_cast %add3A_307 : i32 to index
        %swap3A_310 = arith.constant 0 : index
        %swap3A_311 = tpu.vector_load %arg7[%swap3A_308, %swap3A_309, %swap3A_310] {strides = array<i32>} : memref<2x512x64xf32, #tpu.memory_space<vmem>>, vector<1x1x16xf32>,
        %swap3A_312 = vector.shape_cast %swap3A_311 : vector<1x1x16xf32> to vector<16xf32>
        %swap3A_313 = vector.shape_cast %max3A_305 : vector<16xf32> to vector<1x1x16xf32>
        tpu.vector_store %arg7[%swap3A_308, %swap3A_309, %swap3A_310], %swap3A_313 {strides = array<i32>} : memref<2x512x64xf32, #tpu.memory_space<vmem>>, vector<1x1x16xf32>,
        %add3A_314 = arith.constant 0 : i32
        %add3A_315 = arith.addi %mul3A_289, %add3A_314 : i32
        %get3A_316 = arith.constant 1 : i32
        %get3A_317 = arith.index_cast %get3A_316 : i32 to index
        %get3A_318 = arith.index_cast %add3A_315 : i32 to index
        %get3A_319 = arith.constant 16 : index
        %get3A_320 = tpu.vector_load %arg7[%get3A_317, %get3A_318, %get3A_319] {strides = array<i32>} : memref<2x512x64xf32, #tpu.memory_space<vmem>>, vector<1x1x16xf32>,
        %get3A_321 = vector.shape_cast %get3A_320 : vector<1x1x16xf32> to vector<16xf32>
        %add3A_322 = arith.constant 0 : i32
        %add3A_323 = arith.addi %mul3A_289, %add3A_322 : i32
        %get3A_324 = arith.index_cast %add3A_323 : i32 to index
        %get3A_325 = arith.constant 16 : index
        %get3A_326 = tpu.vector_load %arg8[%get3A_324, %get3A_325] {strides = array<i32>} : memref<512x64xf32, #tpu.memory_space<vmem>>, vector<1x16xf32>,
        %get3A_327 = vector.shape_cast %get3A_326 : vector<1x16xf32> to vector<16xf32>
        %add3A_328 = arith.addf %get3A_321, %get3A_327 : vector<16xf32>
        %max3A_329 = arith.constant 0.000000e+00 : f32
        %max3A_330 = vector.broadcast %max3A_329 : f32 to vector<16xf32>
        %max3A_331 = arith.maximumf %add3A_328, %max3A_330 : vector<16xf32>
        %add3A_332 = arith.constant 0 : i32
        %add3A_333 = arith.addi %mul3A_289, %add3A_332 : i32
        %swap3A_334 = arith.constant 1 : i32
        %swap3A_335 = arith.index_cast %swap3A_334 : i32 to index
        %swap3A_336 = arith.index_cast %add3A_333 : i32 to index
        %swap3A_337 = arith.constant 16 : index
        %swap3A_338 = tpu.vector_load %arg7[%swap3A_335, %swap3A_336, %swap3A_337] {strides = array<i32>} : memref<2x512x64xf32, #tpu.memory_space<vmem>>, vector<1x1x16xf32>,
        %swap3A_339 = vector.shape_cast %swap3A_338 : vector<1x1x16xf32> to vector<16xf32>
        %swap3A_340 = vector.shape_cast %max3A_331 : vector<16xf32> to vector<1x1x16xf32>
        tpu.vector_store %arg7[%swap3A_335, %swap3A_336, %swap3A_337], %swap3A_340 {strides = array<i32>} : memref<2x512x64xf32, #tpu.memory_space<vmem>>, vector<1x1x16xf32>,
        %add3A_341 = arith.constant 0 : i32
        %add3A_342 = arith.addi %mul3A_289, %add3A_341 : i32
        %get3A_343 = arith.constant 1 : i32
        %get3A_344 = arith.index_cast %get3A_343 : i32 to index
        %get3A_345 = arith.index_cast %add3A_342 : i32 to index
        %get3A_346 = arith.constant 32 : index
        %get3A_347 = tpu.vector_load %arg7[%get3A_344, %get3A_345, %get3A_346] {strides = array<i32>} : memref<2x512x64xf32, #tpu.memory_space<vmem>>, vector<1x1x16xf32>,
        %get3A_348 = vector.shape_cast %get3A_347 : vector<1x1x16xf32> to vector<16xf32>
        %add3A_349 = arith.constant 0 : i32
        %add3A_350 = arith.addi %mul3A_289, %add3A_349 : i32
        %get3A_351 = arith.index_cast %add3A_350 : i32 to index
        %get3A_352 = arith.constant 32 : index
        %get3A_353 = tpu.vector_load %arg8[%get3A_351, %get3A_352] {strides = array<i32>} : memref<512x64xf32, #tpu.memory_space<vmem>>, vector<1x16xf32>,
        %get3A_354 = vector.shape_cast %get3A_353 : vector<1x16xf32> to vector<16xf32>
        %add3A_355 = arith.addf %get3A_348, %get3A_354 : vector<16xf32>
        %max3A_356 = arith.constant 0.000000e+00 : f32
        %max3A_357 = vector.broadcast %max3A_356 : f32 to vector<16xf32>
        %max3A_358 = arith.maximumf %add3A_355, %max3A_357 : vector<16xf32>
        %add3A_359 = arith.constant 0 : i32
        %add3A_360 = arith.addi %mul3A_289, %add3A_359 : i32
        %swap3A_361 = arith.constant 1 : i32
        %swap3A_362 = arith.index_cast %swap3A_361 : i32 to index
        %swap3A_363 = arith.index_cast %add3A_360 : i32 to index
        %swap3A_364 = arith.constant 32 : index
        %swap3A_365 = tpu.vector_load %arg7[%swap3A_362, %swap3A_363, %swap3A_364] {strides = array<i32>} : memref<2x512x64xf32, #tpu.memory_space<vmem>>, vector<1x1x16xf32>,
        %swap3A_366 = vector.shape_cast %swap3A_365 : vector<1x1x16xf32> to vector<16xf32>
        %swap3A_367 = vector.shape_cast %max3A_358 : vector<16xf32> to vector<1x1x16xf32>
        tpu.vector_store %arg7[%swap3A_362, %swap3A_363, %swap3A_364], %swap3A_367 {strides = array<i32>} : memref<2x512x64xf32, #tpu.memory_space<vmem>>, vector<1x1x16xf32>,
        %add3A_368 = arith.constant 0 : i32
        %add3A_369 = arith.addi %mul3A_289, %add3A_368 : i32
        %get3A_370 = arith.constant 1 : i32
        %get3A_371 = arith.index_cast %get3A_370 : i32 to index
        %get3A_372 = arith.index_cast %add3A_369 : i32 to index
        %get3A_373 = arith.constant 48 : index
        %get3A_374 = tpu.vector_load %arg7[%get3A_371, %get3A_372, %get3A_373] {strides = array<i32>} : memref<2x512x64xf32, #tpu.memory_space<vmem>>, vector<1x1x16xf32>,
        %get3A_375 = vector.shape_cast %get3A_374 : vector<1x1x16xf32> to vector<16xf32>
        %add3A_376 = arith.constant 0 : i32
        %add3A_377 = arith.addi %mul3A_289, %add3A_376 : i32
        %get3A_378 = arith.index_cast %add3A_377 : i32 to index
        %get3A_379 = arith.constant 48 : index
        %get3A_380 = tpu.vector_load %arg8[%get3A_378, %get3A_379] {strides = array<i32>} : memref<512x64xf32, #tpu.memory_space<vmem>>, vector<1x16xf32>,
        %get3A_381 = vector.shape_cast %get3A_380 : vector<1x16xf32> to vector<16xf32>
        %add3A_382 = arith.addf %get3A_375, %get3A_381 : vector<16xf32>
        %max3A_383 = arith.constant 0.000000e+00 : f32
        %max3A_384 = vector.broadcast %max3A_383 : f32 to vector<16xf32>
        %max3A_385 = arith.maximumf %add3A_382, %max3A_384 : vector<16xf32>
        %add3A_386 = arith.constant 0 : i32
        %add3A_387 = arith.addi %mul3A_289, %add3A_386 : i32
        %swap3A_388 = arith.constant 1 : i32
        %swap3A_389 = arith.index_cast %swap3A_388 : i32 to index
        %swap3A_390 = arith.index_cast %add3A_387 : i32 to index
        %swap3A_391 = arith.constant 48 : index
        %swap3A_392 = tpu.vector_load %arg7[%swap3A_389, %swap3A_390, %swap3A_391] {strides = array<i32>} : memref<2x512x64xf32, #tpu.memory_space<vmem>>, vector<1x1x16xf32>,
        %swap3A_393 = vector.shape_cast %swap3A_392 : vector<1x1x16xf32> to vector<16xf32>
        %swap3A_394 = vector.shape_cast %max3A_385 : vector<16xf32> to vector<1x1x16xf32>
        tpu.vector_store %arg7[%swap3A_389, %swap3A_390, %swap3A_391], %swap3A_394 {strides = array<i32>} : memref<2x512x64xf32, #tpu.memory_space<vmem>>, vector<1x1x16xf32>,
        %add3A_395 = arith.constant 1 : i32
        %add3A_396 = arith.addi %mul3A_289, %add3A_395 : i32
        %get3A_397 = arith.constant 1 : i32
        %get3A_398 = arith.index_cast %get3A_397 : i32 to index
        %get3A_399 = arith.index_cast %add3A_396 : i32 to index
        %get3A_400 = arith.constant 0 : index
        %get3A_401 = tpu.vector_load %arg7[%get3A_398, %get3A_399, %get3A_400] {strides = array<i32>} : memref<2x512x64xf32, #tpu.memory_space<vmem>>, vector<1x1x16xf32>,
        %get3A_402 = vector.shape_cast %get3A_401 : vector<1x1x16xf32> to vector<16xf32>
        %add3A_403 = arith.constant 1 : i32
        %add3A_404 = arith.addi %mul3A_289, %add3A_403 : i32
        %get3A_405 = arith.index_cast %add3A_404 : i32 to index
        %get3A_406 = arith.constant 0 : index
        %get3A_407 = tpu.vector_load %arg8[%get3A_405, %get3A_406] {strides = array<i32>} : memref<512x64xf32, #tpu.memory_space<vmem>>, vector<1x16xf32>,
        %get3A_408 = vector.shape_cast %get3A_407 : vector<1x16xf32> to vector<16xf32>
        %add3A_409 = arith.addf %get3A_402, %get3A_408 : vector<16xf32>
        %max3A_410 = arith.constant 0.000000e+00 : f32
        %max3A_411 = vector.broadcast %max3A_410 : f32 to vector<16xf32>
        %max3A_412 = arith.maximumf %add3A_409, %max3A_411 : vector<16xf32>
        %add3A_413 = arith.constant 1 : i32
        %add3A_414 = arith.addi %mul3A_289, %add3A_413 : i32
        %swap3A_415 = arith.constant 1 : i32
        %swap3A_416 = arith.index_cast %swap3A_415 : i32 to index
        %swap3A_417 = arith.index_cast %add3A_414 : i32 to index
        %swap3A_418 = arith.constant 0 : index
        %swap3A_419 = tpu.vector_load %arg7[%swap3A_416, %swap3A_417, %swap3A_418] {strides = array<i32>} : memref<2x512x64xf32, #tpu.memory_space<vmem>>, vector<1x1x16xf32>,
        %swap3A_420 = vector.shape_cast %swap3A_419 : vector<1x1x16xf32> to vector<16xf32>
        %swap3A_421 = vector.shape_cast %max3A_412 : vector<16xf32> to vector<1x1x16xf32>
        tpu.vector_store %arg7[%swap3A_416, %swap3A_417, %swap3A_418], %swap3A_421 {strides = array<i32>} : memref<2x512x64xf32, #tpu.memory_space<vmem>>, vector<1x1x16xf32>,
        %add3A_422 = arith.constant 1 : i32
        %add3A_423 = arith.addi %mul3A_289, %add3A_422 : i32
        %get3A_424 = arith.constant 1 : i32
        %get3A_425 = arith.index_cast %get3A_424 : i32 to index
        %get3A_426 = arith.index_cast %add3A_423 : i32 to index
        %get3A_427 = arith.constant 16 : index
        %get3A_428 = tpu.vector_load %arg7[%get3A_425, %get3A_426, %get3A_427] {strides = array<i32>} : memref<2x512x64xf32, #tpu.memory_space<vmem>>, vector<1x1x16xf32>,
        %get3A_429 = vector.shape_cast %get3A_428 : vector<1x1x16xf32> to vector<16xf32>
        %add3A_430 = arith.constant 1 : i32
        %add3A_431 = arith.addi %mul3A_289, %add3A_430 : i32
        %get3A_432 = arith.index_cast %add3A_431 : i32 to index
        %get3A_433 = arith.constant 16 : index
        %get3A_434 = tpu.vector_load %arg8[%get3A_432, %get3A_433] {strides = array<i32>} : memref<512x64xf32, #tpu.memory_space<vmem>>, vector<1x16xf32>,
        %get3A_435 = vector.shape_cast %get3A_434 : vector<1x16xf32> to vector<16xf32>
        %add3A_436 = arith.addf %get3A_429, %get3A_435 : vector<16xf32>
        %max3A_437 = arith.constant 0.000000e+00 : f32
        %max3A_438 = vector.broadcast %max3A_437 : f32 to vector<16xf32>
        %max3A_439 = arith.maximumf %add3A_436, %max3A_438 : vector<16xf32>
        %add3A_440 = arith.constant 1 : i32
        %add3A_441 = arith.addi %mul3A_289, %add3A_440 : i32
        %swap3A_442 = arith.constant 1 : i32
        %swap3A_443 = arith.index_cast %swap3A_442 : i32 to index
        %swap3A_444 = arith.index_cast %add3A_441 : i32 to index
        %swap3A_445 = arith.constant 16 : index
        %swap3A_446 = tpu.vector_load %arg7[%swap3A_443, %swap3A_444, %swap3A_445] {strides = array<i32>} : memref<2x512x64xf32, #tpu.memory_space<vmem>>, vector<1x1x16xf32>,
        %swap3A_447 = vector.shape_cast %swap3A_446 : vector<1x1x16xf32> to vector<16xf32>
        %swap3A_448 = vector.shape_cast %max3A_439 : vector<16xf32> to vector<1x1x16xf32>
        tpu.vector_store %arg7[%swap3A_443, %swap3A_444, %swap3A_445], %swap3A_448 {strides = array<i32>} : memref<2x512x64xf32, #tpu.memory_space<vmem>>, vector<1x1x16xf32>,
        %add3A_449 = arith.constant 1 : i32
        %add3A_450 = arith.addi %mul3A_289, %add3A_449 : i32
        %get3A_451 = arith.constant 1 : i32
        %get3A_452 = arith.index_cast %get3A_451 : i32 to index
        %get3A_453 = arith.index_cast %add3A_450 : i32 to index
        %get3A_454 = arith.constant 32 : index
        %get3A_455 = tpu.vector_load %arg7[%get3A_452, %get3A_453, %get3A_454] {strides = array<i32>} : memref<2x512x64xf32, #tpu.memory_space<vmem>>, vector<1x1x16xf32>,
        %get3A_456 = vector.shape_cast %get3A_455 : vector<1x1x16xf32> to vector<16xf32>
        %add3A_457 = arith.constant 1 : i32
        %add3A_458 = arith.addi %mul3A_289, %add3A_457 : i32
        %get3A_459 = arith.index_cast %add3A_458 : i32 to index
        %get3A_460 = arith.constant 32 : index
        %get3A_461 = tpu.vector_load %arg8[%get3A_459, %get3A_460] {strides = array<i32>} : memref<512x64xf32, #tpu.memory_space<vmem>>, vector<1x16xf32>,
        %get3A_462 = vector.shape_cast %get3A_461 : vector<1x16xf32> to vector<16xf32>
        %add3A_463 = arith.addf %get3A_456, %get3A_462 : vector<16xf32>
        %max3A_464 = arith.constant 0.000000e+00 : f32
        %max3A_465 = vector.broadcast %max3A_464 : f32 to vector<16xf32>
        %max3A_466 = arith.maximumf %add3A_463, %max3A_465 : vector<16xf32>
        %add3A_467 = arith.constant 1 : i32
        %add3A_468 = arith.addi %mul3A_289, %add3A_467 : i32
        %swap3A_469 = arith.constant 1 : i32
        %swap3A_470 = arith.index_cast %swap3A_469 : i32 to index
        %swap3A_471 = arith.index_cast %add3A_468 : i32 to index
        %swap3A_472 = arith.constant 32 : index
        %swap3A_473 = tpu.vector_load %arg7[%swap3A_470, %swap3A_471, %swap3A_472] {strides = array<i32>} : memref<2x512x64xf32, #tpu.memory_space<vmem>>, vector<1x1x16xf32>,
        %swap3A_474 = vector.shape_cast %swap3A_473 : vector<1x1x16xf32> to vector<16xf32>
        %swap3A_475 = vector.shape_cast %max3A_466 : vector<16xf32> to vector<1x1x16xf32>
        tpu.vector_store %arg7[%swap3A_470, %swap3A_471, %swap3A_472], %swap3A_475 {strides = array<i32>} : memref<2x512x64xf32, #tpu.memory_space<vmem>>, vector<1x1x16xf32>,
        %add3A_476 = arith.constant 1 : i32
        %add3A_477 = arith.addi %mul3A_289, %add3A_476 : i32
        %get3A_478 = arith.constant 1 : i32
        %get3A_479 = arith.index_cast %get3A_478 : i32 to index
        %get3A_480 = arith.index_cast %add3A_477 : i32 to index
        %get3A_481 = arith.constant 48 : index
        %get3A_482 = tpu.vector_load %arg7[%get3A_479, %get3A_480, %get3A_481] {strides = array<i32>} : memref<2x512x64xf32, #tpu.memory_space<vmem>>, vector<1x1x16xf32>,
        %get3A_483 = vector.shape_cast %get3A_482 : vector<1x1x16xf32> to vector<16xf32>
        %add3A_484 = arith.constant 1 : i32
        %add3A_485 = arith.addi %mul3A_289, %add3A_484 : i32
        %get3A_486 = arith.index_cast %add3A_485 : i32 to index
        %get3A_487 = arith.constant 48 : index
        %get3A_488 = tpu.vector_load %arg8[%get3A_486, %get3A_487] {strides = array<i32>} : memref<512x64xf32, #tpu.memory_space<vmem>>, vector<1x16xf32>,
        %get3A_489 = vector.shape_cast %get3A_488 : vector<1x16xf32> to vector<16xf32>
        %add3A_490 = arith.addf %get3A_483, %get3A_489 : vector<16xf32>
        %max3A_491 = arith.constant 0.000000e+00 : f32
        %max3A_492 = vector.broadcast %max3A_491 : f32 to vector<16xf32>
        %max3A_493 = arith.maximumf %add3A_490, %max3A_492 : vector<16xf32>
        %add3A_494 = arith.constant 1 : i32
        %add3A_495 = arith.addi %mul3A_289, %add3A_494 : i32
        %swap3A_496 = arith.constant 1 : i32
        %swap3A_497 = arith.index_cast %swap3A_496 : i32 to index
        %swap3A_498 = arith.index_cast %add3A_495 : i32 to index
        %swap3A_499 = arith.constant 48 : index
        %swap3A_500 = tpu.vector_load %arg7[%swap3A_497, %swap3A_498, %swap3A_499] {strides = array<i32>} : memref<2x512x64xf32, #tpu.memory_space<vmem>>, vector<1x1x16xf32>,
        %swap3A_501 = vector.shape_cast %swap3A_500 : vector<1x1x16xf32> to vector<16xf32>
        %swap3A_502 = vector.shape_cast %max3A_493 : vector<16xf32> to vector<1x1x16xf32>
        tpu.vector_store %arg7[%swap3A_497, %swap3A_498, %swap3A_499], %swap3A_502 {strides = array<i32>} : memref<2x512x64xf32, #tpu.memory_space<vmem>>, vector<1x1x16xf32>,
      }
      %scan3A_275 = arith.constant 256 : i32
      %lt3A_276 = arith.constant 24 : i32
      %lt3A_277 = arith.cmpi slt, %scan3A_69, %lt3A_276 : i32
      %convert_element_type3A_278 = arith.extui %lt3A_277 : i1 to i32
      %cond3A_279 = arith.constant 0 : i32
      %cond3A_280 = arith.cmpi ne, %convert_element_type3A_278, %cond3A_279 : i32
      scf.if %cond3A_280 {
        %add3A_287 = arith.constant 2 : i32
        %add3A_288 = arith.addi %mul3A_71, %add3A_287 : i32
        %mul3A_289 = arith.constant 512 : i32
        %mul3A_290 = arith.muli %add3A_288, %mul3A_289 : i32
        %add3A_291 = arith.addi %mul3A_2, %mul3A_290 : i32
        %dma_start3A_292 = arith.constant 0 : i32
        %dma_start3A_293 = tpu.memref_slice %arg3[%add3A_291, %dma_start3A_292] : memref<819200x64xf32, #tpu.memory_space<hbm>> -> memref<512x64xf32, #tpu.memory_space<hbm>>
        %dma_start3A_294 = arith.constant 0 : i32
        %dma_start3A_295 = tpu.memref_slice %arg3[%add3A_291, %dma_start3A_294] : memref<819200x64xf32, #tpu.memory_space<hbm>> -> memref<512x64xf32, #tpu.memory_space<hbm>>
        tpu.enqueue_dma source(%dma_start3A_295 : memref<512x64xf32, #tpu.memory_space<hbm>>) target(%arg8 : memref<512x64xf32, #tpu.memory_space<vmem>>) target_semaphore(%arg10 : memref<!tpu.dma_semaphore, #tpu.memory_space<semaphore_mem>>)
      } else {
      }
      %add3A_281 = arith.constant 1 : i32
      %add3A_282 = arith.addi %mul3A_71, %add3A_281 : i32
      %mul3A_283 = arith.constant 512 : i32
      %mul3A_284 = arith.muli %add3A_282, %mul3A_283 : i32
      %add3A_285 = arith.addi %mul3A_2, %mul3A_284 : i32
      %run_scoped3A_286 = arith.constant 1 : i32
      "tpu.region"() ({
        %run_scoped3A_287 = tpu.sem_alloc : memref<!tpu.dma_semaphore, #tpu.memory_space<semaphore_mem>>
        %dma_start3A_288 = arith.constant 0 : i32
        %dma_start3A_289 = arith.constant 0 : i32
        %dma_start3A_290 = tpu.memref_slice %arg7[%run_scoped3A_286, %dma_start3A_288, %dma_start3A_289] : memref<2x512x64xf32, #tpu.memory_space<vmem>> -> memref<1x512x64xf32, #tpu.memory_space<vmem>>
        %dma_start3A_291 = tpu.memref_squeeze %dma_start3A_290 : memref<1x512x64xf32, #tpu.memory_space<vmem>> -> memref<512x64xf32, #tpu.memory_space<vmem>>
        %dma_start3A_292 = arith.constant 0 : i32
        %dma_start3A_293 = tpu.memref_slice %arg5[%add3A_285, %dma_start3A_292] : memref<819200x64xf32, #tpu.memory_space<hbm>> -> memref<512x64xf32, #tpu.memory_space<hbm>>
        %dma_start3A_294 = arith.constant 0 : i32
        %dma_start3A_295 = tpu.memref_slice %arg5[%add3A_285, %dma_start3A_294] : memref<819200x64xf32, #tpu.memory_space<hbm>> -> memref<512x64xf32, #tpu.memory_space<hbm>>
        %dma_start3A_296 = arith.constant 0 : i32
        %dma_start3A_297 = arith.constant 0 : i32
        %dma_start3A_298 = tpu.memref_slice %arg7[%run_scoped3A_286, %dma_start3A_296, %dma_start3A_297] : memref<2x512x64xf32, #tpu.memory_space<vmem>> -> memref<1x512x64xf32, #tpu.memory_space<vmem>>
        %dma_start3A_299 = tpu.memref_squeeze %dma_start3A_298 : memref<1x512x64xf32, #tpu.memory_space<vmem>> -> memref<512x64xf32, #tpu.memory_space<vmem>>
        tpu.enqueue_dma source(%dma_start3A_299 : memref<512x64xf32, #tpu.memory_space<vmem>>) target(%dma_start3A_295 : memref<512x64xf32, #tpu.memory_space<hbm>>) target_semaphore(%run_scoped3A_287 : memref<!tpu.dma_semaphore, #tpu.memory_space<semaphore_mem>>)
        %dma_wait3A_300 = arith.constant 0 : i32
        %dma_wait3A_301 = arith.constant 0 : i32
        %dma_wait3A_302 = tpu.memref_slice %arg7[%run_scoped3A_286, %dma_wait3A_300, %dma_wait3A_301] : memref<2x512x64xf32, #tpu.memory_space<vmem>> -> memref<1x512x64xf32, #tpu.memory_space<vmem>>
        %dma_wait3A_303 = tpu.memref_squeeze %dma_wait3A_302 : memref<1x512x64xf32, #tpu.memory_space<vmem>> -> memref<512x64xf32, #tpu.memory_space<vmem>>
        %dma_wait3A_304 = arith.constant 0 : i32
        %dma_wait3A_305 = tpu.memref_slice %arg5[%add3A_285, %dma_wait3A_304] : memref<819200x64xf32, #tpu.memory_space<hbm>> -> memref<512x64xf32, #tpu.memory_space<hbm>>
        %dma_wait3A_306 = arith.constant 0 : i32
        %dma_wait3A_307 = tpu.memref_slice %arg5[%add3A_285, %dma_wait3A_306] : memref<819200x64xf32, #tpu.memory_space<hbm>> -> memref<512x64xf32, #tpu.memory_space<hbm>>
        %dma_wait3A_308 = arith.constant 0 : i32
        %dma_wait3A_309 = arith.constant 0 : i32
        %dma_wait3A_310 = tpu.memref_slice %arg7[%run_scoped3A_286, %dma_wait3A_308, %dma_wait3A_309] : memref<2x512x64xf32, #tpu.memory_space<vmem>> -> memref<1x512x64xf32, #tpu.memory_space<vmem>>
        %dma_wait3A_311 = tpu.memref_squeeze %dma_wait3A_310 : memref<1x512x64xf32, #tpu.memory_space<vmem>> -> memref<512x64xf32, #tpu.memory_space<vmem>>
        tpu.wait_dma2 semaphore(%run_scoped3A_287 : memref<!tpu.dma_semaphore, #tpu.memory_space<semaphore_mem>>) src(%dma_wait3A_311 : memref<512x64xf32, #tpu.memory_space<vmem>>) dst(%dma_wait3A_307 : memref<512x64xf32, #tpu.memory_space<hbm>>)
        tpu.yield
      }) : () -> ()
    }
    %scan3A_68 = arith.constant 25 : i32
    return
  }
}

#map = affine_map<(d0, d1) -> (0, 0)>
module attributes {stable_mosaic.version = 14 : i64} {
  func.func @k(%arg0: i32, %arg1: i32, %arg2: memref<50000x64xbf16, #tpu.memory_space<hbm>>, %arg3: memref<12800x128xi32, #tpu.memory_space<hbm>>, %arg4: memref<1638400x64xbf16, #tpu.memory_space<hbm>>, %arg5: memref<2x4x128xi32, #tpu.memory_space<vmem>>, %arg6: memref<2x512x64xbf16, #tpu.memory_space<vmem>>, %arg7: memref<!tpu.dma_semaphore, #tpu.memory_space<semaphore_mem>>) attributes {dimension_semantics = [#tpu.dimension_semantics<core_parallel>, #tpu.dimension_semantics<subcore_parallel>], iteration_bounds = array<i64: 2, 16>, scalar_prefetch = 0 : i64, scratch_operands = 3 : i64, tpu.core_type = #tpu.core_type<sc_vector_subcore>, window_params = [{transform_indices = #map}, {transform_indices = #map}, {transform_indices = #map}]} {
    %mul3A = arith.constant 2 : i32
    %mul3A_0 = arith.muli %arg1, %mul3A : i32
    %add3A = arith.addi %mul3A_0, %arg0 : i32
    %mul3A_1 = arith.constant 51200 : i32
    %mul3A_2 = arith.muli %add3A, %mul3A_1 : i32
    %mul3A_3 = arith.constant 400 : i32
    %mul3A_4 = arith.muli %add3A, %mul3A_3 : i32
    %add3A_5 = arith.constant 0 : i32
    %add3A_6 = arith.addi %mul3A_4, %add3A_5 : i32
    %run_scoped3A = arith.constant 0 : i32
    "tpu.region"() ({
      %run_scoped3A_63 = tpu.sem_alloc : memref<!tpu.dma_semaphore, #tpu.memory_space<semaphore_mem>>
      %dma_start3A_64 = arith.constant 0 : i32
      %dma_start3A_65 = arith.constant 0 : i32
      %dma_start3A_66 = tpu.memref_slice %arg5[%run_scoped3A, %dma_start3A_64, %dma_start3A_65] : memref<2x4x128xi32, #tpu.memory_space<vmem>> -> memref<1x4x128xi32, #tpu.memory_space<vmem>>
      %dma_start3A_67 = tpu.memref_squeeze %dma_start3A_66 : memref<1x4x128xi32, #tpu.memory_space<vmem>> -> memref<4x128xi32, #tpu.memory_space<vmem>>
      %dma_start3A_68 = arith.constant 0 : i32
      %dma_start3A_69 = tpu.memref_slice %arg3[%add3A_6, %dma_start3A_68] : memref<12800x128xi32, #tpu.memory_space<hbm>> -> memref<4x128xi32, #tpu.memory_space<hbm>>
      %dma_start3A_70 = arith.constant 0 : i32
      %dma_start3A_71 = arith.constant 0 : i32
      %dma_start3A_72 = tpu.memref_slice %arg5[%run_scoped3A, %dma_start3A_70, %dma_start3A_71] : memref<2x4x128xi32, #tpu.memory_space<vmem>> -> memref<1x4x128xi32, #tpu.memory_space<vmem>>
      %dma_start3A_73 = tpu.memref_squeeze %dma_start3A_72 : memref<1x4x128xi32, #tpu.memory_space<vmem>> -> memref<4x128xi32, #tpu.memory_space<vmem>>
      %dma_start3A_74 = arith.constant 0 : i32
      %dma_start3A_75 = tpu.memref_slice %arg3[%add3A_6, %dma_start3A_74] : memref<12800x128xi32, #tpu.memory_space<hbm>> -> memref<4x128xi32, #tpu.memory_space<hbm>>
      tpu.enqueue_dma source(%dma_start3A_75 : memref<4x128xi32, #tpu.memory_space<hbm>>) target(%dma_start3A_73 : memref<4x128xi32, #tpu.memory_space<vmem>>) target_semaphore(%run_scoped3A_63 : memref<!tpu.dma_semaphore, #tpu.memory_space<semaphore_mem>>)
      %dma_wait3A = arith.constant 0 : i32
      %dma_wait3A_76 = arith.constant 0 : i32
      %dma_wait3A_77 = tpu.memref_slice %arg5[%run_scoped3A, %dma_wait3A, %dma_wait3A_76] : memref<2x4x128xi32, #tpu.memory_space<vmem>> -> memref<1x4x128xi32, #tpu.memory_space<vmem>>
      %dma_wait3A_78 = tpu.memref_squeeze %dma_wait3A_77 : memref<1x4x128xi32, #tpu.memory_space<vmem>> -> memref<4x128xi32, #tpu.memory_space<vmem>>
      %dma_wait3A_79 = arith.constant 0 : i32
      %dma_wait3A_80 = tpu.memref_slice %arg3[%add3A_6, %dma_wait3A_79] : memref<12800x128xi32, #tpu.memory_space<hbm>> -> memref<4x128xi32, #tpu.memory_space<hbm>>
      %dma_wait3A_81 = arith.constant 0 : i32
      %dma_wait3A_82 = arith.constant 0 : i32
      %dma_wait3A_83 = tpu.memref_slice %arg5[%run_scoped3A, %dma_wait3A_81, %dma_wait3A_82] : memref<2x4x128xi32, #tpu.memory_space<vmem>> -> memref<1x4x128xi32, #tpu.memory_space<vmem>>
      %dma_wait3A_84 = tpu.memref_squeeze %dma_wait3A_83 : memref<1x4x128xi32, #tpu.memory_space<vmem>> -> memref<4x128xi32, #tpu.memory_space<vmem>>
      %dma_wait3A_85 = arith.constant 0 : i32
      %dma_wait3A_86 = tpu.memref_slice %arg3[%add3A_6, %dma_wait3A_85] : memref<12800x128xi32, #tpu.memory_space<hbm>> -> memref<4x128xi32, #tpu.memory_space<hbm>>
      tpu.wait_dma2 semaphore(%run_scoped3A_63 : memref<!tpu.dma_semaphore, #tpu.memory_space<semaphore_mem>>) src(%dma_wait3A_86 : memref<4x128xi32, #tpu.memory_space<hbm>>) dst(%dma_wait3A_84 : memref<4x128xi32, #tpu.memory_space<vmem>>)
      tpu.yield
    }) : () -> ()
    %dma_start3A = arith.constant 0 : i32
    %dma_start3A_7 = arith.constant 0 : i32
    %dma_start3A_8 = arith.constant 0 : i32
    %dma_start3A_9 = arith.constant 0 : i32
    %dma_start3A_10 = arith.constant 0 : i32
    %dma_start3A_11 = tpu.memref_slice %arg6[%dma_start3A_8, %dma_start3A_9, %dma_start3A_10] : memref<2x512x64xbf16, #tpu.memory_space<vmem>> -> memref<1x128x64xbf16, #tpu.memory_space<vmem>>
    %dma_start3A_12 = tpu.memref_squeeze %dma_start3A_11 : memref<1x128x64xbf16, #tpu.memory_space<vmem>> -> memref<128x64xbf16, #tpu.memory_space<vmem>>
    %dma_start3A_13 = arith.constant 0 : i32
    %dma_start3A_14 = tpu.memref_slice %arg5[%dma_start3A, %dma_start3A_7, %dma_start3A_13] : memref<2x4x128xi32, #tpu.memory_space<vmem>> -> memref<1x1x128xi32, #tpu.memory_space<vmem>>
    %dma_start3A_15 = tpu.memref_squeeze %dma_start3A_14 : memref<1x1x128xi32, #tpu.memory_space<vmem>> -> memref<128xi32, #tpu.memory_space<vmem>>
    %dma_start3A_16 = arith.constant 0 : i32
    %dma_start3A_17 = arith.constant 0 : i32
    %dma_start3A_18 = tpu.memref_slice %arg2[%dma_start3A_16, %dma_start3A_17] : memref<50000x64xbf16, #tpu.memory_space<hbm>> -> memref<50000x64xbf16, #tpu.memory_space<hbm>>
    tpu.enqueue_indirect_dma source(%dma_start3A_18 : memref<50000x64xbf16, #tpu.memory_space<hbm>>) target(%dma_start3A_12 : memref<128x64xbf16, #tpu.memory_space<vmem>>) offsets(%dma_start3A_15 : memref<128xi32, #tpu.memory_space<vmem>>) semaphore(%arg7 : memref<!tpu.dma_semaphore, #tpu.memory_space<semaphore_mem>>)
    %dma_start3A_19 = arith.constant 0 : i32
    %dma_start3A_20 = arith.constant 1 : i32
    %dma_start3A_21 = arith.constant 0 : i32
    %dma_start3A_22 = arith.constant 128 : i32
    %dma_start3A_23 = arith.constant 0 : i32
    %dma_start3A_24 = tpu.memref_slice %arg6[%dma_start3A_21, %dma_start3A_22, %dma_start3A_23] : memref<2x512x64xbf16, #tpu.memory_space<vmem>> -> memref<1x128x64xbf16, #tpu.memory_space<vmem>>
    %dma_start3A_25 = tpu.memref_squeeze %dma_start3A_24 : memref<1x128x64xbf16, #tpu.memory_space<vmem>> -> memref<128x64xbf16, #tpu.memory_space<vmem>>
    %dma_start3A_26 = arith.constant 0 : i32
    %dma_start3A_27 = tpu.memref_slice %arg5[%dma_start3A_19, %dma_start3A_20, %dma_start3A_26] : memref<2x4x128xi32, #tpu.memory_space<vmem>> -> memref<1x1x128xi32, #tpu.memory_space<vmem>>
    %dma_start3A_28 = tpu.memref_squeeze %dma_start3A_27 : memref<1x1x128xi32, #tpu.memory_space<vmem>> -> memref<128xi32, #tpu.memory_space<vmem>>
    %dma_start3A_29 = arith.constant 0 : i32
    %dma_start3A_30 = arith.constant 0 : i32
    %dma_start3A_31 = tpu.memref_slice %arg2[%dma_start3A_29, %dma_start3A_30] : memref<50000x64xbf16, #tpu.memory_space<hbm>> -> memref<50000x64xbf16, #tpu.memory_space<hbm>>
    tpu.enqueue_indirect_dma source(%dma_start3A_31 : memref<50000x64xbf16, #tpu.memory_space<hbm>>) target(%dma_start3A_25 : memref<128x64xbf16, #tpu.memory_space<vmem>>) offsets(%dma_start3A_28 : memref<128xi32, #tpu.memory_space<vmem>>) semaphore(%arg7 : memref<!tpu.dma_semaphore, #tpu.memory_space<semaphore_mem>>)
    %dma_start3A_32 = arith.constant 0 : i32
    %dma_start3A_33 = arith.constant 2 : i32
    %dma_start3A_34 = arith.constant 0 : i32
    %dma_start3A_35 = arith.constant 256 : i32
    %dma_start3A_36 = arith.constant 0 : i32
    %dma_start3A_37 = tpu.memref_slice %arg6[%dma_start3A_34, %dma_start3A_35, %dma_start3A_36] : memref<2x512x64xbf16, #tpu.memory_space<vmem>> -> memref<1x128x64xbf16, #tpu.memory_space<vmem>>
    %dma_start3A_38 = tpu.memref_squeeze %dma_start3A_37 : memref<1x128x64xbf16, #tpu.memory_space<vmem>> -> memref<128x64xbf16, #tpu.memory_space<vmem>>
    %dma_start3A_39 = arith.constant 0 : i32
    %dma_start3A_40 = tpu.memref_slice %arg5[%dma_start3A_32, %dma_start3A_33, %dma_start3A_39] : memref<2x4x128xi32, #tpu.memory_space<vmem>> -> memref<1x1x128xi32, #tpu.memory_space<vmem>>
    %dma_start3A_41 = tpu.memref_squeeze %dma_start3A_40 : memref<1x1x128xi32, #tpu.memory_space<vmem>> -> memref<128xi32, #tpu.memory_space<vmem>>
    %dma_start3A_42 = arith.constant 0 : i32
    %dma_start3A_43 = arith.constant 0 : i32
    %dma_start3A_44 = tpu.memref_slice %arg2[%dma_start3A_42, %dma_start3A_43] : memref<50000x64xbf16, #tpu.memory_space<hbm>> -> memref<50000x64xbf16, #tpu.memory_space<hbm>>
    tpu.enqueue_indirect_dma source(%dma_start3A_44 : memref<50000x64xbf16, #tpu.memory_space<hbm>>) target(%dma_start3A_38 : memref<128x64xbf16, #tpu.memory_space<vmem>>) offsets(%dma_start3A_41 : memref<128xi32, #tpu.memory_space<vmem>>) semaphore(%arg7 : memref<!tpu.dma_semaphore, #tpu.memory_space<semaphore_mem>>)
    %dma_start3A_45 = arith.constant 0 : i32
    %dma_start3A_46 = arith.constant 3 : i32
    %dma_start3A_47 = arith.constant 0 : i32
    %dma_start3A_48 = arith.constant 384 : i32
    %dma_start3A_49 = arith.constant 0 : i32
    %dma_start3A_50 = tpu.memref_slice %arg6[%dma_start3A_47, %dma_start3A_48, %dma_start3A_49] : memref<2x512x64xbf16, #tpu.memory_space<vmem>> -> memref<1x128x64xbf16, #tpu.memory_space<vmem>>
    %dma_start3A_51 = tpu.memref_squeeze %dma_start3A_50 : memref<1x128x64xbf16, #tpu.memory_space<vmem>> -> memref<128x64xbf16, #tpu.memory_space<vmem>>
    %dma_start3A_52 = arith.constant 0 : i32
    %dma_start3A_53 = tpu.memref_slice %arg5[%dma_start3A_45, %dma_start3A_46, %dma_start3A_52] : memref<2x4x128xi32, #tpu.memory_space<vmem>> -> memref<1x1x128xi32, #tpu.memory_space<vmem>>
    %dma_start3A_54 = tpu.memref_squeeze %dma_start3A_53 : memref<1x1x128xi32, #tpu.memory_space<vmem>> -> memref<128xi32, #tpu.memory_space<vmem>>
    %dma_start3A_55 = arith.constant 0 : i32
    %dma_start3A_56 = arith.constant 0 : i32
    %dma_start3A_57 = tpu.memref_slice %arg2[%dma_start3A_55, %dma_start3A_56] : memref<50000x64xbf16, #tpu.memory_space<hbm>> -> memref<50000x64xbf16, #tpu.memory_space<hbm>>
    tpu.enqueue_indirect_dma source(%dma_start3A_57 : memref<50000x64xbf16, #tpu.memory_space<hbm>>) target(%dma_start3A_51 : memref<128x64xbf16, #tpu.memory_space<vmem>>) offsets(%dma_start3A_54 : memref<128xi32, #tpu.memory_space<vmem>>) semaphore(%arg7 : memref<!tpu.dma_semaphore, #tpu.memory_space<semaphore_mem>>)
    %scan3A = arith.constant 0 : i32
    %scan3A_58 = arith.constant 0 : i32
    %scan3A_59 = arith.constant 50 : i32
    %scan3A_60 = arith.addi %scan3A_58, %scan3A_59 : i32
    %scan3A_61 = arith.constant 1 : i32
    scf.for %scan3A_63 = %scan3A_58 to %scan3A_60 step %scan3A_61  : i32 {
      %mul3A_64 = arith.constant 2 : i32
      %mul3A_65 = arith.muli %mul3A_64, %scan3A_63 : i32
      %add3A_66 = arith.constant 1 : i32
      %add3A_67 = arith.addi %mul3A_65, %add3A_66 : i32
      %mul3A_68 = arith.constant 4 : i32
      %mul3A_69 = arith.muli %add3A_67, %mul3A_68 : i32
      %add3A_70 = arith.addi %mul3A_4, %mul3A_69 : i32
      %run_scoped3A_71 = arith.constant 1 : i32
      "tpu.region"() ({
        %run_scoped3A_239 = tpu.sem_alloc : memref<!tpu.dma_semaphore, #tpu.memory_space<semaphore_mem>>
        %dma_start3A_240 = arith.constant 0 : i32
        %dma_start3A_241 = arith.constant 0 : i32
        %dma_start3A_242 = tpu.memref_slice %arg5[%run_scoped3A_71, %dma_start3A_240, %dma_start3A_241] : memref<2x4x128xi32, #tpu.memory_space<vmem>> -> memref<1x4x128xi32, #tpu.memory_space<vmem>>
        %dma_start3A_243 = tpu.memref_squeeze %dma_start3A_242 : memref<1x4x128xi32, #tpu.memory_space<vmem>> -> memref<4x128xi32, #tpu.memory_space<vmem>>
        %dma_start3A_244 = arith.constant 0 : i32
        %dma_start3A_245 = tpu.memref_slice %arg3[%add3A_70, %dma_start3A_244] : memref<12800x128xi32, #tpu.memory_space<hbm>> -> memref<4x128xi32, #tpu.memory_space<hbm>>
        %dma_start3A_246 = arith.constant 0 : i32
        %dma_start3A_247 = arith.constant 0 : i32
        %dma_start3A_248 = tpu.memref_slice %arg5[%run_scoped3A_71, %dma_start3A_246, %dma_start3A_247] : memref<2x4x128xi32, #tpu.memory_space<vmem>> -> memref<1x4x128xi32, #tpu.memory_space<vmem>>
        %dma_start3A_249 = tpu.memref_squeeze %dma_start3A_248 : memref<1x4x128xi32, #tpu.memory_space<vmem>> -> memref<4x128xi32, #tpu.memory_space<vmem>>
        %dma_start3A_250 = arith.constant 0 : i32
        %dma_start3A_251 = tpu.memref_slice %arg3[%add3A_70, %dma_start3A_250] : memref<12800x128xi32, #tpu.memory_space<hbm>> -> memref<4x128xi32, #tpu.memory_space<hbm>>
        tpu.enqueue_dma source(%dma_start3A_251 : memref<4x128xi32, #tpu.memory_space<hbm>>) target(%dma_start3A_249 : memref<4x128xi32, #tpu.memory_space<vmem>>) target_semaphore(%run_scoped3A_239 : memref<!tpu.dma_semaphore, #tpu.memory_space<semaphore_mem>>)
        %dma_wait3A_252 = arith.constant 0 : i32
        %dma_wait3A_253 = arith.constant 0 : i32
        %dma_wait3A_254 = tpu.memref_slice %arg5[%run_scoped3A_71, %dma_wait3A_252, %dma_wait3A_253] : memref<2x4x128xi32, #tpu.memory_space<vmem>> -> memref<1x4x128xi32, #tpu.memory_space<vmem>>
        %dma_wait3A_255 = tpu.memref_squeeze %dma_wait3A_254 : memref<1x4x128xi32, #tpu.memory_space<vmem>> -> memref<4x128xi32, #tpu.memory_space<vmem>>
        %dma_wait3A_256 = arith.constant 0 : i32
        %dma_wait3A_257 = tpu.memref_slice %arg3[%add3A_70, %dma_wait3A_256] : memref<12800x128xi32, #tpu.memory_space<hbm>> -> memref<4x128xi32, #tpu.memory_space<hbm>>
        %dma_wait3A_258 = arith.constant 0 : i32
        %dma_wait3A_259 = arith.constant 0 : i32
        %dma_wait3A_260 = tpu.memref_slice %arg5[%run_scoped3A_71, %dma_wait3A_258, %dma_wait3A_259] : memref<2x4x128xi32, #tpu.memory_space<vmem>> -> memref<1x4x128xi32, #tpu.memory_space<vmem>>
        %dma_wait3A_261 = tpu.memref_squeeze %dma_wait3A_260 : memref<1x4x128xi32, #tpu.memory_space<vmem>> -> memref<4x128xi32, #tpu.memory_space<vmem>>
        %dma_wait3A_262 = arith.constant 0 : i32
        %dma_wait3A_263 = tpu.memref_slice %arg3[%add3A_70, %dma_wait3A_262] : memref<12800x128xi32, #tpu.memory_space<hbm>> -> memref<4x128xi32, #tpu.memory_space<hbm>>
        tpu.wait_dma2 semaphore(%run_scoped3A_239 : memref<!tpu.dma_semaphore, #tpu.memory_space<semaphore_mem>>) src(%dma_wait3A_263 : memref<4x128xi32, #tpu.memory_space<hbm>>) dst(%dma_wait3A_261 : memref<4x128xi32, #tpu.memory_space<vmem>>)
        tpu.yield
      }) : () -> ()
      %dma_wait3A = arith.constant 0 : i32
      %dma_wait3A_72 = arith.constant 0 : i32
      %dma_wait3A_73 = arith.constant 0 : i32
      %dma_wait3A_74 = arith.constant 0 : i32
      %dma_wait3A_75 = arith.constant 0 : i32
      %dma_wait3A_76 = tpu.memref_slice %arg6[%dma_wait3A_73, %dma_wait3A_74, %dma_wait3A_75] : memref<2x512x64xbf16, #tpu.memory_space<vmem>> -> memref<1x128x64xbf16, #tpu.memory_space<vmem>>
      %dma_wait3A_77 = tpu.memref_squeeze %dma_wait3A_76 : memref<1x128x64xbf16, #tpu.memory_space<vmem>> -> memref<128x64xbf16, #tpu.memory_space<vmem>>
      %dma_wait3A_78 = arith.constant 0 : i32
      %dma_wait3A_79 = tpu.memref_slice %arg5[%dma_wait3A, %dma_wait3A_72, %dma_wait3A_78] : memref<2x4x128xi32, #tpu.memory_space<vmem>> -> memref<1x1x128xi32, #tpu.memory_space<vmem>>
      %dma_wait3A_80 = tpu.memref_squeeze %dma_wait3A_79 : memref<1x1x128xi32, #tpu.memory_space<vmem>> -> memref<128xi32, #tpu.memory_space<vmem>>
      %dma_wait3A_81 = arith.constant 0 : i32
      %dma_wait3A_82 = arith.constant 0 : i32
      %dma_wait3A_83 = tpu.memref_slice %arg2[%dma_wait3A_81, %dma_wait3A_82] : memref<50000x64xbf16, #tpu.memory_space<hbm>> -> memref<50000x64xbf16, #tpu.memory_space<hbm>>
      tpu.wait_indirect_dma semaphore(%arg7 : memref<!tpu.dma_semaphore, #tpu.memory_space<semaphore_mem>>) src(%dma_wait3A_83 : memref<50000x64xbf16, #tpu.memory_space<hbm>>) dst(%dma_wait3A_77 : memref<128x64xbf16, #tpu.memory_space<vmem>>)
      %dma_wait3A_84 = arith.constant 0 : i32
      %dma_wait3A_85 = arith.constant 1 : i32
      %dma_wait3A_86 = arith.constant 0 : i32
      %dma_wait3A_87 = arith.constant 128 : i32
      %dma_wait3A_88 = arith.constant 0 : i32
      %dma_wait3A_89 = tpu.memref_slice %arg6[%dma_wait3A_86, %dma_wait3A_87, %dma_wait3A_88] : memref<2x512x64xbf16, #tpu.memory_space<vmem>> -> memref<1x128x64xbf16, #tpu.memory_space<vmem>>
      %dma_wait3A_90 = tpu.memref_squeeze %dma_wait3A_89 : memref<1x128x64xbf16, #tpu.memory_space<vmem>> -> memref<128x64xbf16, #tpu.memory_space<vmem>>
      %dma_wait3A_91 = arith.constant 0 : i32
      %dma_wait3A_92 = tpu.memref_slice %arg5[%dma_wait3A_84, %dma_wait3A_85, %dma_wait3A_91] : memref<2x4x128xi32, #tpu.memory_space<vmem>> -> memref<1x1x128xi32, #tpu.memory_space<vmem>>
      %dma_wait3A_93 = tpu.memref_squeeze %dma_wait3A_92 : memref<1x1x128xi32, #tpu.memory_space<vmem>> -> memref<128xi32, #tpu.memory_space<vmem>>
      %dma_wait3A_94 = arith.constant 0 : i32
      %dma_wait3A_95 = arith.constant 0 : i32
      %dma_wait3A_96 = tpu.memref_slice %arg2[%dma_wait3A_94, %dma_wait3A_95] : memref<50000x64xbf16, #tpu.memory_space<hbm>> -> memref<50000x64xbf16, #tpu.memory_space<hbm>>
      tpu.wait_indirect_dma semaphore(%arg7 : memref<!tpu.dma_semaphore, #tpu.memory_space<semaphore_mem>>) src(%dma_wait3A_96 : memref<50000x64xbf16, #tpu.memory_space<hbm>>) dst(%dma_wait3A_90 : memref<128x64xbf16, #tpu.memory_space<vmem>>)
      %dma_wait3A_97 = arith.constant 0 : i32
      %dma_wait3A_98 = arith.constant 2 : i32
      %dma_wait3A_99 = arith.constant 0 : i32
      %dma_wait3A_100 = arith.constant 256 : i32
      %dma_wait3A_101 = arith.constant 0 : i32
      %dma_wait3A_102 = tpu.memref_slice %arg6[%dma_wait3A_99, %dma_wait3A_100, %dma_wait3A_101] : memref<2x512x64xbf16, #tpu.memory_space<vmem>> -> memref<1x128x64xbf16, #tpu.memory_space<vmem>>
      %dma_wait3A_103 = tpu.memref_squeeze %dma_wait3A_102 : memref<1x128x64xbf16, #tpu.memory_space<vmem>> -> memref<128x64xbf16, #tpu.memory_space<vmem>>
      %dma_wait3A_104 = arith.constant 0 : i32
      %dma_wait3A_105 = tpu.memref_slice %arg5[%dma_wait3A_97, %dma_wait3A_98, %dma_wait3A_104] : memref<2x4x128xi32, #tpu.memory_space<vmem>> -> memref<1x1x128xi32, #tpu.memory_space<vmem>>
      %dma_wait3A_106 = tpu.memref_squeeze %dma_wait3A_105 : memref<1x1x128xi32, #tpu.memory_space<vmem>> -> memref<128xi32, #tpu.memory_space<vmem>>
      %dma_wait3A_107 = arith.constant 0 : i32
      %dma_wait3A_108 = arith.constant 0 : i32
      %dma_wait3A_109 = tpu.memref_slice %arg2[%dma_wait3A_107, %dma_wait3A_108] : memref<50000x64xbf16, #tpu.memory_space<hbm>> -> memref<50000x64xbf16, #tpu.memory_space<hbm>>
      tpu.wait_indirect_dma semaphore(%arg7 : memref<!tpu.dma_semaphore, #tpu.memory_space<semaphore_mem>>) src(%dma_wait3A_109 : memref<50000x64xbf16, #tpu.memory_space<hbm>>) dst(%dma_wait3A_103 : memref<128x64xbf16, #tpu.memory_space<vmem>>)
      %dma_wait3A_110 = arith.constant 0 : i32
      %dma_wait3A_111 = arith.constant 3 : i32
      %dma_wait3A_112 = arith.constant 0 : i32
      %dma_wait3A_113 = arith.constant 384 : i32
      %dma_wait3A_114 = arith.constant 0 : i32
      %dma_wait3A_115 = tpu.memref_slice %arg6[%dma_wait3A_112, %dma_wait3A_113, %dma_wait3A_114] : memref<2x512x64xbf16, #tpu.memory_space<vmem>> -> memref<1x128x64xbf16, #tpu.memory_space<vmem>>
      %dma_wait3A_116 = tpu.memref_squeeze %dma_wait3A_115 : memref<1x128x64xbf16, #tpu.memory_space<vmem>> -> memref<128x64xbf16, #tpu.memory_space<vmem>>
      %dma_wait3A_117 = arith.constant 0 : i32
      %dma_wait3A_118 = tpu.memref_slice %arg5[%dma_wait3A_110, %dma_wait3A_111, %dma_wait3A_117] : memref<2x4x128xi32, #tpu.memory_space<vmem>> -> memref<1x1x128xi32, #tpu.memory_space<vmem>>
      %dma_wait3A_119 = tpu.memref_squeeze %dma_wait3A_118 : memref<1x1x128xi32, #tpu.memory_space<vmem>> -> memref<128xi32, #tpu.memory_space<vmem>>
      %dma_wait3A_120 = arith.constant 0 : i32
      %dma_wait3A_121 = arith.constant 0 : i32
      %dma_wait3A_122 = tpu.memref_slice %arg2[%dma_wait3A_120, %dma_wait3A_121] : memref<50000x64xbf16, #tpu.memory_space<hbm>> -> memref<50000x64xbf16, #tpu.memory_space<hbm>>
      tpu.wait_indirect_dma semaphore(%arg7 : memref<!tpu.dma_semaphore, #tpu.memory_space<semaphore_mem>>) src(%dma_wait3A_122 : memref<50000x64xbf16, #tpu.memory_space<hbm>>) dst(%dma_wait3A_116 : memref<128x64xbf16, #tpu.memory_space<vmem>>)
      %dma_start3A_123 = arith.constant 1 : i32
      %dma_start3A_124 = arith.constant 0 : i32
      %dma_start3A_125 = arith.constant 1 : i32
      %dma_start3A_126 = arith.constant 0 : i32
      %dma_start3A_127 = arith.constant 0 : i32
      %dma_start3A_128 = tpu.memref_slice %arg6[%dma_start3A_125, %dma_start3A_126, %dma_start3A_127] : memref<2x512x64xbf16, #tpu.memory_space<vmem>> -> memref<1x128x64xbf16, #tpu.memory_space<vmem>>
      %dma_start3A_129 = tpu.memref_squeeze %dma_start3A_128 : memref<1x128x64xbf16, #tpu.memory_space<vmem>> -> memref<128x64xbf16, #tpu.memory_space<vmem>>
      %dma_start3A_130 = arith.constant 0 : i32
      %dma_start3A_131 = tpu.memref_slice %arg5[%dma_start3A_123, %dma_start3A_124, %dma_start3A_130] : memref<2x4x128xi32, #tpu.memory_space<vmem>> -> memref<1x1x128xi32, #tpu.memory_space<vmem>>
      %dma_start3A_132 = tpu.memref_squeeze %dma_start3A_131 : memref<1x1x128xi32, #tpu.memory_space<vmem>> -> memref<128xi32, #tpu.memory_space<vmem>>
      %dma_start3A_133 = arith.constant 0 : i32
      %dma_start3A_134 = arith.constant 0 : i32
      %dma_start3A_135 = tpu.memref_slice %arg2[%dma_start3A_133, %dma_start3A_134] : memref<50000x64xbf16, #tpu.memory_space<hbm>> -> memref<50000x64xbf16, #tpu.memory_space<hbm>>
      tpu.enqueue_indirect_dma source(%dma_start3A_135 : memref<50000x64xbf16, #tpu.memory_space<hbm>>) target(%dma_start3A_129 : memref<128x64xbf16, #tpu.memory_space<vmem>>) offsets(%dma_start3A_132 : memref<128xi32, #tpu.memory_space<vmem>>) semaphore(%arg7 : memref<!tpu.dma_semaphore, #tpu.memory_space<semaphore_mem>>)
      %dma_start3A_136 = arith.constant 1 : i32
      %dma_start3A_137 = arith.constant 1 : i32
      %dma_start3A_138 = arith.constant 1 : i32
      %dma_start3A_139 = arith.constant 128 : i32
      %dma_start3A_140 = arith.constant 0 : i32
      %dma_start3A_141 = tpu.memref_slice %arg6[%dma_start3A_138, %dma_start3A_139, %dma_start3A_140] : memref<2x512x64xbf16, #tpu.memory_space<vmem>> -> memref<1x128x64xbf16, #tpu.memory_space<vmem>>
      %dma_start3A_142 = tpu.memref_squeeze %dma_start3A_141 : memref<1x128x64xbf16, #tpu.memory_space<vmem>> -> memref<128x64xbf16, #tpu.memory_space<vmem>>
      %dma_start3A_143 = arith.constant 0 : i32
      %dma_start3A_144 = tpu.memref_slice %arg5[%dma_start3A_136, %dma_start3A_137, %dma_start3A_143] : memref<2x4x128xi32, #tpu.memory_space<vmem>> -> memref<1x1x128xi32, #tpu.memory_space<vmem>>
      %dma_start3A_145 = tpu.memref_squeeze %dma_start3A_144 : memref<1x1x128xi32, #tpu.memory_space<vmem>> -> memref<128xi32, #tpu.memory_space<vmem>>
      %dma_start3A_146 = arith.constant 0 : i32
      %dma_start3A_147 = arith.constant 0 : i32
      %dma_start3A_148 = tpu.memref_slice %arg2[%dma_start3A_146, %dma_start3A_147] : memref<50000x64xbf16, #tpu.memory_space<hbm>> -> memref<50000x64xbf16, #tpu.memory_space<hbm>>
      tpu.enqueue_indirect_dma source(%dma_start3A_148 : memref<50000x64xbf16, #tpu.memory_space<hbm>>) target(%dma_start3A_142 : memref<128x64xbf16, #tpu.memory_space<vmem>>) offsets(%dma_start3A_145 : memref<128xi32, #tpu.memory_space<vmem>>) semaphore(%arg7 : memref<!tpu.dma_semaphore, #tpu.memory_space<semaphore_mem>>)
      %dma_start3A_149 = arith.constant 1 : i32
      %dma_start3A_150 = arith.constant 2 : i32
      %dma_start3A_151 = arith.constant 1 : i32
      %dma_start3A_152 = arith.constant 256 : i32
      %dma_start3A_153 = arith.constant 0 : i32
      %dma_start3A_154 = tpu.memref_slice %arg6[%dma_start3A_151, %dma_start3A_152, %dma_start3A_153] : memref<2x512x64xbf16, #tpu.memory_space<vmem>> -> memref<1x128x64xbf16, #tpu.memory_space<vmem>>
      %dma_start3A_155 = tpu.memref_squeeze %dma_start3A_154 : memref<1x128x64xbf16, #tpu.memory_space<vmem>> -> memref<128x64xbf16, #tpu.memory_space<vmem>>
      %dma_start3A_156 = arith.constant 0 : i32
      %dma_start3A_157 = tpu.memref_slice %arg5[%dma_start3A_149, %dma_start3A_150, %dma_start3A_156] : memref<2x4x128xi32, #tpu.memory_space<vmem>> -> memref<1x1x128xi32, #tpu.memory_space<vmem>>
      %dma_start3A_158 = tpu.memref_squeeze %dma_start3A_157 : memref<1x1x128xi32, #tpu.memory_space<vmem>> -> memref<128xi32, #tpu.memory_space<vmem>>
      %dma_start3A_159 = arith.constant 0 : i32
      %dma_start3A_160 = arith.constant 0 : i32
      %dma_start3A_161 = tpu.memref_slice %arg2[%dma_start3A_159, %dma_start3A_160] : memref<50000x64xbf16, #tpu.memory_space<hbm>> -> memref<50000x64xbf16, #tpu.memory_space<hbm>>
      tpu.enqueue_indirect_dma source(%dma_start3A_161 : memref<50000x64xbf16, #tpu.memory_space<hbm>>) target(%dma_start3A_155 : memref<128x64xbf16, #tpu.memory_space<vmem>>) offsets(%dma_start3A_158 : memref<128xi32, #tpu.memory_space<vmem>>) semaphore(%arg7 : memref<!tpu.dma_semaphore, #tpu.memory_space<semaphore_mem>>)
      %dma_start3A_162 = arith.constant 1 : i32
      %dma_start3A_163 = arith.constant 3 : i32
      %dma_start3A_164 = arith.constant 1 : i32
      %dma_start3A_165 = arith.constant 384 : i32
      %dma_start3A_166 = arith.constant 0 : i32
      %dma_start3A_167 = tpu.memref_slice %arg6[%dma_start3A_164, %dma_start3A_165, %dma_start3A_166] : memref<2x512x64xbf16, #tpu.memory_space<vmem>> -> memref<1x128x64xbf16, #tpu.memory_space<vmem>>
      %dma_start3A_168 = tpu.memref_squeeze %dma_start3A_167 : memref<1x128x64xbf16, #tpu.memory_space<vmem>> -> memref<128x64xbf16, #tpu.memory_space<vmem>>
      %dma_start3A_169 = arith.constant 0 : i32
      %dma_start3A_170 = tpu.memref_slice %arg5[%dma_start3A_162, %dma_start3A_163, %dma_start3A_169] : memref<2x4x128xi32, #tpu.memory_space<vmem>> -> memref<1x1x128xi32, #tpu.memory_space<vmem>>
      %dma_start3A_171 = tpu.memref_squeeze %dma_start3A_170 : memref<1x1x128xi32, #tpu.memory_space<vmem>> -> memref<128xi32, #tpu.memory_space<vmem>>
      %dma_start3A_172 = arith.constant 0 : i32
      %dma_start3A_173 = arith.constant 0 : i32
      %dma_start3A_174 = tpu.memref_slice %arg2[%dma_start3A_172, %dma_start3A_173] : memref<50000x64xbf16, #tpu.memory_space<hbm>> -> memref<50000x64xbf16, #tpu.memory_space<hbm>>
      tpu.enqueue_indirect_dma source(%dma_start3A_174 : memref<50000x64xbf16, #tpu.memory_space<hbm>>) target(%dma_start3A_168 : memref<128x64xbf16, #tpu.memory_space<vmem>>) offsets(%dma_start3A_171 : memref<128xi32, #tpu.memory_space<vmem>>) semaphore(%arg7 : memref<!tpu.dma_semaphore, #tpu.memory_space<semaphore_mem>>)
      %mul3A_175 = arith.constant 512 : i32
      %mul3A_176 = arith.muli %mul3A_65, %mul3A_175 : i32
      %add3A_177 = arith.addi %mul3A_2, %mul3A_176 : i32
      %run_scoped3A_178 = arith.constant 0 : i32
      "tpu.region"() ({
        %run_scoped3A_239 = tpu.sem_alloc : memref<!tpu.dma_semaphore, #tpu.memory_space<semaphore_mem>>
        %dma_start3A_240 = arith.constant 0 : i32
        %dma_start3A_241 = arith.constant 0 : i32
        %dma_start3A_242 = tpu.memref_slice %arg6[%run_scoped3A_178, %dma_start3A_240, %dma_start3A_241] : memref<2x512x64xbf16, #tpu.memory_space<vmem>> -> memref<1x512x64xbf16, #tpu.memory_space<vmem>>
        %dma_start3A_243 = tpu.memref_squeeze %dma_start3A_242 : memref<1x512x64xbf16, #tpu.memory_space<vmem>> -> memref<512x64xbf16, #tpu.memory_space<vmem>>
        %dma_start3A_244 = arith.constant 0 : i32
        %dma_start3A_245 = tpu.memref_slice %arg4[%add3A_177, %dma_start3A_244] : memref<1638400x64xbf16, #tpu.memory_space<hbm>> -> memref<512x64xbf16, #tpu.memory_space<hbm>>
        %dma_start3A_246 = arith.constant 0 : i32
        %dma_start3A_247 = tpu.memref_slice %arg4[%add3A_177, %dma_start3A_246] : memref<1638400x64xbf16, #tpu.memory_space<hbm>> -> memref<512x64xbf16, #tpu.memory_space<hbm>>
        %dma_start3A_248 = arith.constant 0 : i32
        %dma_start3A_249 = arith.constant 0 : i32
        %dma_start3A_250 = tpu.memref_slice %arg6[%run_scoped3A_178, %dma_start3A_248, %dma_start3A_249] : memref<2x512x64xbf16, #tpu.memory_space<vmem>> -> memref<1x512x64xbf16, #tpu.memory_space<vmem>>
        %dma_start3A_251 = tpu.memref_squeeze %dma_start3A_250 : memref<1x512x64xbf16, #tpu.memory_space<vmem>> -> memref<512x64xbf16, #tpu.memory_space<vmem>>
        tpu.enqueue_dma source(%dma_start3A_251 : memref<512x64xbf16, #tpu.memory_space<vmem>>) target(%dma_start3A_247 : memref<512x64xbf16, #tpu.memory_space<hbm>>) target_semaphore(%run_scoped3A_239 : memref<!tpu.dma_semaphore, #tpu.memory_space<semaphore_mem>>)
        %dma_wait3A_252 = arith.constant 0 : i32
        %dma_wait3A_253 = arith.constant 0 : i32
        %dma_wait3A_254 = tpu.memref_slice %arg6[%run_scoped3A_178, %dma_wait3A_252, %dma_wait3A_253] : memref<2x512x64xbf16, #tpu.memory_space<vmem>> -> memref<1x512x64xbf16, #tpu.memory_space<vmem>>
        %dma_wait3A_255 = tpu.memref_squeeze %dma_wait3A_254 : memref<1x512x64xbf16, #tpu.memory_space<vmem>> -> memref<512x64xbf16, #tpu.memory_space<vmem>>
        %dma_wait3A_256 = arith.constant 0 : i32
        %dma_wait3A_257 = tpu.memref_slice %arg4[%add3A_177, %dma_wait3A_256] : memref<1638400x64xbf16, #tpu.memory_space<hbm>> -> memref<512x64xbf16, #tpu.memory_space<hbm>>
        %dma_wait3A_258 = arith.constant 0 : i32
        %dma_wait3A_259 = tpu.memref_slice %arg4[%add3A_177, %dma_wait3A_258] : memref<1638400x64xbf16, #tpu.memory_space<hbm>> -> memref<512x64xbf16, #tpu.memory_space<hbm>>
        %dma_wait3A_260 = arith.constant 0 : i32
        %dma_wait3A_261 = arith.constant 0 : i32
        %dma_wait3A_262 = tpu.memref_slice %arg6[%run_scoped3A_178, %dma_wait3A_260, %dma_wait3A_261] : memref<2x512x64xbf16, #tpu.memory_space<vmem>> -> memref<1x512x64xbf16, #tpu.memory_space<vmem>>
        %dma_wait3A_263 = tpu.memref_squeeze %dma_wait3A_262 : memref<1x512x64xbf16, #tpu.memory_space<vmem>> -> memref<512x64xbf16, #tpu.memory_space<vmem>>
        tpu.wait_dma2 semaphore(%run_scoped3A_239 : memref<!tpu.dma_semaphore, #tpu.memory_space<semaphore_mem>>) src(%dma_wait3A_263 : memref<512x64xbf16, #tpu.memory_space<vmem>>) dst(%dma_wait3A_259 : memref<512x64xbf16, #tpu.memory_space<hbm>>)
        tpu.yield
      }) : () -> ()
      %lt3A = arith.constant 49 : i32
      %lt3A_179 = arith.cmpi slt, %scan3A_63, %lt3A : i32
      %convert_element_type3A = arith.extui %lt3A_179 : i1 to i32
      %cond3A = arith.constant 0 : i32
      %cond3A_180 = arith.cmpi ne, %convert_element_type3A, %cond3A : i32
      scf.if %cond3A_180 {
        %add3A_239 = arith.constant 2 : i32
        %add3A_240 = arith.addi %mul3A_65, %add3A_239 : i32
        %mul3A_241 = arith.constant 4 : i32
        %mul3A_242 = arith.muli %add3A_240, %mul3A_241 : i32
        %add3A_243 = arith.addi %mul3A_4, %mul3A_242 : i32
        %run_scoped3A_244 = arith.constant 0 : i32
        "tpu.region"() ({
          %run_scoped3A_297 = tpu.sem_alloc : memref<!tpu.dma_semaphore, #tpu.memory_space<semaphore_mem>>
          %dma_start3A_298 = arith.constant 0 : i32
          %dma_start3A_299 = arith.constant 0 : i32
          %dma_start3A_300 = tpu.memref_slice %arg5[%run_scoped3A_244, %dma_start3A_298, %dma_start3A_299] : memref<2x4x128xi32, #tpu.memory_space<vmem>> -> memref<1x4x128xi32, #tpu.memory_space<vmem>>
          %dma_start3A_301 = tpu.memref_squeeze %dma_start3A_300 : memref<1x4x128xi32, #tpu.memory_space<vmem>> -> memref<4x128xi32, #tpu.memory_space<vmem>>
          %dma_start3A_302 = arith.constant 0 : i32
          %dma_start3A_303 = tpu.memref_slice %arg3[%add3A_243, %dma_start3A_302] : memref<12800x128xi32, #tpu.memory_space<hbm>> -> memref<4x128xi32, #tpu.memory_space<hbm>>
          %dma_start3A_304 = arith.constant 0 : i32
          %dma_start3A_305 = arith.constant 0 : i32
          %dma_start3A_306 = tpu.memref_slice %arg5[%run_scoped3A_244, %dma_start3A_304, %dma_start3A_305] : memref<2x4x128xi32, #tpu.memory_space<vmem>> -> memref<1x4x128xi32, #tpu.memory_space<vmem>>
          %dma_start3A_307 = tpu.memref_squeeze %dma_start3A_306 : memref<1x4x128xi32, #tpu.memory_space<vmem>> -> memref<4x128xi32, #tpu.memory_space<vmem>>
          %dma_start3A_308 = arith.constant 0 : i32
          %dma_start3A_309 = tpu.memref_slice %arg3[%add3A_243, %dma_start3A_308] : memref<12800x128xi32, #tpu.memory_space<hbm>> -> memref<4x128xi32, #tpu.memory_space<hbm>>
          tpu.enqueue_dma source(%dma_start3A_309 : memref<4x128xi32, #tpu.memory_space<hbm>>) target(%dma_start3A_307 : memref<4x128xi32, #tpu.memory_space<vmem>>) target_semaphore(%run_scoped3A_297 : memref<!tpu.dma_semaphore, #tpu.memory_space<semaphore_mem>>)
          %dma_wait3A_310 = arith.constant 0 : i32
          %dma_wait3A_311 = arith.constant 0 : i32
          %dma_wait3A_312 = tpu.memref_slice %arg5[%run_scoped3A_244, %dma_wait3A_310, %dma_wait3A_311] : memref<2x4x128xi32, #tpu.memory_space<vmem>> -> memref<1x4x128xi32, #tpu.memory_space<vmem>>
          %dma_wait3A_313 = tpu.memref_squeeze %dma_wait3A_312 : memref<1x4x128xi32, #tpu.memory_space<vmem>> -> memref<4x128xi32, #tpu.memory_space<vmem>>
          %dma_wait3A_314 = arith.constant 0 : i32
          %dma_wait3A_315 = tpu.memref_slice %arg3[%add3A_243, %dma_wait3A_314] : memref<12800x128xi32, #tpu.memory_space<hbm>> -> memref<4x128xi32, #tpu.memory_space<hbm>>
          %dma_wait3A_316 = arith.constant 0 : i32
          %dma_wait3A_317 = arith.constant 0 : i32
          %dma_wait3A_318 = tpu.memref_slice %arg5[%run_scoped3A_244, %dma_wait3A_316, %dma_wait3A_317] : memref<2x4x128xi32, #tpu.memory_space<vmem>> -> memref<1x4x128xi32, #tpu.memory_space<vmem>>
          %dma_wait3A_319 = tpu.memref_squeeze %dma_wait3A_318 : memref<1x4x128xi32, #tpu.memory_space<vmem>> -> memref<4x128xi32, #tpu.memory_space<vmem>>
          %dma_wait3A_320 = arith.constant 0 : i32
          %dma_wait3A_321 = tpu.memref_slice %arg3[%add3A_243, %dma_wait3A_320] : memref<12800x128xi32, #tpu.memory_space<hbm>> -> memref<4x128xi32, #tpu.memory_space<hbm>>
          tpu.wait_dma2 semaphore(%run_scoped3A_297 : memref<!tpu.dma_semaphore, #tpu.memory_space<semaphore_mem>>) src(%dma_wait3A_321 : memref<4x128xi32, #tpu.memory_space<hbm>>) dst(%dma_wait3A_319 : memref<4x128xi32, #tpu.memory_space<vmem>>)
          tpu.yield
        }) : () -> ()
        %dma_start3A_245 = arith.constant 0 : i32
        %dma_start3A_246 = arith.constant 0 : i32
        %dma_start3A_247 = arith.constant 0 : i32
        %dma_start3A_248 = arith.constant 0 : i32
        %dma_start3A_249 = arith.constant 0 : i32
        %dma_start3A_250 = tpu.memref_slice %arg6[%dma_start3A_247, %dma_start3A_248, %dma_start3A_249] : memref<2x512x64xbf16, #tpu.memory_space<vmem>> -> memref<1x128x64xbf16, #tpu.memory_space<vmem>>
        %dma_start3A_251 = tpu.memref_squeeze %dma_start3A_250 : memref<1x128x64xbf16, #tpu.memory_space<vmem>> -> memref<128x64xbf16, #tpu.memory_space<vmem>>
        %dma_start3A_252 = arith.constant 0 : i32
        %dma_start3A_253 = tpu.memref_slice %arg5[%dma_start3A_245, %dma_start3A_246, %dma_start3A_252] : memref<2x4x128xi32, #tpu.memory_space<vmem>> -> memref<1x1x128xi32, #tpu.memory_space<vmem>>
        %dma_start3A_254 = tpu.memref_squeeze %dma_start3A_253 : memref<1x1x128xi32, #tpu.memory_space<vmem>> -> memref<128xi32, #tpu.memory_space<vmem>>
        %dma_start3A_255 = arith.constant 0 : i32
        %dma_start3A_256 = arith.constant 0 : i32
        %dma_start3A_257 = tpu.memref_slice %arg2[%dma_start3A_255, %dma_start3A_256] : memref<50000x64xbf16, #tpu.memory_space<hbm>> -> memref<50000x64xbf16, #tpu.memory_space<hbm>>
        tpu.enqueue_indirect_dma source(%dma_start3A_257 : memref<50000x64xbf16, #tpu.memory_space<hbm>>) target(%dma_start3A_251 : memref<128x64xbf16, #tpu.memory_space<vmem>>) offsets(%dma_start3A_254 : memref<128xi32, #tpu.memory_space<vmem>>) semaphore(%arg7 : memref<!tpu.dma_semaphore, #tpu.memory_space<semaphore_mem>>)
        %dma_start3A_258 = arith.constant 0 : i32
        %dma_start3A_259 = arith.constant 1 : i32
        %dma_start3A_260 = arith.constant 0 : i32
        %dma_start3A_261 = arith.constant 128 : i32
        %dma_start3A_262 = arith.constant 0 : i32
        %dma_start3A_263 = tpu.memref_slice %arg6[%dma_start3A_260, %dma_start3A_261, %dma_start3A_262] : memref<2x512x64xbf16, #tpu.memory_space<vmem>> -> memref<1x128x64xbf16, #tpu.memory_space<vmem>>
        %dma_start3A_264 = tpu.memref_squeeze %dma_start3A_263 : memref<1x128x64xbf16, #tpu.memory_space<vmem>> -> memref<128x64xbf16, #tpu.memory_space<vmem>>
        %dma_start3A_265 = arith.constant 0 : i32
        %dma_start3A_266 = tpu.memref_slice %arg5[%dma_start3A_258, %dma_start3A_259, %dma_start3A_265] : memref<2x4x128xi32, #tpu.memory_space<vmem>> -> memref<1x1x128xi32, #tpu.memory_space<vmem>>
        %dma_start3A_267 = tpu.memref_squeeze %dma_start3A_266 : memref<1x1x128xi32, #tpu.memory_space<vmem>> -> memref<128xi32, #tpu.memory_space<vmem>>
        %dma_start3A_268 = arith.constant 0 : i32
        %dma_start3A_269 = arith.constant 0 : i32
        %dma_start3A_270 = tpu.memref_slice %arg2[%dma_start3A_268, %dma_start3A_269] : memref<50000x64xbf16, #tpu.memory_space<hbm>> -> memref<50000x64xbf16, #tpu.memory_space<hbm>>
        tpu.enqueue_indirect_dma source(%dma_start3A_270 : memref<50000x64xbf16, #tpu.memory_space<hbm>>) target(%dma_start3A_264 : memref<128x64xbf16, #tpu.memory_space<vmem>>) offsets(%dma_start3A_267 : memref<128xi32, #tpu.memory_space<vmem>>) semaphore(%arg7 : memref<!tpu.dma_semaphore, #tpu.memory_space<semaphore_mem>>)
        %dma_start3A_271 = arith.constant 0 : i32
        %dma_start3A_272 = arith.constant 2 : i32
        %dma_start3A_273 = arith.constant 0 : i32
        %dma_start3A_274 = arith.constant 256 : i32
        %dma_start3A_275 = arith.constant 0 : i32
        %dma_start3A_276 = tpu.memref_slice %arg6[%dma_start3A_273, %dma_start3A_274, %dma_start3A_275] : memref<2x512x64xbf16, #tpu.memory_space<vmem>> -> memref<1x128x64xbf16, #tpu.memory_space<vmem>>
        %dma_start3A_277 = tpu.memref_squeeze %dma_start3A_276 : memref<1x128x64xbf16, #tpu.memory_space<vmem>> -> memref<128x64xbf16, #tpu.memory_space<vmem>>
        %dma_start3A_278 = arith.constant 0 : i32
        %dma_start3A_279 = tpu.memref_slice %arg5[%dma_start3A_271, %dma_start3A_272, %dma_start3A_278] : memref<2x4x128xi32, #tpu.memory_space<vmem>> -> memref<1x1x128xi32, #tpu.memory_space<vmem>>
        %dma_start3A_280 = tpu.memref_squeeze %dma_start3A_279 : memref<1x1x128xi32, #tpu.memory_space<vmem>> -> memref<128xi32, #tpu.memory_space<vmem>>
        %dma_start3A_281 = arith.constant 0 : i32
        %dma_start3A_282 = arith.constant 0 : i32
        %dma_start3A_283 = tpu.memref_slice %arg2[%dma_start3A_281, %dma_start3A_282] : memref<50000x64xbf16, #tpu.memory_space<hbm>> -> memref<50000x64xbf16, #tpu.memory_space<hbm>>
        tpu.enqueue_indirect_dma source(%dma_start3A_283 : memref<50000x64xbf16, #tpu.memory_space<hbm>>) target(%dma_start3A_277 : memref<128x64xbf16, #tpu.memory_space<vmem>>) offsets(%dma_start3A_280 : memref<128xi32, #tpu.memory_space<vmem>>) semaphore(%arg7 : memref<!tpu.dma_semaphore, #tpu.memory_space<semaphore_mem>>)
        %dma_start3A_284 = arith.constant 0 : i32
        %dma_start3A_285 = arith.constant 3 : i32
        %dma_start3A_286 = arith.constant 0 : i32
        %dma_start3A_287 = arith.constant 384 : i32
        %dma_start3A_288 = arith.constant 0 : i32
        %dma_start3A_289 = tpu.memref_slice %arg6[%dma_start3A_286, %dma_start3A_287, %dma_start3A_288] : memref<2x512x64xbf16, #tpu.memory_space<vmem>> -> memref<1x128x64xbf16, #tpu.memory_space<vmem>>
        %dma_start3A_290 = tpu.memref_squeeze %dma_start3A_289 : memref<1x128x64xbf16, #tpu.memory_space<vmem>> -> memref<128x64xbf16, #tpu.memory_space<vmem>>
        %dma_start3A_291 = arith.constant 0 : i32
        %dma_start3A_292 = tpu.memref_slice %arg5[%dma_start3A_284, %dma_start3A_285, %dma_start3A_291] : memref<2x4x128xi32, #tpu.memory_space<vmem>> -> memref<1x1x128xi32, #tpu.memory_space<vmem>>
        %dma_start3A_293 = tpu.memref_squeeze %dma_start3A_292 : memref<1x1x128xi32, #tpu.memory_space<vmem>> -> memref<128xi32, #tpu.memory_space<vmem>>
        %dma_start3A_294 = arith.constant 0 : i32
        %dma_start3A_295 = arith.constant 0 : i32
        %dma_start3A_296 = tpu.memref_slice %arg2[%dma_start3A_294, %dma_start3A_295] : memref<50000x64xbf16, #tpu.memory_space<hbm>> -> memref<50000x64xbf16, #tpu.memory_space<hbm>>
        tpu.enqueue_indirect_dma source(%dma_start3A_296 : memref<50000x64xbf16, #tpu.memory_space<hbm>>) target(%dma_start3A_290 : memref<128x64xbf16, #tpu.memory_space<vmem>>) offsets(%dma_start3A_293 : memref<128xi32, #tpu.memory_space<vmem>>) semaphore(%arg7 : memref<!tpu.dma_semaphore, #tpu.memory_space<semaphore_mem>>)
      } else {
      }
      %dma_wait3A_181 = arith.constant 1 : i32
      %dma_wait3A_182 = arith.constant 0 : i32
      %dma_wait3A_183 = arith.constant 1 : i32
      %dma_wait3A_184 = arith.constant 0 : i32
      %dma_wait3A_185 = arith.constant 0 : i32
      %dma_wait3A_186 = tpu.memref_slice %arg6[%dma_wait3A_183, %dma_wait3A_184, %dma_wait3A_185] : memref<2x512x64xbf16, #tpu.memory_space<vmem>> -> memref<1x128x64xbf16, #tpu.memory_space<vmem>>
      %dma_wait3A_187 = tpu.memref_squeeze %dma_wait3A_186 : memref<1x128x64xbf16, #tpu.memory_space<vmem>> -> memref<128x64xbf16, #tpu.memory_space<vmem>>
      %dma_wait3A_188 = arith.constant 0 : i32
      %dma_wait3A_189 = tpu.memref_slice %arg5[%dma_wait3A_181, %dma_wait3A_182, %dma_wait3A_188] : memref<2x4x128xi32, #tpu.memory_space<vmem>> -> memref<1x1x128xi32, #tpu.memory_space<vmem>>
      %dma_wait3A_190 = tpu.memref_squeeze %dma_wait3A_189 : memref<1x1x128xi32, #tpu.memory_space<vmem>> -> memref<128xi32, #tpu.memory_space<vmem>>
      %dma_wait3A_191 = arith.constant 0 : i32
      %dma_wait3A_192 = arith.constant 0 : i32
      %dma_wait3A_193 = tpu.memref_slice %arg2[%dma_wait3A_191, %dma_wait3A_192] : memref<50000x64xbf16, #tpu.memory_space<hbm>> -> memref<50000x64xbf16, #tpu.memory_space<hbm>>
      tpu.wait_indirect_dma semaphore(%arg7 : memref<!tpu.dma_semaphore, #tpu.memory_space<semaphore_mem>>) src(%dma_wait3A_193 : memref<50000x64xbf16, #tpu.memory_space<hbm>>) dst(%dma_wait3A_187 : memref<128x64xbf16, #tpu.memory_space<vmem>>)
      %dma_wait3A_194 = arith.constant 1 : i32
      %dma_wait3A_195 = arith.constant 1 : i32
      %dma_wait3A_196 = arith.constant 1 : i32
      %dma_wait3A_197 = arith.constant 128 : i32
      %dma_wait3A_198 = arith.constant 0 : i32
      %dma_wait3A_199 = tpu.memref_slice %arg6[%dma_wait3A_196, %dma_wait3A_197, %dma_wait3A_198] : memref<2x512x64xbf16, #tpu.memory_space<vmem>> -> memref<1x128x64xbf16, #tpu.memory_space<vmem>>
      %dma_wait3A_200 = tpu.memref_squeeze %dma_wait3A_199 : memref<1x128x64xbf16, #tpu.memory_space<vmem>> -> memref<128x64xbf16, #tpu.memory_space<vmem>>
      %dma_wait3A_201 = arith.constant 0 : i32
      %dma_wait3A_202 = tpu.memref_slice %arg5[%dma_wait3A_194, %dma_wait3A_195, %dma_wait3A_201] : memref<2x4x128xi32, #tpu.memory_space<vmem>> -> memref<1x1x128xi32, #tpu.memory_space<vmem>>
      %dma_wait3A_203 = tpu.memref_squeeze %dma_wait3A_202 : memref<1x1x128xi32, #tpu.memory_space<vmem>> -> memref<128xi32, #tpu.memory_space<vmem>>
      %dma_wait3A_204 = arith.constant 0 : i32
      %dma_wait3A_205 = arith.constant 0 : i32
      %dma_wait3A_206 = tpu.memref_slice %arg2[%dma_wait3A_204, %dma_wait3A_205] : memref<50000x64xbf16, #tpu.memory_space<hbm>> -> memref<50000x64xbf16, #tpu.memory_space<hbm>>
      tpu.wait_indirect_dma semaphore(%arg7 : memref<!tpu.dma_semaphore, #tpu.memory_space<semaphore_mem>>) src(%dma_wait3A_206 : memref<50000x64xbf16, #tpu.memory_space<hbm>>) dst(%dma_wait3A_200 : memref<128x64xbf16, #tpu.memory_space<vmem>>)
      %dma_wait3A_207 = arith.constant 1 : i32
      %dma_wait3A_208 = arith.constant 2 : i32
      %dma_wait3A_209 = arith.constant 1 : i32
      %dma_wait3A_210 = arith.constant 256 : i32
      %dma_wait3A_211 = arith.constant 0 : i32
      %dma_wait3A_212 = tpu.memref_slice %arg6[%dma_wait3A_209, %dma_wait3A_210, %dma_wait3A_211] : memref<2x512x64xbf16, #tpu.memory_space<vmem>> -> memref<1x128x64xbf16, #tpu.memory_space<vmem>>
      %dma_wait3A_213 = tpu.memref_squeeze %dma_wait3A_212 : memref<1x128x64xbf16, #tpu.memory_space<vmem>> -> memref<128x64xbf16, #tpu.memory_space<vmem>>
      %dma_wait3A_214 = arith.constant 0 : i32
      %dma_wait3A_215 = tpu.memref_slice %arg5[%dma_wait3A_207, %dma_wait3A_208, %dma_wait3A_214] : memref<2x4x128xi32, #tpu.memory_space<vmem>> -> memref<1x1x128xi32, #tpu.memory_space<vmem>>
      %dma_wait3A_216 = tpu.memref_squeeze %dma_wait3A_215 : memref<1x1x128xi32, #tpu.memory_space<vmem>> -> memref<128xi32, #tpu.memory_space<vmem>>
      %dma_wait3A_217 = arith.constant 0 : i32
      %dma_wait3A_218 = arith.constant 0 : i32
      %dma_wait3A_219 = tpu.memref_slice %arg2[%dma_wait3A_217, %dma_wait3A_218] : memref<50000x64xbf16, #tpu.memory_space<hbm>> -> memref<50000x64xbf16, #tpu.memory_space<hbm>>
      tpu.wait_indirect_dma semaphore(%arg7 : memref<!tpu.dma_semaphore, #tpu.memory_space<semaphore_mem>>) src(%dma_wait3A_219 : memref<50000x64xbf16, #tpu.memory_space<hbm>>) dst(%dma_wait3A_213 : memref<128x64xbf16, #tpu.memory_space<vmem>>)
      %dma_wait3A_220 = arith.constant 1 : i32
      %dma_wait3A_221 = arith.constant 3 : i32
      %dma_wait3A_222 = arith.constant 1 : i32
      %dma_wait3A_223 = arith.constant 384 : i32
      %dma_wait3A_224 = arith.constant 0 : i32
      %dma_wait3A_225 = tpu.memref_slice %arg6[%dma_wait3A_222, %dma_wait3A_223, %dma_wait3A_224] : memref<2x512x64xbf16, #tpu.memory_space<vmem>> -> memref<1x128x64xbf16, #tpu.memory_space<vmem>>
      %dma_wait3A_226 = tpu.memref_squeeze %dma_wait3A_225 : memref<1x128x64xbf16, #tpu.memory_space<vmem>> -> memref<128x64xbf16, #tpu.memory_space<vmem>>
      %dma_wait3A_227 = arith.constant 0 : i32
      %dma_wait3A_228 = tpu.memref_slice %arg5[%dma_wait3A_220, %dma_wait3A_221, %dma_wait3A_227] : memref<2x4x128xi32, #tpu.memory_space<vmem>> -> memref<1x1x128xi32, #tpu.memory_space<vmem>>
      %dma_wait3A_229 = tpu.memref_squeeze %dma_wait3A_228 : memref<1x1x128xi32, #tpu.memory_space<vmem>> -> memref<128xi32, #tpu.memory_space<vmem>>
      %dma_wait3A_230 = arith.constant 0 : i32
      %dma_wait3A_231 = arith.constant 0 : i32
      %dma_wait3A_232 = tpu.memref_slice %arg2[%dma_wait3A_230, %dma_wait3A_231] : memref<50000x64xbf16, #tpu.memory_space<hbm>> -> memref<50000x64xbf16, #tpu.memory_space<hbm>>
      tpu.wait_indirect_dma semaphore(%arg7 : memref<!tpu.dma_semaphore, #tpu.memory_space<semaphore_mem>>) src(%dma_wait3A_232 : memref<50000x64xbf16, #tpu.memory_space<hbm>>) dst(%dma_wait3A_226 : memref<128x64xbf16, #tpu.memory_space<vmem>>)
      %add3A_233 = arith.constant 1 : i32
      %add3A_234 = arith.addi %mul3A_65, %add3A_233 : i32
      %mul3A_235 = arith.constant 512 : i32
      %mul3A_236 = arith.muli %add3A_234, %mul3A_235 : i32
      %add3A_237 = arith.addi %mul3A_2, %mul3A_236 : i32
      %run_scoped3A_238 = arith.constant 1 : i32
      "tpu.region"() ({
        %run_scoped3A_239 = tpu.sem_alloc : memref<!tpu.dma_semaphore, #tpu.memory_space<semaphore_mem>>
        %dma_start3A_240 = arith.constant 0 : i32
        %dma_start3A_241 = arith.constant 0 : i32
        %dma_start3A_242 = tpu.memref_slice %arg6[%run_scoped3A_238, %dma_start3A_240, %dma_start3A_241] : memref<2x512x64xbf16, #tpu.memory_space<vmem>> -> memref<1x512x64xbf16, #tpu.memory_space<vmem>>
        %dma_start3A_243 = tpu.memref_squeeze %dma_start3A_242 : memref<1x512x64xbf16, #tpu.memory_space<vmem>> -> memref<512x64xbf16, #tpu.memory_space<vmem>>
        %dma_start3A_244 = arith.constant 0 : i32
        %dma_start3A_245 = tpu.memref_slice %arg4[%add3A_237, %dma_start3A_244] : memref<1638400x64xbf16, #tpu.memory_space<hbm>> -> memref<512x64xbf16, #tpu.memory_space<hbm>>
        %dma_start3A_246 = arith.constant 0 : i32
        %dma_start3A_247 = tpu.memref_slice %arg4[%add3A_237, %dma_start3A_246] : memref<1638400x64xbf16, #tpu.memory_space<hbm>> -> memref<512x64xbf16, #tpu.memory_space<hbm>>
        %dma_start3A_248 = arith.constant 0 : i32
        %dma_start3A_249 = arith.constant 0 : i32
        %dma_start3A_250 = tpu.memref_slice %arg6[%run_scoped3A_238, %dma_start3A_248, %dma_start3A_249] : memref<2x512x64xbf16, #tpu.memory_space<vmem>> -> memref<1x512x64xbf16, #tpu.memory_space<vmem>>
        %dma_start3A_251 = tpu.memref_squeeze %dma_start3A_250 : memref<1x512x64xbf16, #tpu.memory_space<vmem>> -> memref<512x64xbf16, #tpu.memory_space<vmem>>
        tpu.enqueue_dma source(%dma_start3A_251 : memref<512x64xbf16, #tpu.memory_space<vmem>>) target(%dma_start3A_247 : memref<512x64xbf16, #tpu.memory_space<hbm>>) target_semaphore(%run_scoped3A_239 : memref<!tpu.dma_semaphore, #tpu.memory_space<semaphore_mem>>)
        %dma_wait3A_252 = arith.constant 0 : i32
        %dma_wait3A_253 = arith.constant 0 : i32
        %dma_wait3A_254 = tpu.memref_slice %arg6[%run_scoped3A_238, %dma_wait3A_252, %dma_wait3A_253] : memref<2x512x64xbf16, #tpu.memory_space<vmem>> -> memref<1x512x64xbf16, #tpu.memory_space<vmem>>
        %dma_wait3A_255 = tpu.memref_squeeze %dma_wait3A_254 : memref<1x512x64xbf16, #tpu.memory_space<vmem>> -> memref<512x64xbf16, #tpu.memory_space<vmem>>
        %dma_wait3A_256 = arith.constant 0 : i32
        %dma_wait3A_257 = tpu.memref_slice %arg4[%add3A_237, %dma_wait3A_256] : memref<1638400x64xbf16, #tpu.memory_space<hbm>> -> memref<512x64xbf16, #tpu.memory_space<hbm>>
        %dma_wait3A_258 = arith.constant 0 : i32
        %dma_wait3A_259 = tpu.memref_slice %arg4[%add3A_237, %dma_wait3A_258] : memref<1638400x64xbf16, #tpu.memory_space<hbm>> -> memref<512x64xbf16, #tpu.memory_space<hbm>>
        %dma_wait3A_260 = arith.constant 0 : i32
        %dma_wait3A_261 = arith.constant 0 : i32
        %dma_wait3A_262 = tpu.memref_slice %arg6[%run_scoped3A_238, %dma_wait3A_260, %dma_wait3A_261] : memref<2x512x64xbf16, #tpu.memory_space<vmem>> -> memref<1x512x64xbf16, #tpu.memory_space<vmem>>
        %dma_wait3A_263 = tpu.memref_squeeze %dma_wait3A_262 : memref<1x512x64xbf16, #tpu.memory_space<vmem>> -> memref<512x64xbf16, #tpu.memory_space<vmem>>
        tpu.wait_dma2 semaphore(%run_scoped3A_239 : memref<!tpu.dma_semaphore, #tpu.memory_space<semaphore_mem>>) src(%dma_wait3A_263 : memref<512x64xbf16, #tpu.memory_space<vmem>>) dst(%dma_wait3A_259 : memref<512x64xbf16, #tpu.memory_space<hbm>>)
        tpu.yield
      }) : () -> ()
    }
    %scan3A_62 = arith.constant 50 : i32
    return
  }
}

module attributes {stable_mosaic.version = 14 : i64} {
  func.func @body(%arg0: i32, %arg1: memref<2000x16xf32, #tpu.memory_space<vmem>>, %arg2: memref<16x64xf32, #tpu.memory_space<vmem>>, %arg3: memref<1x64xf32, #tpu.memory_space<vmem>>, %arg4: memref<64x64xf32, #tpu.memory_space<vmem>>, %arg5: memref<1x64xf32, #tpu.memory_space<vmem>>, %arg6: memref<1x64xf32, #tpu.memory_space<vmem>>, %arg7: memref<1x64xf32, #tpu.memory_space<vmem>>, %arg8: memref<2000x64xf32, #tpu.memory_space<vmem>>) attributes {dimension_semantics = [#tpu.dimension_semantics<arbitrary>], iteration_bounds = array<i64: 25>, scalar_prefetch = 0 : i64, scratch_operands = 0 : i64, tpu.core_type = #tpu.core_type<tc>, window_params = [{transform_indices = @transform_0, window_bounds = array<i64: 2000, 16>}, {pipeline_mode = #tpu.pipeline_mode<synchronous>, transform_indices = @transform_1, window_bounds = array<i64: 16, 64>}, {pipeline_mode = #tpu.pipeline_mode<synchronous>, transform_indices = @transform_2, window_bounds = array<i64: 1, 64>}, {pipeline_mode = #tpu.pipeline_mode<synchronous>, transform_indices = @transform_3, window_bounds = array<i64: 64, 64>}, {pipeline_mode = #tpu.pipeline_mode<synchronous>, transform_indices = @transform_4, window_bounds = array<i64: 1, 64>}, {pipeline_mode = #tpu.pipeline_mode<synchronous>, transform_indices = @transform_5, window_bounds = array<i64: 1, 64>}, {pipeline_mode = #tpu.pipeline_mode<synchronous>, transform_indices = @transform_6, window_bounds = array<i64: 1, 64>}, {transform_indices = @transform_7, window_bounds = array<i64: 2000, 64>}]} {
    %get3A = arith.constant 0 : index
    %get3A_0 = arith.constant 0 : index
    %get3A_1 = vector.load %arg1[%get3A, %get3A_0] : memref<2000x16xf32, #tpu.memory_space<vmem>>, vector<2000x16xf32>
    %get3A_2 = arith.constant 0 : index
    %get3A_3 = arith.constant 0 : index
    %get3A_4 = vector.load %arg2[%get3A_2, %get3A_3] : memref<16x64xf32, #tpu.memory_space<vmem>>, vector<16x64xf32>
    %dot_general3A = arith.constant dense<0.000000e+00> : vector<2000x64xf32>
    %dot_general3A_5 = tpu.matmul %get3A_1, %get3A_4, %dot_general3A {dimension_numbers = #tpu.dot_dimension_numbers<[1], [0], [0], [1], [0, 0, 1, 1], [], []>, transpose_lhs_hint = false} : vector<2000x16xf32>, vector<16x64xf32>, vector<2000x64xf32> -> vector<2000x64xf32>
    %get3A_6 = arith.constant 0 : index
    %get3A_7 = arith.constant 0 : index
    %get3A_8 = vector.load %arg3[%get3A_6, %get3A_7] : memref<1x64xf32, #tpu.memory_space<vmem>>, vector<1x64xf32>
    %add3A = vector.broadcast %get3A_8 : vector<1x64xf32> to vector<2000x64xf32>
    %add3A_9 = arith.addf %dot_general3A_5, %add3A : vector<2000x64xf32>
    %max3A = arith.constant 0.000000e+00 : f32
    %max3A_10 = vector.broadcast %max3A : f32 to vector<2000x64xf32>
    %max3A_11 = arith.maximumf %add3A_9, %max3A_10 : vector<2000x64xf32>
    %get3A_12 = arith.constant 0 : index
    %get3A_13 = arith.constant 0 : index
    %get3A_14 = vector.load %arg4[%get3A_12, %get3A_13] : memref<64x64xf32, #tpu.memory_space<vmem>>, vector<64x64xf32>
    %dot_general3A_15 = arith.constant dense<0.000000e+00> : vector<2000x64xf32>
    %dot_general3A_16 = tpu.matmul %max3A_11, %get3A_14, %dot_general3A_15 {dimension_numbers = #tpu.dot_dimension_numbers<[1], [0], [0], [1], [0, 0, 1, 1], [], []>, transpose_lhs_hint = false} : vector<2000x64xf32>, vector<64x64xf32>, vector<2000x64xf32> -> vector<2000x64xf32>
    %get3A_17 = arith.constant 0 : index
    %get3A_18 = arith.constant 0 : index
    %get3A_19 = vector.load %arg5[%get3A_17, %get3A_18] : memref<1x64xf32, #tpu.memory_space<vmem>>, vector<1x64xf32>
    %add3A_20 = vector.broadcast %get3A_19 : vector<1x64xf32> to vector<2000x64xf32>
    %add3A_21 = arith.addf %dot_general3A_16, %add3A_20 : vector<2000x64xf32>
    %reduce_sum3A = arith.constant dense<0.000000e+00> : vector<2000xf32>
    %reduce_sum3A_22 = vector.multi_reduction <add>, %add3A_21, %reduce_sum3A [1] : vector<2000x64xf32> to vector<2000xf32>
    %broadcast_in_dim3A = vector.shape_cast %reduce_sum3A_22 : vector<2000xf32> to vector<2000x1xf32>
    %div3A = arith.constant 6.400000e+01 : f32
    %div3A_23 = vector.broadcast %div3A : f32 to vector<2000x1xf32>
    %div3A_24 = arith.divf %broadcast_in_dim3A, %div3A_23 : vector<2000x1xf32>
    %sub3A = vector.broadcast %div3A_24 : vector<2000x1xf32> to vector<2000x64xf32>
    %sub3A_25 = arith.subf %add3A_21, %sub3A : vector<2000x64xf32>
    %integer_pow3A = arith.mulf %sub3A_25, %sub3A_25 : vector<2000x64xf32>
    %reduce_sum3A_26 = arith.constant dense<0.000000e+00> : vector<2000xf32>
    %reduce_sum3A_27 = vector.multi_reduction <add>, %integer_pow3A, %reduce_sum3A_26 [1] : vector<2000x64xf32> to vector<2000xf32>
    %broadcast_in_dim3A_28 = vector.shape_cast %reduce_sum3A_27 : vector<2000xf32> to vector<2000x1xf32>
    %div3A_29 = arith.constant 6.400000e+01 : f32
    %div3A_30 = vector.broadcast %div3A_29 : f32 to vector<2000x1xf32>
    %div3A_31 = arith.divf %broadcast_in_dim3A_28, %div3A_30 : vector<2000x1xf32>
    %sub3A_32 = vector.broadcast %div3A_24 : vector<2000x1xf32> to vector<2000x64xf32>
    %sub3A_33 = arith.subf %add3A_21, %sub3A_32 : vector<2000x64xf32>
    %add3A_34 = arith.constant 9.99999974E-6 : f32
    %add3A_35 = vector.broadcast %add3A_34 : f32 to vector<2000x1xf32>
    %add3A_36 = arith.addf %div3A_31, %add3A_35 : vector<2000x1xf32>
    %rsqrt3A = math.rsqrt %add3A_36 : vector<2000x1xf32>
    %mul3A = vector.broadcast %rsqrt3A : vector<2000x1xf32> to vector<2000x64xf32>
    %mul3A_37 = arith.mulf %sub3A_33, %mul3A : vector<2000x64xf32>
    %get3A_38 = arith.constant 0 : index
    %get3A_39 = arith.constant 0 : index
    %get3A_40 = vector.load %arg6[%get3A_38, %get3A_39] : memref<1x64xf32, #tpu.memory_space<vmem>>, vector<1x64xf32>
    %mul3A_41 = vector.broadcast %get3A_40 : vector<1x64xf32> to vector<2000x64xf32>
    %mul3A_42 = arith.mulf %mul3A_37, %mul3A_41 : vector<2000x64xf32>
    %get3A_43 = arith.constant 0 : index
    %get3A_44 = arith.constant 0 : index
    %get3A_45 = vector.load %arg7[%get3A_43, %get3A_44] : memref<1x64xf32, #tpu.memory_space<vmem>>, vector<1x64xf32>
    %add3A_46 = vector.broadcast %get3A_45 : vector<1x64xf32> to vector<2000x64xf32>
    %add3A_47 = arith.addf %mul3A_42, %add3A_46 : vector<2000x64xf32>
    %swap3A = arith.constant 0 : index
    %swap3A_48 = arith.constant 0 : index
    %swap3A_49 = vector.load %arg8[%swap3A, %swap3A_48] : memref<2000x64xf32, #tpu.memory_space<vmem>>, vector<2000x64xf32>
    tpu.vector_store %arg8[%swap3A, %swap3A_48], %add3A_47 {strides = array<i32>} : memref<2000x64xf32, #tpu.memory_space<vmem>>, vector<2000x64xf32>,
    return
  }
  func.func @transform_0(%arg0: i32) -> (i32, i32) {
    %c0_i32 = arith.constant 0 : i32
    %c0_i32_0 = arith.constant 0 : i32
    return %arg0, %c0_i32 : i32, i32
  }
  func.func @transform_1(%arg0: i32) -> (i32, i32) {
    %c0_i32 = arith.constant 0 : i32
    %c0_i32_0 = arith.constant 0 : i32
    %c0_i32_1 = arith.constant 0 : i32
    return %c0_i32, %c0_i32_0 : i32, i32
  }
  func.func @transform_2(%arg0: i32) -> (i32, i32) {
    %c0_i32 = arith.constant 0 : i32
    %c0_i32_0 = arith.constant 0 : i32
    %c0_i32_1 = arith.constant 0 : i32
    return %c0_i32, %c0_i32_0 : i32, i32
  }
  func.func @transform_3(%arg0: i32) -> (i32, i32) {
    %c0_i32 = arith.constant 0 : i32
    %c0_i32_0 = arith.constant 0 : i32
    %c0_i32_1 = arith.constant 0 : i32
    return %c0_i32, %c0_i32_0 : i32, i32
  }
  func.func @transform_4(%arg0: i32) -> (i32, i32) {
    %c0_i32 = arith.constant 0 : i32
    %c0_i32_0 = arith.constant 0 : i32
    %c0_i32_1 = arith.constant 0 : i32
    return %c0_i32, %c0_i32_0 : i32, i32
  }
  func.func @transform_5(%arg0: i32) -> (i32, i32) {
    %c0_i32 = arith.constant 0 : i32
    %c0_i32_0 = arith.constant 0 : i32
    %c0_i32_1 = arith.constant 0 : i32
    return %c0_i32, %c0_i32_0 : i32, i32
  }
  func.func @transform_6(%arg0: i32) -> (i32, i32) {
    %c0_i32 = arith.constant 0 : i32
    %c0_i32_0 = arith.constant 0 : i32
    %c0_i32_1 = arith.constant 0 : i32
    return %c0_i32, %c0_i32_0 : i32, i32
  }
  func.func @transform_7(%arg0: i32) -> (i32, i32) {
    %c0_i32 = arith.constant 0 : i32
    %c0_i32_0 = arith.constant 0 : i32
    return %arg0, %c0_i32 : i32, i32
  }
}

module attributes {stable_mosaic.version = 14 : i64} {
  func.func @body(%arg0: i32, %arg1: memref<2048x16xf32, #tpu.memory_space<vmem>>, %arg2: memref<16x64xf32, #tpu.memory_space<vmem>>, %arg3: memref<1x64xf32, #tpu.memory_space<vmem>>, %arg4: memref<64x64xf32, #tpu.memory_space<vmem>>, %arg5: memref<1x64xf32, #tpu.memory_space<vmem>>, %arg6: memref<1x64xf32, #tpu.memory_space<vmem>>, %arg7: memref<1x64xf32, #tpu.memory_space<vmem>>, %arg8: memref<2048x64xf32, #tpu.memory_space<vmem>>) attributes {dimension_semantics = [#tpu.dimension_semantics<arbitrary>], iteration_bounds = array<i64: 400>, scalar_prefetch = 0 : i64, scratch_operands = 0 : i64, tpu.core_type = #tpu.core_type<tc>, window_params = [{transform_indices = @transform_0, window_bounds = array<i64: 2048, 16>}, {pipeline_mode = #tpu.pipeline_mode<synchronous>, transform_indices = @transform_1, window_bounds = array<i64: 16, 64>}, {pipeline_mode = #tpu.pipeline_mode<synchronous>, transform_indices = @transform_2, window_bounds = array<i64: 1, 64>}, {pipeline_mode = #tpu.pipeline_mode<synchronous>, transform_indices = @transform_3, window_bounds = array<i64: 64, 64>}, {pipeline_mode = #tpu.pipeline_mode<synchronous>, transform_indices = @transform_4, window_bounds = array<i64: 1, 64>}, {pipeline_mode = #tpu.pipeline_mode<synchronous>, transform_indices = @transform_5, window_bounds = array<i64: 1, 64>}, {pipeline_mode = #tpu.pipeline_mode<synchronous>, transform_indices = @transform_6, window_bounds = array<i64: 1, 64>}, {transform_indices = @transform_7, window_bounds = array<i64: 2048, 64>}]} {
    %get3A = arith.constant 0 : index
    %get3A_0 = arith.constant 0 : index
    %get3A_1 = vector.load %arg1[%get3A, %get3A_0] : memref<2048x16xf32, #tpu.memory_space<vmem>>, vector<2048x16xf32>
    %get3A_2 = arith.constant 0 : index
    %get3A_3 = arith.constant 0 : index
    %get3A_4 = vector.load %arg2[%get3A_2, %get3A_3] : memref<16x64xf32, #tpu.memory_space<vmem>>, vector<16x64xf32>
    %dot_general3A = arith.constant dense<0.000000e+00> : vector<2048x64xf32>
    %dot_general3A_5 = tpu.matmul %get3A_1, %get3A_4, %dot_general3A {dimension_numbers = #tpu.dot_dimension_numbers<[1], [0], [0], [1], [0, 0, 1, 1], [], []>, transpose_lhs_hint = false} : vector<2048x16xf32>, vector<16x64xf32>, vector<2048x64xf32> -> vector<2048x64xf32>
    %get3A_6 = arith.constant 0 : index
    %get3A_7 = arith.constant 0 : index
    %get3A_8 = vector.load %arg3[%get3A_6, %get3A_7] : memref<1x64xf32, #tpu.memory_space<vmem>>, vector<1x64xf32>
    %add3A = vector.broadcast %get3A_8 : vector<1x64xf32> to vector<2048x64xf32>
    %add3A_9 = arith.addf %dot_general3A_5, %add3A : vector<2048x64xf32>
    %max3A = arith.constant 0.000000e+00 : f32
    %max3A_10 = vector.broadcast %max3A : f32 to vector<2048x64xf32>
    %max3A_11 = arith.maximumf %add3A_9, %max3A_10 : vector<2048x64xf32>
    %get3A_12 = arith.constant 0 : index
    %get3A_13 = arith.constant 0 : index
    %get3A_14 = vector.load %arg4[%get3A_12, %get3A_13] : memref<64x64xf32, #tpu.memory_space<vmem>>, vector<64x64xf32>
    %dot_general3A_15 = arith.constant dense<0.000000e+00> : vector<2048x64xf32>
    %dot_general3A_16 = tpu.matmul %max3A_11, %get3A_14, %dot_general3A_15 {dimension_numbers = #tpu.dot_dimension_numbers<[1], [0], [0], [1], [0, 0, 1, 1], [], []>, transpose_lhs_hint = false} : vector<2048x64xf32>, vector<64x64xf32>, vector<2048x64xf32> -> vector<2048x64xf32>
    %get3A_17 = arith.constant 0 : index
    %get3A_18 = arith.constant 0 : index
    %get3A_19 = vector.load %arg5[%get3A_17, %get3A_18] : memref<1x64xf32, #tpu.memory_space<vmem>>, vector<1x64xf32>
    %add3A_20 = vector.broadcast %get3A_19 : vector<1x64xf32> to vector<2048x64xf32>
    %add3A_21 = arith.addf %dot_general3A_16, %add3A_20 : vector<2048x64xf32>
    %reduce_sum3A = arith.constant dense<0.000000e+00> : vector<2048xf32>
    %reduce_sum3A_22 = vector.multi_reduction <add>, %add3A_21, %reduce_sum3A [1] : vector<2048x64xf32> to vector<2048xf32>
    %broadcast_in_dim3A = vector.shape_cast %reduce_sum3A_22 : vector<2048xf32> to vector<2048x1xf32>
    %div3A = arith.constant 6.400000e+01 : f32
    %div3A_23 = vector.broadcast %div3A : f32 to vector<2048x1xf32>
    %div3A_24 = arith.divf %broadcast_in_dim3A, %div3A_23 : vector<2048x1xf32>
    %sub3A = vector.broadcast %div3A_24 : vector<2048x1xf32> to vector<2048x64xf32>
    %sub3A_25 = arith.subf %add3A_21, %sub3A : vector<2048x64xf32>
    %integer_pow3A = arith.mulf %sub3A_25, %sub3A_25 : vector<2048x64xf32>
    %reduce_sum3A_26 = arith.constant dense<0.000000e+00> : vector<2048xf32>
    %reduce_sum3A_27 = vector.multi_reduction <add>, %integer_pow3A, %reduce_sum3A_26 [1] : vector<2048x64xf32> to vector<2048xf32>
    %broadcast_in_dim3A_28 = vector.shape_cast %reduce_sum3A_27 : vector<2048xf32> to vector<2048x1xf32>
    %div3A_29 = arith.constant 6.400000e+01 : f32
    %div3A_30 = vector.broadcast %div3A_29 : f32 to vector<2048x1xf32>
    %div3A_31 = arith.divf %broadcast_in_dim3A_28, %div3A_30 : vector<2048x1xf32>
    %sub3A_32 = vector.broadcast %div3A_24 : vector<2048x1xf32> to vector<2048x64xf32>
    %sub3A_33 = arith.subf %add3A_21, %sub3A_32 : vector<2048x64xf32>
    %add3A_34 = arith.constant 9.99999974E-6 : f32
    %add3A_35 = vector.broadcast %add3A_34 : f32 to vector<2048x1xf32>
    %add3A_36 = arith.addf %div3A_31, %add3A_35 : vector<2048x1xf32>
    %rsqrt3A = math.rsqrt %add3A_36 : vector<2048x1xf32>
    %mul3A = vector.broadcast %rsqrt3A : vector<2048x1xf32> to vector<2048x64xf32>
    %mul3A_37 = arith.mulf %sub3A_33, %mul3A : vector<2048x64xf32>
    %get3A_38 = arith.constant 0 : index
    %get3A_39 = arith.constant 0 : index
    %get3A_40 = vector.load %arg6[%get3A_38, %get3A_39] : memref<1x64xf32, #tpu.memory_space<vmem>>, vector<1x64xf32>
    %mul3A_41 = vector.broadcast %get3A_40 : vector<1x64xf32> to vector<2048x64xf32>
    %mul3A_42 = arith.mulf %mul3A_37, %mul3A_41 : vector<2048x64xf32>
    %get3A_43 = arith.constant 0 : index
    %get3A_44 = arith.constant 0 : index
    %get3A_45 = vector.load %arg7[%get3A_43, %get3A_44] : memref<1x64xf32, #tpu.memory_space<vmem>>, vector<1x64xf32>
    %add3A_46 = vector.broadcast %get3A_45 : vector<1x64xf32> to vector<2048x64xf32>
    %add3A_47 = arith.addf %mul3A_42, %add3A_46 : vector<2048x64xf32>
    %swap3A = arith.constant 0 : index
    %swap3A_48 = arith.constant 0 : index
    %swap3A_49 = vector.load %arg8[%swap3A, %swap3A_48] : memref<2048x64xf32, #tpu.memory_space<vmem>>, vector<2048x64xf32>
    tpu.vector_store %arg8[%swap3A, %swap3A_48], %add3A_47 {strides = array<i32>} : memref<2048x64xf32, #tpu.memory_space<vmem>>, vector<2048x64xf32>,
    return
  }
  func.func @transform_0(%arg0: i32) -> (i32, i32) {
    %c0_i32 = arith.constant 0 : i32
    %c0_i32_0 = arith.constant 0 : i32
    return %arg0, %c0_i32 : i32, i32
  }
  func.func @transform_1(%arg0: i32) -> (i32, i32) {
    %c0_i32 = arith.constant 0 : i32
    %c0_i32_0 = arith.constant 0 : i32
    %c0_i32_1 = arith.constant 0 : i32
    return %c0_i32, %c0_i32_0 : i32, i32
  }
  func.func @transform_2(%arg0: i32) -> (i32, i32) {
    %c0_i32 = arith.constant 0 : i32
    %c0_i32_0 = arith.constant 0 : i32
    %c0_i32_1 = arith.constant 0 : i32
    return %c0_i32, %c0_i32_0 : i32, i32
  }
  func.func @transform_3(%arg0: i32) -> (i32, i32) {
    %c0_i32 = arith.constant 0 : i32
    %c0_i32_0 = arith.constant 0 : i32
    %c0_i32_1 = arith.constant 0 : i32
    return %c0_i32, %c0_i32_0 : i32, i32
  }
  func.func @transform_4(%arg0: i32) -> (i32, i32) {
    %c0_i32 = arith.constant 0 : i32
    %c0_i32_0 = arith.constant 0 : i32
    %c0_i32_1 = arith.constant 0 : i32
    return %c0_i32, %c0_i32_0 : i32, i32
  }
  func.func @transform_5(%arg0: i32) -> (i32, i32) {
    %c0_i32 = arith.constant 0 : i32
    %c0_i32_0 = arith.constant 0 : i32
    %c0_i32_1 = arith.constant 0 : i32
    return %c0_i32, %c0_i32_0 : i32, i32
  }
  func.func @transform_6(%arg0: i32) -> (i32, i32) {
    %c0_i32 = arith.constant 0 : i32
    %c0_i32_0 = arith.constant 0 : i32
    %c0_i32_1 = arith.constant 0 : i32
    return %c0_i32, %c0_i32_0 : i32, i32
  }
  func.func @transform_7(%arg0: i32) -> (i32, i32) {
    %c0_i32 = arith.constant 0 : i32
    %c0_i32_0 = arith.constant 0 : i32
    return %arg0, %c0_i32 : i32, i32
  }
}

module attributes {stable_mosaic.version = 14 : i64} {
  func.func @body(%arg0: i32, %arg1: memref<2000x64xf32, #tpu.memory_space<vmem>>, %arg2: memref<2000x64xf32, #tpu.memory_space<vmem>>, %arg3: memref<1x64xf32, #tpu.memory_space<vmem>>, %arg4: memref<64x64xf32, #tpu.memory_space<vmem>>, %arg5: memref<1x64xf32, #tpu.memory_space<vmem>>, %arg6: memref<64x64xf32, #tpu.memory_space<vmem>>, %arg7: memref<1x64xf32, #tpu.memory_space<vmem>>, %arg8: memref<1x64xf32, #tpu.memory_space<vmem>>, %arg9: memref<1x64xf32, #tpu.memory_space<vmem>>, %arg10: memref<2000x64xf32, #tpu.memory_space<vmem>>) attributes {dimension_semantics = [#tpu.dimension_semantics<arbitrary>], iteration_bounds = array<i64: 25>, scalar_prefetch = 0 : i64, scratch_operands = 0 : i64, tpu.core_type = #tpu.core_type<tc>, window_params = [{transform_indices = @transform_0, window_bounds = array<i64: 2000, 64>}, {transform_indices = @transform_1, window_bounds = array<i64: 2000, 64>}, {pipeline_mode = #tpu.pipeline_mode<synchronous>, transform_indices = @transform_2, window_bounds = array<i64: 1, 64>}, {pipeline_mode = #tpu.pipeline_mode<synchronous>, transform_indices = @transform_3, window_bounds = array<i64: 64, 64>}, {pipeline_mode = #tpu.pipeline_mode<synchronous>, transform_indices = @transform_4, window_bounds = array<i64: 1, 64>}, {pipeline_mode = #tpu.pipeline_mode<synchronous>, transform_indices = @transform_5, window_bounds = array<i64: 64, 64>}, {pipeline_mode = #tpu.pipeline_mode<synchronous>, transform_indices = @transform_6, window_bounds = array<i64: 1, 64>}, {pipeline_mode = #tpu.pipeline_mode<synchronous>, transform_indices = @transform_7, window_bounds = array<i64: 1, 64>}, {pipeline_mode = #tpu.pipeline_mode<synchronous>, transform_indices = @transform_8, window_bounds = array<i64: 1, 64>}, {transform_indices = @transform_9, window_bounds = array<i64: 2000, 64>}]} {
    %get3A = arith.constant 0 : index
    %get3A_0 = arith.constant 0 : index
    %get3A_1 = vector.load %arg1[%get3A, %get3A_0] : memref<2000x64xf32, #tpu.memory_space<vmem>>, vector<2000x64xf32>
    %get3A_2 = arith.constant 0 : index
    %get3A_3 = arith.constant 0 : index
    %get3A_4 = vector.load %arg3[%get3A_2, %get3A_3] : memref<1x64xf32, #tpu.memory_space<vmem>>, vector<1x64xf32>
    %mul3A = vector.broadcast %get3A_4 : vector<1x64xf32> to vector<2000x64xf32>
    %mul3A_5 = arith.mulf %get3A_1, %mul3A : vector<2000x64xf32>
    %get3A_6 = arith.constant 0 : index
    %get3A_7 = arith.constant 0 : index
    %get3A_8 = vector.load %arg2[%get3A_6, %get3A_7] : memref<2000x64xf32, #tpu.memory_space<vmem>>, vector<2000x64xf32>
    %add3A = arith.addf %mul3A_5, %get3A_8 : vector<2000x64xf32>
    %get3A_9 = arith.constant 0 : index
    %get3A_10 = arith.constant 0 : index
    %get3A_11 = vector.load %arg4[%get3A_9, %get3A_10] : memref<64x64xf32, #tpu.memory_space<vmem>>, vector<64x64xf32>
    %dot_general3A = arith.constant dense<0.000000e+00> : vector<2000x64xf32>
    %dot_general3A_12 = tpu.matmul %add3A, %get3A_11, %dot_general3A {dimension_numbers = #tpu.dot_dimension_numbers<[1], [0], [0], [1], [0, 0, 1, 1], [], []>, transpose_lhs_hint = false} : vector<2000x64xf32>, vector<64x64xf32>, vector<2000x64xf32> -> vector<2000x64xf32>
    %get3A_13 = arith.constant 0 : index
    %get3A_14 = arith.constant 0 : index
    %get3A_15 = vector.load %arg5[%get3A_13, %get3A_14] : memref<1x64xf32, #tpu.memory_space<vmem>>, vector<1x64xf32>
    %add3A_16 = vector.broadcast %get3A_15 : vector<1x64xf32> to vector<2000x64xf32>
    %add3A_17 = arith.addf %dot_general3A_12, %add3A_16 : vector<2000x64xf32>
    %max3A = arith.constant 0.000000e+00 : f32
    %max3A_18 = vector.broadcast %max3A : f32 to vector<2000x64xf32>
    %max3A_19 = arith.maximumf %add3A_17, %max3A_18 : vector<2000x64xf32>
    %get3A_20 = arith.constant 0 : index
    %get3A_21 = arith.constant 0 : index
    %get3A_22 = vector.load %arg6[%get3A_20, %get3A_21] : memref<64x64xf32, #tpu.memory_space<vmem>>, vector<64x64xf32>
    %dot_general3A_23 = arith.constant dense<0.000000e+00> : vector<2000x64xf32>
    %dot_general3A_24 = tpu.matmul %max3A_19, %get3A_22, %dot_general3A_23 {dimension_numbers = #tpu.dot_dimension_numbers<[1], [0], [0], [1], [0, 0, 1, 1], [], []>, transpose_lhs_hint = false} : vector<2000x64xf32>, vector<64x64xf32>, vector<2000x64xf32> -> vector<2000x64xf32>
    %get3A_25 = arith.constant 0 : index
    %get3A_26 = arith.constant 0 : index
    %get3A_27 = vector.load %arg7[%get3A_25, %get3A_26] : memref<1x64xf32, #tpu.memory_space<vmem>>, vector<1x64xf32>
    %add3A_28 = vector.broadcast %get3A_27 : vector<1x64xf32> to vector<2000x64xf32>
    %add3A_29 = arith.addf %dot_general3A_24, %add3A_28 : vector<2000x64xf32>
    %reduce_sum3A = arith.constant dense<0.000000e+00> : vector<2000xf32>
    %reduce_sum3A_30 = vector.multi_reduction <add>, %add3A_29, %reduce_sum3A [1] : vector<2000x64xf32> to vector<2000xf32>
    %broadcast_in_dim3A = vector.shape_cast %reduce_sum3A_30 : vector<2000xf32> to vector<2000x1xf32>
    %div3A = arith.constant 6.400000e+01 : f32
    %div3A_31 = vector.broadcast %div3A : f32 to vector<2000x1xf32>
    %div3A_32 = arith.divf %broadcast_in_dim3A, %div3A_31 : vector<2000x1xf32>
    %sub3A = vector.broadcast %div3A_32 : vector<2000x1xf32> to vector<2000x64xf32>
    %sub3A_33 = arith.subf %add3A_29, %sub3A : vector<2000x64xf32>
    %integer_pow3A = arith.mulf %sub3A_33, %sub3A_33 : vector<2000x64xf32>
    %reduce_sum3A_34 = arith.constant dense<0.000000e+00> : vector<2000xf32>
    %reduce_sum3A_35 = vector.multi_reduction <add>, %integer_pow3A, %reduce_sum3A_34 [1] : vector<2000x64xf32> to vector<2000xf32>
    %broadcast_in_dim3A_36 = vector.shape_cast %reduce_sum3A_35 : vector<2000xf32> to vector<2000x1xf32>
    %div3A_37 = arith.constant 6.400000e+01 : f32
    %div3A_38 = vector.broadcast %div3A_37 : f32 to vector<2000x1xf32>
    %div3A_39 = arith.divf %broadcast_in_dim3A_36, %div3A_38 : vector<2000x1xf32>
    %sub3A_40 = vector.broadcast %div3A_32 : vector<2000x1xf32> to vector<2000x64xf32>
    %sub3A_41 = arith.subf %add3A_29, %sub3A_40 : vector<2000x64xf32>
    %add3A_42 = arith.constant 9.99999974E-6 : f32
    %add3A_43 = vector.broadcast %add3A_42 : f32 to vector<2000x1xf32>
    %add3A_44 = arith.addf %div3A_39, %add3A_43 : vector<2000x1xf32>
    %rsqrt3A = math.rsqrt %add3A_44 : vector<2000x1xf32>
    %mul3A_45 = vector.broadcast %rsqrt3A : vector<2000x1xf32> to vector<2000x64xf32>
    %mul3A_46 = arith.mulf %sub3A_41, %mul3A_45 : vector<2000x64xf32>
    %get3A_47 = arith.constant 0 : index
    %get3A_48 = arith.constant 0 : index
    %get3A_49 = vector.load %arg8[%get3A_47, %get3A_48] : memref<1x64xf32, #tpu.memory_space<vmem>>, vector<1x64xf32>
    %mul3A_50 = vector.broadcast %get3A_49 : vector<1x64xf32> to vector<2000x64xf32>
    %mul3A_51 = arith.mulf %mul3A_46, %mul3A_50 : vector<2000x64xf32>
    %get3A_52 = arith.constant 0 : index
    %get3A_53 = arith.constant 0 : index
    %get3A_54 = vector.load %arg9[%get3A_52, %get3A_53] : memref<1x64xf32, #tpu.memory_space<vmem>>, vector<1x64xf32>
    %add3A_55 = vector.broadcast %get3A_54 : vector<1x64xf32> to vector<2000x64xf32>
    %add3A_56 = arith.addf %mul3A_51, %add3A_55 : vector<2000x64xf32>
    %max3A_57 = arith.constant 0.000000e+00 : f32
    %max3A_58 = vector.broadcast %max3A_57 : f32 to vector<2000x64xf32>
    %max3A_59 = arith.maximumf %add3A_56, %max3A_58 : vector<2000x64xf32>
    %swap3A = arith.constant 0 : index
    %swap3A_60 = arith.constant 0 : index
    %swap3A_61 = vector.load %arg10[%swap3A, %swap3A_60] : memref<2000x64xf32, #tpu.memory_space<vmem>>, vector<2000x64xf32>
    tpu.vector_store %arg10[%swap3A, %swap3A_60], %max3A_59 {strides = array<i32>} : memref<2000x64xf32, #tpu.memory_space<vmem>>, vector<2000x64xf32>,
    return
  }
  func.func @transform_0(%arg0: i32) -> (i32, i32) {
    %c0_i32 = arith.constant 0 : i32
    %c0_i32_0 = arith.constant 0 : i32
    return %arg0, %c0_i32 : i32, i32
  }
  func.func @transform_1(%arg0: i32) -> (i32, i32) {
    %c0_i32 = arith.constant 0 : i32
    %c0_i32_0 = arith.constant 0 : i32
    return %arg0, %c0_i32 : i32, i32
  }
  func.func @transform_2(%arg0: i32) -> (i32, i32) {
    %c0_i32 = arith.constant 0 : i32
    %c0_i32_0 = arith.constant 0 : i32
    %c0_i32_1 = arith.constant 0 : i32
    return %c0_i32, %c0_i32_0 : i32, i32
  }
  func.func @transform_3(%arg0: i32) -> (i32, i32) {
    %c0_i32 = arith.constant 0 : i32
    %c0_i32_0 = arith.constant 0 : i32
    %c0_i32_1 = arith.constant 0 : i32
    return %c0_i32, %c0_i32_0 : i32, i32
  }
  func.func @transform_4(%arg0: i32) -> (i32, i32) {
    %c0_i32 = arith.constant 0 : i32
    %c0_i32_0 = arith.constant 0 : i32
    %c0_i32_1 = arith.constant 0 : i32
    return %c0_i32, %c0_i32_0 : i32, i32
  }
  func.func @transform_5(%arg0: i32) -> (i32, i32) {
    %c0_i32 = arith.constant 0 : i32
    %c0_i32_0 = arith.constant 0 : i32
    %c0_i32_1 = arith.constant 0 : i32
    return %c0_i32, %c0_i32_0 : i32, i32
  }
  func.func @transform_6(%arg0: i32) -> (i32, i32) {
    %c0_i32 = arith.constant 0 : i32
    %c0_i32_0 = arith.constant 0 : i32
    %c0_i32_1 = arith.constant 0 : i32
    return %c0_i32, %c0_i32_0 : i32, i32
  }
  func.func @transform_7(%arg0: i32) -> (i32, i32) {
    %c0_i32 = arith.constant 0 : i32
    %c0_i32_0 = arith.constant 0 : i32
    %c0_i32_1 = arith.constant 0 : i32
    return %c0_i32, %c0_i32_0 : i32, i32
  }
  func.func @transform_8(%arg0: i32) -> (i32, i32) {
    %c0_i32 = arith.constant 0 : i32
    %c0_i32_0 = arith.constant 0 : i32
    %c0_i32_1 = arith.constant 0 : i32
    return %c0_i32, %c0_i32_0 : i32, i32
  }
  func.func @transform_9(%arg0: i32) -> (i32, i32) {
    %c0_i32 = arith.constant 0 : i32
    %c0_i32_0 = arith.constant 0 : i32
    return %arg0, %c0_i32 : i32, i32
  }
}

module attributes {stable_mosaic.version = 14 : i64} {
  func.func @body(%arg0: i32, %arg1: memref<2000x64xf32, #tpu.memory_space<vmem>>, %arg2: memref<2000x64xf32, #tpu.memory_space<vmem>>, %arg3: memref<1x64xf32, #tpu.memory_space<vmem>>, %arg4: memref<64x64xf32, #tpu.memory_space<vmem>>, %arg5: memref<1x64xf32, #tpu.memory_space<vmem>>, %arg6: memref<64x64xf32, #tpu.memory_space<vmem>>, %arg7: memref<1x64xf32, #tpu.memory_space<vmem>>, %arg8: memref<1x64xf32, #tpu.memory_space<vmem>>, %arg9: memref<1x64xf32, #tpu.memory_space<vmem>>, %arg10: memref<2000x64xf32, #tpu.memory_space<vmem>>) attributes {dimension_semantics = [#tpu.dimension_semantics<arbitrary>], iteration_bounds = array<i64: 25>, scalar_prefetch = 0 : i64, scratch_operands = 0 : i64, tpu.core_type = #tpu.core_type<tc>, window_params = [{transform_indices = @transform_0, window_bounds = array<i64: 2000, 64>}, {transform_indices = @transform_1, window_bounds = array<i64: 2000, 64>}, {pipeline_mode = #tpu.pipeline_mode<synchronous>, transform_indices = @transform_2, window_bounds = array<i64: 1, 64>}, {pipeline_mode = #tpu.pipeline_mode<synchronous>, transform_indices = @transform_3, window_bounds = array<i64: 64, 64>}, {pipeline_mode = #tpu.pipeline_mode<synchronous>, transform_indices = @transform_4, window_bounds = array<i64: 1, 64>}, {pipeline_mode = #tpu.pipeline_mode<synchronous>, transform_indices = @transform_5, window_bounds = array<i64: 64, 64>}, {pipeline_mode = #tpu.pipeline_mode<synchronous>, transform_indices = @transform_6, window_bounds = array<i64: 1, 64>}, {pipeline_mode = #tpu.pipeline_mode<synchronous>, transform_indices = @transform_7, window_bounds = array<i64: 1, 64>}, {pipeline_mode = #tpu.pipeline_mode<synchronous>, transform_indices = @transform_8, window_bounds = array<i64: 1, 64>}, {transform_indices = @transform_9, window_bounds = array<i64: 2000, 64>}]} {
    %get3A = arith.constant 0 : index
    %get3A_0 = arith.constant 0 : index
    %get3A_1 = vector.load %arg1[%get3A, %get3A_0] : memref<2000x64xf32, #tpu.memory_space<vmem>>, vector<2000x64xf32>
    %get3A_2 = arith.constant 0 : index
    %get3A_3 = arith.constant 0 : index
    %get3A_4 = vector.load %arg3[%get3A_2, %get3A_3] : memref<1x64xf32, #tpu.memory_space<vmem>>, vector<1x64xf32>
    %mul3A = vector.broadcast %get3A_4 : vector<1x64xf32> to vector<2000x64xf32>
    %mul3A_5 = arith.mulf %get3A_1, %mul3A : vector<2000x64xf32>
    %get3A_6 = arith.constant 0 : index
    %get3A_7 = arith.constant 0 : index
    %get3A_8 = vector.load %arg2[%get3A_6, %get3A_7] : memref<2000x64xf32, #tpu.memory_space<vmem>>, vector<2000x64xf32>
    %add3A = arith.addf %mul3A_5, %get3A_8 : vector<2000x64xf32>
    %get3A_9 = arith.constant 0 : index
    %get3A_10 = arith.constant 0 : index
    %get3A_11 = vector.load %arg4[%get3A_9, %get3A_10] : memref<64x64xf32, #tpu.memory_space<vmem>>, vector<64x64xf32>
    %dot_general3A = arith.constant dense<0.000000e+00> : vector<2000x64xf32>
    %dot_general3A_12 = tpu.matmul %add3A, %get3A_11, %dot_general3A {dimension_numbers = #tpu.dot_dimension_numbers<[1], [0], [0], [1], [0, 0, 1, 1], [], []>, transpose_lhs_hint = false} : vector<2000x64xf32>, vector<64x64xf32>, vector<2000x64xf32> -> vector<2000x64xf32>
    %get3A_13 = arith.constant 0 : index
    %get3A_14 = arith.constant 0 : index
    %get3A_15 = vector.load %arg5[%get3A_13, %get3A_14] : memref<1x64xf32, #tpu.memory_space<vmem>>, vector<1x64xf32>
    %add3A_16 = vector.broadcast %get3A_15 : vector<1x64xf32> to vector<2000x64xf32>
    %add3A_17 = arith.addf %dot_general3A_12, %add3A_16 : vector<2000x64xf32>
    %max3A = arith.constant 0.000000e+00 : f32
    %max3A_18 = vector.broadcast %max3A : f32 to vector<2000x64xf32>
    %max3A_19 = arith.maximumf %add3A_17, %max3A_18 : vector<2000x64xf32>
    %get3A_20 = arith.constant 0 : index
    %get3A_21 = arith.constant 0 : index
    %get3A_22 = vector.load %arg6[%get3A_20, %get3A_21] : memref<64x64xf32, #tpu.memory_space<vmem>>, vector<64x64xf32>
    %dot_general3A_23 = arith.constant dense<0.000000e+00> : vector<2000x64xf32>
    %dot_general3A_24 = tpu.matmul %max3A_19, %get3A_22, %dot_general3A_23 {dimension_numbers = #tpu.dot_dimension_numbers<[1], [0], [0], [1], [0, 0, 1, 1], [], []>, transpose_lhs_hint = false} : vector<2000x64xf32>, vector<64x64xf32>, vector<2000x64xf32> -> vector<2000x64xf32>
    %get3A_25 = arith.constant 0 : index
    %get3A_26 = arith.constant 0 : index
    %get3A_27 = vector.load %arg7[%get3A_25, %get3A_26] : memref<1x64xf32, #tpu.memory_space<vmem>>, vector<1x64xf32>
    %add3A_28 = vector.broadcast %get3A_27 : vector<1x64xf32> to vector<2000x64xf32>
    %add3A_29 = arith.addf %dot_general3A_24, %add3A_28 : vector<2000x64xf32>
    %reduce_sum3A = arith.constant dense<0.000000e+00> : vector<2000xf32>
    %reduce_sum3A_30 = vector.multi_reduction <add>, %add3A_29, %reduce_sum3A [1] : vector<2000x64xf32> to vector<2000xf32>
    %broadcast_in_dim3A = vector.shape_cast %reduce_sum3A_30 : vector<2000xf32> to vector<2000x1xf32>
    %div3A = arith.constant 6.400000e+01 : f32
    %div3A_31 = vector.broadcast %div3A : f32 to vector<2000x1xf32>
    %div3A_32 = arith.divf %broadcast_in_dim3A, %div3A_31 : vector<2000x1xf32>
    %sub3A = vector.broadcast %div3A_32 : vector<2000x1xf32> to vector<2000x64xf32>
    %sub3A_33 = arith.subf %add3A_29, %sub3A : vector<2000x64xf32>
    %integer_pow3A = arith.mulf %sub3A_33, %sub3A_33 : vector<2000x64xf32>
    %reduce_sum3A_34 = arith.constant dense<0.000000e+00> : vector<2000xf32>
    %reduce_sum3A_35 = vector.multi_reduction <add>, %integer_pow3A, %reduce_sum3A_34 [1] : vector<2000x64xf32> to vector<2000xf32>
    %broadcast_in_dim3A_36 = vector.shape_cast %reduce_sum3A_35 : vector<2000xf32> to vector<2000x1xf32>
    %div3A_37 = arith.constant 6.400000e+01 : f32
    %div3A_38 = vector.broadcast %div3A_37 : f32 to vector<2000x1xf32>
    %div3A_39 = arith.divf %broadcast_in_dim3A_36, %div3A_38 : vector<2000x1xf32>
    %sub3A_40 = vector.broadcast %div3A_32 : vector<2000x1xf32> to vector<2000x64xf32>
    %sub3A_41 = arith.subf %add3A_29, %sub3A_40 : vector<2000x64xf32>
    %add3A_42 = arith.constant 9.99999974E-6 : f32
    %add3A_43 = vector.broadcast %add3A_42 : f32 to vector<2000x1xf32>
    %add3A_44 = arith.addf %div3A_39, %add3A_43 : vector<2000x1xf32>
    %rsqrt3A = math.rsqrt %add3A_44 : vector<2000x1xf32>
    %mul3A_45 = vector.broadcast %rsqrt3A : vector<2000x1xf32> to vector<2000x64xf32>
    %mul3A_46 = arith.mulf %sub3A_41, %mul3A_45 : vector<2000x64xf32>
    %get3A_47 = arith.constant 0 : index
    %get3A_48 = arith.constant 0 : index
    %get3A_49 = vector.load %arg8[%get3A_47, %get3A_48] : memref<1x64xf32, #tpu.memory_space<vmem>>, vector<1x64xf32>
    %mul3A_50 = vector.broadcast %get3A_49 : vector<1x64xf32> to vector<2000x64xf32>
    %mul3A_51 = arith.mulf %mul3A_46, %mul3A_50 : vector<2000x64xf32>
    %get3A_52 = arith.constant 0 : index
    %get3A_53 = arith.constant 0 : index
    %get3A_54 = vector.load %arg9[%get3A_52, %get3A_53] : memref<1x64xf32, #tpu.memory_space<vmem>>, vector<1x64xf32>
    %add3A_55 = vector.broadcast %get3A_54 : vector<1x64xf32> to vector<2000x64xf32>
    %add3A_56 = arith.addf %mul3A_51, %add3A_55 : vector<2000x64xf32>
    %swap3A = arith.constant 0 : index
    %swap3A_57 = arith.constant 0 : index
    %swap3A_58 = vector.load %arg10[%swap3A, %swap3A_57] : memref<2000x64xf32, #tpu.memory_space<vmem>>, vector<2000x64xf32>
    tpu.vector_store %arg10[%swap3A, %swap3A_57], %add3A_56 {strides = array<i32>} : memref<2000x64xf32, #tpu.memory_space<vmem>>, vector<2000x64xf32>,
    return
  }
  func.func @transform_0(%arg0: i32) -> (i32, i32) {
    %c0_i32 = arith.constant 0 : i32
    %c0_i32_0 = arith.constant 0 : i32
    return %arg0, %c0_i32 : i32, i32
  }
  func.func @transform_1(%arg0: i32) -> (i32, i32) {
    %c0_i32 = arith.constant 0 : i32
    %c0_i32_0 = arith.constant 0 : i32
    return %arg0, %c0_i32 : i32, i32
  }
  func.func @transform_2(%arg0: i32) -> (i32, i32) {
    %c0_i32 = arith.constant 0 : i32
    %c0_i32_0 = arith.constant 0 : i32
    %c0_i32_1 = arith.constant 0 : i32
    return %c0_i32, %c0_i32_0 : i32, i32
  }
  func.func @transform_3(%arg0: i32) -> (i32, i32) {
    %c0_i32 = arith.constant 0 : i32
    %c0_i32_0 = arith.constant 0 : i32
    %c0_i32_1 = arith.constant 0 : i32
    return %c0_i32, %c0_i32_0 : i32, i32
  }
  func.func @transform_4(%arg0: i32) -> (i32, i32) {
    %c0_i32 = arith.constant 0 : i32
    %c0_i32_0 = arith.constant 0 : i32
    %c0_i32_1 = arith.constant 0 : i32
    return %c0_i32, %c0_i32_0 : i32, i32
  }
  func.func @transform_5(%arg0: i32) -> (i32, i32) {
    %c0_i32 = arith.constant 0 : i32
    %c0_i32_0 = arith.constant 0 : i32
    %c0_i32_1 = arith.constant 0 : i32
    return %c0_i32, %c0_i32_0 : i32, i32
  }
  func.func @transform_6(%arg0: i32) -> (i32, i32) {
    %c0_i32 = arith.constant 0 : i32
    %c0_i32_0 = arith.constant 0 : i32
    %c0_i32_1 = arith.constant 0 : i32
    return %c0_i32, %c0_i32_0 : i32, i32
  }
  func.func @transform_7(%arg0: i32) -> (i32, i32) {
    %c0_i32 = arith.constant 0 : i32
    %c0_i32_0 = arith.constant 0 : i32
    %c0_i32_1 = arith.constant 0 : i32
    return %c0_i32, %c0_i32_0 : i32, i32
  }
  func.func @transform_8(%arg0: i32) -> (i32, i32) {
    %c0_i32 = arith.constant 0 : i32
    %c0_i32_0 = arith.constant 0 : i32
    %c0_i32_1 = arith.constant 0 : i32
    return %c0_i32, %c0_i32_0 : i32, i32
  }
  func.func @transform_9(%arg0: i32) -> (i32, i32) {
    %c0_i32 = arith.constant 0 : i32
    %c0_i32_0 = arith.constant 0 : i32
    return %arg0, %c0_i32 : i32, i32
  }
}

module attributes {stable_mosaic.version = 14 : i64} {
  func.func @body(%arg0: i32, %arg1: memref<2000x64xf32, #tpu.memory_space<vmem>>, %arg2: memref<64x64xf32, #tpu.memory_space<vmem>>, %arg3: memref<1x64xf32, #tpu.memory_space<vmem>>, %arg4: memref<1x64xf32, #tpu.memory_space<vmem>>, %arg5: memref<1x64xf32, #tpu.memory_space<vmem>>, %arg6: memref<64x128xf32, #tpu.memory_space<vmem>>, %arg7: memref<1x128xf32, #tpu.memory_space<vmem>>, %arg8: memref<1x128xf32, #tpu.memory_space<vmem>>, %arg9: memref<1x64xf32, #tpu.memory_space<vmem>>) attributes {dimension_semantics = [#tpu.dimension_semantics<arbitrary>], iteration_bounds = array<i64: 25>, scalar_prefetch = 0 : i64, scratch_operands = 1 : i64, tpu.core_type = #tpu.core_type<tc>, window_params = [{transform_indices = @transform_0, window_bounds = array<i64: 2000, 64>}, {pipeline_mode = #tpu.pipeline_mode<synchronous>, transform_indices = @transform_1, window_bounds = array<i64: 64, 64>}, {pipeline_mode = #tpu.pipeline_mode<synchronous>, transform_indices = @transform_2, window_bounds = array<i64: 1, 64>}, {pipeline_mode = #tpu.pipeline_mode<synchronous>, transform_indices = @transform_3, window_bounds = array<i64: 1, 64>}, {pipeline_mode = #tpu.pipeline_mode<synchronous>, transform_indices = @transform_4, window_bounds = array<i64: 1, 64>}, {pipeline_mode = #tpu.pipeline_mode<synchronous>, transform_indices = @transform_5, window_bounds = array<i64: 64, 128>}, {pipeline_mode = #tpu.pipeline_mode<synchronous>, transform_indices = @transform_6, window_bounds = array<i64: 1, 128>}, {pipeline_mode = #tpu.pipeline_mode<synchronous>, transform_indices = @transform_7, window_bounds = array<i64: 1, 128>}]} {
    %eq3A = arith.constant 0 : i32
    %eq3A_0 = arith.cmpi eq, %arg0, %eq3A : i32
    %convert_element_type3A = arith.extui %eq3A_0 : i1 to i32
    %cond3A = arith.constant 0 : i32
    %cond3A_1 = arith.cmpi ne, %convert_element_type3A, %cond3A : i32
    scf.if %cond3A_1 {
      %broadcast_in_dim3A_15 = arith.constant 0.000000e+00 : f32
      %broadcast_in_dim3A_16 = vector.broadcast %broadcast_in_dim3A_15 : f32 to vector<1x64xf32>
      %swap3A_17 = arith.constant 0 : index
      %swap3A_18 = arith.constant 0 : index
      %swap3A_19 = vector.load %arg9[%swap3A_17, %swap3A_18] : memref<1x64xf32, #tpu.memory_space<vmem>>, vector<1x64xf32>
      tpu.vector_store %arg9[%swap3A_17, %swap3A_18], %broadcast_in_dim3A_16 {strides = array<i32>} : memref<1x64xf32, #tpu.memory_space<vmem>>, vector<1x64xf32>,
    } else {
    }
    %get3A = arith.constant 0 : index
    %get3A_2 = arith.constant 0 : index
    %get3A_3 = vector.load %arg9[%get3A, %get3A_2] : memref<1x64xf32, #tpu.memory_space<vmem>>, vector<1x64xf32>
    %get3A_4 = arith.constant 0 : index
    %get3A_5 = arith.constant 0 : index
    %get3A_6 = vector.load %arg1[%get3A_4, %get3A_5] : memref<2000x64xf32, #tpu.memory_space<vmem>>, vector<2000x64xf32>
    %reduce_sum3A = arith.constant dense<0.000000e+00> : vector<64xf32>
    %reduce_sum3A_7 = vector.multi_reduction <add>, %get3A_6, %reduce_sum3A [0] : vector<2000x64xf32> to vector<64xf32>
    %broadcast_in_dim3A = vector.shape_cast %reduce_sum3A_7 : vector<64xf32> to vector<1x64xf32>
    %add3A = arith.addf %get3A_3, %broadcast_in_dim3A : vector<1x64xf32>
    %swap3A = arith.constant 0 : index
    %swap3A_8 = arith.constant 0 : index
    %swap3A_9 = vector.load %arg9[%swap3A, %swap3A_8] : memref<1x64xf32, #tpu.memory_space<vmem>>, vector<1x64xf32>
    tpu.vector_store %arg9[%swap3A, %swap3A_8], %add3A {strides = array<i32>} : memref<1x64xf32, #tpu.memory_space<vmem>>, vector<1x64xf32>,
    %eq3A_10 = arith.constant 24 : i32
    %eq3A_11 = arith.cmpi eq, %arg0, %eq3A_10 : i32
    %convert_element_type3A_12 = arith.extui %eq3A_11 : i1 to i32
    %cond3A_13 = arith.constant 0 : i32
    %cond3A_14 = arith.cmpi ne, %convert_element_type3A_12, %cond3A_13 : i32
    scf.if %cond3A_14 {
      %get3A_15 = arith.constant 0 : index
      %get3A_16 = arith.constant 0 : index
      %get3A_17 = vector.load %arg9[%get3A_15, %get3A_16] : memref<1x64xf32, #tpu.memory_space<vmem>>, vector<1x64xf32>
      %mul3A = arith.constant 2.000000e-05 : f32
      %mul3A_18 = vector.broadcast %mul3A : f32 to vector<1x64xf32>
      %mul3A_19 = arith.mulf %get3A_17, %mul3A_18 : vector<1x64xf32>
      %get3A_20 = arith.constant 0 : index
      %get3A_21 = arith.constant 0 : index
      %get3A_22 = vector.load %arg2[%get3A_20, %get3A_21] : memref<64x64xf32, #tpu.memory_space<vmem>>, vector<64x64xf32>
      %dot_general3A = arith.constant dense<0.000000e+00> : vector<1x64xf32>
      %dot_general3A_23 = tpu.matmul %mul3A_19, %get3A_22, %dot_general3A {dimension_numbers = #tpu.dot_dimension_numbers<[1], [0], [0], [1], [0, 0, 1, 1], [], []>, transpose_lhs_hint = false} : vector<1x64xf32>, vector<64x64xf32>, vector<1x64xf32> -> vector<1x64xf32>
      %get3A_24 = arith.constant 0 : index
      %get3A_25 = arith.constant 0 : index
      %get3A_26 = vector.load %arg3[%get3A_24, %get3A_25] : memref<1x64xf32, #tpu.memory_space<vmem>>, vector<1x64xf32>
      %add3A_27 = arith.addf %dot_general3A_23, %get3A_26 : vector<1x64xf32>
      %max3A = arith.constant 0.000000e+00 : f32
      %max3A_28 = vector.broadcast %max3A : f32 to vector<1x64xf32>
      %max3A_29 = arith.maximumf %add3A_27, %max3A_28 : vector<1x64xf32>
      %reduce_sum3A_30 = arith.constant dense<0.000000e+00> : vector<1xf32>
      %reduce_sum3A_31 = vector.multi_reduction <add>, %max3A_29, %reduce_sum3A_30 [1] : vector<1x64xf32> to vector<1xf32>
      %broadcast_in_dim3A_32 = vector.shape_cast %reduce_sum3A_31 : vector<1xf32> to vector<1x1xf32>
      %div3A = arith.constant 6.400000e+01 : f32
      %div3A_33 = vector.broadcast %div3A : f32 to vector<1x1xf32>
      %div3A_34 = arith.divf %broadcast_in_dim3A_32, %div3A_33 : vector<1x1xf32>
      %sub3A = vector.broadcast %div3A_34 : vector<1x1xf32> to vector<1x64xf32>
      %sub3A_35 = arith.subf %max3A_29, %sub3A : vector<1x64xf32>
      %integer_pow3A = arith.mulf %sub3A_35, %sub3A_35 : vector<1x64xf32>
      %reduce_sum3A_36 = arith.constant dense<0.000000e+00> : vector<1xf32>
      %reduce_sum3A_37 = vector.multi_reduction <add>, %integer_pow3A, %reduce_sum3A_36 [1] : vector<1x64xf32> to vector<1xf32>
      %broadcast_in_dim3A_38 = vector.shape_cast %reduce_sum3A_37 : vector<1xf32> to vector<1x1xf32>
      %div3A_39 = arith.constant 6.400000e+01 : f32
      %div3A_40 = vector.broadcast %div3A_39 : f32 to vector<1x1xf32>
      %div3A_41 = arith.divf %broadcast_in_dim3A_38, %div3A_40 : vector<1x1xf32>
      %sub3A_42 = vector.broadcast %div3A_34 : vector<1x1xf32> to vector<1x64xf32>
      %sub3A_43 = arith.subf %max3A_29, %sub3A_42 : vector<1x64xf32>
      %add3A_44 = arith.constant 9.99999974E-6 : f32
      %add3A_45 = vector.broadcast %add3A_44 : f32 to vector<1x1xf32>
      %add3A_46 = arith.addf %div3A_41, %add3A_45 : vector<1x1xf32>
      %rsqrt3A = math.rsqrt %add3A_46 : vector<1x1xf32>
      %mul3A_47 = vector.broadcast %rsqrt3A : vector<1x1xf32> to vector<1x64xf32>
      %mul3A_48 = arith.mulf %sub3A_43, %mul3A_47 : vector<1x64xf32>
      %get3A_49 = arith.constant 0 : index
      %get3A_50 = arith.constant 0 : index
      %get3A_51 = vector.load %arg4[%get3A_49, %get3A_50] : memref<1x64xf32, #tpu.memory_space<vmem>>, vector<1x64xf32>
      %mul3A_52 = arith.mulf %mul3A_48, %get3A_51 : vector<1x64xf32>
      %get3A_53 = arith.constant 0 : index
      %get3A_54 = arith.constant 0 : index
      %get3A_55 = vector.load %arg5[%get3A_53, %get3A_54] : memref<1x64xf32, #tpu.memory_space<vmem>>, vector<1x64xf32>
      %add3A_56 = arith.addf %mul3A_52, %get3A_55 : vector<1x64xf32>
      %get3A_57 = arith.constant 0 : index
      %get3A_58 = arith.constant 0 : index
      %get3A_59 = vector.load %arg6[%get3A_57, %get3A_58] : memref<64x128xf32, #tpu.memory_space<vmem>>, vector<64x128xf32>
      %dot_general3A_60 = arith.constant dense<0.000000e+00> : vector<1x128xf32>
      %dot_general3A_61 = tpu.matmul %add3A_56, %get3A_59, %dot_general3A_60 {dimension_numbers = #tpu.dot_dimension_numbers<[1], [0], [0], [1], [0, 0, 1, 1], [], []>, transpose_lhs_hint = false} : vector<1x64xf32>, vector<64x128xf32>, vector<1x128xf32> -> vector<1x128xf32>
      %get3A_62 = arith.constant 0 : index
      %get3A_63 = arith.constant 0 : index
      %get3A_64 = vector.load %arg7[%get3A_62, %get3A_63] : memref<1x128xf32, #tpu.memory_space<vmem>>, vector<1x128xf32>
      %add3A_65 = arith.addf %dot_general3A_61, %get3A_64 : vector<1x128xf32>
      %swap3A_66 = arith.constant 0 : index
      %swap3A_67 = arith.constant 0 : index
      %swap3A_68 = vector.load %arg8[%swap3A_66, %swap3A_67] : memref<1x128xf32, #tpu.memory_space<vmem>>, vector<1x128xf32>
      tpu.vector_store %arg8[%swap3A_66, %swap3A_67], %add3A_65 {strides = array<i32>} : memref<1x128xf32, #tpu.memory_space<vmem>>, vector<1x128xf32>,
    } else {
    }
    return
  }
  func.func @transform_0(%arg0: i32) -> (i32, i32) {
    %c0_i32 = arith.constant 0 : i32
    %c0_i32_0 = arith.constant 0 : i32
    return %arg0, %c0_i32 : i32, i32
  }
  func.func @transform_1(%arg0: i32) -> (i32, i32) {
    %c0_i32 = arith.constant 0 : i32
    %c0_i32_0 = arith.constant 0 : i32
    %c0_i32_1 = arith.constant 0 : i32
    return %c0_i32, %c0_i32_0 : i32, i32
  }
  func.func @transform_2(%arg0: i32) -> (i32, i32) {
    %c0_i32 = arith.constant 0 : i32
    %c0_i32_0 = arith.constant 0 : i32
    %c0_i32_1 = arith.constant 0 : i32
    return %c0_i32, %c0_i32_0 : i32, i32
  }
  func.func @transform_3(%arg0: i32) -> (i32, i32) {
    %c0_i32 = arith.constant 0 : i32
    %c0_i32_0 = arith.constant 0 : i32
    %c0_i32_1 = arith.constant 0 : i32
    return %c0_i32, %c0_i32_0 : i32, i32
  }
  func.func @transform_4(%arg0: i32) -> (i32, i32) {
    %c0_i32 = arith.constant 0 : i32
    %c0_i32_0 = arith.constant 0 : i32
    %c0_i32_1 = arith.constant 0 : i32
    return %c0_i32, %c0_i32_0 : i32, i32
  }
  func.func @transform_5(%arg0: i32) -> (i32, i32) {
    %c0_i32 = arith.constant 0 : i32
    %c0_i32_0 = arith.constant 0 : i32
    %c0_i32_1 = arith.constant 0 : i32
    return %c0_i32, %c0_i32_0 : i32, i32
  }
  func.func @transform_6(%arg0: i32) -> (i32, i32) {
    %c0_i32 = arith.constant 0 : i32
    %c0_i32_0 = arith.constant 0 : i32
    %c0_i32_1 = arith.constant 0 : i32
    return %c0_i32, %c0_i32_0 : i32, i32
  }
  func.func @transform_7(%arg0: i32) -> (i32, i32) {
    %c0_i32 = arith.constant 0 : i32
    %c0_i32_0 = arith.constant 0 : i32
    %c0_i32_1 = arith.constant 0 : i32
    return %c0_i32, %c0_i32_0 : i32, i32
  }
}

module attributes {stable_mosaic.version = 14 : i64} {
  func.func @body(%arg0: i32, %arg1: memref<2048x64xbf16, #tpu.memory_space<vmem>>, %arg2: memref<2048x64xbf16, #tpu.memory_space<vmem>>, %arg3: memref<2048x64xf32, #tpu.memory_space<vmem>>, %arg4: memref<1x128xf32, #tpu.memory_space<vmem>>, %arg5: memref<64x128xf32, #tpu.memory_space<vmem>>, %arg6: memref<64x128xf32, #tpu.memory_space<vmem>>, %arg7: memref<64x128xf32, #tpu.memory_space<vmem>>, %arg8: memref<128x64xf32, #tpu.memory_space<vmem>>, %arg9: memref<1x64xf32, #tpu.memory_space<vmem>>, %arg10: memref<1x64xf32, #tpu.memory_space<vmem>>, %arg11: memref<1x1xf32, #tpu.memory_space<vmem>>, %arg12: memref<2048x1xf32, #tpu.memory_space<vmem>>) attributes {dimension_semantics = [#tpu.dimension_semantics<arbitrary>], iteration_bounds = array<i64: 400>, scalar_prefetch = 0 : i64, scratch_operands = 0 : i64, tpu.core_type = #tpu.core_type<tc>, window_params = [{transform_indices = @transform_0, window_bounds = array<i64: 2048, 64>}, {transform_indices = @transform_1, window_bounds = array<i64: 2048, 64>}, {transform_indices = @transform_2, window_bounds = array<i64: 2048, 64>}, {pipeline_mode = #tpu.pipeline_mode<synchronous>, transform_indices = @transform_3, window_bounds = array<i64: 1, 128>}, {pipeline_mode = #tpu.pipeline_mode<synchronous>, transform_indices = @transform_4, window_bounds = array<i64: 64, 128>}, {pipeline_mode = #tpu.pipeline_mode<synchronous>, transform_indices = @transform_5, window_bounds = array<i64: 64, 128>}, {pipeline_mode = #tpu.pipeline_mode<synchronous>, transform_indices = @transform_6, window_bounds = array<i64: 64, 128>}, {pipeline_mode = #tpu.pipeline_mode<synchronous>, transform_indices = @transform_7, window_bounds = array<i64: 128, 64>}, {pipeline_mode = #tpu.pipeline_mode<synchronous>, transform_indices = @transform_8, window_bounds = array<i64: 1, 64>}, {pipeline_mode = #tpu.pipeline_mode<synchronous>, transform_indices = @transform_9, window_bounds = array<i64: 1, 64>}, {pipeline_mode = #tpu.pipeline_mode<synchronous>, transform_indices = @transform_10, window_bounds = array<i64: 1, 1>}, {transform_indices = @transform_11, window_bounds = array<i64: 2048, 1>}]} {
    %get3A = arith.constant 0 : index
    %get3A_0 = arith.constant 0 : index
    %get3A_1 = vector.load %arg1[%get3A, %get3A_0] : memref<2048x64xbf16, #tpu.memory_space<vmem>>, vector<2048x64xbf16>
    %convert_element_type3A = arith.extf %get3A_1 : vector<2048x64xbf16> to vector<2048x64xf32>
    %get3A_2 = arith.constant 0 : index
    %get3A_3 = arith.constant 0 : index
    %get3A_4 = vector.load %arg2[%get3A_2, %get3A_3] : memref<2048x64xbf16, #tpu.memory_space<vmem>>, vector<2048x64xbf16>
    %convert_element_type3A_5 = arith.extf %get3A_4 : vector<2048x64xbf16> to vector<2048x64xf32>
    %get3A_6 = arith.constant 0 : index
    %get3A_7 = arith.constant 0 : index
    %get3A_8 = vector.load %arg5[%get3A_6, %get3A_7] : memref<64x128xf32, #tpu.memory_space<vmem>>, vector<64x128xf32>
    %dot_general3A = arith.constant dense<0.000000e+00> : vector<2048x128xf32>
    %dot_general3A_9 = tpu.matmul %convert_element_type3A, %get3A_8, %dot_general3A {dimension_numbers = #tpu.dot_dimension_numbers<[1], [0], [0], [1], [0, 0, 1, 1], [], []>, transpose_lhs_hint = false} : vector<2048x64xf32>, vector<64x128xf32>, vector<2048x128xf32> -> vector<2048x128xf32>
    %get3A_10 = arith.constant 0 : index
    %get3A_11 = arith.constant 0 : index
    %get3A_12 = vector.load %arg6[%get3A_10, %get3A_11] : memref<64x128xf32, #tpu.memory_space<vmem>>, vector<64x128xf32>
    %dot_general3A_13 = arith.constant dense<0.000000e+00> : vector<2048x128xf32>
    %dot_general3A_14 = tpu.matmul %convert_element_type3A_5, %get3A_12, %dot_general3A_13 {dimension_numbers = #tpu.dot_dimension_numbers<[1], [0], [0], [1], [0, 0, 1, 1], [], []>, transpose_lhs_hint = false} : vector<2048x64xf32>, vector<64x128xf32>, vector<2048x128xf32> -> vector<2048x128xf32>
    %add3A = arith.addf %dot_general3A_9, %dot_general3A_14 : vector<2048x128xf32>
    %get3A_15 = arith.constant 0 : index
    %get3A_16 = arith.constant 0 : index
    %get3A_17 = vector.load %arg3[%get3A_15, %get3A_16] : memref<2048x64xf32, #tpu.memory_space<vmem>>, vector<2048x64xf32>
    %get3A_18 = arith.constant 0 : index
    %get3A_19 = arith.constant 0 : index
    %get3A_20 = vector.load %arg7[%get3A_18, %get3A_19] : memref<64x128xf32, #tpu.memory_space<vmem>>, vector<64x128xf32>
    %dot_general3A_21 = arith.constant dense<0.000000e+00> : vector<2048x128xf32>
    %dot_general3A_22 = tpu.matmul %get3A_17, %get3A_20, %dot_general3A_21 {dimension_numbers = #tpu.dot_dimension_numbers<[1], [0], [0], [1], [0, 0, 1, 1], [], []>, transpose_lhs_hint = false} : vector<2048x64xf32>, vector<64x128xf32>, vector<2048x128xf32> -> vector<2048x128xf32>
    %add3A_23 = arith.addf %add3A, %dot_general3A_22 : vector<2048x128xf32>
    %get3A_24 = arith.constant 0 : index
    %get3A_25 = arith.constant 0 : index
    %get3A_26 = vector.load %arg4[%get3A_24, %get3A_25] : memref<1x128xf32, #tpu.memory_space<vmem>>, vector<1x128xf32>
    %add3A_27 = vector.broadcast %get3A_26 : vector<1x128xf32> to vector<2048x128xf32>
    %add3A_28 = arith.addf %add3A_23, %add3A_27 : vector<2048x128xf32>
    %tanh3A = math.tanh %add3A_28 : vector<2048x128xf32>
    %get3A_29 = arith.constant 0 : index
    %get3A_30 = arith.constant 0 : index
    %get3A_31 = vector.load %arg8[%get3A_29, %get3A_30] : memref<128x64xf32, #tpu.memory_space<vmem>>, vector<128x64xf32>
    %dot_general3A_32 = arith.constant dense<0.000000e+00> : vector<2048x64xf32>
    %dot_general3A_33 = tpu.matmul %tanh3A, %get3A_31, %dot_general3A_32 {dimension_numbers = #tpu.dot_dimension_numbers<[1], [0], [0], [1], [0, 0, 1, 1], [], []>, transpose_lhs_hint = false} : vector<2048x128xf32>, vector<128x64xf32>, vector<2048x64xf32> -> vector<2048x64xf32>
    %get3A_34 = arith.constant 0 : index
    %get3A_35 = arith.constant 0 : index
    %get3A_36 = vector.load %arg9[%get3A_34, %get3A_35] : memref<1x64xf32, #tpu.memory_space<vmem>>, vector<1x64xf32>
    %add3A_37 = vector.broadcast %get3A_36 : vector<1x64xf32> to vector<2048x64xf32>
    %add3A_38 = arith.addf %dot_general3A_33, %add3A_37 : vector<2048x64xf32>
    %tanh3A_39 = math.tanh %add3A_38 : vector<2048x64xf32>
    %get3A_40 = arith.constant 0 : index
    %get3A_41 = arith.constant 0 : index
    %get3A_42 = vector.load %arg10[%get3A_40, %get3A_41] : memref<1x64xf32, #tpu.memory_space<vmem>>, vector<1x64xf32>
    %mul3A = vector.broadcast %get3A_42 : vector<1x64xf32> to vector<2048x64xf32>
    %mul3A_43 = arith.mulf %tanh3A_39, %mul3A : vector<2048x64xf32>
    %reduce_sum3A = arith.constant dense<0.000000e+00> : vector<2048xf32>
    %reduce_sum3A_44 = vector.multi_reduction <add>, %mul3A_43, %reduce_sum3A [1] : vector<2048x64xf32> to vector<2048xf32>
    %broadcast_in_dim3A = vector.shape_cast %reduce_sum3A_44 : vector<2048xf32> to vector<2048x1xf32>
    %get3A_45 = arith.constant 0 : index
    %get3A_46 = arith.constant 0 : index
    %get3A_47 = vector.load %arg11[%get3A_45, %get3A_46] : memref<1x1xf32, #tpu.memory_space<vmem>>, vector<1x1xf32>
    %add3A_48 = vector.broadcast %get3A_47 : vector<1x1xf32> to vector<2048x1xf32>
    %add3A_49 = arith.addf %broadcast_in_dim3A, %add3A_48 : vector<2048x1xf32>
    %logistic3A = arith.negf %add3A_49 : vector<2048x1xf32>
    %logistic3A_50 = math.exp %logistic3A : vector<2048x1xf32>
    %logistic3A_51 = arith.constant 1.000000e+00 : f32
    %logistic3A_52 = vector.broadcast %logistic3A_51 : f32 to vector<2048x1xf32>
    %logistic3A_53 = arith.addf %logistic3A_52, %logistic3A_50 : vector<2048x1xf32>
    %logistic3A_54 = arith.divf %logistic3A_52, %logistic3A_53 : vector<2048x1xf32>
    %swap3A = arith.constant 0 : index
    %swap3A_55 = arith.constant 0 : index
    %swap3A_56 = vector.load %arg12[%swap3A, %swap3A_55] : memref<2048x1xf32, #tpu.memory_space<vmem>>, vector<2048x1xf32>
    tpu.vector_store %arg12[%swap3A, %swap3A_55], %logistic3A_54 {strides = array<i32>} : memref<2048x1xf32, #tpu.memory_space<vmem>>, vector<2048x1xf32>,
    return
  }
  func.func @transform_0(%arg0: i32) -> (i32, i32) {
    %c0_i32 = arith.constant 0 : i32
    %c0_i32_0 = arith.constant 0 : i32
    return %arg0, %c0_i32 : i32, i32
  }
  func.func @transform_1(%arg0: i32) -> (i32, i32) {
    %add3A = arith.constant 400 : i32
    %add3A_0 = arith.addi %add3A, %arg0 : i32
    %c0_i32 = arith.constant 0 : i32
    %c0_i32_1 = arith.constant 0 : i32
    return %add3A_0, %c0_i32 : i32, i32
  }
  func.func @transform_2(%arg0: i32) -> (i32, i32) {
    %c0_i32 = arith.constant 0 : i32
    %c0_i32_0 = arith.constant 0 : i32
    return %arg0, %c0_i32 : i32, i32
  }
  func.func @transform_3(%arg0: i32) -> (i32, i32) {
    %c0_i32 = arith.constant 0 : i32
    %c0_i32_0 = arith.constant 0 : i32
    %c0_i32_1 = arith.constant 0 : i32
    return %c0_i32, %c0_i32_0 : i32, i32
  }
  func.func @transform_4(%arg0: i32) -> (i32, i32) {
    %c0_i32 = arith.constant 0 : i32
    %c0_i32_0 = arith.constant 0 : i32
    %c0_i32_1 = arith.constant 0 : i32
    return %c0_i32, %c0_i32_0 : i32, i32
  }
  func.func @transform_5(%arg0: i32) -> (i32, i32) {
    %c0_i32 = arith.constant 0 : i32
    %c0_i32_0 = arith.constant 0 : i32
    %c0_i32_1 = arith.constant 0 : i32
    return %c0_i32, %c0_i32_0 : i32, i32
  }
  func.func @transform_6(%arg0: i32) -> (i32, i32) {
    %c0_i32 = arith.constant 0 : i32
    %c0_i32_0 = arith.constant 0 : i32
    %c0_i32_1 = arith.constant 0 : i32
    return %c0_i32, %c0_i32_0 : i32, i32
  }
  func.func @transform_7(%arg0: i32) -> (i32, i32) {
    %c0_i32 = arith.constant 0 : i32
    %c0_i32_0 = arith.constant 0 : i32
    %c0_i32_1 = arith.constant 0 : i32
    return %c0_i32, %c0_i32_0 : i32, i32
  }
  func.func @transform_8(%arg0: i32) -> (i32, i32) {
    %c0_i32 = arith.constant 0 : i32
    %c0_i32_0 = arith.constant 0 : i32
    %c0_i32_1 = arith.constant 0 : i32
    return %c0_i32, %c0_i32_0 : i32, i32
  }
  func.func @transform_9(%arg0: i32) -> (i32, i32) {
    %c0_i32 = arith.constant 0 : i32
    %c0_i32_0 = arith.constant 0 : i32
    %c0_i32_1 = arith.constant 0 : i32
    return %c0_i32, %c0_i32_0 : i32, i32
  }
  func.func @transform_10(%arg0: i32) -> (i32, i32) {
    %c0_i32 = arith.constant 0 : i32
    %c0_i32_0 = arith.constant 0 : i32
    %c0_i32_1 = arith.constant 0 : i32
    return %c0_i32, %c0_i32_0 : i32, i32
  }
  func.func @transform_11(%arg0: i32) -> (i32, i32) {
    %c0_i32 = arith.constant 0 : i32
    %c0_i32_0 = arith.constant 0 : i32
    return %arg0, %c0_i32 : i32, i32
  }
}

</mosaic_0001>

<sc_bundles>
// kernel: kernel.13.cloned.1.call-start
scs
__scs_entry_jumppad:
0x0: {  	(pc) =	sbr.rel $0x88, $3  }
0x1: {  	(tag) =	ssettag $0x0;
	lr =	simm.s32 $0x1  }
0x2: {  	[smem:$0x3F7A] =	sst lr;
	_ =	strace $0xD0000000  }
0x3: {  	_ = 	snop  }
0x4: {  	_ = 	snop  }
0x5: {  	_ = 	snop  }
0x6: {  	_ = 	snop  }
0x7: {  	_ = 	snop  }
__scs_overlays_trampoline_lowered:
0x8: {  	[smem:$0x3F89] =	sst s0  }
0x9: {  	[smem:$0x3F8A] =	sst s1  }
0xa: {  	[smem:$0x3F8B] =	sst s2  }
0xb: {  	[smem:$0x3F8C] =	sst s3  }
0xc: {  	[smem:$0x3F8D] =	sst s4  }
0xd: {  	[smem:$0x3F8E] =	sst s5  }
0xe: {  	[smem:$0x3F8F] =	sst s6  }
0xf: {  	[smem:$0x3F90] =	sst s7  }
0x10: {  	[smem:$0x3F91] =	sst s8  }
0x11: {  	[smem:$0x3F92] =	sst s9;
	s0 =	simm.s32 @!p0 $0x0  }
0x12: {  	s1 =	sld [smem:$0x3F78];
	s0 =	simm.s32 @p0 $0x1  }
0x13: {  	[smem:$0x3F93] =	sst s0;
	s0 =	simm.s32 @!p1 $0x0  }
0x14: {  	s2 =	sld [smem:$0x3F77];
	s0 =	simm.s32 @p1 $0x1  }
0x15: {  	[smem:$0x3F94] =	sst s0;
	s0 =	simm.s32 @!p2 $0x0  }
0x16: {  	s3 =	sld [smem:$0x3FDB];
	s0 =	simm.s32 @p2 $0x1  }
0x17: {  	s4 =	simm.s32 $0x1BF5;
	[smem:$0x3F96] =	sst s0  }
0x18: {  	s0 =	sld [smem:$0x3F79];
	_ =	swait.ge [sflag:s4], $0x0  }
0x19: {  	s7 =	sld [smem:$0x3F7A]  }
0x1a: {  	s8 =	sadd.s32 $0xFFFFE003, lr  }
0x1b: {  	s9 =	sadd.s32 $0xFFFFFEF7, lr;
	s5 =	simm.s32 $0xFFFFFFFF;
	p2 =	slt.u32 s8, $0xFFFFF086  }
0x1c: {  	p1 =	slt.u32 s9, $0xF7A;
	s5 =	simm.s32 @!p2 $0x0  }
0x1d: {  	s5 =	simm.s32 @p1 $0x1;
	p0 =	seq.s32 s7, s2  }
0x1e: {  	s7 =	smul.u32 @!p0 $0xF7A, s2;
	p2 =	seq.s32 @!p0 s5, $0x0  }
0x1f: {  	s9 =	smul.u32 $0xF7A, s1;
	s8 =	simm.s32 @!p0 $0x1BF5;
	p2 =	por !p2, p0  }
0x20: {  	[sflag:s8] =	ssyncset.s32 @!p0 $0xFFFFF086;
	s6 =	sadd.s32 @!p0 s3, s7;
	s7 =	simm.s32 @!p0 $0x108  }
0x21: {  	s3 =	sadd.s32 s3, s9;
	s6 =	sadd.s32 @!p0 $0x88, s6;
	s7 =	simm.s32 @p2 $0x1082  }
0x22: {  	[simem:s7], [sflag:s8] =	dma.local @!p0 [hbm:s6], $0xF7A  }
0x23: {  	s9 =	sor.u32 $0xD0000000, s2;
	s6 =	simm.s32 $0x108;
	_ =	swait.ge @!p0 [sflag:s8], $0x0  }
0x24: {  	s3 =	sadd.s32 $0x88, s3;
	s6 =	simm.s32 @!p1 $0x1082;
	[sflag:s4] =	ssyncset.s32 $0xFFFFF086  }
0x25: {  	[simem:s6], [sflag:s4] =	dma.local [hbm:s3], $0xF7A  }
0x26: {  	[smem:$0x3F7A] =	sst s1;
	(tag) =	ssettag s2;
	_ =	strace s9  }
0x27: {  	s1 =	sld [smem:$0x3F8A]  }
0x28: {  	s2 =	sld [smem:$0x3F8B]  }
0x29: {  	s4 =	sld [smem:$0x3F8D]  }
0x2a: {  	p0 =	seq.s32 s5, $0x0;
	s5 =	sld [smem:$0x3F8E]  }
0x2b: {  	s6 =	sld [smem:$0x3F8F]  }
0x2c: {  	s7 =	sld [smem:$0x3F90]  }
0x2d: {  	s3 =	simm.s32 $0x108;
	s8 =	sld [smem:$0x3F91]  }
0x2e: {  	s3 =	simm.s32 @!p0 $0x1082;
	s9 =	sld [smem:$0x3F92]  }
0x2f: {  	lr =	sadd.s32 s0, s3;
	s0 =	sld [smem:$0x3F89]  }
0x30: {  	s3 =	sld [smem:$0x3F8C]  }
0x31: {  	[smem:$0x3F95] =	sst s10  }
0x32: {  	s10 =	sld [smem:$0x3F93];
	_ =	sdelay $0x3  }
0x33: {  	p0 =	seq.s32 s10, $0x1;
	s10 =	sld [smem:$0x3F95];
	_ =	sdelay $0x3  }
0x34: {  	[smem:$0x3F95] =	sst s10  }
0x35: {  	s10 =	sld [smem:$0x3F94];
	_ =	sdelay $0x3  }
0x36: {  	p1 =	seq.s32 s10, $0x1;
	s10 =	sld [smem:$0x3F95];
	_ =	sdelay $0x3  }
0x37: {  	[smem:$0x3F95] =	sst s10  }
0x38: {  	s10 =	sld [smem:$0x3F96]  }
0x39: {  	_ = 	snop;
	(pc) =	sbr.ind lr, $3  }
0x3a: {  	_ = 	snop  }
0x3b: {  	_ = 	snop  }
0x3c: {  	p2 =	seq.s32 s10, $0x1;
	s10 =	sld [smem:$0x3F95]  }
0x3d: {  	_ =	shalt  }
0x3e: {  	_ =	shalt  }
0x3f: {  	_ =	shalt  }
0x40: {  	_ =	shalt  }
0x41: {  	_ =	shalt  }
0x42: {  	_ =	shalt  }
0x43: {  	_ =	shalt  }
0x44: {  	_ =	shalt  }
0x45: {  	_ =	shalt  }
0x46: {  	_ =	shalt  }
0x47: {  	_ =	shalt  }
0x48: {  	_ =	shalt  }
0x49: {  	_ =	shalt  }
0x4a: {  	_ =	shalt  }
0x4b: {  	_ =	shalt  }
0x4c: {  	_ =	shalt  }
0x4d: {  	_ =	shalt  }
0x4e: {  	_ =	shalt  }
0x4f: {  	_ =	shalt  }
0x50: {  	_ =	shalt  }
0x51: {  	_ =	shalt  }
0x52: {  	_ =	shalt  }
0x53: {  	_ =	shalt  }
0x54: {  	_ =	shalt  }
0x55: {  	_ =	shalt  }
0x56: {  	_ =	shalt  }
0x57: {  	_ =	shalt  }
0x58: {  	_ =	shalt  }
0x59: {  	_ =	shalt  }
0x5a: {  	_ =	shalt  }
0x5b: {  	_ =	shalt  }
0x5c: {  	_ =	shalt  }
0x5d: {  	_ =	shalt  }
0x5e: {  	_ =	shalt  }
0x5f: {  	_ =	shalt  }
0x60: {  	_ =	shalt  }
0x61: {  	_ =	shalt  }
0x62: {  	_ =	shalt  }
0x63: {  	_ =	shalt  }
0x64: {  	_ =	shalt  }
0x65: {  	_ =	shalt  }
0x66: {  	_ =	shalt  }
0x67: {  	_ =	shalt  }
0x68: {  	_ =	shalt  }
0x69: {  	_ =	shalt  }
0x6a: {  	_ =	shalt  }
0x6b: {  	_ =	shalt  }
0x6c: {  	_ =	shalt  }
0x6d: {  	_ =	shalt  }
0x6e: {  	_ =	shalt  }
0x6f: {  	_ =	shalt  }
0x70: {  	_ =	shalt  }
0x71: {  	_ =	shalt  }
0x72: {  	_ =	shalt  }
0x73: {  	_ =	shalt  }
0x74: {  	_ =	shalt  }
0x75: {  	_ =	shalt  }
0x76: {  	_ =	shalt  }
0x77: {  	_ =	shalt  }
0x78: {  	_ =	shalt  }
0x79: {  	_ =	shalt  }
0x7a: {  	_ =	shalt  }
0x7b: {  	_ =	shalt  }
0x7c: {  	_ =	shalt  }
0x7d: {  	_ =	shalt  }
0x7e: {  	_ =	shalt  }
0x7f: {  	_ =	shalt  }
0x80: {  	_ =	shalt  }
0x81: {  	_ =	shalt  }
0x82: {  	_ =	shalt  }
0x83: {  	_ =	shalt  }
0x84: {  	_ =	shalt  }
0x85: {  	_ =	shalt  }
0x86: {  	_ =	shalt  }
0x87: {  	_ =	shalt  }
.Lfunc_end0:
.L_simem_size_0:
called_computation_lowered:
.L_overlay_start_0:
0x88: {  	s2 =	sld [smem:$0x3FD9]  }
0x89: {  	s3 =	sld [smem:$0x3FFE];
	_ =	sdelay $0x1  }
0x8a: {  	s1 =	srdreg.scid  }
0x8b: {  	s0 =	sand.u32 $0x1, s1  }
0x8c: {  	s16 =	sshll.u32 s0, $0xA;
	s2 =	sadd.s32 s3, s2  }
0x8d: {  	s2 =	sadd.s32 s2, s16  }
0x8e: {  	[smem:$0x3FA1] =	sst s2  }
0x8f: {  	_ = 	snop  }
0x90: {  	(tm) =	ssettm $0x1  }
0x91: {  	s17 =	sld [smem:$0x3FFB];
	_ =	sdelay $0x3  }
0x92: {  	_ =	strace s17  }
0x93: {  	s2 =	sld [smem:$0x3FFC];
	_ =	sdelay $0x3  }
0x94: {  	_ =	strace s2  }
0x95: {  	s2 =	sld [smem:$0x3FFD];
	_ =	sdelay $0x3  }
0x96: {  	_ =	strace s2  }
0x97: {  	_ =	strace $0x8FFFFFFF  }
0x98: {  	s18 =	sld [smem:$0x3FDB];
	_ =	sdelay $0x1  }
0x99: {  	s19 =	simm.s32 $_scs_section_size  }
0x9a: {  	s4 =	simm.s32 $_size__tile_overlayer_lowered;
	s5 =	simm.s32 $_tile_overlayer_lowered  }
0x9b: {  	s22 =	simm.s32 $0x1BFF;
	s21 =	sshll.u32 s5, $0x1;
	s2 =	sadd.s32 s19, s18  }
0x9c: {  	s6 =	simm.s32 $0x0;
	s20 =	sshll.u32 s4, $0x1;
	s4 =	sadd.s32 s21, s2  }
0x9d: {  	[timem:s6], [sflag:s22] =	dma.local [hbm:s4], s20  }
0x9e: {  	_ =	swait.ge [sflag:s22], s20  }
0x9f: {  	s3 =	ssub.s32 $0x0, s20;
	[sflag:s22] =	ssyncset.done $0x0  }
0xa0: {  	[sflag:s22] =	ssyncadd.s32 s3;
	_ =	sdelay $0x1  }
0xa1: {  	s23 =	simm.s32 $0x1B8B  }
0xa2: {  	_ =	swait.ge [sflag:s23], $0x1  }
0xa3: {  	[sflag:s23] =	ssyncset.done $0x0  }
0xa4: {  	s25 =	simm.s32 $0x1B8E;
	s24 =	sld [smem:$0x3FFE];
	[sflag:s23] =	ssyncadd.s32 $0xFFFFFFFF  }
0xa5: {  	s26 =	simm.s32 $execute0_lowered;
	[smem:$0x3FD2] =	sst s25  }
0xa6: {  	s4 =	sshll.u32 s26, $0x1;
	_ =	strace $0x80000046;
	[dreg:$0x1] =	wrdreg $0xFFFFFFFF  }
0xa7: {  	s28 =	simm.s32 $_size_execute0_lowered;
	s2 =	sadd.s32 s2, s4;
	[dreg:$0x0] =	wrdreg $0x0  }
0xa8: {  	s4 =	sshll.u32 s28, $0x1;
	[dreg:$0x2] =	wrdreg s2  }
0xa9: {  	[dreg:$0x3] =	wrdreg s4  }
0xaa: {  	[dreg:$0x4] =	wrdreg $0xC0  }
0xab: {  	_ =	task [dreg:s6], $0x5FFFF  }
0xac: {  	[dreg:$0x1] =	wrdreg $0xFFFFFFFF  }
0xad: {  	[dreg:$0x0] =	wrdreg $0x60  }
0xae: {  	[dreg:$0x2] =	wrdreg s24  }
0xaf: {  	[dreg:$0x3] =	wrdreg $0x9  }
0xb0: {  	_ =	task.clear_ibuf [dreg:s6], $0x4FFFF;
	_ =	strace $0x90000046  }
0xb1: {  	s29 =	simm.s32 $0x9;
	_ =	strace $0x80000048  }
0xb2: {  	_ =	swait.ge [sflag:s29], $0x1  }
0xb3: {  	[sflag:s29] =	ssyncadd.s32 $0xFFFFFFFF  }
0xb4: {  	_ =	strace $0x90000048  }
0xb5: {  	_ =	sfence  }
0xb6: {  	s30 =	sld [smem:$0x0];
	_ =	sdelay $0x2  }
0xb7: {  	s31 =	sshll.u32 s1, $0xD;
	s1 =	sshrl.u32 s1, $0x2  }
0xb8: {  	s3 =	sand.u32 $0x4000, s31;
	s1 =	sadd.s32 s1, s30  }
0xb9: {  	s0 =	sor.u32 s3, s0;
	s1 =	sshll.u32 s1, $0x11  }
0xba: {  	s0 =	sor.u32 s1, s0  }
0xbb: {  	s0 =	sadd.s32 $0x8F2B, s0  }
0xbc: {  	[sflag:s0] =	ssyncadd.remote.s32 $0x1  }
0xbd: {  	_ =	sfence.sel $0xFFFF  }
0xbe: {  	[dreg:$0x0] =	wrdreg $0xFFFFFFFF;
	(pc) =	sbr.abs _section_cstart, $3  }
0xbf: {  	[dreg:$0x1] =	wrdreg $0xFFFFFFFF  }
0xc0: {  	_ =	task.clear_ibuf [dreg:s6], $0x2FFFF;
	_ =	strace $0x9FFFFFFF  }
0xc1: {  	(tm) =	ssettm $0x7FFFFFFF  }
tec
execute0_lowered:
.L_overlay_start_1:
0x0: {  	(tag) =	ssettag $0x1  }
0x1: {  	s0 =	rddreg [dreg:$0x0];
	s1 =	srdreg.scid  }
0x2: {  	s2 =	simm.s32 $0x0;
	s4 =	stileid.u32;
	s14 =	simm.s32 $0x3  }
0x3: {  	s15 =	simm.s32 $0x80;
	s16 =	simm.s32 $0x400;
	s22 =	simm.s32 $0x10400  }
0x4: {  	s23 =	simm.s32 $0x200;
	s24 =	simm.s32 $0x8400;
	s25 =	simm.s32 $0x280  }
0x5: {  	s28 =	simm.s32 $0x300;
	s29 =	simm.s32 $0xC400;
	s1 =	sand.u32 $0x1, s1  }
0x6: {  	s30 =	simm.s32 $0x380;
	s31 =	simm.s32 $0xE400;
	s3 =	sshll.u32 s1, $0x4  }
0x7: {  	s17 =	simm.s32 $0x0;
	[smem:$0x7FF] =	sst s2;
	s10 =	sor.u32 s4, s3  }
0x8: {  	s5 =	sadd.s32 $0x6800, s0;
	s1 =	ssub.s32 $0x2, s1;
	s8 =	smul.u32 $0xC80, s10  }
0x9: {  	s6 =	sadd.s32 $0x7FE400, s0;
	s7 =	sshrl.u32 s1, $0x1;
	s9 =	smul.u32 $0x32000, s10  }
0xa: {  	_ =	strace $0x80000047;
	s26 =	ssub.s32 s1, s7;
	s7 =	smul.u32 $0x6400, s10  }
0xb: {  	s3 =	sadd.s32 $0x37800, s0;
	s4 =	sadd.s32 $0x1BE400, s0;
	s10 =	smul.u32 $0x190000, s10  }
0xc: {  	s1 =	simm.s32 $0x2;
	s0 =	smax.u32 s26, $0x1;
	s26 =	simm.s32 $0xA400  }
0xd: {  	s8 =	sadd.s32 s5, s8;
	s9 =	sadd.s32 s4, s9;
	[dreg:$0x2] =	wrdreg s0  }
0xe: {  	s0 =	simm.s32 $0x1;
	s12 =	sadd.s32 $0x80, s8;
	s13 =	sadd.s32 $0x2000, s9  }
.LBB2_1:
0xf: {  	[tilespmem:s2], [sflag:$0x3] =	stream.linear.gather [hbm4b:s8+s2], $0x200, $0x38;
	[tilespmem:$0x18400] =	vst v63  }
0x10: {  	_ =	swait.ge [sflag:s14], $0x200  }
0x11: {  	[sflag:s14] =	ssyncset.done $0x0  }
0x12: {  	[sflag:s14] =	ssyncadd.s32 $0xFFFFFE00  }
0x13: {  	[tilespmem:s16], [sflag:$0x1] =	stream.indirect.gather [hbm4b:s3+s15], $0x40, s2, s15, $0xb8;
	[tilespmem:$0x18400] =	vst v63  }
0x14: {  	s11 =	simm.s32 $0x2400  }
0x15: {  	[tilespmem:s11], [sflag:$0x1] =	stream.indirect.gather [hbm4b:s3+s15], $0x40, s15, s15, $0xb8;
	[tilespmem:$0x18400] =	vst v63  }
0x16: {  	s19 =	simm.s32 $0x100;
	s18 =	simm.s32 $0x4400  }
0x17: {  	[tilespmem:s18], [sflag:$0x1] =	stream.indirect.gather [hbm4b:s3+s15], $0x40, s19, s15, $0xb8;
	[tilespmem:$0x18400] =	vst v63  }
0x18: {  	s20 =	simm.s32 $0x180;
	s21 =	simm.s32 $0x6400  }
0x19: {  	[tilespmem:s21], [sflag:$0x1] =	stream.indirect.gather [hbm4b:s3+s15], $0x40, s20, s15, $0xb8;
	[tilespmem:$0x18400] =	vst v63  }
0x1a: {  	s18 =	simm.s32 $0x0  }
0x1b: {  	[tilespmem:s22], [sflag:$0x2] =	stream.linear.gather [hbm4b:s9+s2], $0x8000, $0x38;
	[tilespmem:$0x18400] =	vst v63  }
.LBB2_2:
0x1c: {  	s19 =	sshllo.u32 s18, $0x1  }
0x1d: {  	s20 =	sshll.u32 s19, $0x9  }
0x1e: {  	s20 =	sadd.s32 s7, s20  }
0x1f: {  	s20 =	sshrl.u32 s20, $0x3  }
0x20: {  	s21 =	simm.s32 $0x0;
	s20 =	sadd.s32 s5, s20  }
0x21: {  	[tilespmem:s23], [sflag:$0x3] =	stream.linear.gather [hbm4b:s20+s21], $0x200, $0x38;
	[tilespmem:$0x18400] =	vst v63  }
0x22: {  	_ =	swait.ge [sflag:s14], $0x200  }
0x23: {  	[sflag:s14] =	ssyncset.done $0x0  }
0x24: {  	[sflag:s14] =	ssyncadd.s32 $0xFFFFFE00  }
0x25: {  	[tilespmem:s24], [sflag:$0x1] =	stream.indirect.gather [hbm4b:s3+s15], $0x40, s23, s15, $0xb8;
	[tilespmem:$0x18400] =	vst v63  }
0x26: {  	_ = 	snop  }
0x27: {  	[tilespmem:s26], [sflag:$0x1] =	stream.indirect.gather [hbm4b:s3+s15], $0x40, s25, s15, $0xb8;
	[tilespmem:$0x18400] =	vst v63  }
0x28: {  	_ = 	snop  }
0x29: {  	[tilespmem:s29], [sflag:$0x1] =	stream.indirect.gather [hbm4b:s3+s15], $0x40, s28, s15, $0xb8;
	[tilespmem:$0x18400] =	vst v63  }
0x2a: {  	_ = 	snop  }
0x2b: {  	[tilespmem:s31], [sflag:$0x1] =	stream.indirect.gather [hbm4b:s3+s15], $0x40, s30, s15, $0xb8;
	[tilespmem:$0x18400] =	vst v63  }
0x2c: {  	_ =	swait.ge [sflag:s0], $0x2000  }
0x2d: {  	[sflag:s0] =	ssyncset.done $0x0  }
0x2e: {  	[sflag:s0] =	ssyncadd.s32 $0xFFFFE000  }
0x2f: {  	_ =	swait.ge [sflag:s0], $0x2000  }
0x30: {  	[sflag:s0] =	ssyncset.done $0x0  }
0x31: {  	[sflag:s0] =	ssyncadd.s32 $0xFFFFE000  }
0x32: {  	_ =	swait.ge [sflag:s0], $0x2000  }
0x33: {  	[sflag:s0] =	ssyncset.done $0x0  }
0x34: {  	[sflag:s0] =	ssyncadd.s32 $0xFFFFE000  }
0x35: {  	_ =	swait.ge [sflag:s0], $0x2000  }
0x36: {  	[sflag:s0] =	ssyncset.done $0x0  }
0x37: {  	[sflag:s0] =	ssyncadd.s32 $0xFFFFE000  }
0x38: {  	_ =	swait.ge [sflag:s1], $0x8000  }
0x39: {  	[sflag:s1] =	ssyncset.done $0x0  }
0x3a: {  	s20 =	simm.s32 $0x0;
	[sflag:s1] =	ssyncadd.s32 $0xFFFF8000  }
0x3b: {  	v6 =	vld [tilespmem:s20+$0x10400]  }
0x3c: {  	v11 =	vld [tilespmem:s20+$0x10410]  }
0x3d: {  	v5 =	vld [tilespmem:s20+$0x10420]  }
0x3e: {  	v4 =	vld [tilespmem:s20+$0x10430]  }
0x3f: {  	v3 =	vld [tilespmem:s20+$0x10440]  }
0x40: {  	v2 =	vld [tilespmem:s20+$0x10450]  }
0x41: {  	v1 =	vld [tilespmem:s20+$0x10460]  }
0x42: {  	v0 =	vld [tilespmem:s20+$0x10470]  }
0x43: {  	v12 =	vld [tilespmem:s20+$0x400]  }
0x44: {  	v13 =	vld [tilespmem:s20+$0x410]  }
0x45: {  	v10 =	vld [tilespmem:s20+$0x420]  }
0x46: {  	v9 =	vld [tilespmem:s20+$0x430]  }
0x47: {  	v8 =	vld [tilespmem:s20+$0x440]  }
0x48: {  	v7 =	vld [tilespmem:s20+$0x450];
	v12 =	vadd.f32 v6, v12  }
0x49: {  	s21 =	simm.s32 $0x200;
	v11 =	vadd.f32 v11, v13;
	v6 =	vld [tilespmem:s20+$0x460]  }
.LBB2_3:
0x4a: {  	s11 =	sshra.s32 s21, $0x2;
	p0 =	sne.s32 s21, $0x1FE00;
	v12 =	vmax.f32 v12, $0.0e+00;
	v5 =	vadd.f32 v5, v10;
	v10 =	vld [tilespmem:s20+$0x470]  }
0x4b: {  	v13 =	vld [tilespmem:s11+$0x10400];
	[tilespmem:s20+$0x400] =	vst v12;
	v11 =	vmax.f32 v11, $0.0e+00;
	v4 =	vadd.f32 v4, v9  }
0x4c: {  	v14 =	vld [tilespmem:s11+$0x10410];
	[tilespmem:s20+$0x410] =	vst v11;
	v9 =	vmax.f32 v5, $0.0e+00;
	v3 =	vadd.f32 v3, v8  }
0x4d: {  	v5 =	vld [tilespmem:s11+$0x10420];
	[tilespmem:s20+$0x420] =	vst v9;
	v8 =	vmax.f32 v4, $0.0e+00;
	v2 =	vadd.f32 v2, v7  }
0x4e: {  	v4 =	vld [tilespmem:s11+$0x10430];
	[tilespmem:s20+$0x430] =	vst v8;
	v7 =	vmax.f32 v3, $0.0e+00;
	v1 =	vadd.f32 v1, v6  }
0x4f: {  	v3 =	vld [tilespmem:s11+$0x10440];
	[tilespmem:s20+$0x440] =	vst v7;
	v6 =	vmax.f32 v2, $0.0e+00;
	v0 =	vadd.f32 v0, v10  }
0x50: {  	v2 =	vld [tilespmem:s11+$0x10450];
	[tilespmem:s20+$0x450] =	vst v6;
	v6 =	vmax.f32 v1, $0.0e+00  }
0x51: {  	v1 =	vld [tilespmem:s11+$0x10460];
	[tilespmem:s20+$0x460] =	vst v6;
	v6 =	vmax.f32 v0, $0.0e+00  }
0x52: {  	v0 =	vld [tilespmem:s11+$0x10470];
	[tilespmem:s20+$0x470] =	vst v6;
	s20 =	smov.u32 s11  }
0x53: {  	v6 =	vld [tilespmem:s20+$0x400]  }
0x54: {  	v11 =	vld [tilespmem:s20+$0x410]  }
.Ltmp0:
0x55: {  	v10 =	vld [tilespmem:s20+$0x420];
	(pc) =	sbr.rel @p0 .LBB2_3-.Ltmp0, $4  }
0x56: {  	v9 =	vld [tilespmem:s20+$0x430]  }
0x57: {  	v8 =	vld [tilespmem:s20+$0x440]  }
0x58: {  	v12 =	vadd.f32 v13, v6;
	v7 =	vld [tilespmem:s20+$0x450]  }
0x59: {  	s21 =	sadd.s32 $0x200, s21;
	v11 =	vadd.f32 v14, v11;
	v6 =	vld [tilespmem:s20+$0x460]  }
0x5a: {  	v12 =	vmax.f32 v12, $0.0e+00;
	v5 =	vadd.f32 v5, v10;
	v10 =	vld [tilespmem:s20+$0x470]  }
0x5b: {  	[tilespmem:s20+$0x400] =	vst v12;
	v11 =	vmax.f32 v11, $0.0e+00;
	v4 =	vadd.f32 v4, v9  }
0x5c: {  	[tilespmem:s20+$0x410] =	vst v11;
	v5 =	vmax.f32 v5, $0.0e+00;
	v3 =	vadd.f32 v3, v8  }
0x5d: {  	[tilespmem:s20+$0x420] =	vst v5;
	v4 =	vmax.f32 v4, $0.0e+00;
	v2 =	vadd.f32 v2, v7  }
0x5e: {  	[tilespmem:s20+$0x430] =	vst v4;
	v3 =	vmax.f32 v3, $0.0e+00;
	v1 =	vadd.f32 v1, v6  }
0x5f: {  	s11 =	sshll.u32 s19, $0xF;
	[tilespmem:s20+$0x440] =	vst v3;
	v2 =	vmax.f32 v2, $0.0e+00;
	v0 =	vadd.f32 v0, v10  }
0x60: {  	s11 =	sadd.s32 s10, s11;
	[tilespmem:s20+$0x450] =	vst v2;
	v1 =	vmax.f32 v1, $0.0e+00  }
0x61: {  	s19 =	sshrl.u32 s11, $0x3;
	[tilespmem:s20+$0x460] =	vst v1;
	v0 =	vmax.f32 v0, $0.0e+00  }
0x62: {  	s21 =	sshll.u32 s18, $0x10;
	s11 =	sadd.s32 s4, s19;
	[tilespmem:s20+$0x470] =	vst v0  }
0x63: {  	[tilespmem:s22], [sflag:$0x2] =	stream.linear.gather [hbm4b:s11+s2], $0x8000, $0x38;
	[tilespmem:$0x18400] =	vst v63  }
0x64: {  	s11 =	sadd.s32 s10, s21  }
0x65: {  	s11 =	sshrl.u32 s11, $0x3  }
0x66: {  	s11 =	sadd.s32 s6, s11  }
0x67: {  	[hbm4b:s11+s2] =	stream.linear.scatter [tilespmem:s16], [sflag:$0x3], $0x8000, $0x38;
	[tilespmem:$0x18400] =	vst v63  }
0x68: {  	p0 =	seq.s32 s18, $0x18;
	_ =	swait.ge [sflag:s14], $0x8000  }
0x69: {  	s11 =	sshll.u32 @!p0 s18, $0x7;
	[sflag:s14] =	ssyncset.done $0x0  }
0x6a: {  	s20 =	simm.s32 @!p0 $0x0;
	s11 =	sadd.s32 @!p0 s12, s11;
	[sflag:s14] =	ssyncadd.s32 $0xFFFF8000  }
0x6b: {  	[tilespmem:s20], [sflag:$0x3] =	stream.linear.gather @!p0 [hbm4b:s11+s20], $0x200, $0x38;
	[tilespmem:$0x18400] =	vst v63  }
0x6c: {  	s11 =	simm.s32 @!p0 $0x3  }
0x6d: {  	_ =	swait.ge @!p0 [sflag:s11], $0x200  }
0x6e: {  	[sflag:s11] =	ssyncset.done @!p0 $0x0  }
0x6f: {  	s21 =	simm.s32 @!p0 $0x400;
	[sflag:s11] =	ssyncadd.s32 @!p0 $0xFFFFFE00;
	s11 =	simm.s32 @!p0 $0x80  }
0x70: {  	[tilespmem:s21], [sflag:$0x1] =	stream.indirect.gather @!p0 [hbm4b:s3+s11], $0x40, s20, s11, $0xb8;
	[tilespmem:$0x18400] =	vst v63  }
0x71: {  	s20 =	simm.s32 @!p0 $0x2400  }
0x72: {  	[tilespmem:s20], [sflag:$0x1] =	stream.indirect.gather @!p0 [hbm4b:s3+s11], $0x40, s11, s11, $0xb8;
	[tilespmem:$0x18400] =	vst v63  }
0x73: {  	s21 =	simm.s32 @!p0 $0x4400;
	s20 =	simm.s32 @!p0 $0x100  }
0x74: {  	[tilespmem:s21], [sflag:$0x1] =	stream.indirect.gather @!p0 [hbm4b:s3+s11], $0x40, s20, s11, $0xb8;
	[tilespmem:$0x18400] =	vst v63  }
0x75: {  	s20 =	simm.s32 @!p0 $0x180;
	s21 =	simm.s32 @!p0 $0x6400  }
0x76: {  	[tilespmem:s21], [sflag:$0x1] =	stream.indirect.gather @!p0 [hbm4b:s3+s11], $0x40, s20, s11, $0xb8;
	[tilespmem:$0x18400] =	vst v63  }
0x77: {  	_ =	swait.ge [sflag:s0], $0x2000  }
0x78: {  	[sflag:s0] =	ssyncset.done $0x0  }
0x79: {  	[sflag:s0] =	ssyncadd.s32 $0xFFFFE000  }
0x7a: {  	_ =	swait.ge [sflag:s0], $0x2000  }
0x7b: {  	[sflag:s0] =	ssyncset.done $0x0  }
0x7c: {  	[sflag:s0] =	ssyncadd.s32 $0xFFFFE000  }
0x7d: {  	_ =	swait.ge [sflag:s0], $0x2000  }
0x7e: {  	[sflag:s0] =	ssyncset.done $0x0  }
0x7f: {  	[sflag:s0] =	ssyncadd.s32 $0xFFFFE000  }
0x80: {  	_ =	swait.ge [sflag:s0], $0x2000  }
0x81: {  	[sflag:s0] =	ssyncset.done $0x0  }
0x82: {  	[sflag:s0] =	ssyncadd.s32 $0xFFFFE000  }
0x83: {  	_ =	swait.ge [sflag:s1], $0x8000  }
0x84: {  	[sflag:s1] =	ssyncset.done $0x0  }
0x85: {  	s20 =	simm.s32 $0x0;
	[sflag:s1] =	ssyncadd.s32 $0xFFFF8000  }
0x86: {  	v6 =	vld [tilespmem:s20+$0x10400]  }
0x87: {  	v11 =	vld [tilespmem:s20+$0x10410]  }
0x88: {  	v5 =	vld [tilespmem:s20+$0x10420]  }
0x89: {  	v4 =	vld [tilespmem:s20+$0x10430]  }
0x8a: {  	v3 =	vld [tilespmem:s20+$0x10440]  }
0x8b: {  	v2 =	vld [tilespmem:s20+$0x10450]  }
0x8c: {  	v1 =	vld [tilespmem:s20+$0x10460]  }
0x8d: {  	v0 =	vld [tilespmem:s20+$0x10470]  }
0x8e: {  	v12 =	vld [tilespmem:s20+$0x8400]  }
0x8f: {  	v13 =	vld [tilespmem:s20+$0x8410]  }
0x90: {  	v10 =	vld [tilespmem:s20+$0x8420]  }
0x91: {  	v9 =	vld [tilespmem:s20+$0x8430]  }
0x92: {  	v8 =	vld [tilespmem:s20+$0x8440]  }
0x93: {  	v7 =	vld [tilespmem:s20+$0x8450];
	v12 =	vadd.f32 v6, v12  }
0x94: {  	s21 =	simm.s32 $0x200;
	v11 =	vadd.f32 v11, v13;
	v6 =	vld [tilespmem:s20+$0x8460]  }
.LBB2_5:
0x95: {  	s11 =	sshra.s32 s21, $0x2;
	p1 =	sne.s32 s21, $0x1FE00;
	v12 =	vmax.f32 v12, $0.0e+00;
	v5 =	vadd.f32 v5, v10;
	v10 =	vld [tilespmem:s20+$0x8470]  }
0x96: {  	v13 =	vld [tilespmem:s11+$0x10400];
	[tilespmem:s20+$0x8400] =	vst v12;
	v11 =	vmax.f32 v11, $0.0e+00;
	v4 =	vadd.f32 v4, v9  }
0x97: {  	v14 =	vld [tilespmem:s11+$0x10410];
	[tilespmem:s20+$0x8410] =	vst v11;
	v9 =	vmax.f32 v5, $0.0e+00;
	v3 =	vadd.f32 v3, v8  }
0x98: {  	v5 =	vld [tilespmem:s11+$0x10420];
	[tilespmem:s20+$0x8420] =	vst v9;
	v8 =	vmax.f32 v4, $0.0e+00;
	v2 =	vadd.f32 v2, v7  }
0x99: {  	v4 =	vld [tilespmem:s11+$0x10430];
	[tilespmem:s20+$0x8430] =	vst v8;
	v7 =	vmax.f32 v3, $0.0e+00;
	v1 =	vadd.f32 v1, v6  }
0x9a: {  	v3 =	vld [tilespmem:s11+$0x10440];
	[tilespmem:s20+$0x8440] =	vst v7;
	v6 =	vmax.f32 v2, $0.0e+00;
	v0 =	vadd.f32 v0, v10  }
0x9b: {  	v2 =	vld [tilespmem:s11+$0x10450];
	[tilespmem:s20+$0x8450] =	vst v6;
	v6 =	vmax.f32 v1, $0.0e+00  }
0x9c: {  	v1 =	vld [tilespmem:s11+$0x10460];
	[tilespmem:s20+$0x8460] =	vst v6;
	v6 =	vmax.f32 v0, $0.0e+00  }
0x9d: {  	v0 =	vld [tilespmem:s11+$0x10470];
	[tilespmem:s20+$0x8470] =	vst v6;
	s20 =	smov.u32 s11  }
0x9e: {  	v6 =	vld [tilespmem:s20+$0x8400]  }
0x9f: {  	v11 =	vld [tilespmem:s20+$0x8410]  }
.Ltmp1:
0xa0: {  	v10 =	vld [tilespmem:s20+$0x8420];
	(pc) =	sbr.rel @p1 .LBB2_5-.Ltmp1, $4  }
0xa1: {  	v9 =	vld [tilespmem:s20+$0x8430]  }
0xa2: {  	v8 =	vld [tilespmem:s20+$0x8440]  }
0xa3: {  	v12 =	vadd.f32 v13, v6;
	v7 =	vld [tilespmem:s20+$0x8450]  }
0xa4: {  	s21 =	sadd.s32 $0x200, s21;
	v11 =	vadd.f32 v14, v11;
	v6 =	vld [tilespmem:s20+$0x8460]  }
0xa5: {  	v12 =	vmax.f32 v12, $0.0e+00;
	v5 =	vadd.f32 v5, v10;
	v63 =	vld [tilespmem:s20+$0x8470]  }
0xa6: {  	[tilespmem:s20+$0x8400] =	vst v12;
	v11 =	vmax.f32 v11, $0.0e+00;
	v4 =	vadd.f32 v4, v9  }
0xa7: {  	[tilespmem:s20+$0x8410] =	vst v11;
	v5 =	vmax.f32 v5, $0.0e+00;
	v3 =	vadd.f32 v3, v8  }
0xa8: {  	[tilespmem:s20+$0x8420] =	vst v5;
	v4 =	vmax.f32 v4, $0.0e+00;
	v2 =	vadd.f32 v2, v7  }
0xa9: {  	[tilespmem:s20+$0x8430] =	vst v4;
	v3 =	vmax.f32 v3, $0.0e+00;
	v1 =	vadd.f32 v1, v6  }
0xaa: {  	[tilespmem:s20+$0x8440] =	vst v3;
	v2 =	vmax.f32 v2, $0.0e+00;
	v0 =	vadd.f32 v0, v63  }
0xab: {  	[tilespmem:s20+$0x8450] =	vst v2;
	v1 =	vmax.f32 v1, $0.0e+00  }
0xac: {  	s11 =	sshll.u32 @!p0 s18, $0xD;
	s21 =	simm.s32 @!p0 $0x10400;
	[tilespmem:s20+$0x8460] =	vst v1;
	v0 =	vmax.f32 v0, $0.0e+00  }
0xad: {  	s18 =	sadd.s32 $0x1, s18;
	s11 =	sadd.s32 @!p0 s13, s11;
	[tilespmem:s20+$0x8470] =	vst v0;
	s20 =	simm.s32 @!p0 $0x0  }
0xae: {  	[tilespmem:s21], [sflag:$0x2] =	stream.linear.gather @!p0 [hbm4b:s11+s20], $0x8000, $0x38;
	[tilespmem:$0x18400] =	vst v63  }
0xaf: {  	p0 =	sne.s32 s18, $0x19  }
.Ltmp2:
0xb0: {  	s21 =	sadd.s32 s6, s19;
	(pc) =	sbr.rel @p0 .LBB2_2-.Ltmp2, $4  }
0xb1: {  	[hbm4b:s21+s2] =	stream.linear.scatter [tilespmem:s24], [sflag:$0x3], $0x8000, $0x38;
	[tilespmem:$0x18400] =	vst v63  }
0xb2: {  	_ =	swait.ge [sflag:s14], $0x8000  }
0xb3: {  	[sflag:s14] =	ssyncset.done $0x0  }
0xb4: {  	[sflag:s14] =	ssyncadd.s32 $0xFFFF8000  }
0xb5: {  	s17 =	sadd.s32 $0x1, s17;
	s11 =	rddreg [dreg:$0x2]  }
0xb6: {  	p0 =	sne.s32 s17, s11  }
.Ltmp3:
0xb7: {  	_ = 	snop;
	(pc) =	sbr.rel @p0 .LBB2_1-.Ltmp3, $1  }
0xb8: {  	_ =	sdelay $0x3  }
0xb9: {  	_ =	sfence.sel $0x180000  }
0xba: {  	[bflag:$0x0] =	sbarrier.arrive $0xFFFF  }
0xbb: {  	_ =	strace $0x90000047  }
0xbc: {  	s0 =	stileid.u32;
	[bflag:$0x2] =	sbarrier.arrive $0xFFFF  }
0xbd: {  	p0 =	sne.s32 s0, $0x0;
	s0 =	rddreg [dreg:$0x1]  }
0xbe: {  	s0 =	sadd.s32 @!p0 $0x100000, s0  }
0xbf: {  	[sflag:s0] =	ssyncadd.tile.s32 @!p0 $0x1;
	_ =	shalt  }
.Lfunc_end2:
_tile_overlayer_lowered:
.L_overlay_start_2:
0xc0: {  	(tag) =	ssettag $0x2  }
0xc1: {  	s0 =	rddreg [dreg:$0x0];
	s2 =	stileid.u32  }
0xc2: {  	s1 =	rddreg [dreg:$0x1];
	p0 =	sne.s32 s2, $0x0  }
0xc3: {  	s3 =	rddreg [dreg:$0x2];
	[bflag:$0x3] =	sbarrier.arrive $0xFFFF;
	s2 =	simm.s32 @!p0 $0x1C03  }
0xc4: {  	[timem:s3], [sflag:s2] =	dma.local @!p0 [hbm:s0], s1  }
0xc5: {  	s0 =	simm.s32 @!p0 $0x3  }
0xc6: {  	_ =	swait.ge @!p0 [sflag:s0], s1  }
0xc7: {  	s1 =	ssub.s32 @!p0 $0x0, s1;
	[sflag:s0] =	ssyncset.done @!p0 $0x0  }
0xc8: {  	[sflag:s0] =	ssyncadd.s32 @!p0 s1  }
0xc9: {  	[bflag:$0x3] =	sbarrier.arrive $0xFFFF  }
0xca: {  	_ =	shalt  }

// kernel: kernel.16.cloned.1.call-start
scs
__scs_entry_jumppad:
0x0: {  	(pc) =	sbr.rel $0x88, $3  }
0x1: {  	(tag) =	ssettag $0x0;
	lr =	simm.s32 $0x1  }
0x2: {  	[smem:$0x3F7A] =	sst lr;
	_ =	strace $0xD0000000  }
0x3: {  	_ = 	snop  }
0x4: {  	_ = 	snop  }
0x5: {  	_ = 	snop  }
0x6: {  	_ = 	snop  }
0x7: {  	_ = 	snop  }
__scs_overlays_trampoline_lowered:
0x8: {  	[smem:$0x3F89] =	sst s0  }
0x9: {  	[smem:$0x3F8A] =	sst s1  }
0xa: {  	[smem:$0x3F8B] =	sst s2  }
0xb: {  	[smem:$0x3F8C] =	sst s3  }
0xc: {  	[smem:$0x3F8D] =	sst s4  }
0xd: {  	[smem:$0x3F8E] =	sst s5  }
0xe: {  	[smem:$0x3F8F] =	sst s6  }
0xf: {  	[smem:$0x3F90] =	sst s7  }
0x10: {  	[smem:$0x3F91] =	sst s8  }
0x11: {  	[smem:$0x3F92] =	sst s9;
	s0 =	simm.s32 @!p0 $0x0  }
0x12: {  	s1 =	sld [smem:$0x3F78];
	s0 =	simm.s32 @p0 $0x1  }
0x13: {  	[smem:$0x3F93] =	sst s0;
	s0 =	simm.s32 @!p1 $0x0  }
0x14: {  	s2 =	sld [smem:$0x3F77];
	s0 =	simm.s32 @p1 $0x1  }
0x15: {  	[smem:$0x3F94] =	sst s0;
	s0 =	simm.s32 @!p2 $0x0  }
0x16: {  	s3 =	sld [smem:$0x3FDB];
	s0 =	simm.s32 @p2 $0x1  }
0x17: {  	s4 =	simm.s32 $0x1BF5;
	[smem:$0x3F96] =	sst s0  }
0x18: {  	s0 =	sld [smem:$0x3F79];
	_ =	swait.ge [sflag:s4], $0x0  }
0x19: {  	s7 =	sld [smem:$0x3F7A]  }
0x1a: {  	s8 =	sadd.s32 $0xFFFFE003, lr  }
0x1b: {  	s9 =	sadd.s32 $0xFFFFFEF7, lr;
	s5 =	simm.s32 $0xFFFFFFFF;
	p2 =	slt.u32 s8, $0xFFFFF086  }
0x1c: {  	p1 =	slt.u32 s9, $0xF7A;
	s5 =	simm.s32 @!p2 $0x0  }
0x1d: {  	s5 =	simm.s32 @p1 $0x1;
	p0 =	seq.s32 s7, s2  }
0x1e: {  	s7 =	smul.u32 @!p0 $0xF7A, s2;
	p2 =	seq.s32 @!p0 s5, $0x0  }
0x1f: {  	s9 =	smul.u32 $0xF7A, s1;
	s8 =	simm.s32 @!p0 $0x1BF5;
	p2 =	por !p2, p0  }
0x20: {  	[sflag:s8] =	ssyncset.s32 @!p0 $0xFFFFF086;
	s6 =	sadd.s32 @!p0 s3, s7;
	s7 =	simm.s32 @!p0 $0x108  }
0x21: {  	s3 =	sadd.s32 s3, s9;
	s6 =	sadd.s32 @!p0 $0x88, s6;
	s7 =	simm.s32 @p2 $0x1082  }
0x22: {  	[simem:s7], [sflag:s8] =	dma.local @!p0 [hbm:s6], $0xF7A  }
0x23: {  	s9 =	sor.u32 $0xD0000000, s2;
	s6 =	simm.s32 $0x108;
	_ =	swait.ge @!p0 [sflag:s8], $0x0  }
0x24: {  	s3 =	sadd.s32 $0x88, s3;
	s6 =	simm.s32 @!p1 $0x1082;
	[sflag:s4] =	ssyncset.s32 $0xFFFFF086  }
0x25: {  	[simem:s6], [sflag:s4] =	dma.local [hbm:s3], $0xF7A  }
0x26: {  	[smem:$0x3F7A] =	sst s1;
	(tag) =	ssettag s2;
	_ =	strace s9  }
0x27: {  	s1 =	sld [smem:$0x3F8A]  }
0x28: {  	s2 =	sld [smem:$0x3F8B]  }
0x29: {  	s4 =	sld [smem:$0x3F8D]  }
0x2a: {  	p0 =	seq.s32 s5, $0x0;
	s5 =	sld [smem:$0x3F8E]  }
0x2b: {  	s6 =	sld [smem:$0x3F8F]  }
0x2c: {  	s7 =	sld [smem:$0x3F90]  }
0x2d: {  	s3 =	simm.s32 $0x108;
	s8 =	sld [smem:$0x3F91]  }
0x2e: {  	s3 =	simm.s32 @!p0 $0x1082;
	s9 =	sld [smem:$0x3F92]  }
0x2f: {  	lr =	sadd.s32 s0, s3;
	s0 =	sld [smem:$0x3F89]  }
0x30: {  	s3 =	sld [smem:$0x3F8C]  }
0x31: {  	[smem:$0x3F95] =	sst s10  }
0x32: {  	s10 =	sld [smem:$0x3F93];
	_ =	sdelay $0x3  }
0x33: {  	p0 =	seq.s32 s10, $0x1;
	s10 =	sld [smem:$0x3F95];
	_ =	sdelay $0x3  }
0x34: {  	[smem:$0x3F95] =	sst s10  }
0x35: {  	s10 =	sld [smem:$0x3F94];
	_ =	sdelay $0x3  }
0x36: {  	p1 =	seq.s32 s10, $0x1;
	s10 =	sld [smem:$0x3F95];
	_ =	sdelay $0x3  }
0x37: {  	[smem:$0x3F95] =	sst s10  }
0x38: {  	s10 =	sld [smem:$0x3F96]  }
0x39: {  	_ = 	snop;
	(pc) =	sbr.ind lr, $3  }
0x3a: {  	_ = 	snop  }
0x3b: {  	_ = 	snop  }
0x3c: {  	p2 =	seq.s32 s10, $0x1;
	s10 =	sld [smem:$0x3F95]  }
0x3d: {  	_ =	shalt  }
0x3e: {  	_ =	shalt  }
0x3f: {  	_ =	shalt  }
0x40: {  	_ =	shalt  }
0x41: {  	_ =	shalt  }
0x42: {  	_ =	shalt  }
0x43: {  	_ =	shalt  }
0x44: {  	_ =	shalt  }
0x45: {  	_ =	shalt  }
0x46: {  	_ =	shalt  }
0x47: {  	_ =	shalt  }
0x48: {  	_ =	shalt  }
0x49: {  	_ =	shalt  }
0x4a: {  	_ =	shalt  }
0x4b: {  	_ =	shalt  }
0x4c: {  	_ =	shalt  }
0x4d: {  	_ =	shalt  }
0x4e: {  	_ =	shalt  }
0x4f: {  	_ =	shalt  }
0x50: {  	_ =	shalt  }
0x51: {  	_ =	shalt  }
0x52: {  	_ =	shalt  }
0x53: {  	_ =	shalt  }
0x54: {  	_ =	shalt  }
0x55: {  	_ =	shalt  }
0x56: {  	_ =	shalt  }
0x57: {  	_ =	shalt  }
0x58: {  	_ =	shalt  }
0x59: {  	_ =	shalt  }
0x5a: {  	_ =	shalt  }
0x5b: {  	_ =	shalt  }
0x5c: {  	_ =	shalt  }
0x5d: {  	_ =	shalt  }
0x5e: {  	_ =	shalt  }
0x5f: {  	_ =	shalt  }
0x60: {  	_ =	shalt  }
0x61: {  	_ =	shalt  }
0x62: {  	_ =	shalt  }
0x63: {  	_ =	shalt  }
0x64: {  	_ =	shalt  }
0x65: {  	_ =	shalt  }
0x66: {  	_ =	shalt  }
0x67: {  	_ =	shalt  }
0x68: {  	_ =	shalt  }
0x69: {  	_ =	shalt  }
0x6a: {  	_ =	shalt  }
0x6b: {  	_ =	shalt  }
0x6c: {  	_ =	shalt  }
0x6d: {  	_ =	shalt  }
0x6e: {  	_ =	shalt  }
0x6f: {  	_ =	shalt  }
0x70: {  	_ =	shalt  }
0x71: {  	_ =	shalt  }
0x72: {  	_ =	shalt  }
0x73: {  	_ =	shalt  }
0x74: {  	_ =	shalt  }
0x75: {  	_ =	shalt  }
0x76: {  	_ =	shalt  }
0x77: {  	_ =	shalt  }
0x78: {  	_ =	shalt  }
0x79: {  	_ =	shalt  }
0x7a: {  	_ =	shalt  }
0x7b: {  	_ =	shalt  }
0x7c: {  	_ =	shalt  }
0x7d: {  	_ =	shalt  }
0x7e: {  	_ =	shalt  }
0x7f: {  	_ =	shalt  }
0x80: {  	_ =	shalt  }
0x81: {  	_ =	shalt  }
0x82: {  	_ =	shalt  }
0x83: {  	_ =	shalt  }
0x84: {  	_ =	shalt  }
0x85: {  	_ =	shalt  }
0x86: {  	_ =	shalt  }
0x87: {  	_ =	shalt  }
.Lfunc_end0:
.L_simem_size_0:
called_computation.1_lowered:
.L_overlay_start_0:
0x88: {  	s2 =	sld [smem:$0x3FD9]  }
0x89: {  	s3 =	sld [smem:$0x3FFE];
	_ =	sdelay $0x1  }
0x8a: {  	s1 =	srdreg.scid  }
0x8b: {  	s0 =	sand.u32 $0x1, s1  }
0x8c: {  	s16 =	sshll.u32 s0, $0xA;
	s2 =	sadd.s32 s3, s2  }
0x8d: {  	s2 =	sadd.s32 s2, s16  }
0x8e: {  	[smem:$0x3FA1] =	sst s2  }
0x8f: {  	_ = 	snop  }
0x90: {  	(tm) =	ssettm $0x1  }
0x91: {  	s17 =	sld [smem:$0x3FFB];
	_ =	sdelay $0x3  }
0x92: {  	_ =	strace s17  }
0x93: {  	s2 =	sld [smem:$0x3FFC];
	_ =	sdelay $0x3  }
0x94: {  	_ =	strace s2  }
0x95: {  	s2 =	sld [smem:$0x3FFD];
	_ =	sdelay $0x3  }
0x96: {  	_ =	strace s2  }
0x97: {  	_ =	strace $0x8FFFFFFF  }
0x98: {  	s18 =	sld [smem:$0x3FDB];
	_ =	sdelay $0x1  }
0x99: {  	s19 =	simm.s32 $_scs_section_size  }
0x9a: {  	s4 =	simm.s32 $_size__tile_overlayer_lowered;
	s5 =	simm.s32 $_tile_overlayer_lowered  }
0x9b: {  	s22 =	simm.s32 $0x1BFF;
	s21 =	sshll.u32 s5, $0x1;
	s2 =	sadd.s32 s19, s18  }
0x9c: {  	s6 =	simm.s32 $0x0;
	s20 =	sshll.u32 s4, $0x1;
	s4 =	sadd.s32 s21, s2  }
0x9d: {  	[timem:s6], [sflag:s22] =	dma.local [hbm:s4], s20  }
0x9e: {  	_ =	swait.ge [sflag:s22], s20  }
0x9f: {  	s3 =	ssub.s32 $0x0, s20;
	[sflag:s22] =	ssyncset.done $0x0  }
0xa0: {  	[sflag:s22] =	ssyncadd.s32 s3;
	_ =	sdelay $0x1  }
0xa1: {  	s23 =	simm.s32 $0x1B8B  }
0xa2: {  	_ =	swait.ge [sflag:s23], $0x1  }
0xa3: {  	[sflag:s23] =	ssyncset.done $0x0  }
0xa4: {  	s25 =	simm.s32 $0x1B8E;
	s24 =	sld [smem:$0x3FFE];
	[sflag:s23] =	ssyncadd.s32 $0xFFFFFFFF  }
0xa5: {  	s26 =	simm.s32 $execute0_lowered;
	[smem:$0x3FD2] =	sst s25  }
0xa6: {  	s4 =	sshll.u32 s26, $0x1;
	_ =	strace $0x80000049;
	[dreg:$0x1] =	wrdreg $0xFFFFFFFF  }
0xa7: {  	s28 =	simm.s32 $_size_execute0_lowered;
	s2 =	sadd.s32 s2, s4;
	[dreg:$0x0] =	wrdreg $0x0  }
0xa8: {  	s4 =	sshll.u32 s28, $0x1;
	[dreg:$0x2] =	wrdreg s2  }
0xa9: {  	[dreg:$0x3] =	wrdreg s4  }
0xaa: {  	[dreg:$0x4] =	wrdreg $0xC0  }
0xab: {  	_ =	task [dreg:s6], $0x5FFFF  }
0xac: {  	[dreg:$0x1] =	wrdreg $0xFFFFFFFF  }
0xad: {  	[dreg:$0x0] =	wrdreg $0x60  }
0xae: {  	[dreg:$0x2] =	wrdreg s24  }
0xaf: {  	[dreg:$0x3] =	wrdreg $0x42000  }
0xb0: {  	[dreg:$0x4] =	wrdreg $0x9  }
0xb1: {  	_ =	task.clear_ibuf [dreg:s6], $0x5FFFF;
	_ =	strace $0x90000049  }
0xb2: {  	s29 =	simm.s32 $0x9;
	_ =	strace $0x8000004B  }
0xb3: {  	_ =	swait.ge [sflag:s29], $0x1  }
0xb4: {  	[sflag:s29] =	ssyncadd.s32 $0xFFFFFFFF  }
0xb5: {  	_ =	strace $0x9000004B  }
0xb6: {  	_ =	sfence  }
0xb7: {  	s30 =	sld [smem:$0x0];
	_ =	sdelay $0x2  }
0xb8: {  	s31 =	sshll.u32 s1, $0xD;
	s1 =	sshrl.u32 s1, $0x2  }
0xb9: {  	s3 =	sand.u32 $0x4000, s31;
	s1 =	sadd.s32 s1, s30  }
0xba: {  	s0 =	sor.u32 s3, s0;
	s1 =	sshll.u32 s1, $0x11  }
0xbb: {  	s0 =	sor.u32 s1, s0  }
0xbc: {  	s0 =	sadd.s32 $0x8F2B, s0  }
0xbd: {  	[sflag:s0] =	ssyncadd.remote.s32 $0x1  }
0xbe: {  	_ =	sfence.sel $0xFFFF  }
0xbf: {  	[dreg:$0x0] =	wrdreg $0xFFFFFFFF;
	(pc) =	sbr.abs _section_cstart, $3  }
0xc0: {  	[dreg:$0x1] =	wrdreg $0xFFFFFFFF  }
0xc1: {  	_ =	task.clear_ibuf [dreg:s6], $0x2FFFF;
	_ =	strace $0x9FFFFFFF  }
0xc2: {  	(tm) =	ssettm $0x7FFFFFFF  }
0xc3: {  	_ =	shalt  }
tec
execute0_lowered:
.L_overlay_start_1:
0x0: {  	(tag) =	ssettag $0x1  }
0x1: {  	s0 =	rddreg [dreg:$0x0]  }
0x2: {  	s2 =	rddreg [dreg:$0x1]  }
0x3: {  	s11 =	stileid.u32;
	s1 =	srdreg.scid  }
0x4: {  	s3 =	simm.s32 $0x0;
	s17 =	simm.s32 $0x2;
	s18 =	simm.s32 $0x20  }
0x5: {  	s19 =	simm.s32 $0x40;
	s20 =	simm.s32 $0x200;
	s5 =	smul.u32 $0x186C0, s11  }
0x6: {  	s21 =	simm.s32 $0x2200;
	s28 =	simm.s32 $0x3200;
	s9 =	smul.u32 $0x320000, s11  }
0x7: {  	s29 =	simm.s32 $0x0;
	s1 =	sand.u32 $0x1, s1;
	s24 =	smul.u32 $0x1900, s11  }
0x8: {  	s4 =	sadd.s32 $0x7FE400, s0;
	s25 =	sshll.u32 s11, $0x6;
	s11 =	smul.u32 $0xC800, s11  }
0x9: {  	[smem:$0x7FF] =	sst s3;
	s12 =	sadd.s32 $0xCB400, s0;
	s6 =	smul.u32 $0x186C00, s1  }
0xa: {  	_ =	strace $0x8000004A;
	s8 =	ssub.s32 $0x2, s1;
	s1 =	sshll.u32 s1, $0x5  }
0xb: {  	s7 =	sshrl.u32 s5, $0x3;
	s22 =	sshrl.u32 s8, $0x1;
	s1 =	sor.u32 s1, s9  }
0xc: {  	s30 =	sshrl.u32 s11, $0x3;
	s6 =	sadd.s32 s5, s6;
	s7 =	sadd.s32 s7, s0  }
0xd: {  	s10 =	ssub.s32 s8, s22;
	s5 =	sadd.s32 s5, s2;
	s26 =	sshrl.u32 s1, $0x3  }
0xe: {  	s8 =	sadd.s32 s12, s24;
	s14 =	sor.u32 $0x4000, s1;
	s15 =	sor.u32 $0x8000, s1  }
0xf: {  	s22 =	simm.s32 $0x100;
	s24 =	simm.s32 $0x80;
	s6 =	sshrl.u32 s6, $0x3  }
0x10: {  	s23 =	sadd.s32 $0x1F800, s7;
	s7 =	sadd.s32 s4, s26;
	s10 =	smax.u32 s10, $0x1  }
0x11: {  	s13 =	sadd.s32 $0x20, s8;
	s31 =	sshrl.u32 s14, $0x3;
	s16 =	sshrl.u32 s5, $0x3  }
0x12: {  	s26 =	simm.s32 $0x180;
	s0 =	sadd.s32 s6, s0;
	[dreg:$0x3] =	wrdreg s23  }
0x13: {  	s6 =	sor.u32 $0x1C02, s25;
	s11 =	sadd.s32 $0x63800, s7;
	s0 =	sadd.s32 $0xE3E400, s0  }
0x14: {  	s14 =	sadd.s32 s31, s4;
	[dreg:$0x4] =	wrdreg s0;
	s0 =	sadd.s32 s12, s30  }
0x15: {  	s23 =	simm.s32 $0x1;
	s25 =	simm.s32 $0x1200;
	s12 =	sadd.s32 $0x18E0, s0  }
.LBB2_1:
0x16: {  	s0 =	rddreg [dreg:$0x3]  }
0x17: {  	[spmem:s16], [sflag:s6] =	dma.local [hbm:s0], $0x30D8  }
0x18: {  	_ =	swait.ge [sflag:s17], $0x30D8  }
0x19: {  	[sflag:s17] =	ssyncset.done $0x0  }
0x1a: {  	[sflag:s17] =	ssyncadd.s32 $0xFFFFCF28  }
0x1b: {  	[bflag:$0x0] =	sbarrier.arrive $0xFFFF  }
0x1c: {  	[tilespmem:s20], [sflag:$0x1] =	stream.strided.gather [hbm4b:s7+s18], $0x2000, s19, s18, $0x38;
	[tilespmem:$0x1C8C0] =	vst v63  }
0x1d: {  	_ = 	snop  }
0x1e: {  	[tilespmem:s3], [sflag:$0x1] =	stream.linear.gather [hbm4b:s8+s3], $0x100, $0x38;
	[tilespmem:$0x1C8C0] =	vst v63  }
0x1f: {  	s1 =	sadd.s32 $0x0, s14  }
0x20: {  	[tilespmem:s21], [sflag:$0x1] =	stream.strided.gather [hbm4b:s1+s18], $0x2000, s19, s18, $0x38;
	[tilespmem:$0x1C8C0] =	vst v63  }
0x21: {  	_ = 	snop  }
0x22: {  	[tilespmem:s22], [sflag:$0x1] =	stream.linear.gather [hbm4b:s13+s3], $0x100, $0x38;
	[tilespmem:$0x1C8C0] =	vst v63  }
0x23: {  	_ =	swait.ge [sflag:s23], $0x2000  }
0x24: {  	[sflag:s23] =	ssyncset.done $0x0  }
0x25: {  	[sflag:s23] =	ssyncadd.s32 $0xFFFFE000  }
0x26: {  	_ =	swait.ge [sflag:s23], $0x100  }
0x27: {  	[sflag:s23] =	ssyncset.done $0x0  }
0x28: {  	[sflag:s23] =	ssyncadd.s32 $0xFFFFFF00  }
0x29: {  	[spmem:s2] =	stream.indirect.scatter.add.f32 [tilespmem:s20], [sflag:$0x2], $0x20, s3, s24, $0xb8;
	[tilespmem:$0x1C8C0] =	vst v63  }
0x2a: {  	_ =	swait.ge [sflag:s17], $0x1000  }
0x2b: {  	[sflag:s17] =	ssyncset.done $0x0  }
0x2c: {  	[sflag:s17] =	ssyncadd.s32 $0xFFFFF000  }
0x2d: {  	[spmem:s2] =	stream.indirect.scatter.add.f32 [tilespmem:s25], [sflag:$0x2], $0x20, s24, s24, $0xb8;
	[tilespmem:$0x1C8C0] =	vst v63  }
0x2e: {  	_ =	swait.ge [sflag:s17], $0x1000  }
0x2f: {  	s5 =	sshrl.u32 s15, $0x3;
	[sflag:s17] =	ssyncset.done $0x0  }
0x30: {  	s0 =	sadd.s32 s4, s5;
	[sflag:s17] =	ssyncadd.s32 $0xFFFFF000  }
0x31: {  	[tilespmem:s20], [sflag:$0x1] =	stream.strided.gather [hbm4b:s0+s18], $0x2000, s19, s18, $0x38;
	[tilespmem:$0x1C8C0] =	vst v63  }
0x32: {  	s9 =	sadd.s32 $0x20, s13  }
0x33: {  	[tilespmem:s3], [sflag:$0x1] =	stream.linear.gather [hbm4b:s9+s3], $0x100, $0x38;
	[tilespmem:$0x1C8C0] =	vst v63  }
0x34: {  	_ =	swait.ge [sflag:s23], $0x2000  }
0x35: {  	[sflag:s23] =	ssyncset.done $0x0  }
0x36: {  	[sflag:s23] =	ssyncadd.s32 $0xFFFFE000  }
0x37: {  	_ =	swait.ge [sflag:s23], $0x100  }
0x38: {  	[sflag:s23] =	ssyncset.done $0x0  }
0x39: {  	[sflag:s23] =	ssyncadd.s32 $0xFFFFFF00  }
0x3a: {  	[spmem:s2] =	stream.indirect.scatter.add.f32 [tilespmem:s21], [sflag:$0x2], $0x20, s22, s24, $0xb8;
	[tilespmem:$0x1C8C0] =	vst v63  }
0x3b: {  	_ =	swait.ge [sflag:s17], $0x1000  }
0x3c: {  	[sflag:s17] =	ssyncset.done $0x0  }
0x3d: {  	[sflag:s17] =	ssyncadd.s32 $0xFFFFF000  }
0x3e: {  	[spmem:s2] =	stream.indirect.scatter.add.f32 [tilespmem:s28], [sflag:$0x2], $0x20, s26, s24, $0xb8;
	[tilespmem:$0x1C8C0] =	vst v63  }
0x3f: {  	s30 =	sadd.s32 $0x40, s13;
	s31 =	sadd.s32 $0x8000, s15;
	_ =	swait.ge [sflag:s17], $0x1000  }
0x40: {  	s1 =	simm.s32 $0x2000;
	s0 =	simm.s32 $0x1000;
	[sflag:s17] =	ssyncset.done $0x0  }
.LBB2_2:
0x41: {  	s9 =	sadd.s32 s0, s14  }
0x42: {  	[sflag:s17] =	ssyncadd.s32 $0xFFFFF000;
	s0 =	smov.u32 s1;
	s5 =	sadd.s32 $0x1000, s1  }
0x43: {  	[tilespmem:s21], [sflag:$0x1] =	stream.strided.gather [hbm4b:s9+s18], $0x2000, s19, s18, $0x38;
	[tilespmem:$0x1C8C0] =	vst v63  }
0x44: {  	p0 =	sne.s32 s1, $0x62000  }
0x45: {  	[tilespmem:s22], [sflag:$0x1] =	stream.linear.gather [hbm4b:s30+s3], $0x100, $0x38;
	[tilespmem:$0x1C8C0] =	vst v63  }
0x46: {  	_ =	swait.ge [sflag:s23], $0x2000  }
0x47: {  	[sflag:s23] =	ssyncset.done $0x0  }
0x48: {  	[sflag:s23] =	ssyncadd.s32 $0xFFFFE000  }
0x49: {  	_ =	swait.ge [sflag:s23], $0x100  }
0x4a: {  	[sflag:s23] =	ssyncset.done $0x0  }
0x4b: {  	[sflag:s23] =	ssyncadd.s32 $0xFFFFFF00  }
0x4c: {  	[spmem:s2] =	stream.indirect.scatter.add.f32 [tilespmem:s20], [sflag:$0x2], $0x20, s3, s24, $0xb8;
	[tilespmem:$0x1C8C0] =	vst v63  }
0x4d: {  	_ =	swait.ge [sflag:s17], $0x1000  }
0x4e: {  	[sflag:s17] =	ssyncset.done $0x0  }
0x4f: {  	[sflag:s17] =	ssyncadd.s32 $0xFFFFF000  }
0x50: {  	[spmem:s2] =	stream.indirect.scatter.add.f32 [tilespmem:s25], [sflag:$0x2], $0x20, s24, s24, $0xb8;
	[tilespmem:$0x1C8C0] =	vst v63  }
0x51: {  	_ =	swait.ge [sflag:s17], $0x1000  }
0x52: {  	s1 =	sshrl.u32 s31, $0x3;
	[sflag:s17] =	ssyncset.done $0x0  }
0x53: {  	s1 =	sadd.s32 s4, s1;
	[sflag:s17] =	ssyncadd.s32 $0xFFFFF000  }
0x54: {  	[tilespmem:s20], [sflag:$0x1] =	stream.strided.gather [hbm4b:s1+s18], $0x2000, s19, s18, $0x38;
	[tilespmem:$0x1C8C0] =	vst v63  }
0x55: {  	s1 =	sadd.s32 $0x20, s30  }
0x56: {  	[tilespmem:s3], [sflag:$0x1] =	stream.linear.gather [hbm4b:s1+s3], $0x100, $0x38;
	[tilespmem:$0x1C8C0] =	vst v63  }
0x57: {  	_ =	swait.ge [sflag:s23], $0x2000  }
0x58: {  	[sflag:s23] =	ssyncset.done $0x0  }
0x59: {  	[sflag:s23] =	ssyncadd.s32 $0xFFFFE000  }
0x5a: {  	_ =	swait.ge [sflag:s23], $0x100  }
0x5b: {  	[sflag:s23] =	ssyncset.done $0x0  }
0x5c: {  	[sflag:s23] =	ssyncadd.s32 $0xFFFFFF00  }
0x5d: {  	[spmem:s2] =	stream.indirect.scatter.add.f32 [tilespmem:s21], [sflag:$0x2], $0x20, s22, s24, $0xb8;
	[tilespmem:$0x1C8C0] =	vst v63  }
0x5e: {  	_ =	swait.ge [sflag:s17], $0x1000  }
.Ltmp0:
0x5f: {  	[sflag:s17] =	ssyncset.done $0x0;
	(pc) =	sbr.rel @p0 .LBB2_2-.Ltmp0, $4  }
0x60: {  	[sflag:s17] =	ssyncadd.s32 $0xFFFFF000  }
0x61: {  	[spmem:s2] =	stream.indirect.scatter.add.f32 [tilespmem:s28], [sflag:$0x2], $0x20, s26, s24, $0xb8;
	[tilespmem:$0x1C8C0] =	vst v63  }
0x62: {  	s31 =	sadd.s32 $0x8000, s31;
	_ =	swait.ge [sflag:s17], $0x1000  }
0x63: {  	s30 =	sadd.s32 $0x40, s30;
	s1 =	smov.u32 s5;
	[sflag:s17] =	ssyncset.done $0x0  }
0x64: {  	s0 =	sadd.s32 s0, s14;
	[sflag:s17] =	ssyncadd.s32 $0xFFFFF000  }
0x65: {  	[tilespmem:s21], [sflag:$0x1] =	stream.strided.gather [hbm4b:s0+s18], $0x2000, s19, s18, $0x38;
	[tilespmem:$0x1C8C0] =	vst v63  }
0x66: {  	_ = 	snop  }
0x67: {  	[tilespmem:s22], [sflag:$0x1] =	stream.linear.gather [hbm4b:s30+s3], $0x100, $0x38;
	[tilespmem:$0x1C8C0] =	vst v63  }
0x68: {  	_ =	swait.ge [sflag:s23], $0x2000  }
0x69: {  	[sflag:s23] =	ssyncset.done $0x0  }
0x6a: {  	[sflag:s23] =	ssyncadd.s32 $0xFFFFE000  }
0x6b: {  	_ =	swait.ge [sflag:s23], $0x100  }
0x6c: {  	[sflag:s23] =	ssyncset.done $0x0  }
0x6d: {  	[sflag:s23] =	ssyncadd.s32 $0xFFFFFF00  }
0x6e: {  	[spmem:s2] =	stream.indirect.scatter.add.f32 [tilespmem:s20], [sflag:$0x2], $0x20, s3, s24, $0xb8;
	[tilespmem:$0x1C8C0] =	vst v63  }
0x6f: {  	_ =	swait.ge [sflag:s17], $0x1000  }
0x70: {  	[sflag:s17] =	ssyncset.done $0x0  }
0x71: {  	[sflag:s17] =	ssyncadd.s32 $0xFFFFF000  }
0x72: {  	[spmem:s2] =	stream.indirect.scatter.add.f32 [tilespmem:s25], [sflag:$0x2], $0x20, s24, s24, $0xb8;
	[tilespmem:$0x1C8C0] =	vst v63  }
0x73: {  	_ =	swait.ge [sflag:s17], $0x1000  }
0x74: {  	s9 =	sshrl.u32 s31, $0x3;
	[sflag:s17] =	ssyncset.done $0x0  }
0x75: {  	s0 =	sadd.s32 s4, s9;
	[sflag:s17] =	ssyncadd.s32 $0xFFFFF000  }
0x76: {  	[tilespmem:s20], [sflag:$0x1] =	stream.strided.gather [hbm4b:s0+s18], $0x2000, s19, s18, $0x38;
	[tilespmem:$0x1C8C0] =	vst v63  }
0x77: {  	s30 =	sadd.s32 $0x20, s30  }
0x78: {  	[tilespmem:s3], [sflag:$0x1] =	stream.linear.gather [hbm4b:s30+s3], $0x100, $0x38;
	[tilespmem:$0x1C8C0] =	vst v63  }
0x79: {  	_ =	swait.ge [sflag:s23], $0x2000  }
0x7a: {  	[sflag:s23] =	ssyncset.done $0x0  }
0x7b: {  	[sflag:s23] =	ssyncadd.s32 $0xFFFFE000  }
0x7c: {  	_ =	swait.ge [sflag:s23], $0x100  }
0x7d: {  	[sflag:s23] =	ssyncset.done $0x0  }
0x7e: {  	[sflag:s23] =	ssyncadd.s32 $0xFFFFFF00  }
0x7f: {  	[spmem:s2] =	stream.indirect.scatter.add.f32 [tilespmem:s21], [sflag:$0x2], $0x20, s22, s24, $0xb8;
	[tilespmem:$0x1C8C0] =	vst v63  }
0x80: {  	_ =	swait.ge [sflag:s17], $0x1000  }
0x81: {  	[sflag:s17] =	ssyncset.done $0x0  }
0x82: {  	[sflag:s17] =	ssyncadd.s32 $0xFFFFF000  }
0x83: {  	[spmem:s2] =	stream.indirect.scatter.add.f32 [tilespmem:s28], [sflag:$0x2], $0x20, s26, s24, $0xb8;
	[tilespmem:$0x1C8C0] =	vst v63  }
0x84: {  	_ =	swait.ge [sflag:s17], $0x1000  }
0x85: {  	[sflag:s17] =	ssyncset.done $0x0  }
0x86: {  	[sflag:s17] =	ssyncadd.s32 $0xFFFFF000  }
0x87: {  	[tilespmem:s21], [sflag:$0x1] =	stream.strided.gather [hbm4b:s11+s18], $0x2000, s19, s18, $0x38;
	[tilespmem:$0x1C8C0] =	vst v63  }
0x88: {  	_ = 	snop  }
0x89: {  	[tilespmem:s22], [sflag:$0x1] =	stream.linear.gather [hbm4b:s12+s3], $0x100, $0x38;
	[tilespmem:$0x1C8C0] =	vst v63  }
0x8a: {  	_ =	swait.ge [sflag:s23], $0x2000  }
0x8b: {  	[sflag:s23] =	ssyncset.done $0x0  }
0x8c: {  	[sflag:s23] =	ssyncadd.s32 $0xFFFFE000  }
0x8d: {  	_ =	swait.ge [sflag:s23], $0x100  }
0x8e: {  	[sflag:s23] =	ssyncset.done $0x0  }
0x8f: {  	[sflag:s23] =	ssyncadd.s32 $0xFFFFFF00  }
0x90: {  	[spmem:s2] =	stream.indirect.scatter.add.f32 [tilespmem:s20], [sflag:$0x2], $0x20, s3, s24, $0xb8;
	[tilespmem:$0x1C8C0] =	vst v63  }
0x91: {  	_ =	swait.ge [sflag:s17], $0x1000  }
0x92: {  	[sflag:s17] =	ssyncset.done $0x0  }
0x93: {  	[sflag:s17] =	ssyncadd.s32 $0xFFFFF000  }
0x94: {  	[spmem:s2] =	stream.indirect.scatter.add.f32 [tilespmem:s25], [sflag:$0x2], $0x20, s24, s24, $0xb8;
	[tilespmem:$0x1C8C0] =	vst v63  }
0x95: {  	_ =	swait.ge [sflag:s17], $0x1000  }
0x96: {  	[sflag:s17] =	ssyncset.done $0x0  }
0x97: {  	[sflag:s17] =	ssyncadd.s32 $0xFFFFF000  }
0x98: {  	_ =	swait.ge [sflag:s23], $0x2000  }
0x99: {  	[sflag:s23] =	ssyncset.done $0x0  }
0x9a: {  	[sflag:s23] =	ssyncadd.s32 $0xFFFFE000  }
0x9b: {  	_ =	swait.ge [sflag:s23], $0x100  }
0x9c: {  	[sflag:s23] =	ssyncset.done $0x0  }
0x9d: {  	[sflag:s23] =	ssyncadd.s32 $0xFFFFFF00  }
0x9e: {  	[spmem:s2] =	stream.indirect.scatter.add.f32 [tilespmem:s21], [sflag:$0x2], $0x20, s22, s24, $0xb8;
	[tilespmem:$0x1C8C0] =	vst v63  }
0x9f: {  	_ =	swait.ge [sflag:s17], $0x1000  }
0xa0: {  	[sflag:s17] =	ssyncset.done $0x0  }
0xa1: {  	[sflag:s17] =	ssyncadd.s32 $0xFFFFF000  }
0xa2: {  	[spmem:s2] =	stream.indirect.scatter.add.f32 [tilespmem:s28], [sflag:$0x2], $0x20, s26, s24, $0xb8;
	[tilespmem:$0x1C8C0] =	vst v63  }
0xa3: {  	_ =	swait.ge [sflag:s17], $0x1000  }
0xa4: {  	[sflag:s17] =	ssyncset.done $0x0  }
0xa5: {  	s29 =	sadd.s32 $0x1, s29;
	[sflag:s17] =	ssyncadd.s32 $0xFFFFF000  }
0xa6: {  	p0 =	sne.s32 s29, s10;
	[bflag:$0x0] =	sbarrier.arrive $0xFFFF  }
.Ltmp1:
0xa7: {  	s31 =	rddreg [dreg:$0x4];
	(pc) =	sbr.rel @p0 .LBB2_1-.Ltmp1, $4  }
0xa8: {  	[hbm:s31], [sflag:s6] =	dma.local [spmem:s16], $0x30D8  }
0xa9: {  	_ =	swait.ge [sflag:s17], $0x30D8  }
0xaa: {  	[sflag:s17] =	ssyncset.done $0x0  }
0xab: {  	[sflag:s17] =	ssyncadd.s32 $0xFFFFCF28  }
0xac: {  	_ =	sfence.sel $0x180000  }
0xad: {  	[bflag:$0x0] =	sbarrier.arrive $0xFFFF  }
0xae: {  	_ =	strace $0x9000004A  }
0xaf: {  	s0 =	stileid.u32;
	[bflag:$0x2] =	sbarrier.arrive $0xFFFF  }
0xb0: {  	p0 =	sne.s32 s0, $0x0;
	s0 =	rddreg [dreg:$0x2]  }
0xb1: {  	s0 =	sadd.s32 @!p0 $0x100000, s0  }
0xb2: {  	[sflag:s0] =	ssyncadd.tile.s32 @!p0 $0x1;
	_ =	shalt  }
.Lfunc_end2:
_tile_overlayer_lowered:
.L_overlay_start_2:
0xb3: {  	(tag) =	ssettag $0x2  }
0xb4: {  	s0 =	rddreg [dreg:$0x0];
	s2 =	stileid.u32  }
0xb5: {  	s1 =	rddreg [dreg:$0x1];
	p0 =	sne.s32 s2, $0x0  }
0xb6: {  	s3 =	rddreg [dreg:$0x2];
	[bflag:$0x3] =	sbarrier.arrive $0xFFFF;
	s2 =	simm.s32 @!p0 $0x1C02  }
0xb7: {  	[timem:s3], [sflag:s2] =	dma.local @!p0 [hbm:s0], s1  }
0xb8: {  	s0 =	simm.s32 @!p0 $0x2  }
0xb9: {  	_ =	swait.ge @!p0 [sflag:s0], s1  }
0xba: {  	s1 =	ssub.s32 @!p0 $0x0, s1;
	[sflag:s0] =	ssyncset.done @!p0 $0x0  }
0xbb: {  	[sflag:s0] =	ssyncadd.s32 @!p0 s1  }
0xbc: {  	[bflag:$0x3] =	sbarrier.arrive $0xFFFF  }
0xbd: {  	_ =	shalt  }

// kernel: kernel.19.cloned.1.call-start
scs
__scs_entry_jumppad:
0x0: {  	(pc) =	sbr.rel $0x88, $3  }
0x1: {  	(tag) =	ssettag $0x0;
	lr =	simm.s32 $0x1  }
0x2: {  	[smem:$0x3F7A] =	sst lr;
	_ =	strace $0xD0000000  }
0x3: {  	_ = 	snop  }
0x4: {  	_ = 	snop  }
0x5: {  	_ = 	snop  }
0x6: {  	_ = 	snop  }
0x7: {  	_ = 	snop  }
__scs_overlays_trampoline_lowered:
0x8: {  	[smem:$0x3F89] =	sst s0  }
0x9: {  	[smem:$0x3F8A] =	sst s1  }
0xa: {  	[smem:$0x3F8B] =	sst s2  }
0xb: {  	[smem:$0x3F8C] =	sst s3  }
0xc: {  	[smem:$0x3F8D] =	sst s4  }
0xd: {  	[smem:$0x3F8E] =	sst s5  }
0xe: {  	[smem:$0x3F8F] =	sst s6  }
0xf: {  	[smem:$0x3F90] =	sst s7  }
0x10: {  	[smem:$0x3F91] =	sst s8  }
0x11: {  	[smem:$0x3F92] =	sst s9;
	s0 =	simm.s32 @!p0 $0x0  }
0x12: {  	s1 =	sld [smem:$0x3F78];
	s0 =	simm.s32 @p0 $0x1  }
0x13: {  	[smem:$0x3F93] =	sst s0;
	s0 =	simm.s32 @!p1 $0x0  }
0x14: {  	s2 =	sld [smem:$0x3F77];
	s0 =	simm.s32 @p1 $0x1  }
0x15: {  	[smem:$0x3F94] =	sst s0;
	s0 =	simm.s32 @!p2 $0x0  }
0x16: {  	s3 =	sld [smem:$0x3FDB];
	s0 =	simm.s32 @p2 $0x1  }
0x17: {  	s4 =	simm.s32 $0x1BF5;
	[smem:$0x3F96] =	sst s0  }
0x18: {  	s0 =	sld [smem:$0x3F79];
	_ =	swait.ge [sflag:s4], $0x0  }
0x19: {  	s7 =	sld [smem:$0x3F7A]  }
0x1a: {  	s8 =	sadd.s32 $0xFFFFE003, lr  }
0x1b: {  	s9 =	sadd.s32 $0xFFFFFEF7, lr;
	s5 =	simm.s32 $0xFFFFFFFF;
	p2 =	slt.u32 s8, $0xFFFFF086  }
0x1c: {  	p1 =	slt.u32 s9, $0xF7A;
	s5 =	simm.s32 @!p2 $0x0  }
0x1d: {  	s5 =	simm.s32 @p1 $0x1;
	p0 =	seq.s32 s7, s2  }
0x1e: {  	s7 =	smul.u32 @!p0 $0xF7A, s2;
	p2 =	seq.s32 @!p0 s5, $0x0  }
0x1f: {  	s9 =	smul.u32 $0xF7A, s1;
	s8 =	simm.s32 @!p0 $0x1BF5;
	p2 =	por !p2, p0  }
0x20: {  	[sflag:s8] =	ssyncset.s32 @!p0 $0xFFFFF086;
	s6 =	sadd.s32 @!p0 s3, s7;
	s7 =	simm.s32 @!p0 $0x108  }
0x21: {  	s3 =	sadd.s32 s3, s9;
	s6 =	sadd.s32 @!p0 $0x88, s6;
	s7 =	simm.s32 @p2 $0x1082  }
0x22: {  	[simem:s7], [sflag:s8] =	dma.local @!p0 [hbm:s6], $0xF7A  }
0x23: {  	s9 =	sor.u32 $0xD0000000, s2;
	s6 =	simm.s32 $0x108;
	_ =	swait.ge @!p0 [sflag:s8], $0x0  }
0x24: {  	s3 =	sadd.s32 $0x88, s3;
	s6 =	simm.s32 @!p1 $0x1082;
	[sflag:s4] =	ssyncset.s32 $0xFFFFF086  }
0x25: {  	[simem:s6], [sflag:s4] =	dma.local [hbm:s3], $0xF7A  }
0x26: {  	[smem:$0x3F7A] =	sst s1;
	(tag) =	ssettag s2;
	_ =	strace s9  }
0x27: {  	s1 =	sld [smem:$0x3F8A]  }
0x28: {  	s2 =	sld [smem:$0x3F8B]  }
0x29: {  	s4 =	sld [smem:$0x3F8D]  }
0x2a: {  	p0 =	seq.s32 s5, $0x0;
	s5 =	sld [smem:$0x3F8E]  }
0x2b: {  	s6 =	sld [smem:$0x3F8F]  }
0x2c: {  	s7 =	sld [smem:$0x3F90]  }
0x2d: {  	s3 =	simm.s32 $0x108;
	s8 =	sld [smem:$0x3F91]  }
0x2e: {  	s3 =	simm.s32 @!p0 $0x1082;
	s9 =	sld [smem:$0x3F92]  }
0x2f: {  	lr =	sadd.s32 s0, s3;
	s0 =	sld [smem:$0x3F89]  }
0x30: {  	s3 =	sld [smem:$0x3F8C]  }
0x31: {  	[smem:$0x3F95] =	sst s10  }
0x32: {  	s10 =	sld [smem:$0x3F93];
	_ =	sdelay $0x3  }
0x33: {  	p0 =	seq.s32 s10, $0x1;
	s10 =	sld [smem:$0x3F95];
	_ =	sdelay $0x3  }
0x34: {  	[smem:$0x3F95] =	sst s10  }
0x35: {  	s10 =	sld [smem:$0x3F94];
	_ =	sdelay $0x3  }
0x36: {  	p1 =	seq.s32 s10, $0x1;
	s10 =	sld [smem:$0x3F95];
	_ =	sdelay $0x3  }
0x37: {  	[smem:$0x3F95] =	sst s10  }
0x38: {  	s10 =	sld [smem:$0x3F96]  }
0x39: {  	_ = 	snop;
	(pc) =	sbr.ind lr, $3  }
0x3a: {  	_ = 	snop  }
0x3b: {  	_ = 	snop  }
0x3c: {  	p2 =	seq.s32 s10, $0x1;
	s10 =	sld [smem:$0x3F95]  }
0x3d: {  	_ =	shalt  }
0x3e: {  	_ =	shalt  }
0x3f: {  	_ =	shalt  }
0x40: {  	_ =	shalt  }
0x41: {  	_ =	shalt  }
0x42: {  	_ =	shalt  }
0x43: {  	_ =	shalt  }
0x44: {  	_ =	shalt  }
0x45: {  	_ =	shalt  }
0x46: {  	_ =	shalt  }
0x47: {  	_ =	shalt  }
0x48: {  	_ =	shalt  }
0x49: {  	_ =	shalt  }
0x4a: {  	_ =	shalt  }
0x4b: {  	_ =	shalt  }
0x4c: {  	_ =	shalt  }
0x4d: {  	_ =	shalt  }
0x4e: {  	_ =	shalt  }
0x4f: {  	_ =	shalt  }
0x50: {  	_ =	shalt  }
0x51: {  	_ =	shalt  }
0x52: {  	_ =	shalt  }
0x53: {  	_ =	shalt  }
0x54: {  	_ =	shalt  }
0x55: {  	_ =	shalt  }
0x56: {  	_ =	shalt  }
0x57: {  	_ =	shalt  }
0x58: {  	_ =	shalt  }
0x59: {  	_ =	shalt  }
0x5a: {  	_ =	shalt  }
0x5b: {  	_ =	shalt  }
0x5c: {  	_ =	shalt  }
0x5d: {  	_ =	shalt  }
0x5e: {  	_ =	shalt  }
0x5f: {  	_ =	shalt  }
0x60: {  	_ =	shalt  }
0x61: {  	_ =	shalt  }
0x62: {  	_ =	shalt  }
0x63: {  	_ =	shalt  }
0x64: {  	_ =	shalt  }
0x65: {  	_ =	shalt  }
0x66: {  	_ =	shalt  }
0x67: {  	_ =	shalt  }
0x68: {  	_ =	shalt  }
0x69: {  	_ =	shalt  }
0x6a: {  	_ =	shalt  }
0x6b: {  	_ =	shalt  }
0x6c: {  	_ =	shalt  }
0x6d: {  	_ =	shalt  }
0x6e: {  	_ =	shalt  }
0x6f: {  	_ =	shalt  }
0x70: {  	_ =	shalt  }
0x71: {  	_ =	shalt  }
0x72: {  	_ =	shalt  }
0x73: {  	_ =	shalt  }
0x74: {  	_ =	shalt  }
0x75: {  	_ =	shalt  }
0x76: {  	_ =	shalt  }
0x77: {  	_ =	shalt  }
0x78: {  	_ =	shalt  }
0x79: {  	_ =	shalt  }
0x7a: {  	_ =	shalt  }
0x7b: {  	_ =	shalt  }
0x7c: {  	_ =	shalt  }
0x7d: {  	_ =	shalt  }
0x7e: {  	_ =	shalt  }
0x7f: {  	_ =	shalt  }
0x80: {  	_ =	shalt  }
0x81: {  	_ =	shalt  }
0x82: {  	_ =	shalt  }
0x83: {  	_ =	shalt  }
0x84: {  	_ =	shalt  }
0x85: {  	_ =	shalt  }
0x86: {  	_ =	shalt  }
0x87: {  	_ =	shalt  }
.Lfunc_end0:
.L_simem_size_0:
called_computation.2_lowered:
.L_overlay_start_0:
0x88: {  	s2 =	sld [smem:$0x3FD9]  }
0x89: {  	s3 =	sld [smem:$0x3FFE];
	_ =	sdelay $0x1  }
0x8a: {  	s1 =	srdreg.scid  }
0x8b: {  	s0 =	sand.u32 $0x1, s1  }
0x8c: {  	s16 =	sshll.u32 s0, $0xA;
	s2 =	sadd.s32 s3, s2  }
0x8d: {  	s2 =	sadd.s32 s2, s16  }
0x8e: {  	[smem:$0x3FA1] =	sst s2  }
0x8f: {  	_ = 	snop  }
0x90: {  	(tm) =	ssettm $0x1  }
0x91: {  	s17 =	sld [smem:$0x3FFB];
	_ =	sdelay $0x3  }
0x92: {  	_ =	strace s17  }
0x93: {  	s2 =	sld [smem:$0x3FFC];
	_ =	sdelay $0x3  }
0x94: {  	_ =	strace s2  }
0x95: {  	s2 =	sld [smem:$0x3FFD];
	_ =	sdelay $0x3  }
0x96: {  	_ =	strace s2  }
0x97: {  	_ =	strace $0x8FFFFFFF  }
0x98: {  	s18 =	sld [smem:$0x3FDB];
	_ =	sdelay $0x1  }
0x99: {  	s19 =	simm.s32 $_scs_section_size  }
0x9a: {  	s4 =	simm.s32 $_size__tile_overlayer_lowered;
	s5 =	simm.s32 $_tile_overlayer_lowered  }
0x9b: {  	s22 =	simm.s32 $0x1BFF;
	s21 =	sshll.u32 s5, $0x1;
	s2 =	sadd.s32 s19, s18  }
0x9c: {  	s6 =	simm.s32 $0x0;
	s20 =	sshll.u32 s4, $0x1;
	s4 =	sadd.s32 s21, s2  }
0x9d: {  	[timem:s6], [sflag:s22] =	dma.local [hbm:s4], s20  }
0x9e: {  	_ =	swait.ge [sflag:s22], s20  }
0x9f: {  	s3 =	ssub.s32 $0x0, s20;
	[sflag:s22] =	ssyncset.done $0x0  }
0xa0: {  	[sflag:s22] =	ssyncadd.s32 s3;
	_ =	sdelay $0x1  }
0xa1: {  	s23 =	simm.s32 $0x1B8B  }
0xa2: {  	_ =	swait.ge [sflag:s23], $0x1  }
0xa3: {  	[sflag:s23] =	ssyncset.done $0x0  }
0xa4: {  	s25 =	simm.s32 $0x1B8E;
	s24 =	sld [smem:$0x3FFE];
	[sflag:s23] =	ssyncadd.s32 $0xFFFFFFFF  }
0xa5: {  	s26 =	simm.s32 $execute0_lowered;
	[smem:$0x3FD2] =	sst s25  }
0xa6: {  	s4 =	sshll.u32 s26, $0x1;
	_ =	strace $0x8000004C;
	[dreg:$0x1] =	wrdreg $0xFFFFFFFF  }
0xa7: {  	s28 =	simm.s32 $_size_execute0_lowered;
	s2 =	sadd.s32 s2, s4;
	[dreg:$0x0] =	wrdreg $0x0  }
0xa8: {  	s4 =	sshll.u32 s28, $0x1;
	[dreg:$0x2] =	wrdreg s2  }
0xa9: {  	[dreg:$0x3] =	wrdreg s4  }
0xaa: {  	[dreg:$0x4] =	wrdreg $0xC0  }
0xab: {  	_ =	task [dreg:s6], $0x5FFFF  }
0xac: {  	[dreg:$0x1] =	wrdreg $0xFFFFFFFF  }
0xad: {  	[dreg:$0x0] =	wrdreg $0x60  }
0xae: {  	[dreg:$0x2] =	wrdreg s24  }
0xaf: {  	[dreg:$0x3] =	wrdreg $0x9  }
0xb0: {  	_ =	task.clear_ibuf [dreg:s6], $0x4FFFF;
	_ =	strace $0x9000004C  }
0xb1: {  	s29 =	simm.s32 $0x9;
	_ =	strace $0x8000004E  }
0xb2: {  	_ =	swait.ge [sflag:s29], $0x1  }
0xb3: {  	[sflag:s29] =	ssyncadd.s32 $0xFFFFFFFF  }
0xb4: {  	_ =	strace $0x9000004E  }
0xb5: {  	_ =	sfence  }
0xb6: {  	s30 =	sld [smem:$0x0];
	_ =	sdelay $0x2  }
0xb7: {  	s31 =	sshll.u32 s1, $0xD;
	s1 =	sshrl.u32 s1, $0x2  }
0xb8: {  	s3 =	sand.u32 $0x4000, s31;
	s1 =	sadd.s32 s1, s30  }
0xb9: {  	s0 =	sor.u32 s3, s0;
	s1 =	sshll.u32 s1, $0x11  }
0xba: {  	s0 =	sor.u32 s1, s0  }
0xbb: {  	s0 =	sadd.s32 $0x8F2B, s0  }
0xbc: {  	[sflag:s0] =	ssyncadd.remote.s32 $0x1  }
0xbd: {  	_ =	sfence.sel $0xFFFF  }
0xbe: {  	[dreg:$0x0] =	wrdreg $0xFFFFFFFF;
	(pc) =	sbr.abs _section_cstart, $3  }
0xbf: {  	[dreg:$0x1] =	wrdreg $0xFFFFFFFF  }
0xc0: {  	_ =	task.clear_ibuf [dreg:s6], $0x2FFFF;
	_ =	strace $0x9FFFFFFF  }
0xc1: {  	(tm) =	ssettm $0x7FFFFFFF  }
tec
execute0_lowered:
.L_overlay_start_1:
0x0: {  	(tag) =	ssettag $0x1  }
0x1: {  	s0 =	rddreg [dreg:$0x0];
	s1 =	srdreg.scid  }
0x2: {  	s2 =	simm.s32 $0x0;
	s4 =	stileid.u32;
	s14 =	simm.s32 $0x3  }
0x3: {  	s15 =	simm.s32 $0x80;
	s16 =	simm.s32 $0x400;
	s22 =	simm.s32 $0x10400  }
0x4: {  	s23 =	simm.s32 $0x200;
	s24 =	simm.s32 $0x8400;
	s25 =	simm.s32 $0x280  }
0x5: {  	s28 =	simm.s32 $0x300;
	s29 =	simm.s32 $0xC400;
	s1 =	sand.u32 $0x1, s1  }
0x6: {  	s30 =	simm.s32 $0x380;
	s31 =	simm.s32 $0xE400;
	s3 =	sshll.u32 s1, $0x4  }
0x7: {  	s17 =	simm.s32 $0x0;
	[smem:$0x7FF] =	sst s2;
	s10 =	sor.u32 s4, s3  }
0x8: {  	s5 =	sadd.s32 $0x6800, s0;
	s1 =	ssub.s32 $0x2, s1;
	s8 =	smul.u32 $0xC80, s10  }
0x9: {  	_ =	strace $0x8000004D;
	s7 =	sshrl.u32 s1, $0x1;
	s9 =	smul.u32 $0x32000, s10  }
0xa: {  	s3 =	sadd.s32 $0x7FE400, s0;
	s26 =	ssub.s32 s1, s7;
	s7 =	smul.u32 $0x6400, s10  }
0xb: {  	s6 =	sadd.s32 $0x985000, s0;
	s4 =	sadd.s32 $0x1BE400, s0;
	s10 =	smul.u32 $0x190000, s10  }
0xc: {  	s1 =	simm.s32 $0x2;
	s0 =	smax.u32 s26, $0x1;
	s26 =	simm.s32 $0xA400  }
0xd: {  	s8 =	sadd.s32 s5, s8;
	s9 =	sadd.s32 s4, s9;
	[dreg:$0x2] =	wrdreg s0  }
0xe: {  	s0 =	simm.s32 $0x1;
	s12 =	sadd.s32 $0x80, s8;
	s13 =	sadd.s32 $0x2000, s9  }
.LBB2_1:
0xf: {  	[tilespmem:s2], [sflag:$0x3] =	stream.linear.gather [hbm4b:s8+s2], $0x200, $0x38;
	[tilespmem:$0x18400] =	vst v63  }
0x10: {  	_ =	swait.ge [sflag:s14], $0x200  }
0x11: {  	[sflag:s14] =	ssyncset.done $0x0  }
0x12: {  	[sflag:s14] =	ssyncadd.s32 $0xFFFFFE00  }
0x13: {  	[tilespmem:s16], [sflag:$0x1] =	stream.indirect.gather [hbm4b:s3+s15], $0x40, s2, s15, $0xb8;
	[tilespmem:$0x18400] =	vst v63  }
0x14: {  	s11 =	simm.s32 $0x2400  }
0x15: {  	[tilespmem:s11], [sflag:$0x1] =	stream.indirect.gather [hbm4b:s3+s15], $0x40, s15, s15, $0xb8;
	[tilespmem:$0x18400] =	vst v63  }
0x16: {  	s19 =	simm.s32 $0x100;
	s18 =	simm.s32 $0x4400  }
0x17: {  	[tilespmem:s18], [sflag:$0x1] =	stream.indirect.gather [hbm4b:s3+s15], $0x40, s19, s15, $0xb8;
	[tilespmem:$0x18400] =	vst v63  }
0x18: {  	s20 =	simm.s32 $0x180;
	s21 =	simm.s32 $0x6400  }
0x19: {  	[tilespmem:s21], [sflag:$0x1] =	stream.indirect.gather [hbm4b:s3+s15], $0x40, s20, s15, $0xb8;
	[tilespmem:$0x18400] =	vst v63  }
0x1a: {  	s18 =	simm.s32 $0x0  }
0x1b: {  	[tilespmem:s22], [sflag:$0x2] =	stream.linear.gather [hbm4b:s9+s2], $0x8000, $0x38;
	[tilespmem:$0x18400] =	vst v63  }
.LBB2_2:
0x1c: {  	s19 =	sshllo.u32 s18, $0x1  }
0x1d: {  	s20 =	sshll.u32 s19, $0x9  }
0x1e: {  	s20 =	sadd.s32 s7, s20  }
0x1f: {  	s20 =	sshrl.u32 s20, $0x3  }
0x20: {  	s21 =	simm.s32 $0x0;
	s20 =	sadd.s32 s5, s20  }
0x21: {  	[tilespmem:s23], [sflag:$0x3] =	stream.linear.gather [hbm4b:s20+s21], $0x200, $0x38;
	[tilespmem:$0x18400] =	vst v63  }
0x22: {  	_ =	swait.ge [sflag:s14], $0x200  }
0x23: {  	[sflag:s14] =	ssyncset.done $0x0  }
0x24: {  	[sflag:s14] =	ssyncadd.s32 $0xFFFFFE00  }
0x25: {  	[tilespmem:s24], [sflag:$0x1] =	stream.indirect.gather [hbm4b:s3+s15], $0x40, s23, s15, $0xb8;
	[tilespmem:$0x18400] =	vst v63  }
0x26: {  	_ = 	snop  }
0x27: {  	[tilespmem:s26], [sflag:$0x1] =	stream.indirect.gather [hbm4b:s3+s15], $0x40, s25, s15, $0xb8;
	[tilespmem:$0x18400] =	vst v63  }
0x28: {  	_ = 	snop  }
0x29: {  	[tilespmem:s29], [sflag:$0x1] =	stream.indirect.gather [hbm4b:s3+s15], $0x40, s28, s15, $0xb8;
	[tilespmem:$0x18400] =	vst v63  }
0x2a: {  	_ = 	snop  }
0x2b: {  	[tilespmem:s31], [sflag:$0x1] =	stream.indirect.gather [hbm4b:s3+s15], $0x40, s30, s15, $0xb8;
	[tilespmem:$0x18400] =	vst v63  }
0x2c: {  	_ =	swait.ge [sflag:s0], $0x2000  }
0x2d: {  	[sflag:s0] =	ssyncset.done $0x0  }
0x2e: {  	[sflag:s0] =	ssyncadd.s32 $0xFFFFE000  }
0x2f: {  	_ =	swait.ge [sflag:s0], $0x2000  }
0x30: {  	[sflag:s0] =	ssyncset.done $0x0  }
0x31: {  	[sflag:s0] =	ssyncadd.s32 $0xFFFFE000  }
0x32: {  	_ =	swait.ge [sflag:s0], $0x2000  }
0x33: {  	[sflag:s0] =	ssyncset.done $0x0  }
0x34: {  	[sflag:s0] =	ssyncadd.s32 $0xFFFFE000  }
0x35: {  	_ =	swait.ge [sflag:s0], $0x2000  }
0x36: {  	[sflag:s0] =	ssyncset.done $0x0  }
0x37: {  	[sflag:s0] =	ssyncadd.s32 $0xFFFFE000  }
0x38: {  	_ =	swait.ge [sflag:s1], $0x8000  }
0x39: {  	[sflag:s1] =	ssyncset.done $0x0  }
0x3a: {  	s20 =	simm.s32 $0x0;
	[sflag:s1] =	ssyncadd.s32 $0xFFFF8000  }
0x3b: {  	v6 =	vld [tilespmem:s20+$0x10400]  }
0x3c: {  	v11 =	vld [tilespmem:s20+$0x10410]  }
0x3d: {  	v5 =	vld [tilespmem:s20+$0x10420]  }
0x3e: {  	v4 =	vld [tilespmem:s20+$0x10430]  }
0x3f: {  	v3 =	vld [tilespmem:s20+$0x10440]  }
0x40: {  	v2 =	vld [tilespmem:s20+$0x10450]  }
0x41: {  	v1 =	vld [tilespmem:s20+$0x10460]  }
0x42: {  	v0 =	vld [tilespmem:s20+$0x10470]  }
0x43: {  	v12 =	vld [tilespmem:s20+$0x400]  }
0x44: {  	v13 =	vld [tilespmem:s20+$0x410]  }
0x45: {  	v10 =	vld [tilespmem:s20+$0x420]  }
0x46: {  	v9 =	vld [tilespmem:s20+$0x430]  }
0x47: {  	v8 =	vld [tilespmem:s20+$0x440]  }
0x48: {  	v7 =	vld [tilespmem:s20+$0x450];
	v12 =	vadd.f32 v6, v12  }
0x49: {  	s21 =	simm.s32 $0x200;
	v11 =	vadd.f32 v11, v13;
	v6 =	vld [tilespmem:s20+$0x460]  }
.LBB2_3:
0x4a: {  	s11 =	sshra.s32 s21, $0x2;
	p0 =	sne.s32 s21, $0x1FE00;
	v12 =	vmax.f32 v12, $0.0e+00;
	v5 =	vadd.f32 v5, v10;
	v10 =	vld [tilespmem:s20+$0x470]  }
0x4b: {  	v13 =	vld [tilespmem:s11+$0x10400];
	[tilespmem:s20+$0x400] =	vst v12;
	v11 =	vmax.f32 v11, $0.0e+00;
	v4 =	vadd.f32 v4, v9  }
0x4c: {  	v14 =	vld [tilespmem:s11+$0x10410];
	[tilespmem:s20+$0x410] =	vst v11;
	v9 =	vmax.f32 v5, $0.0e+00;
	v3 =	vadd.f32 v3, v8  }
0x4d: {  	v5 =	vld [tilespmem:s11+$0x10420];
	[tilespmem:s20+$0x420] =	vst v9;
	v8 =	vmax.f32 v4, $0.0e+00;
	v2 =	vadd.f32 v2, v7  }
0x4e: {  	v4 =	vld [tilespmem:s11+$0x10430];
	[tilespmem:s20+$0x430] =	vst v8;
	v7 =	vmax.f32 v3, $0.0e+00;
	v1 =	vadd.f32 v1, v6  }
0x4f: {  	v3 =	vld [tilespmem:s11+$0x10440];
	[tilespmem:s20+$0x440] =	vst v7;
	v6 =	vmax.f32 v2, $0.0e+00;
	v0 =	vadd.f32 v0, v10  }
0x50: {  	v2 =	vld [tilespmem:s11+$0x10450];
	[tilespmem:s20+$0x450] =	vst v6;
	v6 =	vmax.f32 v1, $0.0e+00  }
0x51: {  	v1 =	vld [tilespmem:s11+$0x10460];
	[tilespmem:s20+$0x460] =	vst v6;
	v6 =	vmax.f32 v0, $0.0e+00  }
0x52: {  	v0 =	vld [tilespmem:s11+$0x10470];
	[tilespmem:s20+$0x470] =	vst v6;
	s20 =	smov.u32 s11  }
0x53: {  	v6 =	vld [tilespmem:s20+$0x400]  }
0x54: {  	v11 =	vld [tilespmem:s20+$0x410]  }
.Ltmp0:
0x55: {  	v10 =	vld [tilespmem:s20+$0x420];
	(pc) =	sbr.rel @p0 .LBB2_3-.Ltmp0, $4  }
0x56: {  	v9 =	vld [tilespmem:s20+$0x430]  }
0x57: {  	v8 =	vld [tilespmem:s20+$0x440]  }
0x58: {  	v12 =	vadd.f32 v13, v6;
	v7 =	vld [tilespmem:s20+$0x450]  }
0x59: {  	s21 =	sadd.s32 $0x200, s21;
	v11 =	vadd.f32 v14, v11;
	v6 =	vld [tilespmem:s20+$0x460]  }
0x5a: {  	v12 =	vmax.f32 v12, $0.0e+00;
	v5 =	vadd.f32 v5, v10;
	v10 =	vld [tilespmem:s20+$0x470]  }
0x5b: {  	[tilespmem:s20+$0x400] =	vst v12;
	v11 =	vmax.f32 v11, $0.0e+00;
	v4 =	vadd.f32 v4, v9  }
0x5c: {  	[tilespmem:s20+$0x410] =	vst v11;
	v5 =	vmax.f32 v5, $0.0e+00;
	v3 =	vadd.f32 v3, v8  }
0x5d: {  	[tilespmem:s20+$0x420] =	vst v5;
	v4 =	vmax.f32 v4, $0.0e+00;
	v2 =	vadd.f32 v2, v7  }
0x5e: {  	[tilespmem:s20+$0x430] =	vst v4;
	v3 =	vmax.f32 v3, $0.0e+00;
	v1 =	vadd.f32 v1, v6  }
0x5f: {  	s11 =	sshll.u32 s19, $0xF;
	[tilespmem:s20+$0x440] =	vst v3;
	v2 =	vmax.f32 v2, $0.0e+00;
	v0 =	vadd.f32 v0, v10  }
0x60: {  	s11 =	sadd.s32 s10, s11;
	[tilespmem:s20+$0x450] =	vst v2;
	v1 =	vmax.f32 v1, $0.0e+00  }
0x61: {  	s19 =	sshrl.u32 s11, $0x3;
	[tilespmem:s20+$0x460] =	vst v1;
	v0 =	vmax.f32 v0, $0.0e+00  }
0x62: {  	s21 =	sshll.u32 s18, $0x10;
	s11 =	sadd.s32 s4, s19;
	[tilespmem:s20+$0x470] =	vst v0  }
0x63: {  	[tilespmem:s22], [sflag:$0x2] =	stream.linear.gather [hbm4b:s11+s2], $0x8000, $0x38;
	[tilespmem:$0x18400] =	vst v63  }
0x64: {  	s11 =	sadd.s32 s10, s21  }
0x65: {  	s11 =	sshrl.u32 s11, $0x3  }
0x66: {  	s11 =	sadd.s32 s6, s11  }
0x67: {  	[hbm4b:s11+s2] =	stream.linear.scatter [tilespmem:s16], [sflag:$0x3], $0x8000, $0x38;
	[tilespmem:$0x18400] =	vst v63  }
0x68: {  	p0 =	seq.s32 s18, $0x18;
	_ =	swait.ge [sflag:s14], $0x8000  }
0x69: {  	s11 =	sshll.u32 @!p0 s18, $0x7;
	[sflag:s14] =	ssyncset.done $0x0  }
0x6a: {  	s20 =	simm.s32 @!p0 $0x0;
	s11 =	sadd.s32 @!p0 s12, s11;
	[sflag:s14] =	ssyncadd.s32 $0xFFFF8000  }
0x6b: {  	[tilespmem:s20], [sflag:$0x3] =	stream.linear.gather @!p0 [hbm4b:s11+s20], $0x200, $0x38;
	[tilespmem:$0x18400] =	vst v63  }
0x6c: {  	s11 =	simm.s32 @!p0 $0x3  }
0x6d: {  	_ =	swait.ge @!p0 [sflag:s11], $0x200  }
0x6e: {  	[sflag:s11] =	ssyncset.done @!p0 $0x0  }
0x6f: {  	s21 =	simm.s32 @!p0 $0x400;
	[sflag:s11] =	ssyncadd.s32 @!p0 $0xFFFFFE00;
	s11 =	simm.s32 @!p0 $0x80  }
0x70: {  	[tilespmem:s21], [sflag:$0x1] =	stream.indirect.gather @!p0 [hbm4b:s3+s11], $0x40, s20, s11, $0xb8;
	[tilespmem:$0x18400] =	vst v63  }
0x71: {  	s20 =	simm.s32 @!p0 $0x2400  }
0x72: {  	[tilespmem:s20], [sflag:$0x1] =	stream.indirect.gather @!p0 [hbm4b:s3+s11], $0x40, s11, s11, $0xb8;
	[tilespmem:$0x18400] =	vst v63  }
0x73: {  	s21 =	simm.s32 @!p0 $0x4400;
	s20 =	simm.s32 @!p0 $0x100  }
0x74: {  	[tilespmem:s21], [sflag:$0x1] =	stream.indirect.gather @!p0 [hbm4b:s3+s11], $0x40, s20, s11, $0xb8;
	[tilespmem:$0x18400] =	vst v63  }
0x75: {  	s20 =	simm.s32 @!p0 $0x180;
	s21 =	simm.s32 @!p0 $0x6400  }
0x76: {  	[tilespmem:s21], [sflag:$0x1] =	stream.indirect.gather @!p0 [hbm4b:s3+s11], $0x40, s20, s11, $0xb8;
	[tilespmem:$0x18400] =	vst v63  }
0x77: {  	_ =	swait.ge [sflag:s0], $0x2000  }
0x78: {  	[sflag:s0] =	ssyncset.done $0x0  }
0x79: {  	[sflag:s0] =	ssyncadd.s32 $0xFFFFE000  }
0x7a: {  	_ =	swait.ge [sflag:s0], $0x2000  }
0x7b: {  	[sflag:s0] =	ssyncset.done $0x0  }
0x7c: {  	[sflag:s0] =	ssyncadd.s32 $0xFFFFE000  }
0x7d: {  	_ =	swait.ge [sflag:s0], $0x2000  }
0x7e: {  	[sflag:s0] =	ssyncset.done $0x0  }
0x7f: {  	[sflag:s0] =	ssyncadd.s32 $0xFFFFE000  }
0x80: {  	_ =	swait.ge [sflag:s0], $0x2000  }
0x81: {  	[sflag:s0] =	ssyncset.done $0x0  }
0x82: {  	[sflag:s0] =	ssyncadd.s32 $0xFFFFE000  }
0x83: {  	_ =	swait.ge [sflag:s1], $0x8000  }
0x84: {  	[sflag:s1] =	ssyncset.done $0x0  }
0x85: {  	s20 =	simm.s32 $0x0;
	[sflag:s1] =	ssyncadd.s32 $0xFFFF8000  }
0x86: {  	v6 =	vld [tilespmem:s20+$0x10400]  }
0x87: {  	v11 =	vld [tilespmem:s20+$0x10410]  }
0x88: {  	v5 =	vld [tilespmem:s20+$0x10420]  }
0x89: {  	v4 =	vld [tilespmem:s20+$0x10430]  }
0x8a: {  	v3 =	vld [tilespmem:s20+$0x10440]  }
0x8b: {  	v2 =	vld [tilespmem:s20+$0x10450]  }
0x8c: {  	v1 =	vld [tilespmem:s20+$0x10460]  }
0x8d: {  	v0 =	vld [tilespmem:s20+$0x10470]  }
0x8e: {  	v12 =	vld [tilespmem:s20+$0x8400]  }
0x8f: {  	v13 =	vld [tilespmem:s20+$0x8410]  }
0x90: {  	v10 =	vld [tilespmem:s20+$0x8420]  }
0x91: {  	v9 =	vld [tilespmem:s20+$0x8430]  }
0x92: {  	v8 =	vld [tilespmem:s20+$0x8440]  }
0x93: {  	v7 =	vld [tilespmem:s20+$0x8450];
	v12 =	vadd.f32 v6, v12  }
0x94: {  	s21 =	simm.s32 $0x200;
	v11 =	vadd.f32 v11, v13;
	v6 =	vld [tilespmem:s20+$0x8460]  }
.LBB2_5:
0x95: {  	s11 =	sshra.s32 s21, $0x2;
	p1 =	sne.s32 s21, $0x1FE00;
	v12 =	vmax.f32 v12, $0.0e+00;
	v5 =	vadd.f32 v5, v10;
	v10 =	vld [tilespmem:s20+$0x8470]  }
0x96: {  	v13 =	vld [tilespmem:s11+$0x10400];
	[tilespmem:s20+$0x8400] =	vst v12;
	v11 =	vmax.f32 v11, $0.0e+00;
	v4 =	vadd.f32 v4, v9  }
0x97: {  	v14 =	vld [tilespmem:s11+$0x10410];
	[tilespmem:s20+$0x8410] =	vst v11;
	v9 =	vmax.f32 v5, $0.0e+00;
	v3 =	vadd.f32 v3, v8  }
0x98: {  	v5 =	vld [tilespmem:s11+$0x10420];
	[tilespmem:s20+$0x8420] =	vst v9;
	v8 =	vmax.f32 v4, $0.0e+00;
	v2 =	vadd.f32 v2, v7  }
0x99: {  	v4 =	vld [tilespmem:s11+$0x10430];
	[tilespmem:s20+$0x8430] =	vst v8;
	v7 =	vmax.f32 v3, $0.0e+00;
	v1 =	vadd.f32 v1, v6  }
0x9a: {  	v3 =	vld [tilespmem:s11+$0x10440];
	[tilespmem:s20+$0x8440] =	vst v7;
	v6 =	vmax.f32 v2, $0.0e+00;
	v0 =	vadd.f32 v0, v10  }
0x9b: {  	v2 =	vld [tilespmem:s11+$0x10450];
	[tilespmem:s20+$0x8450] =	vst v6;
	v6 =	vmax.f32 v1, $0.0e+00  }
0x9c: {  	v1 =	vld [tilespmem:s11+$0x10460];
	[tilespmem:s20+$0x8460] =	vst v6;
	v6 =	vmax.f32 v0, $0.0e+00  }
0x9d: {  	v0 =	vld [tilespmem:s11+$0x10470];
	[tilespmem:s20+$0x8470] =	vst v6;
	s20 =	smov.u32 s11  }
0x9e: {  	v6 =	vld [tilespmem:s20+$0x8400]  }
0x9f: {  	v11 =	vld [tilespmem:s20+$0x8410]  }
.Ltmp1:
0xa0: {  	v10 =	vld [tilespmem:s20+$0x8420];
	(pc) =	sbr.rel @p1 .LBB2_5-.Ltmp1, $4  }
0xa1: {  	v9 =	vld [tilespmem:s20+$0x8430]  }
0xa2: {  	v8 =	vld [tilespmem:s20+$0x8440]  }
0xa3: {  	v12 =	vadd.f32 v13, v6;
	v7 =	vld [tilespmem:s20+$0x8450]  }
0xa4: {  	s21 =	sadd.s32 $0x200, s21;
	v11 =	vadd.f32 v14, v11;
	v6 =	vld [tilespmem:s20+$0x8460]  }
0xa5: {  	v12 =	vmax.f32 v12, $0.0e+00;
	v5 =	vadd.f32 v5, v10;
	v63 =	vld [tilespmem:s20+$0x8470]  }
0xa6: {  	[tilespmem:s20+$0x8400] =	vst v12;
	v11 =	vmax.f32 v11, $0.0e+00;
	v4 =	vadd.f32 v4, v9  }
0xa7: {  	[tilespmem:s20+$0x8410] =	vst v11;
	v5 =	vmax.f32 v5, $0.0e+00;
	v3 =	vadd.f32 v3, v8  }
0xa8: {  	[tilespmem:s20+$0x8420] =	vst v5;
	v4 =	vmax.f32 v4, $0.0e+00;
	v2 =	vadd.f32 v2, v7  }
0xa9: {  	[tilespmem:s20+$0x8430] =	vst v4;
	v3 =	vmax.f32 v3, $0.0e+00;
	v1 =	vadd.f32 v1, v6  }
0xaa: {  	[tilespmem:s20+$0x8440] =	vst v3;
	v2 =	vmax.f32 v2, $0.0e+00;
	v0 =	vadd.f32 v0, v63  }
0xab: {  	[tilespmem:s20+$0x8450] =	vst v2;
	v1 =	vmax.f32 v1, $0.0e+00  }
0xac: {  	s11 =	sshll.u32 @!p0 s18, $0xD;
	s21 =	simm.s32 @!p0 $0x10400;
	[tilespmem:s20+$0x8460] =	vst v1;
	v0 =	vmax.f32 v0, $0.0e+00  }
0xad: {  	s18 =	sadd.s32 $0x1, s18;
	s11 =	sadd.s32 @!p0 s13, s11;
	[tilespmem:s20+$0x8470] =	vst v0;
	s20 =	simm.s32 @!p0 $0x0  }
0xae: {  	[tilespmem:s21], [sflag:$0x2] =	stream.linear.gather @!p0 [hbm4b:s11+s20], $0x8000, $0x38;
	[tilespmem:$0x18400] =	vst v63  }
0xaf: {  	p0 =	sne.s32 s18, $0x19  }
.Ltmp2:
0xb0: {  	s21 =	sadd.s32 s6, s19;
	(pc) =	sbr.rel @p0 .LBB2_2-.Ltmp2, $4  }
0xb1: {  	[hbm4b:s21+s2] =	stream.linear.scatter [tilespmem:s24], [sflag:$0x3], $0x8000, $0x38;
	[tilespmem:$0x18400] =	vst v63  }
0xb2: {  	_ =	swait.ge [sflag:s14], $0x8000  }
0xb3: {  	[sflag:s14] =	ssyncset.done $0x0  }
0xb4: {  	[sflag:s14] =	ssyncadd.s32 $0xFFFF8000  }
0xb5: {  	s17 =	sadd.s32 $0x1, s17;
	s11 =	rddreg [dreg:$0x2]  }
0xb6: {  	p0 =	sne.s32 s17, s11  }
.Ltmp3:
0xb7: {  	_ = 	snop;
	(pc) =	sbr.rel @p0 .LBB2_1-.Ltmp3, $1  }
0xb8: {  	_ =	sdelay $0x3  }
0xb9: {  	_ =	sfence.sel $0x180000  }
0xba: {  	[bflag:$0x0] =	sbarrier.arrive $0xFFFF  }
0xbb: {  	_ =	strace $0x9000004D  }
0xbc: {  	s0 =	stileid.u32;
	[bflag:$0x2] =	sbarrier.arrive $0xFFFF  }
0xbd: {  	p0 =	sne.s32 s0, $0x0;
	s0 =	rddreg [dreg:$0x1]  }
0xbe: {  	s0 =	sadd.s32 @!p0 $0x100000, s0  }
0xbf: {  	[sflag:s0] =	ssyncadd.tile.s32 @!p0 $0x1;
	_ =	shalt  }
.Lfunc_end2:
_tile_overlayer_lowered:
.L_overlay_start_2:
0xc0: {  	(tag) =	ssettag $0x2  }
0xc1: {  	s0 =	rddreg [dreg:$0x0];
	s2 =	stileid.u32  }
0xc2: {  	s1 =	rddreg [dreg:$0x1];
	p0 =	sne.s32 s2, $0x0  }
0xc3: {  	s3 =	rddreg [dreg:$0x2];
	[bflag:$0x3] =	sbarrier.arrive $0xFFFF;
	s2 =	simm.s32 @!p0 $0x1C03  }
0xc4: {  	[timem:s3], [sflag:s2] =	dma.local @!p0 [hbm:s0], s1  }
0xc5: {  	s0 =	simm.s32 @!p0 $0x3  }
0xc6: {  	_ =	swait.ge @!p0 [sflag:s0], s1  }
0xc7: {  	s1 =	ssub.s32 @!p0 $0x0, s1;
	[sflag:s0] =	ssyncset.done @!p0 $0x0  }
0xc8: {  	[sflag:s0] =	ssyncadd.s32 @!p0 s1  }
0xc9: {  	[bflag:$0x3] =	sbarrier.arrive $0xFFFF  }
0xca: {  	_ =	shalt  }

// kernel: kernel.22.cloned.1.call-start
scs
__scs_entry_jumppad:
0x0: {  	(pc) =	sbr.rel $0x88, $3  }
0x1: {  	(tag) =	ssettag $0x0;
	lr =	simm.s32 $0x1  }
0x2: {  	[smem:$0x3F7A] =	sst lr;
	_ =	strace $0xD0000000  }
0x3: {  	_ = 	snop  }
0x4: {  	_ = 	snop  }
0x5: {  	_ = 	snop  }
0x6: {  	_ = 	snop  }
0x7: {  	_ = 	snop  }
__scs_overlays_trampoline_lowered:
0x8: {  	[smem:$0x3F89] =	sst s0  }
0x9: {  	[smem:$0x3F8A] =	sst s1  }
0xa: {  	[smem:$0x3F8B] =	sst s2  }
0xb: {  	[smem:$0x3F8C] =	sst s3  }
0xc: {  	[smem:$0x3F8D] =	sst s4  }
0xd: {  	[smem:$0x3F8E] =	sst s5  }
0xe: {  	[smem:$0x3F8F] =	sst s6  }
0xf: {  	[smem:$0x3F90] =	sst s7  }
0x10: {  	[smem:$0x3F91] =	sst s8  }
0x11: {  	[smem:$0x3F92] =	sst s9;
	s0 =	simm.s32 @!p0 $0x0  }
0x12: {  	s1 =	sld [smem:$0x3F78];
	s0 =	simm.s32 @p0 $0x1  }
0x13: {  	[smem:$0x3F93] =	sst s0;
	s0 =	simm.s32 @!p1 $0x0  }
0x14: {  	s2 =	sld [smem:$0x3F77];
	s0 =	simm.s32 @p1 $0x1  }
0x15: {  	[smem:$0x3F94] =	sst s0;
	s0 =	simm.s32 @!p2 $0x0  }
0x16: {  	s3 =	sld [smem:$0x3FDB];
	s0 =	simm.s32 @p2 $0x1  }
0x17: {  	s4 =	simm.s32 $0x1BF5;
	[smem:$0x3F96] =	sst s0  }
0x18: {  	s0 =	sld [smem:$0x3F79];
	_ =	swait.ge [sflag:s4], $0x0  }
0x19: {  	s7 =	sld [smem:$0x3F7A]  }
0x1a: {  	s8 =	sadd.s32 $0xFFFFE003, lr  }
0x1b: {  	s9 =	sadd.s32 $0xFFFFFEF7, lr;
	s5 =	simm.s32 $0xFFFFFFFF;
	p2 =	slt.u32 s8, $0xFFFFF086  }
0x1c: {  	p1 =	slt.u32 s9, $0xF7A;
	s5 =	simm.s32 @!p2 $0x0  }
0x1d: {  	s5 =	simm.s32 @p1 $0x1;
	p0 =	seq.s32 s7, s2  }
0x1e: {  	s7 =	smul.u32 @!p0 $0xF7A, s2;
	p2 =	seq.s32 @!p0 s5, $0x0  }
0x1f: {  	s9 =	smul.u32 $0xF7A, s1;
	s8 =	simm.s32 @!p0 $0x1BF5;
	p2 =	por !p2, p0  }
0x20: {  	[sflag:s8] =	ssyncset.s32 @!p0 $0xFFFFF086;
	s6 =	sadd.s32 @!p0 s3, s7;
	s7 =	simm.s32 @!p0 $0x108  }
0x21: {  	s3 =	sadd.s32 s3, s9;
	s6 =	sadd.s32 @!p0 $0x88, s6;
	s7 =	simm.s32 @p2 $0x1082  }
0x22: {  	[simem:s7], [sflag:s8] =	dma.local @!p0 [hbm:s6], $0xF7A  }
0x23: {  	s9 =	sor.u32 $0xD0000000, s2;
	s6 =	simm.s32 $0x108;
	_ =	swait.ge @!p0 [sflag:s8], $0x0  }
0x24: {  	s3 =	sadd.s32 $0x88, s3;
	s6 =	simm.s32 @!p1 $0x1082;
	[sflag:s4] =	ssyncset.s32 $0xFFFFF086  }
0x25: {  	[simem:s6], [sflag:s4] =	dma.local [hbm:s3], $0xF7A  }
0x26: {  	[smem:$0x3F7A] =	sst s1;
	(tag) =	ssettag s2;
	_ =	strace s9  }
0x27: {  	s1 =	sld [smem:$0x3F8A]  }
0x28: {  	s2 =	sld [smem:$0x3F8B]  }
0x29: {  	s4 =	sld [smem:$0x3F8D]  }
0x2a: {  	p0 =	seq.s32 s5, $0x0;
	s5 =	sld [smem:$0x3F8E]  }
0x2b: {  	s6 =	sld [smem:$0x3F8F]  }
0x2c: {  	s7 =	sld [smem:$0x3F90]  }
0x2d: {  	s3 =	simm.s32 $0x108;
	s8 =	sld [smem:$0x3F91]  }
0x2e: {  	s3 =	simm.s32 @!p0 $0x1082;
	s9 =	sld [smem:$0x3F92]  }
0x2f: {  	lr =	sadd.s32 s0, s3;
	s0 =	sld [smem:$0x3F89]  }
0x30: {  	s3 =	sld [smem:$0x3F8C]  }
0x31: {  	[smem:$0x3F95] =	sst s10  }
0x32: {  	s10 =	sld [smem:$0x3F93];
	_ =	sdelay $0x3  }
0x33: {  	p0 =	seq.s32 s10, $0x1;
	s10 =	sld [smem:$0x3F95];
	_ =	sdelay $0x3  }
0x34: {  	[smem:$0x3F95] =	sst s10  }
0x35: {  	s10 =	sld [smem:$0x3F94];
	_ =	sdelay $0x3  }
0x36: {  	p1 =	seq.s32 s10, $0x1;
	s10 =	sld [smem:$0x3F95];
	_ =	sdelay $0x3  }
0x37: {  	[smem:$0x3F95] =	sst s10  }
0x38: {  	s10 =	sld [smem:$0x3F96]  }
0x39: {  	_ = 	snop;
	(pc) =	sbr.ind lr, $3  }
0x3a: {  	_ = 	snop  }
0x3b: {  	_ = 	snop  }
0x3c: {  	p2 =	seq.s32 s10, $0x1;
	s10 =	sld [smem:$0x3F95]  }
0x3d: {  	_ =	shalt  }
0x3e: {  	_ =	shalt  }
0x3f: {  	_ =	shalt  }
0x40: {  	_ =	shalt  }
0x41: {  	_ =	shalt  }
0x42: {  	_ =	shalt  }
0x43: {  	_ =	shalt  }
0x44: {  	_ =	shalt  }
0x45: {  	_ =	shalt  }
0x46: {  	_ =	shalt  }
0x47: {  	_ =	shalt  }
0x48: {  	_ =	shalt  }
0x49: {  	_ =	shalt  }
0x4a: {  	_ =	shalt  }
0x4b: {  	_ =	shalt  }
0x4c: {  	_ =	shalt  }
0x4d: {  	_ =	shalt  }
0x4e: {  	_ =	shalt  }
0x4f: {  	_ =	shalt  }
0x50: {  	_ =	shalt  }
0x51: {  	_ =	shalt  }
0x52: {  	_ =	shalt  }
0x53: {  	_ =	shalt  }
0x54: {  	_ =	shalt  }
0x55: {  	_ =	shalt  }
0x56: {  	_ =	shalt  }
0x57: {  	_ =	shalt  }
0x58: {  	_ =	shalt  }
0x59: {  	_ =	shalt  }
0x5a: {  	_ =	shalt  }
0x5b: {  	_ =	shalt  }
0x5c: {  	_ =	shalt  }
0x5d: {  	_ =	shalt  }
0x5e: {  	_ =	shalt  }
0x5f: {  	_ =	shalt  }
0x60: {  	_ =	shalt  }
0x61: {  	_ =	shalt  }
0x62: {  	_ =	shalt  }
0x63: {  	_ =	shalt  }
0x64: {  	_ =	shalt  }
0x65: {  	_ =	shalt  }
0x66: {  	_ =	shalt  }
0x67: {  	_ =	shalt  }
0x68: {  	_ =	shalt  }
0x69: {  	_ =	shalt  }
0x6a: {  	_ =	shalt  }
0x6b: {  	_ =	shalt  }
0x6c: {  	_ =	shalt  }
0x6d: {  	_ =	shalt  }
0x6e: {  	_ =	shalt  }
0x6f: {  	_ =	shalt  }
0x70: {  	_ =	shalt  }
0x71: {  	_ =	shalt  }
0x72: {  	_ =	shalt  }
0x73: {  	_ =	shalt  }
0x74: {  	_ =	shalt  }
0x75: {  	_ =	shalt  }
0x76: {  	_ =	shalt  }
0x77: {  	_ =	shalt  }
0x78: {  	_ =	shalt  }
0x79: {  	_ =	shalt  }
0x7a: {  	_ =	shalt  }
0x7b: {  	_ =	shalt  }
0x7c: {  	_ =	shalt  }
0x7d: {  	_ =	shalt  }
0x7e: {  	_ =	shalt  }
0x7f: {  	_ =	shalt  }
0x80: {  	_ =	shalt  }
0x81: {  	_ =	shalt  }
0x82: {  	_ =	shalt  }
0x83: {  	_ =	shalt  }
0x84: {  	_ =	shalt  }
0x85: {  	_ =	shalt  }
0x86: {  	_ =	shalt  }
0x87: {  	_ =	shalt  }
.Lfunc_end0:
.L_simem_size_0:
called_computation.3_lowered:
.L_overlay_start_0:
0x88: {  	s2 =	sld [smem:$0x3FD9]  }
0x89: {  	s3 =	sld [smem:$0x3FFE];
	_ =	sdelay $0x1  }
0x8a: {  	s1 =	srdreg.scid  }
0x8b: {  	s0 =	sand.u32 $0x1, s1  }
0x8c: {  	s16 =	sshll.u32 s0, $0xA;
	s2 =	sadd.s32 s3, s2  }
0x8d: {  	s2 =	sadd.s32 s2, s16  }
0x8e: {  	[smem:$0x3FA1] =	sst s2  }
0x8f: {  	_ = 	snop  }
0x90: {  	(tm) =	ssettm $0x1  }
0x91: {  	s17 =	sld [smem:$0x3FFB];
	_ =	sdelay $0x3  }
0x92: {  	_ =	strace s17  }
0x93: {  	s2 =	sld [smem:$0x3FFC];
	_ =	sdelay $0x3  }
0x94: {  	_ =	strace s2  }
0x95: {  	s2 =	sld [smem:$0x3FFD];
	_ =	sdelay $0x3  }
0x96: {  	_ =	strace s2  }
0x97: {  	_ =	strace $0x8FFFFFFF  }
0x98: {  	s18 =	sld [smem:$0x3FDB];
	_ =	sdelay $0x1  }
0x99: {  	s19 =	simm.s32 $_scs_section_size  }
0x9a: {  	s4 =	simm.s32 $_size__tile_overlayer_lowered;
	s5 =	simm.s32 $_tile_overlayer_lowered  }
0x9b: {  	s22 =	simm.s32 $0x1BFF;
	s21 =	sshll.u32 s5, $0x1;
	s2 =	sadd.s32 s19, s18  }
0x9c: {  	s6 =	simm.s32 $0x0;
	s20 =	sshll.u32 s4, $0x1;
	s4 =	sadd.s32 s21, s2  }
0x9d: {  	[timem:s6], [sflag:s22] =	dma.local [hbm:s4], s20  }
0x9e: {  	_ =	swait.ge [sflag:s22], s20  }
0x9f: {  	s3 =	ssub.s32 $0x0, s20;
	[sflag:s22] =	ssyncset.done $0x0  }
0xa0: {  	[sflag:s22] =	ssyncadd.s32 s3;
	_ =	sdelay $0x1  }
0xa1: {  	s23 =	simm.s32 $0x1B8B  }
0xa2: {  	_ =	swait.ge [sflag:s23], $0x1  }
0xa3: {  	[sflag:s23] =	ssyncset.done $0x0  }
0xa4: {  	s25 =	simm.s32 $0x1B8E;
	s24 =	sld [smem:$0x3FFE];
	[sflag:s23] =	ssyncadd.s32 $0xFFFFFFFF  }
0xa5: {  	s26 =	simm.s32 $execute0_lowered;
	[smem:$0x3FD2] =	sst s25  }
0xa6: {  	s4 =	sshll.u32 s26, $0x1;
	_ =	strace $0x8000004F;
	[dreg:$0x1] =	wrdreg $0xFFFFFFFF  }
0xa7: {  	s28 =	simm.s32 $_size_execute0_lowered;
	s2 =	sadd.s32 s2, s4;
	[dreg:$0x0] =	wrdreg $0x0  }
0xa8: {  	s4 =	sshll.u32 s28, $0x1;
	[dreg:$0x2] =	wrdreg s2  }
0xa9: {  	[dreg:$0x3] =	wrdreg s4  }
0xaa: {  	[dreg:$0x4] =	wrdreg $0xC0  }
0xab: {  	_ =	task [dreg:s6], $0x5FFFF  }
0xac: {  	[dreg:$0x1] =	wrdreg $0xFFFFFFFF  }
0xad: {  	[dreg:$0x0] =	wrdreg $0x60  }
0xae: {  	[dreg:$0x2] =	wrdreg s24  }
0xaf: {  	[dreg:$0x3] =	wrdreg $0x42000  }
0xb0: {  	[dreg:$0x4] =	wrdreg $0x9  }
0xb1: {  	_ =	task.clear_ibuf [dreg:s6], $0x5FFFF;
	_ =	strace $0x9000004F  }
0xb2: {  	s29 =	simm.s32 $0x9;
	_ =	strace $0x80000051  }
0xb3: {  	_ =	swait.ge [sflag:s29], $0x1  }
0xb4: {  	[sflag:s29] =	ssyncadd.s32 $0xFFFFFFFF  }
0xb5: {  	_ =	strace $0x90000051  }
0xb6: {  	_ =	sfence  }
0xb7: {  	s30 =	sld [smem:$0x0];
	_ =	sdelay $0x2  }
0xb8: {  	s31 =	sshll.u32 s1, $0xD;
	s1 =	sshrl.u32 s1, $0x2  }
0xb9: {  	s3 =	sand.u32 $0x4000, s31;
	s1 =	sadd.s32 s1, s30  }
0xba: {  	s0 =	sor.u32 s3, s0;
	s1 =	sshll.u32 s1, $0x11  }
0xbb: {  	s0 =	sor.u32 s1, s0  }
0xbc: {  	s0 =	sadd.s32 $0x8F2B, s0  }
0xbd: {  	[sflag:s0] =	ssyncadd.remote.s32 $0x1  }
0xbe: {  	_ =	sfence.sel $0xFFFF  }
0xbf: {  	[dreg:$0x0] =	wrdreg $0xFFFFFFFF;
	(pc) =	sbr.abs _section_cstart, $3  }
0xc0: {  	[dreg:$0x1] =	wrdreg $0xFFFFFFFF  }
0xc1: {  	_ =	task.clear_ibuf [dreg:s6], $0x2FFFF;
	_ =	strace $0x9FFFFFFF  }
0xc2: {  	(tm) =	ssettm $0x7FFFFFFF  }
0xc3: {  	_ =	shalt  }
tec
execute0_lowered:
.L_overlay_start_1:
0x0: {  	(tag) =	ssettag $0x1  }
0x1: {  	s0 =	rddreg [dreg:$0x0]  }
0x2: {  	s2 =	rddreg [dreg:$0x1]  }
0x3: {  	s11 =	stileid.u32;
	s1 =	srdreg.scid  }
0x4: {  	s3 =	simm.s32 $0x0;
	s17 =	simm.s32 $0x2;
	s18 =	simm.s32 $0x20  }
0x5: {  	s19 =	simm.s32 $0x40;
	s20 =	simm.s32 $0x200;
	s5 =	smul.u32 $0x186C0, s11  }
0x6: {  	s21 =	simm.s32 $0x2200;
	s28 =	simm.s32 $0x3200;
	s9 =	smul.u32 $0x320000, s11  }
0x7: {  	s29 =	simm.s32 $0x0;
	s1 =	sand.u32 $0x1, s1;
	s24 =	smul.u32 $0x1900, s11  }
0x8: {  	[smem:$0x7FF] =	sst s3;
	s25 =	sshll.u32 s11, $0x6;
	s11 =	smul.u32 $0xC800, s11  }
0x9: {  	s4 =	sadd.s32 $0x985000, s0;
	s12 =	sadd.s32 $0xCB400, s0;
	s6 =	smul.u32 $0x186C00, s1  }
0xa: {  	_ =	strace $0x80000050;
	s8 =	ssub.s32 $0x2, s1;
	s1 =	sshll.u32 s1, $0x5  }
0xb: {  	s7 =	sshrl.u32 s5, $0x3;
	s22 =	sshrl.u32 s8, $0x1;
	s1 =	sor.u32 s1, s9  }
0xc: {  	s30 =	sshrl.u32 s11, $0x3;
	s6 =	sadd.s32 s5, s6;
	s7 =	sadd.s32 s7, s0  }
0xd: {  	s10 =	ssub.s32 s8, s22;
	s5 =	sadd.s32 s5, s2;
	s26 =	sshrl.u32 s1, $0x3  }
0xe: {  	s8 =	sadd.s32 s12, s24;
	s14 =	sor.u32 $0x4000, s1;
	s15 =	sor.u32 $0x8000, s1  }
0xf: {  	s22 =	simm.s32 $0x100;
	s24 =	simm.s32 $0x80;
	s6 =	sshrl.u32 s6, $0x3  }
0x10: {  	s23 =	sadd.s32 $0x1F800, s7;
	s7 =	sadd.s32 s4, s26;
	s10 =	smax.u32 s10, $0x1  }
0x11: {  	s13 =	sadd.s32 $0x20, s8;
	s31 =	sshrl.u32 s14, $0x3;
	s16 =	sshrl.u32 s5, $0x3  }
0x12: {  	s26 =	simm.s32 $0x180;
	s0 =	sadd.s32 s6, s0;
	[dreg:$0x3] =	wrdreg s23  }
0x13: {  	s6 =	sor.u32 $0x1C02, s25;
	s11 =	sadd.s32 $0x63800, s7;
	s0 =	sadd.s32 $0xE4400, s0  }
0x14: {  	s14 =	sadd.s32 s31, s4;
	[dreg:$0x4] =	wrdreg s0;
	s0 =	sadd.s32 s12, s30  }
0x15: {  	s23 =	simm.s32 $0x1;
	s25 =	simm.s32 $0x1200;
	s12 =	sadd.s32 $0x18E0, s0  }
.LBB2_1:
0x16: {  	s0 =	rddreg [dreg:$0x3]  }
0x17: {  	[spmem:s16], [sflag:s6] =	dma.local [hbm:s0], $0x30D8  }
0x18: {  	_ =	swait.ge [sflag:s17], $0x30D8  }
0x19: {  	[sflag:s17] =	ssyncset.done $0x0  }
0x1a: {  	[sflag:s17] =	ssyncadd.s32 $0xFFFFCF28  }
0x1b: {  	[bflag:$0x0] =	sbarrier.arrive $0xFFFF  }
0x1c: {  	[tilespmem:s20], [sflag:$0x1] =	stream.strided.gather [hbm4b:s7+s18], $0x2000, s19, s18, $0x38;
	[tilespmem:$0x1C8C0] =	vst v63  }
0x1d: {  	_ = 	snop  }
0x1e: {  	[tilespmem:s3], [sflag:$0x1] =	stream.linear.gather [hbm4b:s8+s3], $0x100, $0x38;
	[tilespmem:$0x1C8C0] =	vst v63  }
0x1f: {  	s1 =	sadd.s32 $0x0, s14  }
0x20: {  	[tilespmem:s21], [sflag:$0x1] =	stream.strided.gather [hbm4b:s1+s18], $0x2000, s19, s18, $0x38;
	[tilespmem:$0x1C8C0] =	vst v63  }
0x21: {  	_ = 	snop  }
0x22: {  	[tilespmem:s22], [sflag:$0x1] =	stream.linear.gather [hbm4b:s13+s3], $0x100, $0x38;
	[tilespmem:$0x1C8C0] =	vst v63  }
0x23: {  	_ =	swait.ge [sflag:s23], $0x2000  }
0x24: {  	[sflag:s23] =	ssyncset.done $0x0  }
0x25: {  	[sflag:s23] =	ssyncadd.s32 $0xFFFFE000  }
0x26: {  	_ =	swait.ge [sflag:s23], $0x100  }
0x27: {  	[sflag:s23] =	ssyncset.done $0x0  }
0x28: {  	[sflag:s23] =	ssyncadd.s32 $0xFFFFFF00  }
0x29: {  	[spmem:s2] =	stream.indirect.scatter.add.f32 [tilespmem:s20], [sflag:$0x2], $0x20, s3, s24, $0xb8;
	[tilespmem:$0x1C8C0] =	vst v63  }
0x2a: {  	_ =	swait.ge [sflag:s17], $0x1000  }
0x2b: {  	[sflag:s17] =	ssyncset.done $0x0  }
0x2c: {  	[sflag:s17] =	ssyncadd.s32 $0xFFFFF000  }
0x2d: {  	[spmem:s2] =	stream.indirect.scatter.add.f32 [tilespmem:s25], [sflag:$0x2], $0x20, s24, s24, $0xb8;
	[tilespmem:$0x1C8C0] =	vst v63  }
0x2e: {  	_ =	swait.ge [sflag:s17], $0x1000  }
0x2f: {  	s5 =	sshrl.u32 s15, $0x3;
	[sflag:s17] =	ssyncset.done $0x0  }
0x30: {  	s0 =	sadd.s32 s4, s5;
	[sflag:s17] =	ssyncadd.s32 $0xFFFFF000  }
0x31: {  	[tilespmem:s20], [sflag:$0x1] =	stream.strided.gather [hbm4b:s0+s18], $0x2000, s19, s18, $0x38;
	[tilespmem:$0x1C8C0] =	vst v63  }
0x32: {  	s9 =	sadd.s32 $0x20, s13  }
0x33: {  	[tilespmem:s3], [sflag:$0x1] =	stream.linear.gather [hbm4b:s9+s3], $0x100, $0x38;
	[tilespmem:$0x1C8C0] =	vst v63  }
0x34: {  	_ =	swait.ge [sflag:s23], $0x2000  }
0x35: {  	[sflag:s23] =	ssyncset.done $0x0  }
0x36: {  	[sflag:s23] =	ssyncadd.s32 $0xFFFFE000  }
0x37: {  	_ =	swait.ge [sflag:s23], $0x100  }
0x38: {  	[sflag:s23] =	ssyncset.done $0x0  }
0x39: {  	[sflag:s23] =	ssyncadd.s32 $0xFFFFFF00  }
0x3a: {  	[spmem:s2] =	stream.indirect.scatter.add.f32 [tilespmem:s21], [sflag:$0x2], $0x20, s22, s24, $0xb8;
	[tilespmem:$0x1C8C0] =	vst v63  }
0x3b: {  	_ =	swait.ge [sflag:s17], $0x1000  }
0x3c: {  	[sflag:s17] =	ssyncset.done $0x0  }
0x3d: {  	[sflag:s17] =	ssyncadd.s32 $0xFFFFF000  }
0x3e: {  	[spmem:s2] =	stream.indirect.scatter.add.f32 [tilespmem:s28], [sflag:$0x2], $0x20, s26, s24, $0xb8;
	[tilespmem:$0x1C8C0] =	vst v63  }
0x3f: {  	s30 =	sadd.s32 $0x40, s13;
	s31 =	sadd.s32 $0x8000, s15;
	_ =	swait.ge [sflag:s17], $0x1000  }
0x40: {  	s1 =	simm.s32 $0x2000;
	s0 =	simm.s32 $0x1000;
	[sflag:s17] =	ssyncset.done $0x0  }
.LBB2_2:
0x41: {  	s9 =	sadd.s32 s0, s14  }
0x42: {  	[sflag:s17] =	ssyncadd.s32 $0xFFFFF000;
	s0 =	smov.u32 s1;
	s5 =	sadd.s32 $0x1000, s1  }
0x43: {  	[tilespmem:s21], [sflag:$0x1] =	stream.strided.gather [hbm4b:s9+s18], $0x2000, s19, s18, $0x38;
	[tilespmem:$0x1C8C0] =	vst v63  }
0x44: {  	p0 =	sne.s32 s1, $0x62000  }
0x45: {  	[tilespmem:s22], [sflag:$0x1] =	stream.linear.gather [hbm4b:s30+s3], $0x100, $0x38;
	[tilespmem:$0x1C8C0] =	vst v63  }
0x46: {  	_ =	swait.ge [sflag:s23], $0x2000  }
0x47: {  	[sflag:s23] =	ssyncset.done $0x0  }
0x48: {  	[sflag:s23] =	ssyncadd.s32 $0xFFFFE000  }
0x49: {  	_ =	swait.ge [sflag:s23], $0x100  }
0x4a: {  	[sflag:s23] =	ssyncset.done $0x0  }
0x4b: {  	[sflag:s23] =	ssyncadd.s32 $0xFFFFFF00  }
0x4c: {  	[spmem:s2] =	stream.indirect.scatter.add.f32 [tilespmem:s20], [sflag:$0x2], $0x20, s3, s24, $0xb8;
	[tilespmem:$0x1C8C0] =	vst v63  }
0x4d: {  	_ =	swait.ge [sflag:s17], $0x1000  }
0x4e: {  	[sflag:s17] =	ssyncset.done $0x0  }
0x4f: {  	[sflag:s17] =	ssyncadd.s32 $0xFFFFF000  }
0x50: {  	[spmem:s2] =	stream.indirect.scatter.add.f32 [tilespmem:s25], [sflag:$0x2], $0x20, s24, s24, $0xb8;
	[tilespmem:$0x1C8C0] =	vst v63  }
0x51: {  	_ =	swait.ge [sflag:s17], $0x1000  }
0x52: {  	s1 =	sshrl.u32 s31, $0x3;
	[sflag:s17] =	ssyncset.done $0x0  }
0x53: {  	s1 =	sadd.s32 s4, s1;
	[sflag:s17] =	ssyncadd.s32 $0xFFFFF000  }
0x54: {  	[tilespmem:s20], [sflag:$0x1] =	stream.strided.gather [hbm4b:s1+s18], $0x2000, s19, s18, $0x38;
	[tilespmem:$0x1C8C0] =	vst v63  }
0x55: {  	s1 =	sadd.s32 $0x20, s30  }
0x56: {  	[tilespmem:s3], [sflag:$0x1] =	stream.linear.gather [hbm4b:s1+s3], $0x100, $0x38;
	[tilespmem:$0x1C8C0] =	vst v63  }
0x57: {  	_ =	swait.ge [sflag:s23], $0x2000  }
0x58: {  	[sflag:s23] =	ssyncset.done $0x0  }
0x59: {  	[sflag:s23] =	ssyncadd.s32 $0xFFFFE000  }
0x5a: {  	_ =	swait.ge [sflag:s23], $0x100  }
0x5b: {  	[sflag:s23] =	ssyncset.done $0x0  }
0x5c: {  	[sflag:s23] =	ssyncadd.s32 $0xFFFFFF00  }
0x5d: {  	[spmem:s2] =	stream.indirect.scatter.add.f32 [tilespmem:s21], [sflag:$0x2], $0x20, s22, s24, $0xb8;
	[tilespmem:$0x1C8C0] =	vst v63  }
0x5e: {  	_ =	swait.ge [sflag:s17], $0x1000  }
.Ltmp0:
0x5f: {  	[sflag:s17] =	ssyncset.done $0x0;
	(pc) =	sbr.rel @p0 .LBB2_2-.Ltmp0, $4  }
0x60: {  	[sflag:s17] =	ssyncadd.s32 $0xFFFFF000  }
0x61: {  	[spmem:s2] =	stream.indirect.scatter.add.f32 [tilespmem:s28], [sflag:$0x2], $0x20, s26, s24, $0xb8;
	[tilespmem:$0x1C8C0] =	vst v63  }
0x62: {  	s31 =	sadd.s32 $0x8000, s31;
	_ =	swait.ge [sflag:s17], $0x1000  }
0x63: {  	s30 =	sadd.s32 $0x40, s30;
	s1 =	smov.u32 s5;
	[sflag:s17] =	ssyncset.done $0x0  }
0x64: {  	s0 =	sadd.s32 s0, s14;
	[sflag:s17] =	ssyncadd.s32 $0xFFFFF000  }
0x65: {  	[tilespmem:s21], [sflag:$0x1] =	stream.strided.gather [hbm4b:s0+s18], $0x2000, s19, s18, $0x38;
	[tilespmem:$0x1C8C0] =	vst v63  }
0x66: {  	_ = 	snop  }
0x67: {  	[tilespmem:s22], [sflag:$0x1] =	stream.linear.gather [hbm4b:s30+s3], $0x100, $0x38;
	[tilespmem:$0x1C8C0] =	vst v63  }
0x68: {  	_ =	swait.ge [sflag:s23], $0x2000  }
0x69: {  	[sflag:s23] =	ssyncset.done $0x0  }
0x6a: {  	[sflag:s23] =	ssyncadd.s32 $0xFFFFE000  }
0x6b: {  	_ =	swait.ge [sflag:s23], $0x100  }
0x6c: {  	[sflag:s23] =	ssyncset.done $0x0  }
0x6d: {  	[sflag:s23] =	ssyncadd.s32 $0xFFFFFF00  }
0x6e: {  	[spmem:s2] =	stream.indirect.scatter.add.f32 [tilespmem:s20], [sflag:$0x2], $0x20, s3, s24, $0xb8;
	[tilespmem:$0x1C8C0] =	vst v63  }
0x6f: {  	_ =	swait.ge [sflag:s17], $0x1000  }
0x70: {  	[sflag:s17] =	ssyncset.done $0x0  }
0x71: {  	[sflag:s17] =	ssyncadd.s32 $0xFFFFF000  }
0x72: {  	[spmem:s2] =	stream.indirect.scatter.add.f32 [tilespmem:s25], [sflag:$0x2], $0x20, s24, s24, $0xb8;
	[tilespmem:$0x1C8C0] =	vst v63  }
0x73: {  	_ =	swait.ge [sflag:s17], $0x1000  }
0x74: {  	s9 =	sshrl.u32 s31, $0x3;
	[sflag:s17] =	ssyncset.done $0x0  }
0x75: {  	s0 =	sadd.s32 s4, s9;
	[sflag:s17] =	ssyncadd.s32 $0xFFFFF000  }
0x76: {  	[tilespmem:s20], [sflag:$0x1] =	stream.strided.gather [hbm4b:s0+s18], $0x2000, s19, s18, $0x38;
	[tilespmem:$0x1C8C0] =	vst v63  }
0x77: {  	s30 =	sadd.s32 $0x20, s30  }
0x78: {  	[tilespmem:s3], [sflag:$0x1] =	stream.linear.gather [hbm4b:s30+s3], $0x100, $0x38;
	[tilespmem:$0x1C8C0] =	vst v63  }
0x79: {  	_ =	swait.ge [sflag:s23], $0x2000  }
0x7a: {  	[sflag:s23] =	ssyncset.done $0x0  }
0x7b: {  	[sflag:s23] =	ssyncadd.s32 $0xFFFFE000  }
0x7c: {  	_ =	swait.ge [sflag:s23], $0x100  }
0x7d: {  	[sflag:s23] =	ssyncset.done $0x0  }
0x7e: {  	[sflag:s23] =	ssyncadd.s32 $0xFFFFFF00  }
0x7f: {  	[spmem:s2] =	stream.indirect.scatter.add.f32 [tilespmem:s21], [sflag:$0x2], $0x20, s22, s24, $0xb8;
	[tilespmem:$0x1C8C0] =	vst v63  }
0x80: {  	_ =	swait.ge [sflag:s17], $0x1000  }
0x81: {  	[sflag:s17] =	ssyncset.done $0x0  }
0x82: {  	[sflag:s17] =	ssyncadd.s32 $0xFFFFF000  }
0x83: {  	[spmem:s2] =	stream.indirect.scatter.add.f32 [tilespmem:s28], [sflag:$0x2], $0x20, s26, s24, $0xb8;
	[tilespmem:$0x1C8C0] =	vst v63  }
0x84: {  	_ =	swait.ge [sflag:s17], $0x1000  }
0x85: {  	[sflag:s17] =	ssyncset.done $0x0  }
0x86: {  	[sflag:s17] =	ssyncadd.s32 $0xFFFFF000  }
0x87: {  	[tilespmem:s21], [sflag:$0x1] =	stream.strided.gather [hbm4b:s11+s18], $0x2000, s19, s18, $0x38;
	[tilespmem:$0x1C8C0] =	vst v63  }
0x88: {  	_ = 	snop  }
0x89: {  	[tilespmem:s22], [sflag:$0x1] =	stream.linear.gather [hbm4b:s12+s3], $0x100, $0x38;
	[tilespmem:$0x1C8C0] =	vst v63  }
0x8a: {  	_ =	swait.ge [sflag:s23], $0x2000  }
0x8b: {  	[sflag:s23] =	ssyncset.done $0x0  }
0x8c: {  	[sflag:s23] =	ssyncadd.s32 $0xFFFFE000  }
0x8d: {  	_ =	swait.ge [sflag:s23], $0x100  }
0x8e: {  	[sflag:s23] =	ssyncset.done $0x0  }
0x8f: {  	[sflag:s23] =	ssyncadd.s32 $0xFFFFFF00  }
0x90: {  	[spmem:s2] =	stream.indirect.scatter.add.f32 [tilespmem:s20], [sflag:$0x2], $0x20, s3, s24, $0xb8;
	[tilespmem:$0x1C8C0] =	vst v63  }
0x91: {  	_ =	swait.ge [sflag:s17], $0x1000  }
0x92: {  	[sflag:s17] =	ssyncset.done $0x0  }
0x93: {  	[sflag:s17] =	ssyncadd.s32 $0xFFFFF000  }
0x94: {  	[spmem:s2] =	stream.indirect.scatter.add.f32 [tilespmem:s25], [sflag:$0x2], $0x20, s24, s24, $0xb8;
	[tilespmem:$0x1C8C0] =	vst v63  }
0x95: {  	_ =	swait.ge [sflag:s17], $0x1000  }
0x96: {  	[sflag:s17] =	ssyncset.done $0x0  }
0x97: {  	[sflag:s17] =	ssyncadd.s32 $0xFFFFF000  }
0x98: {  	_ =	swait.ge [sflag:s23], $0x2000  }
0x99: {  	[sflag:s23] =	ssyncset.done $0x0  }
0x9a: {  	[sflag:s23] =	ssyncadd.s32 $0xFFFFE000  }
0x9b: {  	_ =	swait.ge [sflag:s23], $0x100  }
0x9c: {  	[sflag:s23] =	ssyncset.done $0x0  }
0x9d: {  	[sflag:s23] =	ssyncadd.s32 $0xFFFFFF00  }
0x9e: {  	[spmem:s2] =	stream.indirect.scatter.add.f32 [tilespmem:s21], [sflag:$0x2], $0x20, s22, s24, $0xb8;
	[tilespmem:$0x1C8C0] =	vst v63  }
0x9f: {  	_ =	swait.ge [sflag:s17], $0x1000  }
0xa0: {  	[sflag:s17] =	ssyncset.done $0x0  }
0xa1: {  	[sflag:s17] =	ssyncadd.s32 $0xFFFFF000  }
0xa2: {  	[spmem:s2] =	stream.indirect.scatter.add.f32 [tilespmem:s28], [sflag:$0x2], $0x20, s26, s24, $0xb8;
	[tilespmem:$0x1C8C0] =	vst v63  }
0xa3: {  	_ =	swait.ge [sflag:s17], $0x1000  }
0xa4: {  	[sflag:s17] =	ssyncset.done $0x0  }
0xa5: {  	s29 =	sadd.s32 $0x1, s29;
	[sflag:s17] =	ssyncadd.s32 $0xFFFFF000  }
0xa6: {  	p0 =	sne.s32 s29, s10;
	[bflag:$0x0] =	sbarrier.arrive $0xFFFF  }
.Ltmp1:
0xa7: {  	s31 =	rddreg [dreg:$0x4];
	(pc) =	sbr.rel @p0 .LBB2_1-.Ltmp1, $4  }
0xa8: {  	[hbm:s31], [sflag:s6] =	dma.local [spmem:s16], $0x30D8  }
0xa9: {  	_ =	swait.ge [sflag:s17], $0x30D8  }
0xaa: {  	[sflag:s17] =	ssyncset.done $0x0  }
0xab: {  	[sflag:s17] =	ssyncadd.s32 $0xFFFFCF28  }
0xac: {  	_ =	sfence.sel $0x180000  }
0xad: {  	[bflag:$0x0] =	sbarrier.arrive $0xFFFF  }
0xae: {  	_ =	strace $0x90000050  }
0xaf: {  	s0 =	stileid.u32;
	[bflag:$0x2] =	sbarrier.arrive $0xFFFF  }
0xb0: {  	p0 =	sne.s32 s0, $0x0;
	s0 =	rddreg [dreg:$0x2]  }
0xb1: {  	s0 =	sadd.s32 @!p0 $0x100000, s0  }
0xb2: {  	[sflag:s0] =	ssyncadd.tile.s32 @!p0 $0x1;
	_ =	shalt  }
.Lfunc_end2:
_tile_overlayer_lowered:
.L_overlay_start_2:
0xb3: {  	(tag) =	ssettag $0x2  }
0xb4: {  	s0 =	rddreg [dreg:$0x0];
	s2 =	stileid.u32  }
0xb5: {  	s1 =	rddreg [dreg:$0x1];
	p0 =	sne.s32 s2, $0x0  }
0xb6: {  	s3 =	rddreg [dreg:$0x2];
	[bflag:$0x3] =	sbarrier.arrive $0xFFFF;
	s2 =	simm.s32 @!p0 $0x1C02  }
0xb7: {  	[timem:s3], [sflag:s2] =	dma.local @!p0 [hbm:s0], s1  }
0xb8: {  	s0 =	simm.s32 @!p0 $0x2  }
0xb9: {  	_ =	swait.ge @!p0 [sflag:s0], s1  }
0xba: {  	s1 =	ssub.s32 @!p0 $0x0, s1;
	[sflag:s0] =	ssyncset.done @!p0 $0x0  }
0xbb: {  	[sflag:s0] =	ssyncadd.s32 @!p0 s1  }
0xbc: {  	[bflag:$0x3] =	sbarrier.arrive $0xFFFF  }
0xbd: {  	_ =	shalt  }

// kernel: kernel.25.cloned.1.call-start
scs
__scs_entry_jumppad:
0x0: {  	(pc) =	sbr.rel $0x88, $3  }
0x1: {  	(tag) =	ssettag $0x0;
	lr =	simm.s32 $0x1  }
0x2: {  	[smem:$0x3F7A] =	sst lr;
	_ =	strace $0xD0000000  }
0x3: {  	_ = 	snop  }
0x4: {  	_ = 	snop  }
0x5: {  	_ = 	snop  }
0x6: {  	_ = 	snop  }
0x7: {  	_ = 	snop  }
__scs_overlays_trampoline_lowered:
0x8: {  	[smem:$0x3F89] =	sst s0  }
0x9: {  	[smem:$0x3F8A] =	sst s1  }
0xa: {  	[smem:$0x3F8B] =	sst s2  }
0xb: {  	[smem:$0x3F8C] =	sst s3  }
0xc: {  	[smem:$0x3F8D] =	sst s4  }
0xd: {  	[smem:$0x3F8E] =	sst s5  }
0xe: {  	[smem:$0x3F8F] =	sst s6  }
0xf: {  	[smem:$0x3F90] =	sst s7  }
0x10: {  	[smem:$0x3F91] =	sst s8  }
0x11: {  	[smem:$0x3F92] =	sst s9;
	s0 =	simm.s32 @!p0 $0x0  }
0x12: {  	s1 =	sld [smem:$0x3F78];
	s0 =	simm.s32 @p0 $0x1  }
0x13: {  	[smem:$0x3F93] =	sst s0;
	s0 =	simm.s32 @!p1 $0x0  }
0x14: {  	s2 =	sld [smem:$0x3F77];
	s0 =	simm.s32 @p1 $0x1  }
0x15: {  	[smem:$0x3F94] =	sst s0;
	s0 =	simm.s32 @!p2 $0x0  }
0x16: {  	s3 =	sld [smem:$0x3FDB];
	s0 =	simm.s32 @p2 $0x1  }
0x17: {  	s4 =	simm.s32 $0x1BF5;
	[smem:$0x3F96] =	sst s0  }
0x18: {  	s0 =	sld [smem:$0x3F79];
	_ =	swait.ge [sflag:s4], $0x0  }
0x19: {  	s7 =	sld [smem:$0x3F7A]  }
0x1a: {  	s8 =	sadd.s32 $0xFFFFE003, lr  }
0x1b: {  	s9 =	sadd.s32 $0xFFFFFEF7, lr;
	s5 =	simm.s32 $0xFFFFFFFF;
	p2 =	slt.u32 s8, $0xFFFFF086  }
0x1c: {  	p1 =	slt.u32 s9, $0xF7A;
	s5 =	simm.s32 @!p2 $0x0  }
0x1d: {  	s5 =	simm.s32 @p1 $0x1;
	p0 =	seq.s32 s7, s2  }
0x1e: {  	s7 =	smul.u32 @!p0 $0xF7A, s2;
	p2 =	seq.s32 @!p0 s5, $0x0  }
0x1f: {  	s9 =	smul.u32 $0xF7A, s1;
	s8 =	simm.s32 @!p0 $0x1BF5;
	p2 =	por !p2, p0  }
0x20: {  	[sflag:s8] =	ssyncset.s32 @!p0 $0xFFFFF086;
	s6 =	sadd.s32 @!p0 s3, s7;
	s7 =	simm.s32 @!p0 $0x108  }
0x21: {  	s3 =	sadd.s32 s3, s9;
	s6 =	sadd.s32 @!p0 $0x88, s6;
	s7 =	simm.s32 @p2 $0x1082  }
0x22: {  	[simem:s7], [sflag:s8] =	dma.local @!p0 [hbm:s6], $0xF7A  }
0x23: {  	s9 =	sor.u32 $0xD0000000, s2;
	s6 =	simm.s32 $0x108;
	_ =	swait.ge @!p0 [sflag:s8], $0x0  }
0x24: {  	s3 =	sadd.s32 $0x88, s3;
	s6 =	simm.s32 @!p1 $0x1082;
	[sflag:s4] =	ssyncset.s32 $0xFFFFF086  }
0x25: {  	[simem:s6], [sflag:s4] =	dma.local [hbm:s3], $0xF7A  }
0x26: {  	[smem:$0x3F7A] =	sst s1;
	(tag) =	ssettag s2;
	_ =	strace s9  }
0x27: {  	s1 =	sld [smem:$0x3F8A]  }
0x28: {  	s2 =	sld [smem:$0x3F8B]  }
0x29: {  	s4 =	sld [smem:$0x3F8D]  }
0x2a: {  	p0 =	seq.s32 s5, $0x0;
	s5 =	sld [smem:$0x3F8E]  }
0x2b: {  	s6 =	sld [smem:$0x3F8F]  }
0x2c: {  	s7 =	sld [smem:$0x3F90]  }
0x2d: {  	s3 =	simm.s32 $0x108;
	s8 =	sld [smem:$0x3F91]  }
0x2e: {  	s3 =	simm.s32 @!p0 $0x1082;
	s9 =	sld [smem:$0x3F92]  }
0x2f: {  	lr =	sadd.s32 s0, s3;
	s0 =	sld [smem:$0x3F89]  }
0x30: {  	s3 =	sld [smem:$0x3F8C]  }
0x31: {  	[smem:$0x3F95] =	sst s10  }
0x32: {  	s10 =	sld [smem:$0x3F93];
	_ =	sdelay $0x3  }
0x33: {  	p0 =	seq.s32 s10, $0x1;
	s10 =	sld [smem:$0x3F95];
	_ =	sdelay $0x3  }
0x34: {  	[smem:$0x3F95] =	sst s10  }
0x35: {  	s10 =	sld [smem:$0x3F94];
	_ =	sdelay $0x3  }
0x36: {  	p1 =	seq.s32 s10, $0x1;
	s10 =	sld [smem:$0x3F95];
	_ =	sdelay $0x3  }
0x37: {  	[smem:$0x3F95] =	sst s10  }
0x38: {  	s10 =	sld [smem:$0x3F96]  }
0x39: {  	_ = 	snop;
	(pc) =	sbr.ind lr, $3  }
0x3a: {  	_ = 	snop  }
0x3b: {  	_ = 	snop  }
0x3c: {  	p2 =	seq.s32 s10, $0x1;
	s10 =	sld [smem:$0x3F95]  }
0x3d: {  	_ =	shalt  }
0x3e: {  	_ =	shalt  }
0x3f: {  	_ =	shalt  }
0x40: {  	_ =	shalt  }
0x41: {  	_ =	shalt  }
0x42: {  	_ =	shalt  }
0x43: {  	_ =	shalt  }
0x44: {  	_ =	shalt  }
0x45: {  	_ =	shalt  }
0x46: {  	_ =	shalt  }
0x47: {  	_ =	shalt  }
0x48: {  	_ =	shalt  }
0x49: {  	_ =	shalt  }
0x4a: {  	_ =	shalt  }
0x4b: {  	_ =	shalt  }
0x4c: {  	_ =	shalt  }
0x4d: {  	_ =	shalt  }
0x4e: {  	_ =	shalt  }
0x4f: {  	_ =	shalt  }
0x50: {  	_ =	shalt  }
0x51: {  	_ =	shalt  }
0x52: {  	_ =	shalt  }
0x53: {  	_ =	shalt  }
0x54: {  	_ =	shalt  }
0x55: {  	_ =	shalt  }
0x56: {  	_ =	shalt  }
0x57: {  	_ =	shalt  }
0x58: {  	_ =	shalt  }
0x59: {  	_ =	shalt  }
0x5a: {  	_ =	shalt  }
0x5b: {  	_ =	shalt  }
0x5c: {  	_ =	shalt  }
0x5d: {  	_ =	shalt  }
0x5e: {  	_ =	shalt  }
0x5f: {  	_ =	shalt  }
0x60: {  	_ =	shalt  }
0x61: {  	_ =	shalt  }
0x62: {  	_ =	shalt  }
0x63: {  	_ =	shalt  }
0x64: {  	_ =	shalt  }
0x65: {  	_ =	shalt  }
0x66: {  	_ =	shalt  }
0x67: {  	_ =	shalt  }
0x68: {  	_ =	shalt  }
0x69: {  	_ =	shalt  }
0x6a: {  	_ =	shalt  }
0x6b: {  	_ =	shalt  }
0x6c: {  	_ =	shalt  }
0x6d: {  	_ =	shalt  }
0x6e: {  	_ =	shalt  }
0x6f: {  	_ =	shalt  }
0x70: {  	_ =	shalt  }
0x71: {  	_ =	shalt  }
0x72: {  	_ =	shalt  }
0x73: {  	_ =	shalt  }
0x74: {  	_ =	shalt  }
0x75: {  	_ =	shalt  }
0x76: {  	_ =	shalt  }
0x77: {  	_ =	shalt  }
0x78: {  	_ =	shalt  }
0x79: {  	_ =	shalt  }
0x7a: {  	_ =	shalt  }
0x7b: {  	_ =	shalt  }
0x7c: {  	_ =	shalt  }
0x7d: {  	_ =	shalt  }
0x7e: {  	_ =	shalt  }
0x7f: {  	_ =	shalt  }
0x80: {  	_ =	shalt  }
0x81: {  	_ =	shalt  }
0x82: {  	_ =	shalt  }
0x83: {  	_ =	shalt  }
0x84: {  	_ =	shalt  }
0x85: {  	_ =	shalt  }
0x86: {  	_ =	shalt  }
0x87: {  	_ =	shalt  }
.Lfunc_end0:
.L_simem_size_0:
called_computation.4_lowered:
.L_overlay_start_0:
0x88: {  	s2 =	sld [smem:$0x3FD9]  }
0x89: {  	s3 =	sld [smem:$0x3FFE];
	_ =	sdelay $0x1  }
0x8a: {  	s1 =	srdreg.scid  }
0x8b: {  	s0 =	sand.u32 $0x1, s1  }
0x8c: {  	s16 =	sshll.u32 s0, $0xA;
	s2 =	sadd.s32 s3, s2  }
0x8d: {  	s2 =	sadd.s32 s2, s16  }
0x8e: {  	[smem:$0x3FA1] =	sst s2  }
0x8f: {  	_ = 	snop  }
0x90: {  	(tm) =	ssettm $0x1  }
0x91: {  	s17 =	sld [smem:$0x3FFB];
	_ =	sdelay $0x3  }
0x92: {  	_ =	strace s17  }
0x93: {  	s2 =	sld [smem:$0x3FFC];
	_ =	sdelay $0x3  }
0x94: {  	_ =	strace s2  }
0x95: {  	s2 =	sld [smem:$0x3FFD];
	_ =	sdelay $0x3  }
0x96: {  	_ =	strace s2  }
0x97: {  	_ =	strace $0x8FFFFFFF  }
0x98: {  	s18 =	sld [smem:$0x3FDB];
	_ =	sdelay $0x1  }
0x99: {  	s19 =	simm.s32 $_scs_section_size  }
0x9a: {  	s4 =	simm.s32 $_size__tile_overlayer_lowered;
	s5 =	simm.s32 $_tile_overlayer_lowered  }
0x9b: {  	s22 =	simm.s32 $0x1BFF;
	s21 =	sshll.u32 s5, $0x1;
	s2 =	sadd.s32 s19, s18  }
0x9c: {  	s6 =	simm.s32 $0x0;
	s20 =	sshll.u32 s4, $0x1;
	s4 =	sadd.s32 s21, s2  }
0x9d: {  	[timem:s6], [sflag:s22] =	dma.local [hbm:s4], s20  }
0x9e: {  	_ =	swait.ge [sflag:s22], s20  }
0x9f: {  	s3 =	ssub.s32 $0x0, s20;
	[sflag:s22] =	ssyncset.done $0x0  }
0xa0: {  	[sflag:s22] =	ssyncadd.s32 s3;
	_ =	sdelay $0x1  }
0xa1: {  	s23 =	simm.s32 $0x1B8B  }
0xa2: {  	_ =	swait.ge [sflag:s23], $0x1  }
0xa3: {  	[sflag:s23] =	ssyncset.done $0x0  }
0xa4: {  	s25 =	simm.s32 $0x1B8E;
	s24 =	sld [smem:$0x3FFE];
	[sflag:s23] =	ssyncadd.s32 $0xFFFFFFFF  }
0xa5: {  	s26 =	simm.s32 $execute0_lowered;
	[smem:$0x3FD2] =	sst s25  }
0xa6: {  	s4 =	sshll.u32 s26, $0x1;
	_ =	strace $0x80000052;
	[dreg:$0x1] =	wrdreg $0xFFFFFFFF  }
0xa7: {  	s28 =	simm.s32 $_size_execute0_lowered;
	s2 =	sadd.s32 s2, s4;
	[dreg:$0x0] =	wrdreg $0x0  }
0xa8: {  	s4 =	sshll.u32 s28, $0x1;
	[dreg:$0x2] =	wrdreg s2  }
0xa9: {  	[dreg:$0x3] =	wrdreg s4  }
0xaa: {  	[dreg:$0x4] =	wrdreg $0xC0  }
0xab: {  	_ =	task [dreg:s6], $0x5FFFF  }
0xac: {  	[dreg:$0x1] =	wrdreg $0xFFFFFFFF  }
0xad: {  	[dreg:$0x0] =	wrdreg $0x60  }
0xae: {  	[dreg:$0x2] =	wrdreg s24  }
0xaf: {  	[dreg:$0x3] =	wrdreg $0x9  }
0xb0: {  	_ =	task.clear_ibuf [dreg:s6], $0x4FFFF;
	_ =	strace $0x90000052  }
0xb1: {  	s29 =	simm.s32 $0x9;
	_ =	strace $0x80000054  }
0xb2: {  	_ =	swait.ge [sflag:s29], $0x1  }
0xb3: {  	[sflag:s29] =	ssyncadd.s32 $0xFFFFFFFF  }
0xb4: {  	_ =	strace $0x90000054  }
0xb5: {  	_ =	sfence  }
0xb6: {  	s30 =	sld [smem:$0x0];
	_ =	sdelay $0x2  }
0xb7: {  	s31 =	sshll.u32 s1, $0xD;
	s1 =	sshrl.u32 s1, $0x2  }
0xb8: {  	s3 =	sand.u32 $0x4000, s31;
	s1 =	sadd.s32 s1, s30  }
0xb9: {  	s0 =	sor.u32 s3, s0;
	s1 =	sshll.u32 s1, $0x11  }
0xba: {  	s0 =	sor.u32 s1, s0  }
0xbb: {  	s0 =	sadd.s32 $0x8F2B, s0  }
0xbc: {  	[sflag:s0] =	ssyncadd.remote.s32 $0x1  }
0xbd: {  	_ =	sfence.sel $0xFFFF  }
0xbe: {  	[dreg:$0x0] =	wrdreg $0xFFFFFFFF;
	(pc) =	sbr.abs _section_cstart, $3  }
0xbf: {  	[dreg:$0x1] =	wrdreg $0xFFFFFFFF  }
0xc0: {  	_ =	task.clear_ibuf [dreg:s6], $0x2FFFF;
	_ =	strace $0x9FFFFFFF  }
0xc1: {  	(tm) =	ssettm $0x7FFFFFFF  }
tec
execute0_lowered:
.L_overlay_start_1:
0x0: {  	(tag) =	ssettag $0x1  }
0x1: {  	s1 =	srdreg.scid;
	s0 =	stileid.u32  }
0x2: {  	s4 =	rddreg [dreg:$0x0];
	s15 =	simm.s32 $0x180;
	s16 =	simm.s32 $0x3400  }
0x3: {  	s17 =	simm.s32 $0x200;
	s18 =	simm.s32 $0x1;
	s19 =	simm.s32 $0x4400  }
0x4: {  	s20 =	simm.s32 $0x280;
	s21 =	simm.s32 $0x5400;
	s6 =	smul.u32 $0x3200, s0  }
0x5: {  	s22 =	simm.s32 $0x300;
	s23 =	simm.s32 $0x6400;
	s8 =	smul.u32 $0x640000, s0  }
0x6: {  	s24 =	simm.s32 $0x380;
	s1 =	sand.u32 $0x1, s1;
	s11 =	smul.u32 $0x19000, s0  }
0x7: {  	s25 =	simm.s32 $0x7400;
	s26 =	simm.s32 $0x0;
	s7 =	smul.u32 $0x1900, s1  }
0x8: {  	s2 =	sshll.u32 s0, $0x1;
	s3 =	sadd.s32 $0x6800, s4;
	s13 =	smul.u32 $0xC800, s1  }
0x9: {  	s2 =	sor.u32 s1, s2;
	s10 =	ssub.s32 $0x2, s1;
	s1 =	smul.u32 $0x320000, s1  }
0xa: {  	s9 =	sadd.s32 $0x50600, s4;
	s12 =	sadd.s32 $0x145C00, s4;
	s5 =	smul.u32 $0x1900, s2  }
0xb: {  	s2 =	simm.s32 $0x0;
	s29 =	sshrl.u32 s10, $0x1;
	s6 =	sadd.s32 s6, s9  }
0xc: {  	[smem:$0x7FF] =	sst s2;
	s10 =	ssub.s32 s10, s29;
	s30 =	sadd.s32 s13, s11  }
0xd: {  	s6 =	sadd.s32 s7, s6;
	s1 =	sadd.s32 s1, s8;
	s11 =	simm.s32 $0x400  }
0xe: {  	_ =	strace $0x80000053;
	s4 =	sadd.s32 s9, s5;
	s5 =	smax.u32 s10, $0x1  }
0xf: {  	s31 =	sor.u32 $0x200, s30;
	s6 =	sadd.s32 $0x80, s6;
	s8 =	sor.u32 $0x8000, s1  }
0x10: {  	s1 =	sshrl.u32 s1, $0x4;
	s10 =	simm.s32 $0x80;
	s7 =	sshrl.u32 s31, $0x3  }
0x11: {  	s8 =	sshrl.u32 s8, $0x4;
	s9 =	sadd.s32 s7, s9;
	s7 =	sadd.s32 s1, s12  }
0x12: {  	s8 =	sadd.s32 s8, s12;
	[dreg:$0x2] =	wrdreg s9;
	s9 =	simm.s32 $0x2  }
.LBB2_1:
0x13: {  	[tilespmem:s2], [sflag:$0x2] =	stream.linear.gather [hbm4b:s4+s2], $0x200, $0x38;
	[tilespmem:$0x8400] =	vst v63  }
0x14: {  	_ =	swait.ge [sflag:s9], $0x200  }
0x15: {  	[sflag:s9] =	ssyncset.done $0x0  }
0x16: {  	[sflag:s9] =	ssyncadd.s32 $0xFFFFFE00  }
0x17: {  	[tilespmem:s11], [sflag:$0x1] =	stream.indirect.gather [hbm4b:s3+s10], $0x20, s2, s10, $0xb8;
	[tilespmem:$0x8400] =	vst v63  }
0x18: {  	s0 =	simm.s32 $0x1400  }
0x19: {  	[tilespmem:s0], [sflag:$0x1] =	stream.indirect.gather [hbm4b:s3+s10], $0x20, s10, s10, $0xb8;
	[tilespmem:$0x8400] =	vst v63  }
0x1a: {  	s13 =	simm.s32 $0x100;
	s1 =	simm.s32 $0x2400  }
0x1b: {  	[tilespmem:s1], [sflag:$0x1] =	stream.indirect.gather [hbm4b:s3+s10], $0x20, s13, s10, $0xb8;
	[tilespmem:$0x8400] =	vst v63  }
0x1c: {  	s14 =	rddreg [dreg:$0x2]  }
0x1d: {  	[tilespmem:s16], [sflag:$0x1] =	stream.indirect.gather [hbm4b:s3+s10], $0x20, s15, s10, $0xb8;
	[tilespmem:$0x8400] =	vst v63  }
0x1e: {  	s1 =	sadd.s32 $0x0, s14  }
0x1f: {  	[tilespmem:s17], [sflag:$0x2] =	stream.linear.gather [hbm4b:s1+s2], $0x200, $0x38;
	[tilespmem:$0x8400] =	vst v63  }
0x20: {  	_ =	swait.ge [sflag:s9], $0x200  }
0x21: {  	[sflag:s9] =	ssyncset.done $0x0  }
0x22: {  	[sflag:s9] =	ssyncadd.s32 $0xFFFFFE00  }
0x23: {  	_ =	swait.ge [sflag:s18], $0x1000  }
0x24: {  	[sflag:s18] =	ssyncset.done $0x0  }
0x25: {  	[sflag:s18] =	ssyncadd.s32 $0xFFFFF000  }
0x26: {  	_ =	swait.ge [sflag:s18], $0x1000  }
0x27: {  	[sflag:s18] =	ssyncset.done $0x0  }
0x28: {  	[sflag:s18] =	ssyncadd.s32 $0xFFFFF000  }
0x29: {  	_ =	swait.ge [sflag:s18], $0x1000  }
0x2a: {  	[sflag:s18] =	ssyncset.done $0x0  }
0x2b: {  	[sflag:s18] =	ssyncadd.s32 $0xFFFFF000  }
0x2c: {  	_ =	swait.ge [sflag:s18], $0x1000  }
0x2d: {  	[sflag:s18] =	ssyncset.done $0x0  }
0x2e: {  	[sflag:s18] =	ssyncadd.s32 $0xFFFFF000  }
0x2f: {  	[tilespmem:s19], [sflag:$0x1] =	stream.indirect.gather [hbm4b:s3+s10], $0x20, s17, s10, $0xb8;
	[tilespmem:$0x8400] =	vst v63  }
0x30: {  	_ = 	snop  }
0x31: {  	[tilespmem:s21], [sflag:$0x1] =	stream.indirect.gather [hbm4b:s3+s10], $0x20, s20, s10, $0xb8;
	[tilespmem:$0x8400] =	vst v63  }
0x32: {  	_ = 	snop  }
0x33: {  	[tilespmem:s23], [sflag:$0x1] =	stream.indirect.gather [hbm4b:s3+s10], $0x20, s22, s10, $0xb8;
	[tilespmem:$0x8400] =	vst v63  }
0x34: {  	_ = 	snop  }
0x35: {  	[tilespmem:s25], [sflag:$0x1] =	stream.indirect.gather [hbm4b:s3+s10], $0x20, s24, s10, $0xb8;
	[tilespmem:$0x8400] =	vst v63  }
0x36: {  	_ = 	snop  }
0x37: {  	[hbm4b:s7+s2] =	stream.linear.scatter [tilespmem:s11], [sflag:$0x2], $0x4000, $0x38;
	[tilespmem:$0x8400] =	vst v63  }
0x38: {  	p0 =	por $0x0, $0x0;
	_ =	swait.ge [sflag:s9], $0x4000  }
0x39: {  	s28 =	simm.s32 @!p0 $0x0;
	[sflag:s9] =	ssyncset.done $0x0  }
0x3a: {  	s29 =	simm.s32 @!p0 $0x2;
	s1 =	sadd.s32 @!p0 $0x0, s6;
	[sflag:s9] =	ssyncadd.s32 $0xFFFFC000  }
0x3b: {  	[tilespmem:s28], [sflag:$0x2] =	stream.linear.gather @!p0 [hbm4b:s1+s28], $0x200, $0x38;
	[tilespmem:$0x8400] =	vst v63  }
0x3c: {  	_ =	swait.ge @!p0 [sflag:s29], $0x200  }
0x3d: {  	[sflag:s29] =	ssyncset.done @!p0 $0x0  }
0x3e: {  	s30 =	simm.s32 @!p0 $0x400;
	s1 =	simm.s32 @!p0 $0x80;
	[sflag:s29] =	ssyncadd.s32 @!p0 $0xFFFFFE00  }
0x3f: {  	[tilespmem:s30], [sflag:$0x1] =	stream.indirect.gather @!p0 [hbm4b:s3+s1], $0x20, s28, s1, $0xb8;
	[tilespmem:$0x8400] =	vst v63  }
0x40: {  	s28 =	simm.s32 @!p0 $0x1400  }
0x41: {  	[tilespmem:s28], [sflag:$0x1] =	stream.indirect.gather @!p0 [hbm4b:s3+s1], $0x20, s1, s1, $0xb8;
	[tilespmem:$0x8400] =	vst v63  }
0x42: {  	s29 =	simm.s32 @!p0 $0x2400;
	s28 =	simm.s32 @!p0 $0x100  }
0x43: {  	[tilespmem:s29], [sflag:$0x1] =	stream.indirect.gather @!p0 [hbm4b:s3+s1], $0x20, s28, s1, $0xb8;
	[tilespmem:$0x8400] =	vst v63  }
0x44: {  	s28 =	simm.s32 @!p0 $0x180;
	s29 =	simm.s32 @!p0 $0x3400  }
0x45: {  	[tilespmem:s29], [sflag:$0x1] =	stream.indirect.gather @!p0 [hbm4b:s3+s1], $0x20, s28, s1, $0xb8;
	[tilespmem:$0x8400] =	vst v63  }
0x46: {  	_ =	swait.ge [sflag:s18], $0x1000  }
0x47: {  	[sflag:s18] =	ssyncset.done $0x0  }
0x48: {  	[sflag:s18] =	ssyncadd.s32 $0xFFFFF000  }
0x49: {  	_ =	swait.ge [sflag:s18], $0x1000  }
0x4a: {  	[sflag:s18] =	ssyncset.done $0x0  }
0x4b: {  	[sflag:s18] =	ssyncadd.s32 $0xFFFFF000  }
0x4c: {  	_ =	swait.ge [sflag:s18], $0x1000  }
0x4d: {  	[sflag:s18] =	ssyncset.done $0x0  }
0x4e: {  	[sflag:s18] =	ssyncadd.s32 $0xFFFFF000  }
0x4f: {  	_ =	swait.ge [sflag:s18], $0x1000  }
0x50: {  	[sflag:s18] =	ssyncset.done $0x0  }
0x51: {  	s31 =	simm.s32 $0x100;
	s30 =	sadd.s32 $0x1000, s7;
	[sflag:s18] =	ssyncadd.s32 $0xFFFFF000  }
0x52: {  	[hbm4b:s8+s2] =	stream.linear.scatter [tilespmem:s19], [sflag:$0x2], $0x4000, $0x38;
	[tilespmem:$0x8400] =	vst v63  }
0x53: {  	s29 =	simm.s32 $0x80;
	s28 =	sadd.s32 $0x1000, s8;
	_ =	swait.ge [sflag:s9], $0x4000  }
.LBB2_2:
0x54: {  	s0 =	rddreg [dreg:$0x2];
	[sflag:s9] =	ssyncset.done $0x0  }
0x55: {  	[sflag:s9] =	ssyncadd.s32 $0xFFFFC000;
	s0 =	sadd.s32 s29, s0  }
0x56: {  	[tilespmem:s17], [sflag:$0x2] =	stream.linear.gather [hbm4b:s0+s2], $0x200, $0x38;
	[tilespmem:$0x8400] =	vst v63  }
0x57: {  	_ =	swait.ge [sflag:s9], $0x200  }
0x58: {  	[sflag:s9] =	ssyncset.done $0x0  }
0x59: {  	[sflag:s9] =	ssyncadd.s32 $0xFFFFFE00  }
0x5a: {  	_ =	swait.ge [sflag:s18], $0x1000  }
0x5b: {  	[sflag:s18] =	ssyncset.done $0x0  }
0x5c: {  	[sflag:s18] =	ssyncadd.s32 $0xFFFFF000  }
0x5d: {  	_ =	swait.ge [sflag:s18], $0x1000  }
0x5e: {  	[sflag:s18] =	ssyncset.done $0x0  }
0x5f: {  	[sflag:s18] =	ssyncadd.s32 $0xFFFFF000  }
0x60: {  	_ =	swait.ge [sflag:s18], $0x1000  }
0x61: {  	[sflag:s18] =	ssyncset.done $0x0  }
0x62: {  	[sflag:s18] =	ssyncadd.s32 $0xFFFFF000  }
0x63: {  	_ =	swait.ge [sflag:s18], $0x1000  }
0x64: {  	[sflag:s18] =	ssyncset.done $0x0  }
0x65: {  	[sflag:s18] =	ssyncadd.s32 $0xFFFFF000  }
0x66: {  	[tilespmem:s19], [sflag:$0x1] =	stream.indirect.gather [hbm4b:s3+s10], $0x20, s17, s10, $0xb8;
	[tilespmem:$0x8400] =	vst v63  }
0x67: {  	_ = 	snop  }
0x68: {  	[tilespmem:s21], [sflag:$0x1] =	stream.indirect.gather [hbm4b:s3+s10], $0x20, s20, s10, $0xb8;
	[tilespmem:$0x8400] =	vst v63  }
0x69: {  	_ = 	snop  }
0x6a: {  	[tilespmem:s23], [sflag:$0x1] =	stream.indirect.gather [hbm4b:s3+s10], $0x20, s22, s10, $0xb8;
	[tilespmem:$0x8400] =	vst v63  }
0x6b: {  	_ = 	snop  }
0x6c: {  	[tilespmem:s25], [sflag:$0x1] =	stream.indirect.gather [hbm4b:s3+s10], $0x20, s24, s10, $0xb8;
	[tilespmem:$0x8400] =	vst v63  }
0x6d: {  	_ = 	snop  }
0x6e: {  	[hbm4b:s30+s2] =	stream.linear.scatter [tilespmem:s11], [sflag:$0x2], $0x4000, $0x38;
	[tilespmem:$0x8400] =	vst v63  }
0x6f: {  	p1 =	seq.s32 s29, $0x1880;
	_ =	swait.ge [sflag:s9], $0x4000  }
0x70: {  	s12 =	simm.s32 @!p1 $0x0;
	[sflag:s9] =	ssyncset.done $0x0  }
0x71: {  	s13 =	simm.s32 @!p1 $0x2;
	s0 =	sadd.s32 @!p1 s29, s6;
	[sflag:s9] =	ssyncadd.s32 $0xFFFFC000  }
0x72: {  	[tilespmem:s12], [sflag:$0x2] =	stream.linear.gather @!p1 [hbm4b:s0+s12], $0x200, $0x38;
	[tilespmem:$0x8400] =	vst v63  }
0x73: {  	s1 =	smov.u32 s31;
	_ =	swait.ge @!p1 [sflag:s13], $0x200  }
0x74: {  	s29 =	smov.u32 s1;
	[sflag:s13] =	ssyncset.done @!p1 $0x0  }
0x75: {  	s1 =	simm.s32 @!p1 $0x400;
	s0 =	simm.s32 @!p1 $0x80;
	[sflag:s13] =	ssyncadd.s32 @!p1 $0xFFFFFE00  }
0x76: {  	[tilespmem:s1], [sflag:$0x1] =	stream.indirect.gather @!p1 [hbm4b:s3+s0], $0x20, s12, s0, $0xb8;
	[tilespmem:$0x8400] =	vst v63  }
0x77: {  	s13 =	simm.s32 @!p1 $0x1400  }
0x78: {  	[tilespmem:s13], [sflag:$0x1] =	stream.indirect.gather @!p1 [hbm4b:s3+s0], $0x20, s0, s0, $0xb8;
	[tilespmem:$0x8400] =	vst v63  }
0x79: {  	s1 =	simm.s32 @!p1 $0x100;
	s12 =	simm.s32 @!p1 $0x2400  }
0x7a: {  	[tilespmem:s12], [sflag:$0x1] =	stream.indirect.gather @!p1 [hbm4b:s3+s0], $0x20, s1, s0, $0xb8;
	[tilespmem:$0x8400] =	vst v63  }
0x7b: {  	s14 =	simm.s32 @!p1 $0x3400;
	s13 =	simm.s32 @!p1 $0x180  }
0x7c: {  	[tilespmem:s14], [sflag:$0x1] =	stream.indirect.gather @!p1 [hbm4b:s3+s0], $0x20, s13, s0, $0xb8;
	[tilespmem:$0x8400] =	vst v63  }
0x7d: {  	_ =	swait.ge [sflag:s18], $0x1000  }
0x7e: {  	[sflag:s18] =	ssyncset.done $0x0  }
0x7f: {  	[sflag:s18] =	ssyncadd.s32 $0xFFFFF000  }
0x80: {  	_ =	swait.ge [sflag:s18], $0x1000  }
0x81: {  	[sflag:s18] =	ssyncset.done $0x0  }
0x82: {  	[sflag:s18] =	ssyncadd.s32 $0xFFFFF000  }
0x83: {  	_ =	swait.ge [sflag:s18], $0x1000  }
0x84: {  	s31 =	sadd.s32 $0x80, s31;
	[sflag:s18] =	ssyncset.done $0x0  }
0x85: {  	p0 =	sne.s32 s31, $0x1900;
	[sflag:s18] =	ssyncadd.s32 $0xFFFFF000  }
.Ltmp0:
0x86: {  	_ =	swait.ge [sflag:s18], $0x1000;
	(pc) =	sbr.rel @p0 .LBB2_2-.Ltmp0, $4  }
0x87: {  	[sflag:s18] =	ssyncset.done $0x0  }
0x88: {  	[sflag:s18] =	ssyncadd.s32 $0xFFFFF000  }
0x89: {  	[hbm4b:s28+s2] =	stream.linear.scatter [tilespmem:s19], [sflag:$0x2], $0x4000, $0x38;
	[tilespmem:$0x8400] =	vst v63  }
0x8a: {  	s30 =	sadd.s32 $0x1000, s30;
	s28 =	sadd.s32 $0x1000, s28;
	_ =	swait.ge [sflag:s9], $0x4000  }
0x8b: {  	s0 =	rddreg [dreg:$0x2];
	[sflag:s9] =	ssyncset.done $0x0  }
0x8c: {  	[sflag:s9] =	ssyncadd.s32 $0xFFFFC000;
	s0 =	sadd.s32 s29, s0  }
0x8d: {  	[tilespmem:s17], [sflag:$0x2] =	stream.linear.gather [hbm4b:s0+s2], $0x200, $0x38;
	[tilespmem:$0x8400] =	vst v63  }
0x8e: {  	_ =	swait.ge [sflag:s9], $0x200  }
0x8f: {  	[sflag:s9] =	ssyncset.done $0x0  }
0x90: {  	[sflag:s9] =	ssyncadd.s32 $0xFFFFFE00  }
0x91: {  	_ =	swait.ge [sflag:s18], $0x1000  }
0x92: {  	[sflag:s18] =	ssyncset.done $0x0  }
0x93: {  	[sflag:s18] =	ssyncadd.s32 $0xFFFFF000  }
0x94: {  	_ =	swait.ge [sflag:s18], $0x1000  }
0x95: {  	[sflag:s18] =	ssyncset.done $0x0  }
0x96: {  	[sflag:s18] =	ssyncadd.s32 $0xFFFFF000  }
0x97: {  	_ =	swait.ge [sflag:s18], $0x1000  }
0x98: {  	[sflag:s18] =	ssyncset.done $0x0  }
0x99: {  	[sflag:s18] =	ssyncadd.s32 $0xFFFFF000  }
0x9a: {  	_ =	swait.ge [sflag:s18], $0x1000  }
0x9b: {  	[sflag:s18] =	ssyncset.done $0x0  }
0x9c: {  	[sflag:s18] =	ssyncadd.s32 $0xFFFFF000  }
0x9d: {  	[tilespmem:s19], [sflag:$0x1] =	stream.indirect.gather [hbm4b:s3+s10], $0x20, s17, s10, $0xb8;
	[tilespmem:$0x8400] =	vst v63  }
0x9e: {  	_ = 	snop  }
0x9f: {  	[tilespmem:s21], [sflag:$0x1] =	stream.indirect.gather [hbm4b:s3+s10], $0x20, s20, s10, $0xb8;
	[tilespmem:$0x8400] =	vst v63  }
0xa0: {  	_ = 	snop  }
0xa1: {  	[tilespmem:s23], [sflag:$0x1] =	stream.indirect.gather [hbm4b:s3+s10], $0x20, s22, s10, $0xb8;
	[tilespmem:$0x8400] =	vst v63  }
0xa2: {  	_ = 	snop  }
0xa3: {  	[tilespmem:s25], [sflag:$0x1] =	stream.indirect.gather [hbm4b:s3+s10], $0x20, s24, s10, $0xb8;
	[tilespmem:$0x8400] =	vst v63  }
0xa4: {  	_ = 	snop  }
0xa5: {  	[hbm4b:s30+s2] =	stream.linear.scatter [tilespmem:s11], [sflag:$0x2], $0x4000, $0x38;
	[tilespmem:$0x8400] =	vst v63  }
0xa6: {  	p0 =	seq.s32 s29, $0x1880;
	_ =	swait.ge [sflag:s9], $0x4000  }
0xa7: {  	s1 =	simm.s32 @!p0 $0x0;
	[sflag:s9] =	ssyncset.done $0x0  }
0xa8: {  	s12 =	simm.s32 @!p0 $0x2;
	s0 =	sadd.s32 @!p0 s29, s6;
	[sflag:s9] =	ssyncadd.s32 $0xFFFFC000  }
0xa9: {  	[tilespmem:s1], [sflag:$0x2] =	stream.linear.gather @!p0 [hbm4b:s0+s1], $0x200, $0x38;
	[tilespmem:$0x8400] =	vst v63  }
0xaa: {  	_ =	swait.ge @!p0 [sflag:s12], $0x200  }
0xab: {  	[sflag:s12] =	ssyncset.done @!p0 $0x0  }
0xac: {  	s13 =	simm.s32 @!p0 $0x400;
	s0 =	simm.s32 @!p0 $0x80;
	[sflag:s12] =	ssyncadd.s32 @!p0 $0xFFFFFE00  }
0xad: {  	[tilespmem:s13], [sflag:$0x1] =	stream.indirect.gather @!p0 [hbm4b:s3+s0], $0x20, s1, s0, $0xb8;
	[tilespmem:$0x8400] =	vst v63  }
0xae: {  	s1 =	simm.s32 @!p0 $0x1400  }
0xaf: {  	[tilespmem:s1], [sflag:$0x1] =	stream.indirect.gather @!p0 [hbm4b:s3+s0], $0x20, s0, s0, $0xb8;
	[tilespmem:$0x8400] =	vst v63  }
0xb0: {  	s12 =	simm.s32 @!p0 $0x2400;
	s1 =	simm.s32 @!p0 $0x100  }
0xb1: {  	[tilespmem:s12], [sflag:$0x1] =	stream.indirect.gather @!p0 [hbm4b:s3+s0], $0x20, s1, s0, $0xb8;
	[tilespmem:$0x8400] =	vst v63  }
0xb2: {  	s1 =	simm.s32 @!p0 $0x180;
	s12 =	simm.s32 @!p0 $0x3400  }
0xb3: {  	[tilespmem:s12], [sflag:$0x1] =	stream.indirect.gather @!p0 [hbm4b:s3+s0], $0x20, s1, s0, $0xb8;
	[tilespmem:$0x8400] =	vst v63  }
0xb4: {  	_ =	swait.ge [sflag:s18], $0x1000  }
0xb5: {  	[sflag:s18] =	ssyncset.done $0x0  }
0xb6: {  	[sflag:s18] =	ssyncadd.s32 $0xFFFFF000  }
0xb7: {  	_ =	swait.ge [sflag:s18], $0x1000  }
0xb8: {  	[sflag:s18] =	ssyncset.done $0x0  }
0xb9: {  	[sflag:s18] =	ssyncadd.s32 $0xFFFFF000  }
0xba: {  	_ =	swait.ge [sflag:s18], $0x1000  }
0xbb: {  	[sflag:s18] =	ssyncset.done $0x0  }
0xbc: {  	[sflag:s18] =	ssyncadd.s32 $0xFFFFF000  }
0xbd: {  	s26 =	sadd.s32 $0x1, s26;
	_ =	swait.ge [sflag:s18], $0x1000  }
0xbe: {  	p0 =	sne.s32 s26, s5;
	[sflag:s18] =	ssyncset.done $0x0  }
.Ltmp1:
0xbf: {  	[sflag:s18] =	ssyncadd.s32 $0xFFFFF000;
	(pc) =	sbr.rel @p0 .LBB2_1-.Ltmp1, $4  }
0xc0: {  	[hbm4b:s28+s2] =	stream.linear.scatter [tilespmem:s19], [sflag:$0x2], $0x4000, $0x38;
	[tilespmem:$0x8400] =	vst v63  }
0xc1: {  	_ =	swait.ge [sflag:s9], $0x4000  }
0xc2: {  	[sflag:s9] =	ssyncset.done $0x0  }
0xc3: {  	[sflag:s9] =	ssyncadd.s32 $0xFFFFC000  }
0xc4: {  	_ =	sfence.sel $0x180000  }
0xc5: {  	[bflag:$0x0] =	sbarrier.arrive $0xFFFF  }
0xc6: {  	_ =	strace $0x90000053  }
0xc7: {  	s0 =	stileid.u32;
	[bflag:$0x2] =	sbarrier.arrive $0xFFFF  }
0xc8: {  	p0 =	sne.s32 s0, $0x0;
	s0 =	rddreg [dreg:$0x1]  }
0xc9: {  	s0 =	sadd.s32 @!p0 $0x100000, s0  }
0xca: {  	[sflag:s0] =	ssyncadd.tile.s32 @!p0 $0x1;
	_ =	shalt  }
.Lfunc_end2:
_tile_overlayer_lowered:
.L_overlay_start_2:
0xcb: {  	(tag) =	ssettag $0x2  }
0xcc: {  	s0 =	rddreg [dreg:$0x0];
	s2 =	stileid.u32  }
0xcd: {  	s1 =	rddreg [dreg:$0x1];
	p0 =	sne.s32 s2, $0x0  }
0xce: {  	s3 =	rddreg [dreg:$0x2];
	[bflag:$0x3] =	sbarrier.arrive $0xFFFF;
	s2 =	simm.s32 @!p0 $0x1C02  }
0xcf: {  	[timem:s3], [sflag:s2] =	dma.local @!p0 [hbm:s0], s1  }
0xd0: {  	s0 =	simm.s32 @!p0 $0x2  }
0xd1: {  	_ =	swait.ge @!p0 [sflag:s0], s1  }
0xd2: {  	s1 =	ssub.s32 @!p0 $0x0, s1;
	[sflag:s0] =	ssyncset.done @!p0 $0x0  }
0xd3: {  	[sflag:s0] =	ssyncadd.s32 @!p0 s1  }
0xd4: {  	[bflag:$0x3] =	sbarrier.arrive $0xFFFF  }
0xd5: {  	_ =	shalt  }

</sc_bundles>
